<compile_context>
chip_gen: v7x
topology: tpu7x:2x2x1
jax: 0.10.2.dev20260603
libtpu: 0.0.44.dev20260713+nightly
codegen_flags: <defaults>
</compile_context>

<pallas_src>
import functools

import jax
import jax.numpy as jnp
from jax import lax
from jax.experimental import pallas as pl
from jax.experimental.pallas import tpu as pltpu
from jax.experimental.pallas import tpu_sc as plsc

_L = 16
_NW = 32
_CHUNK = 2048
_BN = 16384
_SPLIT_Q = _NW * _CHUNK


def _tree_sum(vals):
    while len(vals) > 1:
        nxt = [a + b for a, b in zip(vals[::2], vals[1::2])]
        if len(vals) % 2:
            nxt.append(vals[-1])
        vals = nxt
    return vals[0]


def _sc_body(pred_hbm, tgt_hbm, out_hbm,
             pb0, pb1, tb0, tb1, s_acc, k_acc, h_acc,
             sp0, sp1, st0, st1, *, row_base, rows_w, nchunks, c_dim):
    wid = lax.axis_index("c") * 16 + lax.axis_index("s")
    lane = lax.iota(jnp.int32, _L)

    zeros = jnp.zeros((_L,), jnp.float32)
    for j in range(c_dim):
        s_acc[pl.ds(j * _L, _L)] = zeros
        k_acc[pl.ds(j * _L, _L)] = zeros
        h_acc[pl.ds(j * _L, _L)] = zeros

    pbufs, tbufs = (pb0, pb1), (tb0, tb1)
    psems, tsems = (sp0, sp1), (st0, st1)
    row0 = row_base + wid * rows_w

    def start(ch):
        b = ch % 2
        r = row0 + ch * _CHUNK
        cp = pltpu.async_copy(
            pred_hbm.at[:, pl.ds(r, _CHUNK)], pbufs[b], psems[b])
        ct = pltpu.async_copy(
            tgt_hbm.at[pl.ds(r, _CHUNK)], tbufs[b], tsems[b])
        return cp, ct

    pending = start(0)
    ones = jnp.full((_L,), 1.0, jnp.float32)
    zero = jnp.zeros((_L,), jnp.float32)
    for ch in range(nchunks):
        b = ch % 2
        pending[0].wait()
        pending[1].wait()
        if ch + 1 < nchunks:
            pending = start(ch + 1)
        pbuf, tbuf = pbufs[b], tbufs[b]

        def group(g, carry, pbuf=pbuf, tbuf=tbuf):
            cols = (g * (2 * _L), g * (2 * _L) + _L)
            es2 = [[jnp.exp(pbuf[c, pl.ds(col, _L)]) for c in range(c_dim)]
                   for col in cols]
            ts = [tbuf[pl.ds(col, _L)] for col in cols]
            xts = [plsc.load_gather(pbuf, [t, col + lane])
                   for col, t in zip(cols, ts)]
            for es, t, xt in zip(es2, ts, xts):
                r = 1.0 / _tree_sum(list(es))
                for c in range(c_dim):
                    s_acc[pl.ds(c * _L, _L)] += es[c] * r
                pt = jnp.exp(xt) * r
                sidx = t * _L + lane
                plsc.addupdate_scatter(k_acc, [sidx], ones)
                plsc.addupdate_scatter(h_acc, [sidx], 1.0 - 2.0 * pt)
            return carry

        lax.fori_loop(0, _CHUNK // (2 * _L), group, 0)

    stride = c_dim * _NW * _L
    handles = []
    for s_i, acc in enumerate((s_acc, k_acc, h_acc)):
        for c in range(c_dim):
            dst = out_hbm.at[pl.ds(s_i * stride + c * (_NW * _L) + wid * _L,
                                   _L)]
            handles.append(pltpu.async_copy(acc.at[pl.ds(c * _L, _L)],
                                            dst, sp0))
    for hnd in handles:
        hnd.wait()


def _tc_kernel(pred_ref, tgt_ref, out_ref, acc_err, acc_fg, *, nsteps):
    i = pl.program_id(0)

    @pl.when(i == 0)
    def _init():
        acc_err[...] = jnp.zeros_like(acc_err)
        acc_fg[...] = jnp.zeros_like(acc_fg)

    x = pred_ref[...]
    c_dim = x.shape[0]
    e = jnp.exp(x)
    p = e / jnp.sum(e, axis=0, keepdims=True)

    t = tgt_ref[...]
    classes = jax.lax.broadcasted_iota(jnp.int32, (c_dim, 1), 0)
    fg = (t == classes).astype(jnp.float32)
    err = jnp.abs(fg - p)

    acc_err[...] += jnp.sum(err, axis=1, keepdims=True)
    acc_fg[...] += jnp.sum(fg, axis=1, keepdims=True)

    @pl.when(i == nsteps - 1)
    def _fin():
        out_ref[:, 0:1] = acc_err[...]
        out_ref[:, 1:2] = acc_fg[...]


def _combine_kernel(sc_ref, tc_ref, out_ref, *, n_total):
    x = sc_ref[...]
    s = jnp.sum(x[0], axis=1, keepdims=True)
    k = jnp.sum(x[1], axis=1, keepdims=True)
    h = jnp.sum(x[2], axis=1, keepdims=True)
    y = tc_ref[...]
    err_total = y[:, 0:1] + s + h
    k_total = y[:, 1:2] + k
    total = jnp.sum(k_total * err_total, keepdims=True)
    out_ref[...] = total / n_total


def kernel(pred, target):
    n, c_dim = pred.shape
    cw = c_dim * _L
    split = (n // 2) // _SPLIT_Q * _SPLIT_Q
    rows_w = (n - split) // _NW
    nchunks = rows_w // _CHUNK
    nsteps = split // _BN

    pred_t = pred.T
    tgt32 = target.astype(jnp.int32)

    mesh = plsc.VectorSubcoreMesh(core_axis_name="c", subcore_axis_name="s")
    sc = pl.kernel(
        functools.partial(_sc_body, row_base=split, rows_w=rows_w,
                          nchunks=nchunks, c_dim=c_dim),
        mesh=mesh,
        compiler_params=pltpu.CompilerParams(needs_layout_passes=False),
        out_type=jax.ShapeDtypeStruct((_NW * 3 * cw,), jnp.float32),
        scratch_types=[
            pltpu.VMEM((c_dim, _CHUNK), jnp.float32),
            pltpu.VMEM((c_dim, _CHUNK), jnp.float32),
            pltpu.VMEM((_CHUNK,), jnp.int32),
            pltpu.VMEM((_CHUNK,), jnp.int32),
            pltpu.VMEM((cw,), jnp.float32),
            pltpu.VMEM((cw,), jnp.float32),
            pltpu.VMEM((cw,), jnp.float32),
            pltpu.SemaphoreType.DMA,
            pltpu.SemaphoreType.DMA,
            pltpu.SemaphoreType.DMA,
            pltpu.SemaphoreType.DMA,
        ],
    )
    tc_partials = pl.pallas_call(
        functools.partial(_tc_kernel, nsteps=nsteps),
        grid=(nsteps,),
        in_specs=[
            pl.BlockSpec((c_dim, _BN), lambda i: (0, i)),
            pl.BlockSpec((1, _BN), lambda i: (0, i)),
        ],
        out_specs=pl.BlockSpec((c_dim, 2), lambda i: (0, 0)),
        out_shape=jax.ShapeDtypeStruct((c_dim, 2), jnp.float32),
        scratch_shapes=[
            pltpu.VMEM((c_dim, 1), jnp.float32),
            pltpu.VMEM((c_dim, 1), jnp.float32),
        ],
    )(pred_t, tgt32.reshape(1, n))

    sc_partials = sc(pred_t, tgt32)

    q = sc_partials.reshape(3, c_dim, _NW * _L)
    out = pl.pallas_call(
        functools.partial(_combine_kernel, n_total=float(n)),
        out_shape=jax.ShapeDtypeStruct((1, 1), jnp.float32),
    )(q, tc_partials)
    return out.reshape(())

# --- scband reference (transcript-rebuilt; emitter-appended) ---
"""Pipeline reference for scband-lovasz-loss-15805479649570 (READ-ONLY COPY).

The authoritative reference and input builder live on the scoring server;
editing this copy changes nothing except your own understanding.
"""

import jax, jax.numpy as jnp
import numpy as np

N = 524288
C = 19

def setup_inputs(seed: int = 0) -> dict:
    key = jax.random.key(seed)
    k1, k2 = jax.random.split(key)
    pred = jax.random.normal(k1, (N, C), dtype=jnp.float32)
    target = jax.random.randint(k2, (N,), 0, C, dtype=jnp.int64)
    return {"pred": pred, "target": target}

def reference(pred, target):
    # LovaszLoss.lovasz_softmax faithful translation.
    p = jax.nn.softmax(pred, axis=1)
    n_classes = pred.shape[1]
    total = jnp.array(0.0, dtype=jnp.float32)
    for c in range(n_classes):
        fg = (target == c).astype(jnp.float32)
        fg_sum = jnp.sum(fg)
        errors = jnp.abs(fg - p[:, c])
        # torch.sort(errors, dim=0, descending=True)
        perm = jnp.argsort(-errors)
        errors_sorted = errors[perm]
        fg_sorted = fg[perm]
        grad = jnp.sum(fg_sorted)
        # torch.dot(errors_sorted, grad): dot with 0-d scalar == sum(errors_sorted * grad)
        loss_c = jnp.sum(errors_sorted * grad)
        total = total + jnp.where(fg_sum == 0.0, jnp.array(0.0, dtype=jnp.float32), loss_c)
    return total / pred.shape[0]

if __name__ == "__main__":
    import jax
    _d = setup_inputs()
    print(jax.jit(kernel)(*tuple(_d.values())))

</pallas_src>

<mosaic_0001>
#map = affine_map<(d0, d1) -> (0, 0)>
#map1 = affine_map<(d0, d1) -> (0)>
module attributes {stable_mosaic.version = 14 : i64} {
  func.func @_sc_body(%arg0: i32, %arg1: i32, %arg2: memref<19x524288xf32, #tpu.memory_space<hbm>>, %arg3: memref<524288xi32, #tpu.memory_space<hbm>>, %arg4: memref<29184xf32, #tpu.memory_space<hbm>>, %arg5: memref<19x2048xf32, #tpu.memory_space<vmem>>, %arg6: memref<19x2048xf32, #tpu.memory_space<vmem>>, %arg7: memref<2048xi32, #tpu.memory_space<vmem>>, %arg8: memref<2048xi32, #tpu.memory_space<vmem>>, %arg9: memref<304xf32, #tpu.memory_space<vmem>>, %arg10: memref<304xf32, #tpu.memory_space<vmem>>, %arg11: memref<304xf32, #tpu.memory_space<vmem>>, %arg12: memref<!tpu.dma_semaphore, #tpu.memory_space<semaphore_mem>>, %arg13: memref<!tpu.dma_semaphore, #tpu.memory_space<semaphore_mem>>, %arg14: memref<!tpu.dma_semaphore, #tpu.memory_space<semaphore_mem>>, %arg15: memref<!tpu.dma_semaphore, #tpu.memory_space<semaphore_mem>>) attributes {dimension_semantics = [#tpu.dimension_semantics<core_parallel>, #tpu.dimension_semantics<subcore_parallel>], iteration_bounds = array<i64: 2, 16>, scalar_prefetch = 0 : i64, scratch_operands = 11 : i64, tpu.core_type = #tpu.core_type<sc_vector_subcore>, window_params = [{transform_indices = #map}, {transform_indices = #map1}, {transform_indices = #map1}]} {
    %mul3A = arith.constant 16 : i32
    %mul3A_0 = arith.muli %arg0, %mul3A : i32
    %add3A = arith.addi %mul3A_0, %arg1 : i32
    %iota3A = tpu.iota {dimensions = array<i32: 0>} : vector<16xi32>
    %broadcast_in_dim3A = arith.constant 0.000000e+00 : f32
    %broadcast_in_dim3A_1 = vector.broadcast %broadcast_in_dim3A : f32 to vector<16xf32>
    %swap3A = arith.constant 0 : index
    %swap3A_2 = tpu.vector_load %arg9[%swap3A] {strides = array<i32>} : memref<304xf32, #tpu.memory_space<vmem>>, vector<16xf32>,
    tpu.vector_store %arg9[%swap3A], %broadcast_in_dim3A_1 {strides = array<i32>} : memref<304xf32, #tpu.memory_space<vmem>>, vector<16xf32>,
    %swap3A_3 = arith.constant 0 : index
    %swap3A_4 = tpu.vector_load %arg10[%swap3A_3] {strides = array<i32>} : memref<304xf32, #tpu.memory_space<vmem>>, vector<16xf32>,
    tpu.vector_store %arg10[%swap3A_3], %broadcast_in_dim3A_1 {strides = array<i32>} : memref<304xf32, #tpu.memory_space<vmem>>, vector<16xf32>,
    %swap3A_5 = arith.constant 0 : index
    %swap3A_6 = tpu.vector_load %arg11[%swap3A_5] {strides = array<i32>} : memref<304xf32, #tpu.memory_space<vmem>>, vector<16xf32>,
    tpu.vector_store %arg11[%swap3A_5], %broadcast_in_dim3A_1 {strides = array<i32>} : memref<304xf32, #tpu.memory_space<vmem>>, vector<16xf32>,
    %swap3A_7 = arith.constant 16 : index
    %swap3A_8 = tpu.vector_load %arg9[%swap3A_7] {strides = array<i32>} : memref<304xf32, #tpu.memory_space<vmem>>, vector<16xf32>,
    tpu.vector_store %arg9[%swap3A_7], %broadcast_in_dim3A_1 {strides = array<i32>} : memref<304xf32, #tpu.memory_space<vmem>>, vector<16xf32>,
    %swap3A_9 = arith.constant 16 : index
    %swap3A_10 = tpu.vector_load %arg10[%swap3A_9] {strides = array<i32>} : memref<304xf32, #tpu.memory_space<vmem>>, vector<16xf32>,
    tpu.vector_store %arg10[%swap3A_9], %broadcast_in_dim3A_1 {strides = array<i32>} : memref<304xf32, #tpu.memory_space<vmem>>, vector<16xf32>,
    %swap3A_11 = arith.constant 16 : index
    %swap3A_12 = tpu.vector_load %arg11[%swap3A_11] {strides = array<i32>} : memref<304xf32, #tpu.memory_space<vmem>>, vector<16xf32>,
    tpu.vector_store %arg11[%swap3A_11], %broadcast_in_dim3A_1 {strides = array<i32>} : memref<304xf32, #tpu.memory_space<vmem>>, vector<16xf32>,
    %swap3A_13 = arith.constant 32 : index
    %swap3A_14 = tpu.vector_load %arg9[%swap3A_13] {strides = array<i32>} : memref<304xf32, #tpu.memory_space<vmem>>, vector<16xf32>,
    tpu.vector_store %arg9[%swap3A_13], %broadcast_in_dim3A_1 {strides = array<i32>} : memref<304xf32, #tpu.memory_space<vmem>>, vector<16xf32>,
    %swap3A_15 = arith.constant 32 : index
    %swap3A_16 = tpu.vector_load %arg10[%swap3A_15] {strides = array<i32>} : memref<304xf32, #tpu.memory_space<vmem>>, vector<16xf32>,
    tpu.vector_store %arg10[%swap3A_15], %broadcast_in_dim3A_1 {strides = array<i32>} : memref<304xf32, #tpu.memory_space<vmem>>, vector<16xf32>,
    %swap3A_17 = arith.constant 32 : index
    %swap3A_18 = tpu.vector_load %arg11[%swap3A_17] {strides = array<i32>} : memref<304xf32, #tpu.memory_space<vmem>>, vector<16xf32>,
    tpu.vector_store %arg11[%swap3A_17], %broadcast_in_dim3A_1 {strides = array<i32>} : memref<304xf32, #tpu.memory_space<vmem>>, vector<16xf32>,
    %swap3A_19 = arith.constant 48 : index
    %swap3A_20 = tpu.vector_load %arg9[%swap3A_19] {strides = array<i32>} : memref<304xf32, #tpu.memory_space<vmem>>, vector<16xf32>,
    tpu.vector_store %arg9[%swap3A_19], %broadcast_in_dim3A_1 {strides = array<i32>} : memref<304xf32, #tpu.memory_space<vmem>>, vector<16xf32>,
    %swap3A_21 = arith.constant 48 : index
    %swap3A_22 = tpu.vector_load %arg10[%swap3A_21] {strides = array<i32>} : memref<304xf32, #tpu.memory_space<vmem>>, vector<16xf32>,
    tpu.vector_store %arg10[%swap3A_21], %broadcast_in_dim3A_1 {strides = array<i32>} : memref<304xf32, #tpu.memory_space<vmem>>, vector<16xf32>,
    %swap3A_23 = arith.constant 48 : index
    %swap3A_24 = tpu.vector_load %arg11[%swap3A_23] {strides = array<i32>} : memref<304xf32, #tpu.memory_space<vmem>>, vector<16xf32>,
    tpu.vector_store %arg11[%swap3A_23], %broadcast_in_dim3A_1 {strides = array<i32>} : memref<304xf32, #tpu.memory_space<vmem>>, vector<16xf32>,
    %swap3A_25 = arith.constant 64 : index
    %swap3A_26 = tpu.vector_load %arg9[%swap3A_25] {strides = array<i32>} : memref<304xf32, #tpu.memory_space<vmem>>, vector<16xf32>,
    tpu.vector_store %arg9[%swap3A_25], %broadcast_in_dim3A_1 {strides = array<i32>} : memref<304xf32, #tpu.memory_space<vmem>>, vector<16xf32>,
    %swap3A_27 = arith.constant 64 : index
    %swap3A_28 = tpu.vector_load %arg10[%swap3A_27] {strides = array<i32>} : memref<304xf32, #tpu.memory_space<vmem>>, vector<16xf32>,
    tpu.vector_store %arg10[%swap3A_27], %broadcast_in_dim3A_1 {strides = array<i32>} : memref<304xf32, #tpu.memory_space<vmem>>, vector<16xf32>,
    %swap3A_29 = arith.constant 64 : index
    %swap3A_30 = tpu.vector_load %arg11[%swap3A_29] {strides = array<i32>} : memref<304xf32, #tpu.memory_space<vmem>>, vector<16xf32>,
    tpu.vector_store %arg11[%swap3A_29], %broadcast_in_dim3A_1 {strides = array<i32>} : memref<304xf32, #tpu.memory_space<vmem>>, vector<16xf32>,
    %swap3A_31 = arith.constant 80 : index
    %swap3A_32 = tpu.vector_load %arg9[%swap3A_31] {strides = array<i32>} : memref<304xf32, #tpu.memory_space<vmem>>, vector<16xf32>,
    tpu.vector_store %arg9[%swap3A_31], %broadcast_in_dim3A_1 {strides = array<i32>} : memref<304xf32, #tpu.memory_space<vmem>>, vector<16xf32>,
    %swap3A_33 = arith.constant 80 : index
    %swap3A_34 = tpu.vector_load %arg10[%swap3A_33] {strides = array<i32>} : memref<304xf32, #tpu.memory_space<vmem>>, vector<16xf32>,
    tpu.vector_store %arg10[%swap3A_33], %broadcast_in_dim3A_1 {strides = array<i32>} : memref<304xf32, #tpu.memory_space<vmem>>, vector<16xf32>,
    %swap3A_35 = arith.constant 80 : index
    %swap3A_36 = tpu.vector_load %arg11[%swap3A_35] {strides = array<i32>} : memref<304xf32, #tpu.memory_space<vmem>>, vector<16xf32>,
    tpu.vector_store %arg11[%swap3A_35], %broadcast_in_dim3A_1 {strides = array<i32>} : memref<304xf32, #tpu.memory_space<vmem>>, vector<16xf32>,
    %swap3A_37 = arith.constant 96 : index
    %swap3A_38 = tpu.vector_load %arg9[%swap3A_37] {strides = array<i32>} : memref<304xf32, #tpu.memory_space<vmem>>, vector<16xf32>,
    tpu.vector_store %arg9[%swap3A_37], %broadcast_in_dim3A_1 {strides = array<i32>} : memref<304xf32, #tpu.memory_space<vmem>>, vector<16xf32>,
    %swap3A_39 = arith.constant 96 : index
    %swap3A_40 = tpu.vector_load %arg10[%swap3A_39] {strides = array<i32>} : memref<304xf32, #tpu.memory_space<vmem>>, vector<16xf32>,
    tpu.vector_store %arg10[%swap3A_39], %broadcast_in_dim3A_1 {strides = array<i32>} : memref<304xf32, #tpu.memory_space<vmem>>, vector<16xf32>,
    %swap3A_41 = arith.constant 96 : index
    %swap3A_42 = tpu.vector_load %arg11[%swap3A_41] {strides = array<i32>} : memref<304xf32, #tpu.memory_space<vmem>>, vector<16xf32>,
    tpu.vector_store %arg11[%swap3A_41], %broadcast_in_dim3A_1 {strides = array<i32>} : memref<304xf32, #tpu.memory_space<vmem>>, vector<16xf32>,
    %swap3A_43 = arith.constant 112 : index
    %swap3A_44 = tpu.vector_load %arg9[%swap3A_43] {strides = array<i32>} : memref<304xf32, #tpu.memory_space<vmem>>, vector<16xf32>,
    tpu.vector_store %arg9[%swap3A_43], %broadcast_in_dim3A_1 {strides = array<i32>} : memref<304xf32, #tpu.memory_space<vmem>>, vector<16xf32>,
    %swap3A_45 = arith.constant 112 : index
    %swap3A_46 = tpu.vector_load %arg10[%swap3A_45] {strides = array<i32>} : memref<304xf32, #tpu.memory_space<vmem>>, vector<16xf32>,
    tpu.vector_store %arg10[%swap3A_45], %broadcast_in_dim3A_1 {strides = array<i32>} : memref<304xf32, #tpu.memory_space<vmem>>, vector<16xf32>,
    %swap3A_47 = arith.constant 112 : index
    %swap3A_48 = tpu.vector_load %arg11[%swap3A_47] {strides = array<i32>} : memref<304xf32, #tpu.memory_space<vmem>>, vector<16xf32>,
    tpu.vector_store %arg11[%swap3A_47], %broadcast_in_dim3A_1 {strides = array<i32>} : memref<304xf32, #tpu.memory_space<vmem>>, vector<16xf32>,
    %swap3A_49 = arith.constant 128 : index
    %swap3A_50 = tpu.vector_load %arg9[%swap3A_49] {strides = array<i32>} : memref<304xf32, #tpu.memory_space<vmem>>, vector<16xf32>,
    tpu.vector_store %arg9[%swap3A_49], %broadcast_in_dim3A_1 {strides = array<i32>} : memref<304xf32, #tpu.memory_space<vmem>>, vector<16xf32>,
    %swap3A_51 = arith.constant 128 : index
    %swap3A_52 = tpu.vector_load %arg10[%swap3A_51] {strides = array<i32>} : memref<304xf32, #tpu.memory_space<vmem>>, vector<16xf32>,
    tpu.vector_store %arg10[%swap3A_51], %broadcast_in_dim3A_1 {strides = array<i32>} : memref<304xf32, #tpu.memory_space<vmem>>, vector<16xf32>,
    %swap3A_53 = arith.constant 128 : index
    %swap3A_54 = tpu.vector_load %arg11[%swap3A_53] {strides = array<i32>} : memref<304xf32, #tpu.memory_space<vmem>>, vector<16xf32>,
    tpu.vector_store %arg11[%swap3A_53], %broadcast_in_dim3A_1 {strides = array<i32>} : memref<304xf32, #tpu.memory_space<vmem>>, vector<16xf32>,
    %swap3A_55 = arith.constant 144 : index
    %swap3A_56 = tpu.vector_load %arg9[%swap3A_55] {strides = array<i32>} : memref<304xf32, #tpu.memory_space<vmem>>, vector<16xf32>,
    tpu.vector_store %arg9[%swap3A_55], %broadcast_in_dim3A_1 {strides = array<i32>} : memref<304xf32, #tpu.memory_space<vmem>>, vector<16xf32>,
    %swap3A_57 = arith.constant 144 : index
    %swap3A_58 = tpu.vector_load %arg10[%swap3A_57] {strides = array<i32>} : memref<304xf32, #tpu.memory_space<vmem>>, vector<16xf32>,
    tpu.vector_store %arg10[%swap3A_57], %broadcast_in_dim3A_1 {strides = array<i32>} : memref<304xf32, #tpu.memory_space<vmem>>, vector<16xf32>,
    %swap3A_59 = arith.constant 144 : index
    %swap3A_60 = tpu.vector_load %arg11[%swap3A_59] {strides = array<i32>} : memref<304xf32, #tpu.memory_space<vmem>>, vector<16xf32>,
    tpu.vector_store %arg11[%swap3A_59], %broadcast_in_dim3A_1 {strides = array<i32>} : memref<304xf32, #tpu.memory_space<vmem>>, vector<16xf32>,
    %swap3A_61 = arith.constant 160 : index
    %swap3A_62 = tpu.vector_load %arg9[%swap3A_61] {strides = array<i32>} : memref<304xf32, #tpu.memory_space<vmem>>, vector<16xf32>,
    tpu.vector_store %arg9[%swap3A_61], %broadcast_in_dim3A_1 {strides = array<i32>} : memref<304xf32, #tpu.memory_space<vmem>>, vector<16xf32>,
    %swap3A_63 = arith.constant 160 : index
    %swap3A_64 = tpu.vector_load %arg10[%swap3A_63] {strides = array<i32>} : memref<304xf32, #tpu.memory_space<vmem>>, vector<16xf32>,
    tpu.vector_store %arg10[%swap3A_63], %broadcast_in_dim3A_1 {strides = array<i32>} : memref<304xf32, #tpu.memory_space<vmem>>, vector<16xf32>,
    %swap3A_65 = arith.constant 160 : index
    %swap3A_66 = tpu.vector_load %arg11[%swap3A_65] {strides = array<i32>} : memref<304xf32, #tpu.memory_space<vmem>>, vector<16xf32>,
    tpu.vector_store %arg11[%swap3A_65], %broadcast_in_dim3A_1 {strides = array<i32>} : memref<304xf32, #tpu.memory_space<vmem>>, vector<16xf32>,
    %swap3A_67 = arith.constant 176 : index
    %swap3A_68 = tpu.vector_load %arg9[%swap3A_67] {strides = array<i32>} : memref<304xf32, #tpu.memory_space<vmem>>, vector<16xf32>,
    tpu.vector_store %arg9[%swap3A_67], %broadcast_in_dim3A_1 {strides = array<i32>} : memref<304xf32, #tpu.memory_space<vmem>>, vector<16xf32>,
    %swap3A_69 = arith.constant 176 : index
    %swap3A_70 = tpu.vector_load %arg10[%swap3A_69] {strides = array<i32>} : memref<304xf32, #tpu.memory_space<vmem>>, vector<16xf32>,
    tpu.vector_store %arg10[%swap3A_69], %broadcast_in_dim3A_1 {strides = array<i32>} : memref<304xf32, #tpu.memory_space<vmem>>, vector<16xf32>,
    %swap3A_71 = arith.constant 176 : index
    %swap3A_72 = tpu.vector_load %arg11[%swap3A_71] {strides = array<i32>} : memref<304xf32, #tpu.memory_space<vmem>>, vector<16xf32>,
    tpu.vector_store %arg11[%swap3A_71], %broadcast_in_dim3A_1 {strides = array<i32>} : memref<304xf32, #tpu.memory_space<vmem>>, vector<16xf32>,
    %swap3A_73 = arith.constant 192 : index
    %swap3A_74 = tpu.vector_load %arg9[%swap3A_73] {strides = array<i32>} : memref<304xf32, #tpu.memory_space<vmem>>, vector<16xf32>,
    tpu.vector_store %arg9[%swap3A_73], %broadcast_in_dim3A_1 {strides = array<i32>} : memref<304xf32, #tpu.memory_space<vmem>>, vector<16xf32>,
    %swap3A_75 = arith.constant 192 : index
    %swap3A_76 = tpu.vector_load %arg10[%swap3A_75] {strides = array<i32>} : memref<304xf32, #tpu.memory_space<vmem>>, vector<16xf32>,
    tpu.vector_store %arg10[%swap3A_75], %broadcast_in_dim3A_1 {strides = array<i32>} : memref<304xf32, #tpu.memory_space<vmem>>, vector<16xf32>,
    %swap3A_77 = arith.constant 192 : index
    %swap3A_78 = tpu.vector_load %arg11[%swap3A_77] {strides = array<i32>} : memref<304xf32, #tpu.memory_space<vmem>>, vector<16xf32>,
    tpu.vector_store %arg11[%swap3A_77], %broadcast_in_dim3A_1 {strides = array<i32>} : memref<304xf32, #tpu.memory_space<vmem>>, vector<16xf32>,
    %swap3A_79 = arith.constant 208 : index
    %swap3A_80 = tpu.vector_load %arg9[%swap3A_79] {strides = array<i32>} : memref<304xf32, #tpu.memory_space<vmem>>, vector<16xf32>,
    tpu.vector_store %arg9[%swap3A_79], %broadcast_in_dim3A_1 {strides = array<i32>} : memref<304xf32, #tpu.memory_space<vmem>>, vector<16xf32>,
    %swap3A_81 = arith.constant 208 : index
    %swap3A_82 = tpu.vector_load %arg10[%swap3A_81] {strides = array<i32>} : memref<304xf32, #tpu.memory_space<vmem>>, vector<16xf32>,
    tpu.vector_store %arg10[%swap3A_81], %broadcast_in_dim3A_1 {strides = array<i32>} : memref<304xf32, #tpu.memory_space<vmem>>, vector<16xf32>,
    %swap3A_83 = arith.constant 208 : index
    %swap3A_84 = tpu.vector_load %arg11[%swap3A_83] {strides = array<i32>} : memref<304xf32, #tpu.memory_space<vmem>>, vector<16xf32>,
    tpu.vector_store %arg11[%swap3A_83], %broadcast_in_dim3A_1 {strides = array<i32>} : memref<304xf32, #tpu.memory_space<vmem>>, vector<16xf32>,
    %swap3A_85 = arith.constant 224 : index
    %swap3A_86 = tpu.vector_load %arg9[%swap3A_85] {strides = array<i32>} : memref<304xf32, #tpu.memory_space<vmem>>, vector<16xf32>,
    tpu.vector_store %arg9[%swap3A_85], %broadcast_in_dim3A_1 {strides = array<i32>} : memref<304xf32, #tpu.memory_space<vmem>>, vector<16xf32>,
    %swap3A_87 = arith.constant 224 : index
    %swap3A_88 = tpu.vector_load %arg10[%swap3A_87] {strides = array<i32>} : memref<304xf32, #tpu.memory_space<vmem>>, vector<16xf32>,
    tpu.vector_store %arg10[%swap3A_87], %broadcast_in_dim3A_1 {strides = array<i32>} : memref<304xf32, #tpu.memory_space<vmem>>, vector<16xf32>,
    %swap3A_89 = arith.constant 224 : index
    %swap3A_90 = tpu.vector_load %arg11[%swap3A_89] {strides = array<i32>} : memref<304xf32, #tpu.memory_space<vmem>>, vector<16xf32>,
    tpu.vector_store %arg11[%swap3A_89], %broadcast_in_dim3A_1 {strides = array<i32>} : memref<304xf32, #tpu.memory_space<vmem>>, vector<16xf32>,
    %swap3A_91 = arith.constant 240 : index
    %swap3A_92 = tpu.vector_load %arg9[%swap3A_91] {strides = array<i32>} : memref<304xf32, #tpu.memory_space<vmem>>, vector<16xf32>,
    tpu.vector_store %arg9[%swap3A_91], %broadcast_in_dim3A_1 {strides = array<i32>} : memref<304xf32, #tpu.memory_space<vmem>>, vector<16xf32>,
    %swap3A_93 = arith.constant 240 : index
    %swap3A_94 = tpu.vector_load %arg10[%swap3A_93] {strides = array<i32>} : memref<304xf32, #tpu.memory_space<vmem>>, vector<16xf32>,
    tpu.vector_store %arg10[%swap3A_93], %broadcast_in_dim3A_1 {strides = array<i32>} : memref<304xf32, #tpu.memory_space<vmem>>, vector<16xf32>,
    %swap3A_95 = arith.constant 240 : index
    %swap3A_96 = tpu.vector_load %arg11[%swap3A_95] {strides = array<i32>} : memref<304xf32, #tpu.memory_space<vmem>>, vector<16xf32>,
    tpu.vector_store %arg11[%swap3A_95], %broadcast_in_dim3A_1 {strides = array<i32>} : memref<304xf32, #tpu.memory_space<vmem>>, vector<16xf32>,
    %swap3A_97 = arith.constant 256 : index
    %swap3A_98 = tpu.vector_load %arg9[%swap3A_97] {strides = array<i32>} : memref<304xf32, #tpu.memory_space<vmem>>, vector<16xf32>,
    tpu.vector_store %arg9[%swap3A_97], %broadcast_in_dim3A_1 {strides = array<i32>} : memref<304xf32, #tpu.memory_space<vmem>>, vector<16xf32>,
    %swap3A_99 = arith.constant 256 : index
    %swap3A_100 = tpu.vector_load %arg10[%swap3A_99] {strides = array<i32>} : memref<304xf32, #tpu.memory_space<vmem>>, vector<16xf32>,
    tpu.vector_store %arg10[%swap3A_99], %broadcast_in_dim3A_1 {strides = array<i32>} : memref<304xf32, #tpu.memory_space<vmem>>, vector<16xf32>,
    %swap3A_101 = arith.constant 256 : index
    %swap3A_102 = tpu.vector_load %arg11[%swap3A_101] {strides = array<i32>} : memref<304xf32, #tpu.memory_space<vmem>>, vector<16xf32>,
    tpu.vector_store %arg11[%swap3A_101], %broadcast_in_dim3A_1 {strides = array<i32>} : memref<304xf32, #tpu.memory_space<vmem>>, vector<16xf32>,
    %swap3A_103 = arith.constant 272 : index
    %swap3A_104 = tpu.vector_load %arg9[%swap3A_103] {strides = array<i32>} : memref<304xf32, #tpu.memory_space<vmem>>, vector<16xf32>,
    tpu.vector_store %arg9[%swap3A_103], %broadcast_in_dim3A_1 {strides = array<i32>} : memref<304xf32, #tpu.memory_space<vmem>>, vector<16xf32>,
    %swap3A_105 = arith.constant 272 : index
    %swap3A_106 = tpu.vector_load %arg10[%swap3A_105] {strides = array<i32>} : memref<304xf32, #tpu.memory_space<vmem>>, vector<16xf32>,
    tpu.vector_store %arg10[%swap3A_105], %broadcast_in_dim3A_1 {strides = array<i32>} : memref<304xf32, #tpu.memory_space<vmem>>, vector<16xf32>,
    %swap3A_107 = arith.constant 272 : index
    %swap3A_108 = tpu.vector_load %arg11[%swap3A_107] {strides = array<i32>} : memref<304xf32, #tpu.memory_space<vmem>>, vector<16xf32>,
    tpu.vector_store %arg11[%swap3A_107], %broadcast_in_dim3A_1 {strides = array<i32>} : memref<304xf32, #tpu.memory_space<vmem>>, vector<16xf32>,
    %swap3A_109 = arith.constant 288 : index
    %swap3A_110 = tpu.vector_load %arg9[%swap3A_109] {strides = array<i32>} : memref<304xf32, #tpu.memory_space<vmem>>, vector<16xf32>,
    tpu.vector_store %arg9[%swap3A_109], %broadcast_in_dim3A_1 {strides = array<i32>} : memref<304xf32, #tpu.memory_space<vmem>>, vector<16xf32>,
    %swap3A_111 = arith.constant 288 : index
    %swap3A_112 = tpu.vector_load %arg10[%swap3A_111] {strides = array<i32>} : memref<304xf32, #tpu.memory_space<vmem>>, vector<16xf32>,
    tpu.vector_store %arg10[%swap3A_111], %broadcast_in_dim3A_1 {strides = array<i32>} : memref<304xf32, #tpu.memory_space<vmem>>, vector<16xf32>,
    %swap3A_113 = arith.constant 288 : index
    %swap3A_114 = tpu.vector_load %arg11[%swap3A_113] {strides = array<i32>} : memref<304xf32, #tpu.memory_space<vmem>>, vector<16xf32>,
    tpu.vector_store %arg11[%swap3A_113], %broadcast_in_dim3A_1 {strides = array<i32>} : memref<304xf32, #tpu.memory_space<vmem>>, vector<16xf32>,
    %mul3A_115 = arith.constant 8192 : i32
    %mul3A_116 = arith.muli %add3A, %mul3A_115 : i32
    %add3A_117 = arith.constant 262144 : i32
    %add3A_118 = arith.addi %add3A_117, %mul3A_116 : i32
    %add3A_119 = arith.constant 0 : i32
    %add3A_120 = arith.addi %add3A_118, %add3A_119 : i32
    %dma_start3A = arith.constant 0 : i32
    %dma_start3A_121 = tpu.memref_slice %arg2[%dma_start3A, %add3A_120] : memref<19x524288xf32, #tpu.memory_space<hbm>> -> memref<19x2048xf32, #tpu.memory_space<hbm>>
    %dma_start3A_122 = arith.constant 0 : i32
    %dma_start3A_123 = tpu.memref_slice %arg2[%dma_start3A_122, %add3A_120] : memref<19x524288xf32, #tpu.memory_space<hbm>> -> memref<19x2048xf32, #tpu.memory_space<hbm>>
    tpu.enqueue_dma source(%dma_start3A_123 : memref<19x2048xf32, #tpu.memory_space<hbm>>) target(%arg5 : memref<19x2048xf32, #tpu.memory_space<vmem>>) target_semaphore(%arg12 : memref<!tpu.dma_semaphore, #tpu.memory_space<semaphore_mem>>)
    %dma_start3A_124 = tpu.memref_slice %arg3[%add3A_120] : memref<524288xi32, #tpu.memory_space<hbm>> -> memref<2048xi32, #tpu.memory_space<hbm>>
    %dma_start3A_125 = tpu.memref_slice %arg3[%add3A_120] : memref<524288xi32, #tpu.memory_space<hbm>> -> memref<2048xi32, #tpu.memory_space<hbm>>
    tpu.enqueue_dma source(%dma_start3A_125 : memref<2048xi32, #tpu.memory_space<hbm>>) target(%arg7 : memref<2048xi32, #tpu.memory_space<vmem>>) target_semaphore(%arg14 : memref<!tpu.dma_semaphore, #tpu.memory_space<semaphore_mem>>)
    %broadcast_in_dim3A_126 = arith.constant 1.000000e+00 : f32
    %broadcast_in_dim3A_127 = vector.broadcast %broadcast_in_dim3A_126 : f32 to vector<16xf32>
    %broadcast_in_dim3A_128 = arith.constant 0.000000e+00 : f32
    %broadcast_in_dim3A_129 = vector.broadcast %broadcast_in_dim3A_128 : f32 to vector<16xf32>
    %dma_wait3A = arith.constant 0 : i32
    %dma_wait3A_130 = tpu.memref_slice %arg2[%dma_wait3A, %add3A_120] : memref<19x524288xf32, #tpu.memory_space<hbm>> -> memref<19x2048xf32, #tpu.memory_space<hbm>>
    %dma_wait3A_131 = arith.constant 0 : i32
    %dma_wait3A_132 = tpu.memref_slice %arg2[%dma_wait3A_131, %add3A_120] : memref<19x524288xf32, #tpu.memory_space<hbm>> -> memref<19x2048xf32, #tpu.memory_space<hbm>>
    tpu.wait_dma2 semaphore(%arg12 : memref<!tpu.dma_semaphore, #tpu.memory_space<semaphore_mem>>) src(%dma_wait3A_132 : memref<19x2048xf32, #tpu.memory_space<hbm>>) dst(%arg5 : memref<19x2048xf32, #tpu.memory_space<vmem>>)
    %dma_wait3A_133 = tpu.memref_slice %arg3[%add3A_120] : memref<524288xi32, #tpu.memory_space<hbm>> -> memref<2048xi32, #tpu.memory_space<hbm>>
    %dma_wait3A_134 = tpu.memref_slice %arg3[%add3A_120] : memref<524288xi32, #tpu.memory_space<hbm>> -> memref<2048xi32, #tpu.memory_space<hbm>>
    tpu.wait_dma2 semaphore(%arg14 : memref<!tpu.dma_semaphore, #tpu.memory_space<semaphore_mem>>) src(%dma_wait3A_134 : memref<2048xi32, #tpu.memory_space<hbm>>) dst(%arg7 : memref<2048xi32, #tpu.memory_space<vmem>>)
    %add3A_135 = arith.constant 2048 : i32
    %add3A_136 = arith.addi %add3A_118, %add3A_135 : i32
    %dma_start3A_137 = arith.constant 0 : i32
    %dma_start3A_138 = tpu.memref_slice %arg2[%dma_start3A_137, %add3A_136] : memref<19x524288xf32, #tpu.memory_space<hbm>> -> memref<19x2048xf32, #tpu.memory_space<hbm>>
    %dma_start3A_139 = arith.constant 0 : i32
    %dma_start3A_140 = tpu.memref_slice %arg2[%dma_start3A_139, %add3A_136] : memref<19x524288xf32, #tpu.memory_space<hbm>> -> memref<19x2048xf32, #tpu.memory_space<hbm>>
    tpu.enqueue_dma source(%dma_start3A_140 : memref<19x2048xf32, #tpu.memory_space<hbm>>) target(%arg6 : memref<19x2048xf32, #tpu.memory_space<vmem>>) target_semaphore(%arg13 : memref<!tpu.dma_semaphore, #tpu.memory_space<semaphore_mem>>)
    %dma_start3A_141 = tpu.memref_slice %arg3[%add3A_136] : memref<524288xi32, #tpu.memory_space<hbm>> -> memref<2048xi32, #tpu.memory_space<hbm>>
    %dma_start3A_142 = tpu.memref_slice %arg3[%add3A_136] : memref<524288xi32, #tpu.memory_space<hbm>> -> memref<2048xi32, #tpu.memory_space<hbm>>
    tpu.enqueue_dma source(%dma_start3A_142 : memref<2048xi32, #tpu.memory_space<hbm>>) target(%arg8 : memref<2048xi32, #tpu.memory_space<vmem>>) target_semaphore(%arg15 : memref<!tpu.dma_semaphore, #tpu.memory_space<semaphore_mem>>)
    %scan3A = arith.constant 0 : i32
    %scan3A_143 = arith.constant 0 : i32
    %scan3A_144 = arith.constant 64 : i32
    %scan3A_145 = arith.addi %scan3A_143, %scan3A_144 : i32
    %scan3A_146 = arith.constant 1 : i32
    scf.for %scan3A_1112 = %scan3A_143 to %scan3A_145 step %scan3A_146  : i32 {
      %mul3A_1113 = arith.constant 32 : i32
      %mul3A_1114 = arith.muli %scan3A_1112, %mul3A_1113 : i32
      %mul3A_1115 = arith.constant 32 : i32
      %mul3A_1116 = arith.muli %scan3A_1112, %mul3A_1115 : i32
      %add3A_1117 = arith.constant 16 : i32
      %add3A_1118 = arith.addi %mul3A_1116, %add3A_1117 : i32
      %get3A = arith.constant 0 : i32
      %get3A_1119 = arith.index_cast %get3A : i32 to index
      %get3A_1120 = arith.index_cast %mul3A_1114 : i32 to index
      %get3A_1121 = tpu.vector_load %arg5[%get3A_1119, %get3A_1120] {strides = array<i32>} : memref<19x2048xf32, #tpu.memory_space<vmem>>, vector<16xf32>,
      %exp3A = math.exp %get3A_1121 : vector<16xf32>
      %get3A_1122 = arith.constant 1 : i32
      %get3A_1123 = arith.index_cast %get3A_1122 : i32 to index
      %get3A_1124 = arith.index_cast %mul3A_1114 : i32 to index
      %get3A_1125 = tpu.vector_load %arg5[%get3A_1123, %get3A_1124] {strides = array<i32>} : memref<19x2048xf32, #tpu.memory_space<vmem>>, vector<16xf32>,
      %exp3A_1126 = math.exp %get3A_1125 : vector<16xf32>
      %get3A_1127 = arith.constant 2 : i32
      %get3A_1128 = arith.index_cast %get3A_1127 : i32 to index
      %get3A_1129 = arith.index_cast %mul3A_1114 : i32 to index
      %get3A_1130 = tpu.vector_load %arg5[%get3A_1128, %get3A_1129] {strides = array<i32>} : memref<19x2048xf32, #tpu.memory_space<vmem>>, vector<16xf32>,
      %exp3A_1131 = math.exp %get3A_1130 : vector<16xf32>
      %get3A_1132 = arith.constant 3 : i32
      %get3A_1133 = arith.index_cast %get3A_1132 : i32 to index
      %get3A_1134 = arith.index_cast %mul3A_1114 : i32 to index
      %get3A_1135 = tpu.vector_load %arg5[%get3A_1133, %get3A_1134] {strides = array<i32>} : memref<19x2048xf32, #tpu.memory_space<vmem>>, vector<16xf32>,
      %exp3A_1136 = math.exp %get3A_1135 : vector<16xf32>
      %get3A_1137 = arith.constant 4 : i32
      %get3A_1138 = arith.index_cast %get3A_1137 : i32 to index
      %get3A_1139 = arith.index_cast %mul3A_1114 : i32 to index
      %get3A_1140 = tpu.vector_load %arg5[%get3A_1138, %get3A_1139] {strides = array<i32>} : memref<19x2048xf32, #tpu.memory_space<vmem>>, vector<16xf32>,
      %exp3A_1141 = math.exp %get3A_1140 : vector<16xf32>
      %get3A_1142 = arith.constant 5 : i32
      %get3A_1143 = arith.index_cast %get3A_1142 : i32 to index
      %get3A_1144 = arith.index_cast %mul3A_1114 : i32 to index
      %get3A_1145 = tpu.vector_load %arg5[%get3A_1143, %get3A_1144] {strides = array<i32>} : memref<19x2048xf32, #tpu.memory_space<vmem>>, vector<16xf32>,
      %exp3A_1146 = math.exp %get3A_1145 : vector<16xf32>
      %get3A_1147 = arith.constant 6 : i32
      %get3A_1148 = arith.index_cast %get3A_1147 : i32 to index
      %get3A_1149 = arith.index_cast %mul3A_1114 : i32 to index
      %get3A_1150 = tpu.vector_load %arg5[%get3A_1148, %get3A_1149] {strides = array<i32>} : memref<19x2048xf32, #tpu.memory_space<vmem>>, vector<16xf32>,
      %exp3A_1151 = math.exp %get3A_1150 : vector<16xf32>
      %get3A_1152 = arith.constant 7 : i32
      %get3A_1153 = arith.index_cast %get3A_1152 : i32 to index
      %get3A_1154 = arith.index_cast %mul3A_1114 : i32 to index
      %get3A_1155 = tpu.vector_load %arg5[%get3A_1153, %get3A_1154] {strides = array<i32>} : memref<19x2048xf32, #tpu.memory_space<vmem>>, vector<16xf32>,
      %exp3A_1156 = math.exp %get3A_1155 : vector<16xf32>
      %get3A_1157 = arith.constant 8 : i32
      %get3A_1158 = arith.index_cast %get3A_1157 : i32 to index
      %get3A_1159 = arith.index_cast %mul3A_1114 : i32 to index
      %get3A_1160 = tpu.vector_load %arg5[%get3A_1158, %get3A_1159] {strides = array<i32>} : memref<19x2048xf32, #tpu.memory_space<vmem>>, vector<16xf32>,
      %exp3A_1161 = math.exp %get3A_1160 : vector<16xf32>
      %get3A_1162 = arith.constant 9 : i32
      %get3A_1163 = arith.index_cast %get3A_1162 : i32 to index
      %get3A_1164 = arith.index_cast %mul3A_1114 : i32 to index
      %get3A_1165 = tpu.vector_load %arg5[%get3A_1163, %get3A_1164] {strides = array<i32>} : memref<19x2048xf32, #tpu.memory_space<vmem>>, vector<16xf32>,
      %exp3A_1166 = math.exp %get3A_1165 : vector<16xf32>
      %get3A_1167 = arith.constant 10 : i32
      %get3A_1168 = arith.index_cast %get3A_1167 : i32 to index
      %get3A_1169 = arith.index_cast %mul3A_1114 : i32 to index
      %get3A_1170 = tpu.vector_load %arg5[%get3A_1168, %get3A_1169] {strides = array<i32>} : memref<19x2048xf32, #tpu.memory_space<vmem>>, vector<16xf32>,
      %exp3A_1171 = math.exp %get3A_1170 : vector<16xf32>
      %get3A_1172 = arith.constant 11 : i32
      %get3A_1173 = arith.index_cast %get3A_1172 : i32 to index
      %get3A_1174 = arith.index_cast %mul3A_1114 : i32 to index
      %get3A_1175 = tpu.vector_load %arg5[%get3A_1173, %get3A_1174] {strides = array<i32>} : memref<19x2048xf32, #tpu.memory_space<vmem>>, vector<16xf32>,
      %exp3A_1176 = math.exp %get3A_1175 : vector<16xf32>
      %get3A_1177 = arith.constant 12 : i32
      %get3A_1178 = arith.index_cast %get3A_1177 : i32 to index
      %get3A_1179 = arith.index_cast %mul3A_1114 : i32 to index
      %get3A_1180 = tpu.vector_load %arg5[%get3A_1178, %get3A_1179] {strides = array<i32>} : memref<19x2048xf32, #tpu.memory_space<vmem>>, vector<16xf32>,
      %exp3A_1181 = math.exp %get3A_1180 : vector<16xf32>
      %get3A_1182 = arith.constant 13 : i32
      %get3A_1183 = arith.index_cast %get3A_1182 : i32 to index
      %get3A_1184 = arith.index_cast %mul3A_1114 : i32 to index
      %get3A_1185 = tpu.vector_load %arg5[%get3A_1183, %get3A_1184] {strides = array<i32>} : memref<19x2048xf32, #tpu.memory_space<vmem>>, vector<16xf32>,
      %exp3A_1186 = math.exp %get3A_1185 : vector<16xf32>
      %get3A_1187 = arith.constant 14 : i32
      %get3A_1188 = arith.index_cast %get3A_1187 : i32 to index
      %get3A_1189 = arith.index_cast %mul3A_1114 : i32 to index
      %get3A_1190 = tpu.vector_load %arg5[%get3A_1188, %get3A_1189] {strides = array<i32>} : memref<19x2048xf32, #tpu.memory_space<vmem>>, vector<16xf32>,
      %exp3A_1191 = math.exp %get3A_1190 : vector<16xf32>
      %get3A_1192 = arith.constant 15 : i32
      %get3A_1193 = arith.index_cast %get3A_1192 : i32 to index
      %get3A_1194 = arith.index_cast %mul3A_1114 : i32 to index
      %get3A_1195 = tpu.vector_load %arg5[%get3A_1193, %get3A_1194] {strides = array<i32>} : memref<19x2048xf32, #tpu.memory_space<vmem>>, vector<16xf32>,
      %exp3A_1196 = math.exp %get3A_1195 : vector<16xf32>
      %get3A_1197 = arith.constant 16 : i32
      %get3A_1198 = arith.index_cast %get3A_1197 : i32 to index
      %get3A_1199 = arith.index_cast %mul3A_1114 : i32 to index
      %get3A_1200 = tpu.vector_load %arg5[%get3A_1198, %get3A_1199] {strides = array<i32>} : memref<19x2048xf32, #tpu.memory_space<vmem>>, vector<16xf32>,
      %exp3A_1201 = math.exp %get3A_1200 : vector<16xf32>
      %get3A_1202 = arith.constant 17 : i32
      %get3A_1203 = arith.index_cast %get3A_1202 : i32 to index
      %get3A_1204 = arith.index_cast %mul3A_1114 : i32 to index
      %get3A_1205 = tpu.vector_load %arg5[%get3A_1203, %get3A_1204] {strides = array<i32>} : memref<19x2048xf32, #tpu.memory_space<vmem>>, vector<16xf32>,
      %exp3A_1206 = math.exp %get3A_1205 : vector<16xf32>
      %get3A_1207 = arith.constant 18 : i32
      %get3A_1208 = arith.index_cast %get3A_1207 : i32 to index
      %get3A_1209 = arith.index_cast %mul3A_1114 : i32 to index
      %get3A_1210 = tpu.vector_load %arg5[%get3A_1208, %get3A_1209] {strides = array<i32>} : memref<19x2048xf32, #tpu.memory_space<vmem>>, vector<16xf32>,
      %exp3A_1211 = math.exp %get3A_1210 : vector<16xf32>
      %get3A_1212 = arith.constant 0 : i32
      %get3A_1213 = arith.index_cast %get3A_1212 : i32 to index
      %get3A_1214 = arith.index_cast %add3A_1118 : i32 to index
      %get3A_1215 = tpu.vector_load %arg5[%get3A_1213, %get3A_1214] {strides = array<i32>} : memref<19x2048xf32, #tpu.memory_space<vmem>>, vector<16xf32>,
      %exp3A_1216 = math.exp %get3A_1215 : vector<16xf32>
      %get3A_1217 = arith.constant 1 : i32
      %get3A_1218 = arith.index_cast %get3A_1217 : i32 to index
      %get3A_1219 = arith.index_cast %add3A_1118 : i32 to index
      %get3A_1220 = tpu.vector_load %arg5[%get3A_1218, %get3A_1219] {strides = array<i32>} : memref<19x2048xf32, #tpu.memory_space<vmem>>, vector<16xf32>,
      %exp3A_1221 = math.exp %get3A_1220 : vector<16xf32>
      %get3A_1222 = arith.constant 2 : i32
      %get3A_1223 = arith.index_cast %get3A_1222 : i32 to index
      %get3A_1224 = arith.index_cast %add3A_1118 : i32 to index
      %get3A_1225 = tpu.vector_load %arg5[%get3A_1223, %get3A_1224] {strides = array<i32>} : memref<19x2048xf32, #tpu.memory_space<vmem>>, vector<16xf32>,
      %exp3A_1226 = math.exp %get3A_1225 : vector<16xf32>
      %get3A_1227 = arith.constant 3 : i32
      %get3A_1228 = arith.index_cast %get3A_1227 : i32 to index
      %get3A_1229 = arith.index_cast %add3A_1118 : i32 to index
      %get3A_1230 = tpu.vector_load %arg5[%get3A_1228, %get3A_1229] {strides = array<i32>} : memref<19x2048xf32, #tpu.memory_space<vmem>>, vector<16xf32>,
      %exp3A_1231 = math.exp %get3A_1230 : vector<16xf32>
      %get3A_1232 = arith.constant 4 : i32
      %get3A_1233 = arith.index_cast %get3A_1232 : i32 to index
      %get3A_1234 = arith.index_cast %add3A_1118 : i32 to index
      %get3A_1235 = tpu.vector_load %arg5[%get3A_1233, %get3A_1234] {strides = array<i32>} : memref<19x2048xf32, #tpu.memory_space<vmem>>, vector<16xf32>,
      %exp3A_1236 = math.exp %get3A_1235 : vector<16xf32>
      %get3A_1237 = arith.constant 5 : i32
      %get3A_1238 = arith.index_cast %get3A_1237 : i32 to index
      %get3A_1239 = arith.index_cast %add3A_1118 : i32 to index
      %get3A_1240 = tpu.vector_load %arg5[%get3A_1238, %get3A_1239] {strides = array<i32>} : memref<19x2048xf32, #tpu.memory_space<vmem>>, vector<16xf32>,
      %exp3A_1241 = math.exp %get3A_1240 : vector<16xf32>
      %get3A_1242 = arith.constant 6 : i32
      %get3A_1243 = arith.index_cast %get3A_1242 : i32 to index
      %get3A_1244 = arith.index_cast %add3A_1118 : i32 to index
      %get3A_1245 = tpu.vector_load %arg5[%get3A_1243, %get3A_1244] {strides = array<i32>} : memref<19x2048xf32, #tpu.memory_space<vmem>>, vector<16xf32>,
      %exp3A_1246 = math.exp %get3A_1245 : vector<16xf32>
      %get3A_1247 = arith.constant 7 : i32
      %get3A_1248 = arith.index_cast %get3A_1247 : i32 to index
      %get3A_1249 = arith.index_cast %add3A_1118 : i32 to index
      %get3A_1250 = tpu.vector_load %arg5[%get3A_1248, %get3A_1249] {strides = array<i32>} : memref<19x2048xf32, #tpu.memory_space<vmem>>, vector<16xf32>,
      %exp3A_1251 = math.exp %get3A_1250 : vector<16xf32>
      %get3A_1252 = arith.constant 8 : i32
      %get3A_1253 = arith.index_cast %get3A_1252 : i32 to index
      %get3A_1254 = arith.index_cast %add3A_1118 : i32 to index
      %get3A_1255 = tpu.vector_load %arg5[%get3A_1253, %get3A_1254] {strides = array<i32>} : memref<19x2048xf32, #tpu.memory_space<vmem>>, vector<16xf32>,
      %exp3A_1256 = math.exp %get3A_1255 : vector<16xf32>
      %get3A_1257 = arith.constant 9 : i32
      %get3A_1258 = arith.index_cast %get3A_1257 : i32 to index
      %get3A_1259 = arith.index_cast %add3A_1118 : i32 to index
      %get3A_1260 = tpu.vector_load %arg5[%get3A_1258, %get3A_1259] {strides = array<i32>} : memref<19x2048xf32, #tpu.memory_space<vmem>>, vector<16xf32>,
      %exp3A_1261 = math.exp %get3A_1260 : vector<16xf32>
      %get3A_1262 = arith.constant 10 : i32
      %get3A_1263 = arith.index_cast %get3A_1262 : i32 to index
      %get3A_1264 = arith.index_cast %add3A_1118 : i32 to index
      %get3A_1265 = tpu.vector_load %arg5[%get3A_1263, %get3A_1264] {strides = array<i32>} : memref<19x2048xf32, #tpu.memory_space<vmem>>, vector<16xf32>,
      %exp3A_1266 = math.exp %get3A_1265 : vector<16xf32>
      %get3A_1267 = arith.constant 11 : i32
      %get3A_1268 = arith.index_cast %get3A_1267 : i32 to index
      %get3A_1269 = arith.index_cast %add3A_1118 : i32 to index
      %get3A_1270 = tpu.vector_load %arg5[%get3A_1268, %get3A_1269] {strides = array<i32>} : memref<19x2048xf32, #tpu.memory_space<vmem>>, vector<16xf32>,
      %exp3A_1271 = math.exp %get3A_1270 : vector<16xf32>
      %get3A_1272 = arith.constant 12 : i32
      %get3A_1273 = arith.index_cast %get3A_1272 : i32 to index
      %get3A_1274 = arith.index_cast %add3A_1118 : i32 to index
      %get3A_1275 = tpu.vector_load %arg5[%get3A_1273, %get3A_1274] {strides = array<i32>} : memref<19x2048xf32, #tpu.memory_space<vmem>>, vector<16xf32>,
      %exp3A_1276 = math.exp %get3A_1275 : vector<16xf32>
      %get3A_1277 = arith.constant 13 : i32
      %get3A_1278 = arith.index_cast %get3A_1277 : i32 to index
      %get3A_1279 = arith.index_cast %add3A_1118 : i32 to index
      %get3A_1280 = tpu.vector_load %arg5[%get3A_1278, %get3A_1279] {strides = array<i32>} : memref<19x2048xf32, #tpu.memory_space<vmem>>, vector<16xf32>,
      %exp3A_1281 = math.exp %get3A_1280 : vector<16xf32>
      %get3A_1282 = arith.constant 14 : i32
      %get3A_1283 = arith.index_cast %get3A_1282 : i32 to index
      %get3A_1284 = arith.index_cast %add3A_1118 : i32 to index
      %get3A_1285 = tpu.vector_load %arg5[%get3A_1283, %get3A_1284] {strides = array<i32>} : memref<19x2048xf32, #tpu.memory_space<vmem>>, vector<16xf32>,
      %exp3A_1286 = math.exp %get3A_1285 : vector<16xf32>
      %get3A_1287 = arith.constant 15 : i32
      %get3A_1288 = arith.index_cast %get3A_1287 : i32 to index
      %get3A_1289 = arith.index_cast %add3A_1118 : i32 to index
      %get3A_1290 = tpu.vector_load %arg5[%get3A_1288, %get3A_1289] {strides = array<i32>} : memref<19x2048xf32, #tpu.memory_space<vmem>>, vector<16xf32>,
      %exp3A_1291 = math.exp %get3A_1290 : vector<16xf32>
      %get3A_1292 = arith.constant 16 : i32
      %get3A_1293 = arith.index_cast %get3A_1292 : i32 to index
      %get3A_1294 = arith.index_cast %add3A_1118 : i32 to index
      %get3A_1295 = tpu.vector_load %arg5[%get3A_1293, %get3A_1294] {strides = array<i32>} : memref<19x2048xf32, #tpu.memory_space<vmem>>, vector<16xf32>,
      %exp3A_1296 = math.exp %get3A_1295 : vector<16xf32>
      %get3A_1297 = arith.constant 17 : i32
      %get3A_1298 = arith.index_cast %get3A_1297 : i32 to index
      %get3A_1299 = arith.index_cast %add3A_1118 : i32 to index
      %get3A_1300 = tpu.vector_load %arg5[%get3A_1298, %get3A_1299] {strides = array<i32>} : memref<19x2048xf32, #tpu.memory_space<vmem>>, vector<16xf32>,
      %exp3A_1301 = math.exp %get3A_1300 : vector<16xf32>
      %get3A_1302 = arith.constant 18 : i32
      %get3A_1303 = arith.index_cast %get3A_1302 : i32 to index
      %get3A_1304 = arith.index_cast %add3A_1118 : i32 to index
      %get3A_1305 = tpu.vector_load %arg5[%get3A_1303, %get3A_1304] {strides = array<i32>} : memref<19x2048xf32, #tpu.memory_space<vmem>>, vector<16xf32>,
      %exp3A_1306 = math.exp %get3A_1305 : vector<16xf32>
      %get3A_1307 = arith.index_cast %mul3A_1114 : i32 to index
      %get3A_1308 = tpu.vector_load %arg7[%get3A_1307] {strides = array<i32>} : memref<2048xi32, #tpu.memory_space<vmem>>, vector<16xi32>,
      %get3A_1309 = arith.index_cast %add3A_1118 : i32 to index
      %get3A_1310 = tpu.vector_load %arg7[%get3A_1309] {strides = array<i32>} : memref<2048xi32, #tpu.memory_space<vmem>>, vector<16xi32>,
      %add3A_1311 = vector.broadcast %mul3A_1114 : i32 to vector<16xi32>
      %add3A_1312 = arith.addi %add3A_1311, %iota3A : vector<16xi32>
      %gather3A = tpu.vector_load_idx %arg5[%get3A_1308, %add3A_1312] : memref<19x2048xf32, #tpu.memory_space<vmem>>[vector<16xi32>, vector<16xi32>], vector<16xf32>,
      %add3A_1313 = vector.broadcast %add3A_1118 : i32 to vector<16xi32>
      %add3A_1314 = arith.addi %add3A_1313, %iota3A : vector<16xi32>
      %gather3A_1315 = tpu.vector_load_idx %arg5[%get3A_1310, %add3A_1314] : memref<19x2048xf32, #tpu.memory_space<vmem>>[vector<16xi32>, vector<16xi32>], vector<16xf32>,
      %add3A_1316 = arith.addf %exp3A, %exp3A_1126 : vector<16xf32>
      %add3A_1317 = arith.addf %exp3A_1131, %exp3A_1136 : vector<16xf32>
      %add3A_1318 = arith.addf %exp3A_1141, %exp3A_1146 : vector<16xf32>
      %add3A_1319 = arith.addf %exp3A_1151, %exp3A_1156 : vector<16xf32>
      %add3A_1320 = arith.addf %exp3A_1161, %exp3A_1166 : vector<16xf32>
      %add3A_1321 = arith.addf %exp3A_1171, %exp3A_1176 : vector<16xf32>
      %add3A_1322 = arith.addf %exp3A_1181, %exp3A_1186 : vector<16xf32>
      %add3A_1323 = arith.addf %exp3A_1191, %exp3A_1196 : vector<16xf32>
      %add3A_1324 = arith.addf %exp3A_1201, %exp3A_1206 : vector<16xf32>
      %add3A_1325 = arith.addf %add3A_1316, %add3A_1317 : vector<16xf32>
      %add3A_1326 = arith.addf %add3A_1318, %add3A_1319 : vector<16xf32>
      %add3A_1327 = arith.addf %add3A_1320, %add3A_1321 : vector<16xf32>
      %add3A_1328 = arith.addf %add3A_1322, %add3A_1323 : vector<16xf32>
      %add3A_1329 = arith.addf %add3A_1324, %exp3A_1211 : vector<16xf32>
      %add3A_1330 = arith.addf %add3A_1325, %add3A_1326 : vector<16xf32>
      %add3A_1331 = arith.addf %add3A_1327, %add3A_1328 : vector<16xf32>
      %add3A_1332 = arith.addf %add3A_1330, %add3A_1331 : vector<16xf32>
      %add3A_1333 = arith.addf %add3A_1332, %add3A_1329 : vector<16xf32>
      %div3A = arith.constant 1.000000e+00 : f32
      %div3A_1334 = vector.broadcast %div3A : f32 to vector<16xf32>
      %div3A_1335 = arith.divf %div3A_1334, %add3A_1333 : vector<16xf32>
      %get3A_1336 = arith.constant 0 : index
      %get3A_1337 = tpu.vector_load %arg9[%get3A_1336] {strides = array<i32>} : memref<304xf32, #tpu.memory_space<vmem>>, vector<16xf32>,
      %mul3A_1338 = arith.mulf %exp3A, %div3A_1335 : vector<16xf32>
      %add3A_1339 = arith.addf %get3A_1337, %mul3A_1338 : vector<16xf32>
      %swap3A_1340 = arith.constant 0 : index
      %swap3A_1341 = tpu.vector_load %arg9[%swap3A_1340] {strides = array<i32>} : memref<304xf32, #tpu.memory_space<vmem>>, vector<16xf32>,
      tpu.vector_store %arg9[%swap3A_1340], %add3A_1339 {strides = array<i32>} : memref<304xf32, #tpu.memory_space<vmem>>, vector<16xf32>,
      %get3A_1342 = arith.constant 16 : index
      %get3A_1343 = tpu.vector_load %arg9[%get3A_1342] {strides = array<i32>} : memref<304xf32, #tpu.memory_space<vmem>>, vector<16xf32>,
      %mul3A_1344 = arith.mulf %exp3A_1126, %div3A_1335 : vector<16xf32>
      %add3A_1345 = arith.addf %get3A_1343, %mul3A_1344 : vector<16xf32>
      %swap3A_1346 = arith.constant 16 : index
      %swap3A_1347 = tpu.vector_load %arg9[%swap3A_1346] {strides = array<i32>} : memref<304xf32, #tpu.memory_space<vmem>>, vector<16xf32>,
      tpu.vector_store %arg9[%swap3A_1346], %add3A_1345 {strides = array<i32>} : memref<304xf32, #tpu.memory_space<vmem>>, vector<16xf32>,
      %get3A_1348 = arith.constant 32 : index
      %get3A_1349 = tpu.vector_load %arg9[%get3A_1348] {strides = array<i32>} : memref<304xf32, #tpu.memory_space<vmem>>, vector<16xf32>,
      %mul3A_1350 = arith.mulf %exp3A_1131, %div3A_1335 : vector<16xf32>
      %add3A_1351 = arith.addf %get3A_1349, %mul3A_1350 : vector<16xf32>
      %swap3A_1352 = arith.constant 32 : index
      %swap3A_1353 = tpu.vector_load %arg9[%swap3A_1352] {strides = array<i32>} : memref<304xf32, #tpu.memory_space<vmem>>, vector<16xf32>,
      tpu.vector_store %arg9[%swap3A_1352], %add3A_1351 {strides = array<i32>} : memref<304xf32, #tpu.memory_space<vmem>>, vector<16xf32>,
      %get3A_1354 = arith.constant 48 : index
      %get3A_1355 = tpu.vector_load %arg9[%get3A_1354] {strides = array<i32>} : memref<304xf32, #tpu.memory_space<vmem>>, vector<16xf32>,
      %mul3A_1356 = arith.mulf %exp3A_1136, %div3A_1335 : vector<16xf32>
      %add3A_1357 = arith.addf %get3A_1355, %mul3A_1356 : vector<16xf32>
      %swap3A_1358 = arith.constant 48 : index
      %swap3A_1359 = tpu.vector_load %arg9[%swap3A_1358] {strides = array<i32>} : memref<304xf32, #tpu.memory_space<vmem>>, vector<16xf32>,
      tpu.vector_store %arg9[%swap3A_1358], %add3A_1357 {strides = array<i32>} : memref<304xf32, #tpu.memory_space<vmem>>, vector<16xf32>,
      %get3A_1360 = arith.constant 64 : index
      %get3A_1361 = tpu.vector_load %arg9[%get3A_1360] {strides = array<i32>} : memref<304xf32, #tpu.memory_space<vmem>>, vector<16xf32>,
      %mul3A_1362 = arith.mulf %exp3A_1141, %div3A_1335 : vector<16xf32>
      %add3A_1363 = arith.addf %get3A_1361, %mul3A_1362 : vector<16xf32>
      %swap3A_1364 = arith.constant 64 : index
      %swap3A_1365 = tpu.vector_load %arg9[%swap3A_1364] {strides = array<i32>} : memref<304xf32, #tpu.memory_space<vmem>>, vector<16xf32>,
      tpu.vector_store %arg9[%swap3A_1364], %add3A_1363 {strides = array<i32>} : memref<304xf32, #tpu.memory_space<vmem>>, vector<16xf32>,
      %get3A_1366 = arith.constant 80 : index
      %get3A_1367 = tpu.vector_load %arg9[%get3A_1366] {strides = array<i32>} : memref<304xf32, #tpu.memory_space<vmem>>, vector<16xf32>,
      %mul3A_1368 = arith.mulf %exp3A_1146, %div3A_1335 : vector<16xf32>
      %add3A_1369 = arith.addf %get3A_1367, %mul3A_1368 : vector<16xf32>
      %swap3A_1370 = arith.constant 80 : index
      %swap3A_1371 = tpu.vector_load %arg9[%swap3A_1370] {strides = array<i32>} : memref<304xf32, #tpu.memory_space<vmem>>, vector<16xf32>,
      tpu.vector_store %arg9[%swap3A_1370], %add3A_1369 {strides = array<i32>} : memref<304xf32, #tpu.memory_space<vmem>>, vector<16xf32>,
      %get3A_1372 = arith.constant 96 : index
      %get3A_1373 = tpu.vector_load %arg9[%get3A_1372] {strides = array<i32>} : memref<304xf32, #tpu.memory_space<vmem>>, vector<16xf32>,
      %mul3A_1374 = arith.mulf %exp3A_1151, %div3A_1335 : vector<16xf32>
      %add3A_1375 = arith.addf %get3A_1373, %mul3A_1374 : vector<16xf32>
      %swap3A_1376 = arith.constant 96 : index
      %swap3A_1377 = tpu.vector_load %arg9[%swap3A_1376] {strides = array<i32>} : memref<304xf32, #tpu.memory_space<vmem>>, vector<16xf32>,
      tpu.vector_store %arg9[%swap3A_1376], %add3A_1375 {strides = array<i32>} : memref<304xf32, #tpu.memory_space<vmem>>, vector<16xf32>,
      %get3A_1378 = arith.constant 112 : index
      %get3A_1379 = tpu.vector_load %arg9[%get3A_1378] {strides = array<i32>} : memref<304xf32, #tpu.memory_space<vmem>>, vector<16xf32>,
      %mul3A_1380 = arith.mulf %exp3A_1156, %div3A_1335 : vector<16xf32>
      %add3A_1381 = arith.addf %get3A_1379, %mul3A_1380 : vector<16xf32>
      %swap3A_1382 = arith.constant 112 : index
      %swap3A_1383 = tpu.vector_load %arg9[%swap3A_1382] {strides = array<i32>} : memref<304xf32, #tpu.memory_space<vmem>>, vector<16xf32>,
      tpu.vector_store %arg9[%swap3A_1382], %add3A_1381 {strides = array<i32>} : memref<304xf32, #tpu.memory_space<vmem>>, vector<16xf32>,
      %get3A_1384 = arith.constant 128 : index
      %get3A_1385 = tpu.vector_load %arg9[%get3A_1384] {strides = array<i32>} : memref<304xf32, #tpu.memory_space<vmem>>, vector<16xf32>,
      %mul3A_1386 = arith.mulf %exp3A_1161, %div3A_1335 : vector<16xf32>
      %add3A_1387 = arith.addf %get3A_1385, %mul3A_1386 : vector<16xf32>
      %swap3A_1388 = arith.constant 128 : index
      %swap3A_1389 = tpu.vector_load %arg9[%swap3A_1388] {strides = array<i32>} : memref<304xf32, #tpu.memory_space<vmem>>, vector<16xf32>,
      tpu.vector_store %arg9[%swap3A_1388], %add3A_1387 {strides = array<i32>} : memref<304xf32, #tpu.memory_space<vmem>>, vector<16xf32>,
      %get3A_1390 = arith.constant 144 : index
      %get3A_1391 = tpu.vector_load %arg9[%get3A_1390] {strides = array<i32>} : memref<304xf32, #tpu.memory_space<vmem>>, vector<16xf32>,
      %mul3A_1392 = arith.mulf %exp3A_1166, %div3A_1335 : vector<16xf32>
      %add3A_1393 = arith.addf %get3A_1391, %mul3A_1392 : vector<16xf32>
      %swap3A_1394 = arith.constant 144 : index
      %swap3A_1395 = tpu.vector_load %arg9[%swap3A_1394] {strides = array<i32>} : memref<304xf32, #tpu.memory_space<vmem>>, vector<16xf32>,
      tpu.vector_store %arg9[%swap3A_1394], %add3A_1393 {strides = array<i32>} : memref<304xf32, #tpu.memory_space<vmem>>, vector<16xf32>,
      %get3A_1396 = arith.constant 160 : index
      %get3A_1397 = tpu.vector_load %arg9[%get3A_1396] {strides = array<i32>} : memref<304xf32, #tpu.memory_space<vmem>>, vector<16xf32>,
      %mul3A_1398 = arith.mulf %exp3A_1171, %div3A_1335 : vector<16xf32>
      %add3A_1399 = arith.addf %get3A_1397, %mul3A_1398 : vector<16xf32>
      %swap3A_1400 = arith.constant 160 : index
      %swap3A_1401 = tpu.vector_load %arg9[%swap3A_1400] {strides = array<i32>} : memref<304xf32, #tpu.memory_space<vmem>>, vector<16xf32>,
      tpu.vector_store %arg9[%swap3A_1400], %add3A_1399 {strides = array<i32>} : memref<304xf32, #tpu.memory_space<vmem>>, vector<16xf32>,
      %get3A_1402 = arith.constant 176 : index
      %get3A_1403 = tpu.vector_load %arg9[%get3A_1402] {strides = array<i32>} : memref<304xf32, #tpu.memory_space<vmem>>, vector<16xf32>,
      %mul3A_1404 = arith.mulf %exp3A_1176, %div3A_1335 : vector<16xf32>
      %add3A_1405 = arith.addf %get3A_1403, %mul3A_1404 : vector<16xf32>
      %swap3A_1406 = arith.constant 176 : index
      %swap3A_1407 = tpu.vector_load %arg9[%swap3A_1406] {strides = array<i32>} : memref<304xf32, #tpu.memory_space<vmem>>, vector<16xf32>,
      tpu.vector_store %arg9[%swap3A_1406], %add3A_1405 {strides = array<i32>} : memref<304xf32, #tpu.memory_space<vmem>>, vector<16xf32>,
      %get3A_1408 = arith.constant 192 : index
      %get3A_1409 = tpu.vector_load %arg9[%get3A_1408] {strides = array<i32>} : memref<304xf32, #tpu.memory_space<vmem>>, vector<16xf32>,
      %mul3A_1410 = arith.mulf %exp3A_1181, %div3A_1335 : vector<16xf32>
      %add3A_1411 = arith.addf %get3A_1409, %mul3A_1410 : vector<16xf32>
      %swap3A_1412 = arith.constant 192 : index
      %swap3A_1413 = tpu.vector_load %arg9[%swap3A_1412] {strides = array<i32>} : memref<304xf32, #tpu.memory_space<vmem>>, vector<16xf32>,
      tpu.vector_store %arg9[%swap3A_1412], %add3A_1411 {strides = array<i32>} : memref<304xf32, #tpu.memory_space<vmem>>, vector<16xf32>,
      %get3A_1414 = arith.constant 208 : index
      %get3A_1415 = tpu.vector_load %arg9[%get3A_1414] {strides = array<i32>} : memref<304xf32, #tpu.memory_space<vmem>>, vector<16xf32>,
      %mul3A_1416 = arith.mulf %exp3A_1186, %div3A_1335 : vector<16xf32>
      %add3A_1417 = arith.addf %get3A_1415, %mul3A_1416 : vector<16xf32>
      %swap3A_1418 = arith.constant 208 : index
      %swap3A_1419 = tpu.vector_load %arg9[%swap3A_1418] {strides = array<i32>} : memref<304xf32, #tpu.memory_space<vmem>>, vector<16xf32>,
      tpu.vector_store %arg9[%swap3A_1418], %add3A_1417 {strides = array<i32>} : memref<304xf32, #tpu.memory_space<vmem>>, vector<16xf32>,
      %get3A_1420 = arith.constant 224 : index
      %get3A_1421 = tpu.vector_load %arg9[%get3A_1420] {strides = array<i32>} : memref<304xf32, #tpu.memory_space<vmem>>, vector<16xf32>,
      %mul3A_1422 = arith.mulf %exp3A_1191, %div3A_1335 : vector<16xf32>
      %add3A_1423 = arith.addf %get3A_1421, %mul3A_1422 : vector<16xf32>
      %swap3A_1424 = arith.constant 224 : index
      %swap3A_1425 = tpu.vector_load %arg9[%swap3A_1424] {strides = array<i32>} : memref<304xf32, #tpu.memory_space<vmem>>, vector<16xf32>,
      tpu.vector_store %arg9[%swap3A_1424], %add3A_1423 {strides = array<i32>} : memref<304xf32, #tpu.memory_space<vmem>>, vector<16xf32>,
      %get3A_1426 = arith.constant 240 : index
      %get3A_1427 = tpu.vector_load %arg9[%get3A_1426] {strides = array<i32>} : memref<304xf32, #tpu.memory_space<vmem>>, vector<16xf32>,
      %mul3A_1428 = arith.mulf %exp3A_1196, %div3A_1335 : vector<16xf32>
      %add3A_1429 = arith.addf %get3A_1427, %mul3A_1428 : vector<16xf32>
      %swap3A_1430 = arith.constant 240 : index
      %swap3A_1431 = tpu.vector_load %arg9[%swap3A_1430] {strides = array<i32>} : memref<304xf32, #tpu.memory_space<vmem>>, vector<16xf32>,
      tpu.vector_store %arg9[%swap3A_1430], %add3A_1429 {strides = array<i32>} : memref<304xf32, #tpu.memory_space<vmem>>, vector<16xf32>,
      %get3A_1432 = arith.constant 256 : index
      %get3A_1433 = tpu.vector_load %arg9[%get3A_1432] {strides = array<i32>} : memref<304xf32, #tpu.memory_space<vmem>>, vector<16xf32>,
      %mul3A_1434 = arith.mulf %exp3A_1201, %div3A_1335 : vector<16xf32>
      %add3A_1435 = arith.addf %get3A_1433, %mul3A_1434 : vector<16xf32>
      %swap3A_1436 = arith.constant 256 : index
      %swap3A_1437 = tpu.vector_load %arg9[%swap3A_1436] {strides = array<i32>} : memref<304xf32, #tpu.memory_space<vmem>>, vector<16xf32>,
      tpu.vector_store %arg9[%swap3A_1436], %add3A_1435 {strides = array<i32>} : memref<304xf32, #tpu.memory_space<vmem>>, vector<16xf32>,
      %get3A_1438 = arith.constant 272 : index
      %get3A_1439 = tpu.vector_load %arg9[%get3A_1438] {strides = array<i32>} : memref<304xf32, #tpu.memory_space<vmem>>, vector<16xf32>,
      %mul3A_1440 = arith.mulf %exp3A_1206, %div3A_1335 : vector<16xf32>
      %add3A_1441 = arith.addf %get3A_1439, %mul3A_1440 : vector<16xf32>
      %swap3A_1442 = arith.constant 272 : index
      %swap3A_1443 = tpu.vector_load %arg9[%swap3A_1442] {strides = array<i32>} : memref<304xf32, #tpu.memory_space<vmem>>, vector<16xf32>,
      tpu.vector_store %arg9[%swap3A_1442], %add3A_1441 {strides = array<i32>} : memref<304xf32, #tpu.memory_space<vmem>>, vector<16xf32>,
      %get3A_1444 = arith.constant 288 : index
      %get3A_1445 = tpu.vector_load %arg9[%get3A_1444] {strides = array<i32>} : memref<304xf32, #tpu.memory_space<vmem>>, vector<16xf32>,
      %mul3A_1446 = arith.mulf %exp3A_1211, %div3A_1335 : vector<16xf32>
      %add3A_1447 = arith.addf %get3A_1445, %mul3A_1446 : vector<16xf32>
      %swap3A_1448 = arith.constant 288 : index
      %swap3A_1449 = tpu.vector_load %arg9[%swap3A_1448] {strides = array<i32>} : memref<304xf32, #tpu.memory_space<vmem>>, vector<16xf32>,
      tpu.vector_store %arg9[%swap3A_1448], %add3A_1447 {strides = array<i32>} : memref<304xf32, #tpu.memory_space<vmem>>, vector<16xf32>,
      %exp3A_1450 = math.exp %gather3A : vector<16xf32>
      %mul3A_1451 = arith.mulf %exp3A_1450, %div3A_1335 : vector<16xf32>
      %mul3A_1452 = arith.constant 16 : i32
      %mul3A_1453 = vector.broadcast %mul3A_1452 : i32 to vector<16xi32>
      %mul3A_1454 = arith.muli %get3A_1308, %mul3A_1453 : vector<16xi32>
      %add3A_1455 = arith.addi %mul3A_1454, %iota3A : vector<16xi32>
      tpu.vector_store_idx %arg10[%add3A_1455], %broadcast_in_dim3A_127 {add = true} : memref<304xf32, #tpu.memory_space<vmem>>[vector<16xi32>], vector<16xf32>,
      %mul3A_1456 = arith.constant 2.000000e+00 : f32
      %mul3A_1457 = vector.broadcast %mul3A_1456 : f32 to vector<16xf32>
      %mul3A_1458 = arith.mulf %mul3A_1457, %mul3A_1451 : vector<16xf32>
      %sub3A = arith.constant 1.000000e+00 : f32
      %sub3A_1459 = vector.broadcast %sub3A : f32 to vector<16xf32>
      %sub3A_1460 = arith.subf %sub3A_1459, %mul3A_1458 : vector<16xf32>
      tpu.vector_store_idx %arg11[%add3A_1455], %sub3A_1460 {add = true} : memref<304xf32, #tpu.memory_space<vmem>>[vector<16xi32>], vector<16xf32>,
      %add3A_1461 = arith.addf %exp3A_1216, %exp3A_1221 : vector<16xf32>
      %add3A_1462 = arith.addf %exp3A_1226, %exp3A_1231 : vector<16xf32>
      %add3A_1463 = arith.addf %exp3A_1236, %exp3A_1241 : vector<16xf32>
      %add3A_1464 = arith.addf %exp3A_1246, %exp3A_1251 : vector<16xf32>
      %add3A_1465 = arith.addf %exp3A_1256, %exp3A_1261 : vector<16xf32>
      %add3A_1466 = arith.addf %exp3A_1266, %exp3A_1271 : vector<16xf32>
      %add3A_1467 = arith.addf %exp3A_1276, %exp3A_1281 : vector<16xf32>
      %add3A_1468 = arith.addf %exp3A_1286, %exp3A_1291 : vector<16xf32>
      %add3A_1469 = arith.addf %exp3A_1296, %exp3A_1301 : vector<16xf32>
      %add3A_1470 = arith.addf %add3A_1461, %add3A_1462 : vector<16xf32>
      %add3A_1471 = arith.addf %add3A_1463, %add3A_1464 : vector<16xf32>
      %add3A_1472 = arith.addf %add3A_1465, %add3A_1466 : vector<16xf32>
      %add3A_1473 = arith.addf %add3A_1467, %add3A_1468 : vector<16xf32>
      %add3A_1474 = arith.addf %add3A_1469, %exp3A_1306 : vector<16xf32>
      %add3A_1475 = arith.addf %add3A_1470, %add3A_1471 : vector<16xf32>
      %add3A_1476 = arith.addf %add3A_1472, %add3A_1473 : vector<16xf32>
      %add3A_1477 = arith.addf %add3A_1475, %add3A_1476 : vector<16xf32>
      %add3A_1478 = arith.addf %add3A_1477, %add3A_1474 : vector<16xf32>
      %div3A_1479 = arith.constant 1.000000e+00 : f32
      %div3A_1480 = vector.broadcast %div3A_1479 : f32 to vector<16xf32>
      %div3A_1481 = arith.divf %div3A_1480, %add3A_1478 : vector<16xf32>
      %get3A_1482 = arith.constant 0 : index
      %get3A_1483 = tpu.vector_load %arg9[%get3A_1482] {strides = array<i32>} : memref<304xf32, #tpu.memory_space<vmem>>, vector<16xf32>,
      %mul3A_1484 = arith.mulf %exp3A_1216, %div3A_1481 : vector<16xf32>
      %add3A_1485 = arith.addf %get3A_1483, %mul3A_1484 : vector<16xf32>
      %swap3A_1486 = arith.constant 0 : index
      %swap3A_1487 = tpu.vector_load %arg9[%swap3A_1486] {strides = array<i32>} : memref<304xf32, #tpu.memory_space<vmem>>, vector<16xf32>,
      tpu.vector_store %arg9[%swap3A_1486], %add3A_1485 {strides = array<i32>} : memref<304xf32, #tpu.memory_space<vmem>>, vector<16xf32>,
      %get3A_1488 = arith.constant 16 : index
      %get3A_1489 = tpu.vector_load %arg9[%get3A_1488] {strides = array<i32>} : memref<304xf32, #tpu.memory_space<vmem>>, vector<16xf32>,
      %mul3A_1490 = arith.mulf %exp3A_1221, %div3A_1481 : vector<16xf32>
      %add3A_1491 = arith.addf %get3A_1489, %mul3A_1490 : vector<16xf32>
      %swap3A_1492 = arith.constant 16 : index
      %swap3A_1493 = tpu.vector_load %arg9[%swap3A_1492] {strides = array<i32>} : memref<304xf32, #tpu.memory_space<vmem>>, vector<16xf32>,
      tpu.vector_store %arg9[%swap3A_1492], %add3A_1491 {strides = array<i32>} : memref<304xf32, #tpu.memory_space<vmem>>, vector<16xf32>,
      %get3A_1494 = arith.constant 32 : index
      %get3A_1495 = tpu.vector_load %arg9[%get3A_1494] {strides = array<i32>} : memref<304xf32, #tpu.memory_space<vmem>>, vector<16xf32>,
      %mul3A_1496 = arith.mulf %exp3A_1226, %div3A_1481 : vector<16xf32>
      %add3A_1497 = arith.addf %get3A_1495, %mul3A_1496 : vector<16xf32>
      %swap3A_1498 = arith.constant 32 : index
      %swap3A_1499 = tpu.vector_load %arg9[%swap3A_1498] {strides = array<i32>} : memref<304xf32, #tpu.memory_space<vmem>>, vector<16xf32>,
      tpu.vector_store %arg9[%swap3A_1498], %add3A_1497 {strides = array<i32>} : memref<304xf32, #tpu.memory_space<vmem>>, vector<16xf32>,
      %get3A_1500 = arith.constant 48 : index
      %get3A_1501 = tpu.vector_load %arg9[%get3A_1500] {strides = array<i32>} : memref<304xf32, #tpu.memory_space<vmem>>, vector<16xf32>,
      %mul3A_1502 = arith.mulf %exp3A_1231, %div3A_1481 : vector<16xf32>
      %add3A_1503 = arith.addf %get3A_1501, %mul3A_1502 : vector<16xf32>
      %swap3A_1504 = arith.constant 48 : index
      %swap3A_1505 = tpu.vector_load %arg9[%swap3A_1504] {strides = array<i32>} : memref<304xf32, #tpu.memory_space<vmem>>, vector<16xf32>,
      tpu.vector_store %arg9[%swap3A_1504], %add3A_1503 {strides = array<i32>} : memref<304xf32, #tpu.memory_space<vmem>>, vector<16xf32>,
      %get3A_1506 = arith.constant 64 : index
      %get3A_1507 = tpu.vector_load %arg9[%get3A_1506] {strides = array<i32>} : memref<304xf32, #tpu.memory_space<vmem>>, vector<16xf32>,
      %mul3A_1508 = arith.mulf %exp3A_1236, %div3A_1481 : vector<16xf32>
      %add3A_1509 = arith.addf %get3A_1507, %mul3A_1508 : vector<16xf32>
      %swap3A_1510 = arith.constant 64 : index
      %swap3A_1511 = tpu.vector_load %arg9[%swap3A_1510] {strides = array<i32>} : memref<304xf32, #tpu.memory_space<vmem>>, vector<16xf32>,
      tpu.vector_store %arg9[%swap3A_1510], %add3A_1509 {strides = array<i32>} : memref<304xf32, #tpu.memory_space<vmem>>, vector<16xf32>,
      %get3A_1512 = arith.constant 80 : index
      %get3A_1513 = tpu.vector_load %arg9[%get3A_1512] {strides = array<i32>} : memref<304xf32, #tpu.memory_space<vmem>>, vector<16xf32>,
      %mul3A_1514 = arith.mulf %exp3A_1241, %div3A_1481 : vector<16xf32>
      %add3A_1515 = arith.addf %get3A_1513, %mul3A_1514 : vector<16xf32>
      %swap3A_1516 = arith.constant 80 : index
      %swap3A_1517 = tpu.vector_load %arg9[%swap3A_1516] {strides = array<i32>} : memref<304xf32, #tpu.memory_space<vmem>>, vector<16xf32>,
      tpu.vector_store %arg9[%swap3A_1516], %add3A_1515 {strides = array<i32>} : memref<304xf32, #tpu.memory_space<vmem>>, vector<16xf32>,
      %get3A_1518 = arith.constant 96 : index
      %get3A_1519 = tpu.vector_load %arg9[%get3A_1518] {strides = array<i32>} : memref<304xf32, #tpu.memory_space<vmem>>, vector<16xf32>,
      %mul3A_1520 = arith.mulf %exp3A_1246, %div3A_1481 : vector<16xf32>
      %add3A_1521 = arith.addf %get3A_1519, %mul3A_1520 : vector<16xf32>
      %swap3A_1522 = arith.constant 96 : index
      %swap3A_1523 = tpu.vector_load %arg9[%swap3A_1522] {strides = array<i32>} : memref<304xf32, #tpu.memory_space<vmem>>, vector<16xf32>,
      tpu.vector_store %arg9[%swap3A_1522], %add3A_1521 {strides = array<i32>} : memref<304xf32, #tpu.memory_space<vmem>>, vector<16xf32>,
      %get3A_1524 = arith.constant 112 : index
      %get3A_1525 = tpu.vector_load %arg9[%get3A_1524] {strides = array<i32>} : memref<304xf32, #tpu.memory_space<vmem>>, vector<16xf32>,
      %mul3A_1526 = arith.mulf %exp3A_1251, %div3A_1481 : vector<16xf32>
      %add3A_1527 = arith.addf %get3A_1525, %mul3A_1526 : vector<16xf32>
      %swap3A_1528 = arith.constant 112 : index
      %swap3A_1529 = tpu.vector_load %arg9[%swap3A_1528] {strides = array<i32>} : memref<304xf32, #tpu.memory_space<vmem>>, vector<16xf32>,
      tpu.vector_store %arg9[%swap3A_1528], %add3A_1527 {strides = array<i32>} : memref<304xf32, #tpu.memory_space<vmem>>, vector<16xf32>,
      %get3A_1530 = arith.constant 128 : index
      %get3A_1531 = tpu.vector_load %arg9[%get3A_1530] {strides = array<i32>} : memref<304xf32, #tpu.memory_space<vmem>>, vector<16xf32>,
      %mul3A_1532 = arith.mulf %exp3A_1256, %div3A_1481 : vector<16xf32>
      %add3A_1533 = arith.addf %get3A_1531, %mul3A_1532 : vector<16xf32>
      %swap3A_1534 = arith.constant 128 : index
      %swap3A_1535 = tpu.vector_load %arg9[%swap3A_1534] {strides = array<i32>} : memref<304xf32, #tpu.memory_space<vmem>>, vector<16xf32>,
      tpu.vector_store %arg9[%swap3A_1534], %add3A_1533 {strides = array<i32>} : memref<304xf32, #tpu.memory_space<vmem>>, vector<16xf32>,
      %get3A_1536 = arith.constant 144 : index
      %get3A_1537 = tpu.vector_load %arg9[%get3A_1536] {strides = array<i32>} : memref<304xf32, #tpu.memory_space<vmem>>, vector<16xf32>,
      %mul3A_1538 = arith.mulf %exp3A_1261, %div3A_1481 : vector<16xf32>
      %add3A_1539 = arith.addf %get3A_1537, %mul3A_1538 : vector<16xf32>
      %swap3A_1540 = arith.constant 144 : index
      %swap3A_1541 = tpu.vector_load %arg9[%swap3A_1540] {strides = array<i32>} : memref<304xf32, #tpu.memory_space<vmem>>, vector<16xf32>,
      tpu.vector_store %arg9[%swap3A_1540], %add3A_1539 {strides = array<i32>} : memref<304xf32, #tpu.memory_space<vmem>>, vector<16xf32>,
      %get3A_1542 = arith.constant 160 : index
      %get3A_1543 = tpu.vector_load %arg9[%get3A_1542] {strides = array<i32>} : memref<304xf32, #tpu.memory_space<vmem>>, vector<16xf32>,
      %mul3A_1544 = arith.mulf %exp3A_1266, %div3A_1481 : vector<16xf32>
      %add3A_1545 = arith.addf %get3A_1543, %mul3A_1544 : vector<16xf32>
      %swap3A_1546 = arith.constant 160 : index
      %swap3A_1547 = tpu.vector_load %arg9[%swap3A_1546] {strides = array<i32>} : memref<304xf32, #tpu.memory_space<vmem>>, vector<16xf32>,
      tpu.vector_store %arg9[%swap3A_1546], %add3A_1545 {strides = array<i32>} : memref<304xf32, #tpu.memory_space<vmem>>, vector<16xf32>,
      %get3A_1548 = arith.constant 176 : index
      %get3A_1549 = tpu.vector_load %arg9[%get3A_1548] {strides = array<i32>} : memref<304xf32, #tpu.memory_space<vmem>>, vector<16xf32>,
      %mul3A_1550 = arith.mulf %exp3A_1271, %div3A_1481 : vector<16xf32>
      %add3A_1551 = arith.addf %get3A_1549, %mul3A_1550 : vector<16xf32>
      %swap3A_1552 = arith.constant 176 : index
      %swap3A_1553 = tpu.vector_load %arg9[%swap3A_1552] {strides = array<i32>} : memref<304xf32, #tpu.memory_space<vmem>>, vector<16xf32>,
      tpu.vector_store %arg9[%swap3A_1552], %add3A_1551 {strides = array<i32>} : memref<304xf32, #tpu.memory_space<vmem>>, vector<16xf32>,
      %get3A_1554 = arith.constant 192 : index
      %get3A_1555 = tpu.vector_load %arg9[%get3A_1554] {strides = array<i32>} : memref<304xf32, #tpu.memory_space<vmem>>, vector<16xf32>,
      %mul3A_1556 = arith.mulf %exp3A_1276, %div3A_1481 : vector<16xf32>
      %add3A_1557 = arith.addf %get3A_1555, %mul3A_1556 : vector<16xf32>
      %swap3A_1558 = arith.constant 192 : index
      %swap3A_1559 = tpu.vector_load %arg9[%swap3A_1558] {strides = array<i32>} : memref<304xf32, #tpu.memory_space<vmem>>, vector<16xf32>,
      tpu.vector_store %arg9[%swap3A_1558], %add3A_1557 {strides = array<i32>} : memref<304xf32, #tpu.memory_space<vmem>>, vector<16xf32>,
      %get3A_1560 = arith.constant 208 : index
      %get3A_1561 = tpu.vector_load %arg9[%get3A_1560] {strides = array<i32>} : memref<304xf32, #tpu.memory_space<vmem>>, vector<16xf32>,
      %mul3A_1562 = arith.mulf %exp3A_1281, %div3A_1481 : vector<16xf32>
      %add3A_1563 = arith.addf %get3A_1561, %mul3A_1562 : vector<16xf32>
      %swap3A_1564 = arith.constant 208 : index
      %swap3A_1565 = tpu.vector_load %arg9[%swap3A_1564] {strides = array<i32>} : memref<304xf32, #tpu.memory_space<vmem>>, vector<16xf32>,
      tpu.vector_store %arg9[%swap3A_1564], %add3A_1563 {strides = array<i32>} : memref<304xf32, #tpu.memory_space<vmem>>, vector<16xf32>,
      %get3A_1566 = arith.constant 224 : index
      %get3A_1567 = tpu.vector_load %arg9[%get3A_1566] {strides = array<i32>} : memref<304xf32, #tpu.memory_space<vmem>>, vector<16xf32>,
      %mul3A_1568 = arith.mulf %exp3A_1286, %div3A_1481 : vector<16xf32>
      %add3A_1569 = arith.addf %get3A_1567, %mul3A_1568 : vector<16xf32>
      %swap3A_1570 = arith.constant 224 : index
      %swap3A_1571 = tpu.vector_load %arg9[%swap3A_1570] {strides = array<i32>} : memref<304xf32, #tpu.memory_space<vmem>>, vector<16xf32>,
      tpu.vector_store %arg9[%swap3A_1570], %add3A_1569 {strides = array<i32>} : memref<304xf32, #tpu.memory_space<vmem>>, vector<16xf32>,
      %get3A_1572 = arith.constant 240 : index
      %get3A_1573 = tpu.vector_load %arg9[%get3A_1572] {strides = array<i32>} : memref<304xf32, #tpu.memory_space<vmem>>, vector<16xf32>,
      %mul3A_1574 = arith.mulf %exp3A_1291, %div3A_1481 : vector<16xf32>
      %add3A_1575 = arith.addf %get3A_1573, %mul3A_1574 : vector<16xf32>
      %swap3A_1576 = arith.constant 240 : index
      %swap3A_1577 = tpu.vector_load %arg9[%swap3A_1576] {strides = array<i32>} : memref<304xf32, #tpu.memory_space<vmem>>, vector<16xf32>,
      tpu.vector_store %arg9[%swap3A_1576], %add3A_1575 {strides = array<i32>} : memref<304xf32, #tpu.memory_space<vmem>>, vector<16xf32>,
      %get3A_1578 = arith.constant 256 : index
      %get3A_1579 = tpu.vector_load %arg9[%get3A_1578] {strides = array<i32>} : memref<304xf32, #tpu.memory_space<vmem>>, vector<16xf32>,
      %mul3A_1580 = arith.mulf %exp3A_1296, %div3A_1481 : vector<16xf32>
      %add3A_1581 = arith.addf %get3A_1579, %mul3A_1580 : vector<16xf32>
      %swap3A_1582 = arith.constant 256 : index
      %swap3A_1583 = tpu.vector_load %arg9[%swap3A_1582] {strides = array<i32>} : memref<304xf32, #tpu.memory_space<vmem>>, vector<16xf32>,
      tpu.vector_store %arg9[%swap3A_1582], %add3A_1581 {strides = array<i32>} : memref<304xf32, #tpu.memory_space<vmem>>, vector<16xf32>,
      %get3A_1584 = arith.constant 272 : index
      %get3A_1585 = tpu.vector_load %arg9[%get3A_1584] {strides = array<i32>} : memref<304xf32, #tpu.memory_space<vmem>>, vector<16xf32>,
      %mul3A_1586 = arith.mulf %exp3A_1301, %div3A_1481 : vector<16xf32>
      %add3A_1587 = arith.addf %get3A_1585, %mul3A_1586 : vector<16xf32>
      %swap3A_1588 = arith.constant 272 : index
      %swap3A_1589 = tpu.vector_load %arg9[%swap3A_1588] {strides = array<i32>} : memref<304xf32, #tpu.memory_space<vmem>>, vector<16xf32>,
      tpu.vector_store %arg9[%swap3A_1588], %add3A_1587 {strides = array<i32>} : memref<304xf32, #tpu.memory_space<vmem>>, vector<16xf32>,
      %get3A_1590 = arith.constant 288 : index
      %get3A_1591 = tpu.vector_load %arg9[%get3A_1590] {strides = array<i32>} : memref<304xf32, #tpu.memory_space<vmem>>, vector<16xf32>,
      %mul3A_1592 = arith.mulf %exp3A_1306, %div3A_1481 : vector<16xf32>
      %add3A_1593 = arith.addf %get3A_1591, %mul3A_1592 : vector<16xf32>
      %swap3A_1594 = arith.constant 288 : index
      %swap3A_1595 = tpu.vector_load %arg9[%swap3A_1594] {strides = array<i32>} : memref<304xf32, #tpu.memory_space<vmem>>, vector<16xf32>,
      tpu.vector_store %arg9[%swap3A_1594], %add3A_1593 {strides = array<i32>} : memref<304xf32, #tpu.memory_space<vmem>>, vector<16xf32>,
      %exp3A_1596 = math.exp %gather3A_1315 : vector<16xf32>
      %mul3A_1597 = arith.mulf %exp3A_1596, %div3A_1481 : vector<16xf32>
      %mul3A_1598 = arith.constant 16 : i32
      %mul3A_1599 = vector.broadcast %mul3A_1598 : i32 to vector<16xi32>
      %mul3A_1600 = arith.muli %get3A_1310, %mul3A_1599 : vector<16xi32>
      %add3A_1601 = arith.addi %mul3A_1600, %iota3A : vector<16xi32>
      tpu.vector_store_idx %arg10[%add3A_1601], %broadcast_in_dim3A_127 {add = true} : memref<304xf32, #tpu.memory_space<vmem>>[vector<16xi32>], vector<16xf32>,
      %mul3A_1602 = arith.constant 2.000000e+00 : f32
      %mul3A_1603 = vector.broadcast %mul3A_1602 : f32 to vector<16xf32>
      %mul3A_1604 = arith.mulf %mul3A_1603, %mul3A_1597 : vector<16xf32>
      %sub3A_1605 = arith.constant 1.000000e+00 : f32
      %sub3A_1606 = vector.broadcast %sub3A_1605 : f32 to vector<16xf32>
      %sub3A_1607 = arith.subf %sub3A_1606, %mul3A_1604 : vector<16xf32>
      tpu.vector_store_idx %arg11[%add3A_1601], %sub3A_1607 {add = true} : memref<304xf32, #tpu.memory_space<vmem>>[vector<16xi32>], vector<16xf32>,
    }
    %scan3A_147 = arith.constant 64 : i32
    %dma_wait3A_148 = arith.constant 0 : i32
    %dma_wait3A_149 = tpu.memref_slice %arg2[%dma_wait3A_148, %add3A_136] : memref<19x524288xf32, #tpu.memory_space<hbm>> -> memref<19x2048xf32, #tpu.memory_space<hbm>>
    %dma_wait3A_150 = arith.constant 0 : i32
    %dma_wait3A_151 = tpu.memref_slice %arg2[%dma_wait3A_150, %add3A_136] : memref<19x524288xf32, #tpu.memory_space<hbm>> -> memref<19x2048xf32, #tpu.memory_space<hbm>>
    tpu.wait_dma2 semaphore(%arg13 : memref<!tpu.dma_semaphore, #tpu.memory_space<semaphore_mem>>) src(%dma_wait3A_151 : memref<19x2048xf32, #tpu.memory_space<hbm>>) dst(%arg6 : memref<19x2048xf32, #tpu.memory_space<vmem>>)
    %dma_wait3A_152 = tpu.memref_slice %arg3[%add3A_136] : memref<524288xi32, #tpu.memory_space<hbm>> -> memref<2048xi32, #tpu.memory_space<hbm>>
    %dma_wait3A_153 = tpu.memref_slice %arg3[%add3A_136] : memref<524288xi32, #tpu.memory_space<hbm>> -> memref<2048xi32, #tpu.memory_space<hbm>>
    tpu.wait_dma2 semaphore(%arg15 : memref<!tpu.dma_semaphore, #tpu.memory_space<semaphore_mem>>) src(%dma_wait3A_153 : memref<2048xi32, #tpu.memory_space<hbm>>) dst(%arg8 : memref<2048xi32, #tpu.memory_space<vmem>>)
    %add3A_154 = arith.constant 4096 : i32
    %add3A_155 = arith.addi %add3A_118, %add3A_154 : i32
    %dma_start3A_156 = arith.constant 0 : i32
    %dma_start3A_157 = tpu.memref_slice %arg2[%dma_start3A_156, %add3A_155] : memref<19x524288xf32, #tpu.memory_space<hbm>> -> memref<19x2048xf32, #tpu.memory_space<hbm>>
    %dma_start3A_158 = arith.constant 0 : i32
    %dma_start3A_159 = tpu.memref_slice %arg2[%dma_start3A_158, %add3A_155] : memref<19x524288xf32, #tpu.memory_space<hbm>> -> memref<19x2048xf32, #tpu.memory_space<hbm>>
    tpu.enqueue_dma source(%dma_start3A_159 : memref<19x2048xf32, #tpu.memory_space<hbm>>) target(%arg5 : memref<19x2048xf32, #tpu.memory_space<vmem>>) target_semaphore(%arg12 : memref<!tpu.dma_semaphore, #tpu.memory_space<semaphore_mem>>)
    %dma_start3A_160 = tpu.memref_slice %arg3[%add3A_155] : memref<524288xi32, #tpu.memory_space<hbm>> -> memref<2048xi32, #tpu.memory_space<hbm>>
    %dma_start3A_161 = tpu.memref_slice %arg3[%add3A_155] : memref<524288xi32, #tpu.memory_space<hbm>> -> memref<2048xi32, #tpu.memory_space<hbm>>
    tpu.enqueue_dma source(%dma_start3A_161 : memref<2048xi32, #tpu.memory_space<hbm>>) target(%arg7 : memref<2048xi32, #tpu.memory_space<vmem>>) target_semaphore(%arg14 : memref<!tpu.dma_semaphore, #tpu.memory_space<semaphore_mem>>)
    %scan3A_162 = arith.constant 0 : i32
    %scan3A_163 = arith.constant 0 : i32
    %scan3A_164 = arith.constant 64 : i32
    %scan3A_165 = arith.addi %scan3A_163, %scan3A_164 : i32
    %scan3A_166 = arith.constant 1 : i32
    scf.for %scan3A_1112 = %scan3A_163 to %scan3A_165 step %scan3A_166  : i32 {
      %mul3A_1113 = arith.constant 32 : i32
      %mul3A_1114 = arith.muli %scan3A_1112, %mul3A_1113 : i32
      %mul3A_1115 = arith.constant 32 : i32
      %mul3A_1116 = arith.muli %scan3A_1112, %mul3A_1115 : i32
      %add3A_1117 = arith.constant 16 : i32
      %add3A_1118 = arith.addi %mul3A_1116, %add3A_1117 : i32
      %get3A = arith.constant 0 : i32
      %get3A_1119 = arith.index_cast %get3A : i32 to index
      %get3A_1120 = arith.index_cast %mul3A_1114 : i32 to index
      %get3A_1121 = tpu.vector_load %arg6[%get3A_1119, %get3A_1120] {strides = array<i32>} : memref<19x2048xf32, #tpu.memory_space<vmem>>, vector<16xf32>,
      %exp3A = math.exp %get3A_1121 : vector<16xf32>
      %get3A_1122 = arith.constant 1 : i32
      %get3A_1123 = arith.index_cast %get3A_1122 : i32 to index
      %get3A_1124 = arith.index_cast %mul3A_1114 : i32 to index
      %get3A_1125 = tpu.vector_load %arg6[%get3A_1123, %get3A_1124] {strides = array<i32>} : memref<19x2048xf32, #tpu.memory_space<vmem>>, vector<16xf32>,
      %exp3A_1126 = math.exp %get3A_1125 : vector<16xf32>
      %get3A_1127 = arith.constant 2 : i32
      %get3A_1128 = arith.index_cast %get3A_1127 : i32 to index
      %get3A_1129 = arith.index_cast %mul3A_1114 : i32 to index
      %get3A_1130 = tpu.vector_load %arg6[%get3A_1128, %get3A_1129] {strides = array<i32>} : memref<19x2048xf32, #tpu.memory_space<vmem>>, vector<16xf32>,
      %exp3A_1131 = math.exp %get3A_1130 : vector<16xf32>
      %get3A_1132 = arith.constant 3 : i32
      %get3A_1133 = arith.index_cast %get3A_1132 : i32 to index
      %get3A_1134 = arith.index_cast %mul3A_1114 : i32 to index
      %get3A_1135 = tpu.vector_load %arg6[%get3A_1133, %get3A_1134] {strides = array<i32>} : memref<19x2048xf32, #tpu.memory_space<vmem>>, vector<16xf32>,
      %exp3A_1136 = math.exp %get3A_1135 : vector<16xf32>
      %get3A_1137 = arith.constant 4 : i32
      %get3A_1138 = arith.index_cast %get3A_1137 : i32 to index
      %get3A_1139 = arith.index_cast %mul3A_1114 : i32 to index
      %get3A_1140 = tpu.vector_load %arg6[%get3A_1138, %get3A_1139] {strides = array<i32>} : memref<19x2048xf32, #tpu.memory_space<vmem>>, vector<16xf32>,
      %exp3A_1141 = math.exp %get3A_1140 : vector<16xf32>
      %get3A_1142 = arith.constant 5 : i32
      %get3A_1143 = arith.index_cast %get3A_1142 : i32 to index
      %get3A_1144 = arith.index_cast %mul3A_1114 : i32 to index
      %get3A_1145 = tpu.vector_load %arg6[%get3A_1143, %get3A_1144] {strides = array<i32>} : memref<19x2048xf32, #tpu.memory_space<vmem>>, vector<16xf32>,
      %exp3A_1146 = math.exp %get3A_1145 : vector<16xf32>
      %get3A_1147 = arith.constant 6 : i32
      %get3A_1148 = arith.index_cast %get3A_1147 : i32 to index
      %get3A_1149 = arith.index_cast %mul3A_1114 : i32 to index
      %get3A_1150 = tpu.vector_load %arg6[%get3A_1148, %get3A_1149] {strides = array<i32>} : memref<19x2048xf32, #tpu.memory_space<vmem>>, vector<16xf32>,
      %exp3A_1151 = math.exp %get3A_1150 : vector<16xf32>
      %get3A_1152 = arith.constant 7 : i32
      %get3A_1153 = arith.index_cast %get3A_1152 : i32 to index
      %get3A_1154 = arith.index_cast %mul3A_1114 : i32 to index
      %get3A_1155 = tpu.vector_load %arg6[%get3A_1153, %get3A_1154] {strides = array<i32>} : memref<19x2048xf32, #tpu.memory_space<vmem>>, vector<16xf32>,
      %exp3A_1156 = math.exp %get3A_1155 : vector<16xf32>
      %get3A_1157 = arith.constant 8 : i32
      %get3A_1158 = arith.index_cast %get3A_1157 : i32 to index
      %get3A_1159 = arith.index_cast %mul3A_1114 : i32 to index
      %get3A_1160 = tpu.vector_load %arg6[%get3A_1158, %get3A_1159] {strides = array<i32>} : memref<19x2048xf32, #tpu.memory_space<vmem>>, vector<16xf32>,
      %exp3A_1161 = math.exp %get3A_1160 : vector<16xf32>
      %get3A_1162 = arith.constant 9 : i32
      %get3A_1163 = arith.index_cast %get3A_1162 : i32 to index
      %get3A_1164 = arith.index_cast %mul3A_1114 : i32 to index
      %get3A_1165 = tpu.vector_load %arg6[%get3A_1163, %get3A_1164] {strides = array<i32>} : memref<19x2048xf32, #tpu.memory_space<vmem>>, vector<16xf32>,
      %exp3A_1166 = math.exp %get3A_1165 : vector<16xf32>
      %get3A_1167 = arith.constant 10 : i32
      %get3A_1168 = arith.index_cast %get3A_1167 : i32 to index
      %get3A_1169 = arith.index_cast %mul3A_1114 : i32 to index
      %get3A_1170 = tpu.vector_load %arg6[%get3A_1168, %get3A_1169] {strides = array<i32>} : memref<19x2048xf32, #tpu.memory_space<vmem>>, vector<16xf32>,
      %exp3A_1171 = math.exp %get3A_1170 : vector<16xf32>
      %get3A_1172 = arith.constant 11 : i32
      %get3A_1173 = arith.index_cast %get3A_1172 : i32 to index
      %get3A_1174 = arith.index_cast %mul3A_1114 : i32 to index
      %get3A_1175 = tpu.vector_load %arg6[%get3A_1173, %get3A_1174] {strides = array<i32>} : memref<19x2048xf32, #tpu.memory_space<vmem>>, vector<16xf32>,
      %exp3A_1176 = math.exp %get3A_1175 : vector<16xf32>
      %get3A_1177 = arith.constant 12 : i32
      %get3A_1178 = arith.index_cast %get3A_1177 : i32 to index
      %get3A_1179 = arith.index_cast %mul3A_1114 : i32 to index
      %get3A_1180 = tpu.vector_load %arg6[%get3A_1178, %get3A_1179] {strides = array<i32>} : memref<19x2048xf32, #tpu.memory_space<vmem>>, vector<16xf32>,
      %exp3A_1181 = math.exp %get3A_1180 : vector<16xf32>
      %get3A_1182 = arith.constant 13 : i32
      %get3A_1183 = arith.index_cast %get3A_1182 : i32 to index
      %get3A_1184 = arith.index_cast %mul3A_1114 : i32 to index
      %get3A_1185 = tpu.vector_load %arg6[%get3A_1183, %get3A_1184] {strides = array<i32>} : memref<19x2048xf32, #tpu.memory_space<vmem>>, vector<16xf32>,
      %exp3A_1186 = math.exp %get3A_1185 : vector<16xf32>
      %get3A_1187 = arith.constant 14 : i32
      %get3A_1188 = arith.index_cast %get3A_1187 : i32 to index
      %get3A_1189 = arith.index_cast %mul3A_1114 : i32 to index
      %get3A_1190 = tpu.vector_load %arg6[%get3A_1188, %get3A_1189] {strides = array<i32>} : memref<19x2048xf32, #tpu.memory_space<vmem>>, vector<16xf32>,
      %exp3A_1191 = math.exp %get3A_1190 : vector<16xf32>
      %get3A_1192 = arith.constant 15 : i32
      %get3A_1193 = arith.index_cast %get3A_1192 : i32 to index
      %get3A_1194 = arith.index_cast %mul3A_1114 : i32 to index
      %get3A_1195 = tpu.vector_load %arg6[%get3A_1193, %get3A_1194] {strides = array<i32>} : memref<19x2048xf32, #tpu.memory_space<vmem>>, vector<16xf32>,
      %exp3A_1196 = math.exp %get3A_1195 : vector<16xf32>
      %get3A_1197 = arith.constant 16 : i32
      %get3A_1198 = arith.index_cast %get3A_1197 : i32 to index
      %get3A_1199 = arith.index_cast %mul3A_1114 : i32 to index
      %get3A_1200 = tpu.vector_load %arg6[%get3A_1198, %get3A_1199] {strides = array<i32>} : memref<19x2048xf32, #tpu.memory_space<vmem>>, vector<16xf32>,
      %exp3A_1201 = math.exp %get3A_1200 : vector<16xf32>
      %get3A_1202 = arith.constant 17 : i32
      %get3A_1203 = arith.index_cast %get3A_1202 : i32 to index
      %get3A_1204 = arith.index_cast %mul3A_1114 : i32 to index
      %get3A_1205 = tpu.vector_load %arg6[%get3A_1203, %get3A_1204] {strides = array<i32>} : memref<19x2048xf32, #tpu.memory_space<vmem>>, vector<16xf32>,
      %exp3A_1206 = math.exp %get3A_1205 : vector<16xf32>
      %get3A_1207 = arith.constant 18 : i32
      %get3A_1208 = arith.index_cast %get3A_1207 : i32 to index
      %get3A_1209 = arith.index_cast %mul3A_1114 : i32 to index
      %get3A_1210 = tpu.vector_load %arg6[%get3A_1208, %get3A_1209] {strides = array<i32>} : memref<19x2048xf32, #tpu.memory_space<vmem>>, vector<16xf32>,
      %exp3A_1211 = math.exp %get3A_1210 : vector<16xf32>
      %get3A_1212 = arith.constant 0 : i32
      %get3A_1213 = arith.index_cast %get3A_1212 : i32 to index
      %get3A_1214 = arith.index_cast %add3A_1118 : i32 to index
      %get3A_1215 = tpu.vector_load %arg6[%get3A_1213, %get3A_1214] {strides = array<i32>} : memref<19x2048xf32, #tpu.memory_space<vmem>>, vector<16xf32>,
      %exp3A_1216 = math.exp %get3A_1215 : vector<16xf32>
      %get3A_1217 = arith.constant 1 : i32
      %get3A_1218 = arith.index_cast %get3A_1217 : i32 to index
      %get3A_1219 = arith.index_cast %add3A_1118 : i32 to index
      %get3A_1220 = tpu.vector_load %arg6[%get3A_1218, %get3A_1219] {strides = array<i32>} : memref<19x2048xf32, #tpu.memory_space<vmem>>, vector<16xf32>,
      %exp3A_1221 = math.exp %get3A_1220 : vector<16xf32>
      %get3A_1222 = arith.constant 2 : i32
      %get3A_1223 = arith.index_cast %get3A_1222 : i32 to index
      %get3A_1224 = arith.index_cast %add3A_1118 : i32 to index
      %get3A_1225 = tpu.vector_load %arg6[%get3A_1223, %get3A_1224] {strides = array<i32>} : memref<19x2048xf32, #tpu.memory_space<vmem>>, vector<16xf32>,
      %exp3A_1226 = math.exp %get3A_1225 : vector<16xf32>
      %get3A_1227 = arith.constant 3 : i32
      %get3A_1228 = arith.index_cast %get3A_1227 : i32 to index
      %get3A_1229 = arith.index_cast %add3A_1118 : i32 to index
      %get3A_1230 = tpu.vector_load %arg6[%get3A_1228, %get3A_1229] {strides = array<i32>} : memref<19x2048xf32, #tpu.memory_space<vmem>>, vector<16xf32>,
      %exp3A_1231 = math.exp %get3A_1230 : vector<16xf32>
      %get3A_1232 = arith.constant 4 : i32
      %get3A_1233 = arith.index_cast %get3A_1232 : i32 to index
      %get3A_1234 = arith.index_cast %add3A_1118 : i32 to index
      %get3A_1235 = tpu.vector_load %arg6[%get3A_1233, %get3A_1234] {strides = array<i32>} : memref<19x2048xf32, #tpu.memory_space<vmem>>, vector<16xf32>,
      %exp3A_1236 = math.exp %get3A_1235 : vector<16xf32>
      %get3A_1237 = arith.constant 5 : i32
      %get3A_1238 = arith.index_cast %get3A_1237 : i32 to index
      %get3A_1239 = arith.index_cast %add3A_1118 : i32 to index
      %get3A_1240 = tpu.vector_load %arg6[%get3A_1238, %get3A_1239] {strides = array<i32>} : memref<19x2048xf32, #tpu.memory_space<vmem>>, vector<16xf32>,
      %exp3A_1241 = math.exp %get3A_1240 : vector<16xf32>
      %get3A_1242 = arith.constant 6 : i32
      %get3A_1243 = arith.index_cast %get3A_1242 : i32 to index
      %get3A_1244 = arith.index_cast %add3A_1118 : i32 to index
      %get3A_1245 = tpu.vector_load %arg6[%get3A_1243, %get3A_1244] {strides = array<i32>} : memref<19x2048xf32, #tpu.memory_space<vmem>>, vector<16xf32>,
      %exp3A_1246 = math.exp %get3A_1245 : vector<16xf32>
      %get3A_1247 = arith.constant 7 : i32
      %get3A_1248 = arith.index_cast %get3A_1247 : i32 to index
      %get3A_1249 = arith.index_cast %add3A_1118 : i32 to index
      %get3A_1250 = tpu.vector_load %arg6[%get3A_1248, %get3A_1249] {strides = array<i32>} : memref<19x2048xf32, #tpu.memory_space<vmem>>, vector<16xf32>,
      %exp3A_1251 = math.exp %get3A_1250 : vector<16xf32>
      %get3A_1252 = arith.constant 8 : i32
      %get3A_1253 = arith.index_cast %get3A_1252 : i32 to index
      %get3A_1254 = arith.index_cast %add3A_1118 : i32 to index
      %get3A_1255 = tpu.vector_load %arg6[%get3A_1253, %get3A_1254] {strides = array<i32>} : memref<19x2048xf32, #tpu.memory_space<vmem>>, vector<16xf32>,
      %exp3A_1256 = math.exp %get3A_1255 : vector<16xf32>
      %get3A_1257 = arith.constant 9 : i32
      %get3A_1258 = arith.index_cast %get3A_1257 : i32 to index
      %get3A_1259 = arith.index_cast %add3A_1118 : i32 to index
      %get3A_1260 = tpu.vector_load %arg6[%get3A_1258, %get3A_1259] {strides = array<i32>} : memref<19x2048xf32, #tpu.memory_space<vmem>>, vector<16xf32>,
      %exp3A_1261 = math.exp %get3A_1260 : vector<16xf32>
      %get3A_1262 = arith.constant 10 : i32
      %get3A_1263 = arith.index_cast %get3A_1262 : i32 to index
      %get3A_1264 = arith.index_cast %add3A_1118 : i32 to index
      %get3A_1265 = tpu.vector_load %arg6[%get3A_1263, %get3A_1264] {strides = array<i32>} : memref<19x2048xf32, #tpu.memory_space<vmem>>, vector<16xf32>,
      %exp3A_1266 = math.exp %get3A_1265 : vector<16xf32>
      %get3A_1267 = arith.constant 11 : i32
      %get3A_1268 = arith.index_cast %get3A_1267 : i32 to index
      %get3A_1269 = arith.index_cast %add3A_1118 : i32 to index
      %get3A_1270 = tpu.vector_load %arg6[%get3A_1268, %get3A_1269] {strides = array<i32>} : memref<19x2048xf32, #tpu.memory_space<vmem>>, vector<16xf32>,
      %exp3A_1271 = math.exp %get3A_1270 : vector<16xf32>
      %get3A_1272 = arith.constant 12 : i32
      %get3A_1273 = arith.index_cast %get3A_1272 : i32 to index
      %get3A_1274 = arith.index_cast %add3A_1118 : i32 to index
      %get3A_1275 = tpu.vector_load %arg6[%get3A_1273, %get3A_1274] {strides = array<i32>} : memref<19x2048xf32, #tpu.memory_space<vmem>>, vector<16xf32>,
      %exp3A_1276 = math.exp %get3A_1275 : vector<16xf32>
      %get3A_1277 = arith.constant 13 : i32
      %get3A_1278 = arith.index_cast %get3A_1277 : i32 to index
      %get3A_1279 = arith.index_cast %add3A_1118 : i32 to index
      %get3A_1280 = tpu.vector_load %arg6[%get3A_1278, %get3A_1279] {strides = array<i32>} : memref<19x2048xf32, #tpu.memory_space<vmem>>, vector<16xf32>,
      %exp3A_1281 = math.exp %get3A_1280 : vector<16xf32>
      %get3A_1282 = arith.constant 14 : i32
      %get3A_1283 = arith.index_cast %get3A_1282 : i32 to index
      %get3A_1284 = arith.index_cast %add3A_1118 : i32 to index
      %get3A_1285 = tpu.vector_load %arg6[%get3A_1283, %get3A_1284] {strides = array<i32>} : memref<19x2048xf32, #tpu.memory_space<vmem>>, vector<16xf32>,
      %exp3A_1286 = math.exp %get3A_1285 : vector<16xf32>
      %get3A_1287 = arith.constant 15 : i32
      %get3A_1288 = arith.index_cast %get3A_1287 : i32 to index
      %get3A_1289 = arith.index_cast %add3A_1118 : i32 to index
      %get3A_1290 = tpu.vector_load %arg6[%get3A_1288, %get3A_1289] {strides = array<i32>} : memref<19x2048xf32, #tpu.memory_space<vmem>>, vector<16xf32>,
      %exp3A_1291 = math.exp %get3A_1290 : vector<16xf32>
      %get3A_1292 = arith.constant 16 : i32
      %get3A_1293 = arith.index_cast %get3A_1292 : i32 to index
      %get3A_1294 = arith.index_cast %add3A_1118 : i32 to index
      %get3A_1295 = tpu.vector_load %arg6[%get3A_1293, %get3A_1294] {strides = array<i32>} : memref<19x2048xf32, #tpu.memory_space<vmem>>, vector<16xf32>,
      %exp3A_1296 = math.exp %get3A_1295 : vector<16xf32>
      %get3A_1297 = arith.constant 17 : i32
      %get3A_1298 = arith.index_cast %get3A_1297 : i32 to index
      %get3A_1299 = arith.index_cast %add3A_1118 : i32 to index
      %get3A_1300 = tpu.vector_load %arg6[%get3A_1298, %get3A_1299] {strides = array<i32>} : memref<19x2048xf32, #tpu.memory_space<vmem>>, vector<16xf32>,
      %exp3A_1301 = math.exp %get3A_1300 : vector<16xf32>
      %get3A_1302 = arith.constant 18 : i32
      %get3A_1303 = arith.index_cast %get3A_1302 : i32 to index
      %get3A_1304 = arith.index_cast %add3A_1118 : i32 to index
      %get3A_1305 = tpu.vector_load %arg6[%get3A_1303, %get3A_1304] {strides = array<i32>} : memref<19x2048xf32, #tpu.memory_space<vmem>>, vector<16xf32>,
      %exp3A_1306 = math.exp %get3A_1305 : vector<16xf32>
      %get3A_1307 = arith.index_cast %mul3A_1114 : i32 to index
      %get3A_1308 = tpu.vector_load %arg8[%get3A_1307] {strides = array<i32>} : memref<2048xi32, #tpu.memory_space<vmem>>, vector<16xi32>,
      %get3A_1309 = arith.index_cast %add3A_1118 : i32 to index
      %get3A_1310 = tpu.vector_load %arg8[%get3A_1309] {strides = array<i32>} : memref<2048xi32, #tpu.memory_space<vmem>>, vector<16xi32>,
      %add3A_1311 = vector.broadcast %mul3A_1114 : i32 to vector<16xi32>
      %add3A_1312 = arith.addi %add3A_1311, %iota3A : vector<16xi32>
      %gather3A = tpu.vector_load_idx %arg6[%get3A_1308, %add3A_1312] : memref<19x2048xf32, #tpu.memory_space<vmem>>[vector<16xi32>, vector<16xi32>], vector<16xf32>,
      %add3A_1313 = vector.broadcast %add3A_1118 : i32 to vector<16xi32>
      %add3A_1314 = arith.addi %add3A_1313, %iota3A : vector<16xi32>
      %gather3A_1315 = tpu.vector_load_idx %arg6[%get3A_1310, %add3A_1314] : memref<19x2048xf32, #tpu.memory_space<vmem>>[vector<16xi32>, vector<16xi32>], vector<16xf32>,
      %add3A_1316 = arith.addf %exp3A, %exp3A_1126 : vector<16xf32>
      %add3A_1317 = arith.addf %exp3A_1131, %exp3A_1136 : vector<16xf32>
      %add3A_1318 = arith.addf %exp3A_1141, %exp3A_1146 : vector<16xf32>
      %add3A_1319 = arith.addf %exp3A_1151, %exp3A_1156 : vector<16xf32>
      %add3A_1320 = arith.addf %exp3A_1161, %exp3A_1166 : vector<16xf32>
      %add3A_1321 = arith.addf %exp3A_1171, %exp3A_1176 : vector<16xf32>
      %add3A_1322 = arith.addf %exp3A_1181, %exp3A_1186 : vector<16xf32>
      %add3A_1323 = arith.addf %exp3A_1191, %exp3A_1196 : vector<16xf32>
      %add3A_1324 = arith.addf %exp3A_1201, %exp3A_1206 : vector<16xf32>
      %add3A_1325 = arith.addf %add3A_1316, %add3A_1317 : vector<16xf32>
      %add3A_1326 = arith.addf %add3A_1318, %add3A_1319 : vector<16xf32>
      %add3A_1327 = arith.addf %add3A_1320, %add3A_1321 : vector<16xf32>
      %add3A_1328 = arith.addf %add3A_1322, %add3A_1323 : vector<16xf32>
      %add3A_1329 = arith.addf %add3A_1324, %exp3A_1211 : vector<16xf32>
      %add3A_1330 = arith.addf %add3A_1325, %add3A_1326 : vector<16xf32>
      %add3A_1331 = arith.addf %add3A_1327, %add3A_1328 : vector<16xf32>
      %add3A_1332 = arith.addf %add3A_1330, %add3A_1331 : vector<16xf32>
      %add3A_1333 = arith.addf %add3A_1332, %add3A_1329 : vector<16xf32>
      %div3A = arith.constant 1.000000e+00 : f32
      %div3A_1334 = vector.broadcast %div3A : f32 to vector<16xf32>
      %div3A_1335 = arith.divf %div3A_1334, %add3A_1333 : vector<16xf32>
      %get3A_1336 = arith.constant 0 : index
      %get3A_1337 = tpu.vector_load %arg9[%get3A_1336] {strides = array<i32>} : memref<304xf32, #tpu.memory_space<vmem>>, vector<16xf32>,
      %mul3A_1338 = arith.mulf %exp3A, %div3A_1335 : vector<16xf32>
      %add3A_1339 = arith.addf %get3A_1337, %mul3A_1338 : vector<16xf32>
      %swap3A_1340 = arith.constant 0 : index
      %swap3A_1341 = tpu.vector_load %arg9[%swap3A_1340] {strides = array<i32>} : memref<304xf32, #tpu.memory_space<vmem>>, vector<16xf32>,
      tpu.vector_store %arg9[%swap3A_1340], %add3A_1339 {strides = array<i32>} : memref<304xf32, #tpu.memory_space<vmem>>, vector<16xf32>,
      %get3A_1342 = arith.constant 16 : index
      %get3A_1343 = tpu.vector_load %arg9[%get3A_1342] {strides = array<i32>} : memref<304xf32, #tpu.memory_space<vmem>>, vector<16xf32>,
      %mul3A_1344 = arith.mulf %exp3A_1126, %div3A_1335 : vector<16xf32>
      %add3A_1345 = arith.addf %get3A_1343, %mul3A_1344 : vector<16xf32>
      %swap3A_1346 = arith.constant 16 : index
      %swap3A_1347 = tpu.vector_load %arg9[%swap3A_1346] {strides = array<i32>} : memref<304xf32, #tpu.memory_space<vmem>>, vector<16xf32>,
      tpu.vector_store %arg9[%swap3A_1346], %add3A_1345 {strides = array<i32>} : memref<304xf32, #tpu.memory_space<vmem>>, vector<16xf32>,
      %get3A_1348 = arith.constant 32 : index
      %get3A_1349 = tpu.vector_load %arg9[%get3A_1348] {strides = array<i32>} : memref<304xf32, #tpu.memory_space<vmem>>, vector<16xf32>,
      %mul3A_1350 = arith.mulf %exp3A_1131, %div3A_1335 : vector<16xf32>
      %add3A_1351 = arith.addf %get3A_1349, %mul3A_1350 : vector<16xf32>
      %swap3A_1352 = arith.constant 32 : index
      %swap3A_1353 = tpu.vector_load %arg9[%swap3A_1352] {strides = array<i32>} : memref<304xf32, #tpu.memory_space<vmem>>, vector<16xf32>,
      tpu.vector_store %arg9[%swap3A_1352], %add3A_1351 {strides = array<i32>} : memref<304xf32, #tpu.memory_space<vmem>>, vector<16xf32>,
      %get3A_1354 = arith.constant 48 : index
      %get3A_1355 = tpu.vector_load %arg9[%get3A_1354] {strides = array<i32>} : memref<304xf32, #tpu.memory_space<vmem>>, vector<16xf32>,
      %mul3A_1356 = arith.mulf %exp3A_1136, %div3A_1335 : vector<16xf32>
      %add3A_1357 = arith.addf %get3A_1355, %mul3A_1356 : vector<16xf32>
      %swap3A_1358 = arith.constant 48 : index
      %swap3A_1359 = tpu.vector_load %arg9[%swap3A_1358] {strides = array<i32>} : memref<304xf32, #tpu.memory_space<vmem>>, vector<16xf32>,
      tpu.vector_store %arg9[%swap3A_1358], %add3A_1357 {strides = array<i32>} : memref<304xf32, #tpu.memory_space<vmem>>, vector<16xf32>,
      %get3A_1360 = arith.constant 64 : index
      %get3A_1361 = tpu.vector_load %arg9[%get3A_1360] {strides = array<i32>} : memref<304xf32, #tpu.memory_space<vmem>>, vector<16xf32>,
      %mul3A_1362 = arith.mulf %exp3A_1141, %div3A_1335 : vector<16xf32>
      %add3A_1363 = arith.addf %get3A_1361, %mul3A_1362 : vector<16xf32>
      %swap3A_1364 = arith.constant 64 : index
      %swap3A_1365 = tpu.vector_load %arg9[%swap3A_1364] {strides = array<i32>} : memref<304xf32, #tpu.memory_space<vmem>>, vector<16xf32>,
      tpu.vector_store %arg9[%swap3A_1364], %add3A_1363 {strides = array<i32>} : memref<304xf32, #tpu.memory_space<vmem>>, vector<16xf32>,
      %get3A_1366 = arith.constant 80 : index
      %get3A_1367 = tpu.vector_load %arg9[%get3A_1366] {strides = array<i32>} : memref<304xf32, #tpu.memory_space<vmem>>, vector<16xf32>,
      %mul3A_1368 = arith.mulf %exp3A_1146, %div3A_1335 : vector<16xf32>
      %add3A_1369 = arith.addf %get3A_1367, %mul3A_1368 : vector<16xf32>
      %swap3A_1370 = arith.constant 80 : index
      %swap3A_1371 = tpu.vector_load %arg9[%swap3A_1370] {strides = array<i32>} : memref<304xf32, #tpu.memory_space<vmem>>, vector<16xf32>,
      tpu.vector_store %arg9[%swap3A_1370], %add3A_1369 {strides = array<i32>} : memref<304xf32, #tpu.memory_space<vmem>>, vector<16xf32>,
      %get3A_1372 = arith.constant 96 : index
      %get3A_1373 = tpu.vector_load %arg9[%get3A_1372] {strides = array<i32>} : memref<304xf32, #tpu.memory_space<vmem>>, vector<16xf32>,
      %mul3A_1374 = arith.mulf %exp3A_1151, %div3A_1335 : vector<16xf32>
      %add3A_1375 = arith.addf %get3A_1373, %mul3A_1374 : vector<16xf32>
      %swap3A_1376 = arith.constant 96 : index
      %swap3A_1377 = tpu.vector_load %arg9[%swap3A_1376] {strides = array<i32>} : memref<304xf32, #tpu.memory_space<vmem>>, vector<16xf32>,
      tpu.vector_store %arg9[%swap3A_1376], %add3A_1375 {strides = array<i32>} : memref<304xf32, #tpu.memory_space<vmem>>, vector<16xf32>,
      %get3A_1378 = arith.constant 112 : index
      %get3A_1379 = tpu.vector_load %arg9[%get3A_1378] {strides = array<i32>} : memref<304xf32, #tpu.memory_space<vmem>>, vector<16xf32>,
      %mul3A_1380 = arith.mulf %exp3A_1156, %div3A_1335 : vector<16xf32>
      %add3A_1381 = arith.addf %get3A_1379, %mul3A_1380 : vector<16xf32>
      %swap3A_1382 = arith.constant 112 : index
      %swap3A_1383 = tpu.vector_load %arg9[%swap3A_1382] {strides = array<i32>} : memref<304xf32, #tpu.memory_space<vmem>>, vector<16xf32>,
      tpu.vector_store %arg9[%swap3A_1382], %add3A_1381 {strides = array<i32>} : memref<304xf32, #tpu.memory_space<vmem>>, vector<16xf32>,
      %get3A_1384 = arith.constant 128 : index
      %get3A_1385 = tpu.vector_load %arg9[%get3A_1384] {strides = array<i32>} : memref<304xf32, #tpu.memory_space<vmem>>, vector<16xf32>,
      %mul3A_1386 = arith.mulf %exp3A_1161, %div3A_1335 : vector<16xf32>
      %add3A_1387 = arith.addf %get3A_1385, %mul3A_1386 : vector<16xf32>
      %swap3A_1388 = arith.constant 128 : index
      %swap3A_1389 = tpu.vector_load %arg9[%swap3A_1388] {strides = array<i32>} : memref<304xf32, #tpu.memory_space<vmem>>, vector<16xf32>,
      tpu.vector_store %arg9[%swap3A_1388], %add3A_1387 {strides = array<i32>} : memref<304xf32, #tpu.memory_space<vmem>>, vector<16xf32>,
      %get3A_1390 = arith.constant 144 : index
      %get3A_1391 = tpu.vector_load %arg9[%get3A_1390] {strides = array<i32>} : memref<304xf32, #tpu.memory_space<vmem>>, vector<16xf32>,
      %mul3A_1392 = arith.mulf %exp3A_1166, %div3A_1335 : vector<16xf32>
      %add3A_1393 = arith.addf %get3A_1391, %mul3A_1392 : vector<16xf32>
      %swap3A_1394 = arith.constant 144 : index
      %swap3A_1395 = tpu.vector_load %arg9[%swap3A_1394] {strides = array<i32>} : memref<304xf32, #tpu.memory_space<vmem>>, vector<16xf32>,
      tpu.vector_store %arg9[%swap3A_1394], %add3A_1393 {strides = array<i32>} : memref<304xf32, #tpu.memory_space<vmem>>, vector<16xf32>,
      %get3A_1396 = arith.constant 160 : index
      %get3A_1397 = tpu.vector_load %arg9[%get3A_1396] {strides = array<i32>} : memref<304xf32, #tpu.memory_space<vmem>>, vector<16xf32>,
      %mul3A_1398 = arith.mulf %exp3A_1171, %div3A_1335 : vector<16xf32>
      %add3A_1399 = arith.addf %get3A_1397, %mul3A_1398 : vector<16xf32>
      %swap3A_1400 = arith.constant 160 : index
      %swap3A_1401 = tpu.vector_load %arg9[%swap3A_1400] {strides = array<i32>} : memref<304xf32, #tpu.memory_space<vmem>>, vector<16xf32>,
      tpu.vector_store %arg9[%swap3A_1400], %add3A_1399 {strides = array<i32>} : memref<304xf32, #tpu.memory_space<vmem>>, vector<16xf32>,
      %get3A_1402 = arith.constant 176 : index
      %get3A_1403 = tpu.vector_load %arg9[%get3A_1402] {strides = array<i32>} : memref<304xf32, #tpu.memory_space<vmem>>, vector<16xf32>,
      %mul3A_1404 = arith.mulf %exp3A_1176, %div3A_1335 : vector<16xf32>
      %add3A_1405 = arith.addf %get3A_1403, %mul3A_1404 : vector<16xf32>
      %swap3A_1406 = arith.constant 176 : index
      %swap3A_1407 = tpu.vector_load %arg9[%swap3A_1406] {strides = array<i32>} : memref<304xf32, #tpu.memory_space<vmem>>, vector<16xf32>,
      tpu.vector_store %arg9[%swap3A_1406], %add3A_1405 {strides = array<i32>} : memref<304xf32, #tpu.memory_space<vmem>>, vector<16xf32>,
      %get3A_1408 = arith.constant 192 : index
      %get3A_1409 = tpu.vector_load %arg9[%get3A_1408] {strides = array<i32>} : memref<304xf32, #tpu.memory_space<vmem>>, vector<16xf32>,
      %mul3A_1410 = arith.mulf %exp3A_1181, %div3A_1335 : vector<16xf32>
      %add3A_1411 = arith.addf %get3A_1409, %mul3A_1410 : vector<16xf32>
      %swap3A_1412 = arith.constant 192 : index
      %swap3A_1413 = tpu.vector_load %arg9[%swap3A_1412] {strides = array<i32>} : memref<304xf32, #tpu.memory_space<vmem>>, vector<16xf32>,
      tpu.vector_store %arg9[%swap3A_1412], %add3A_1411 {strides = array<i32>} : memref<304xf32, #tpu.memory_space<vmem>>, vector<16xf32>,
      %get3A_1414 = arith.constant 208 : index
      %get3A_1415 = tpu.vector_load %arg9[%get3A_1414] {strides = array<i32>} : memref<304xf32, #tpu.memory_space<vmem>>, vector<16xf32>,
      %mul3A_1416 = arith.mulf %exp3A_1186, %div3A_1335 : vector<16xf32>
      %add3A_1417 = arith.addf %get3A_1415, %mul3A_1416 : vector<16xf32>
      %swap3A_1418 = arith.constant 208 : index
      %swap3A_1419 = tpu.vector_load %arg9[%swap3A_1418] {strides = array<i32>} : memref<304xf32, #tpu.memory_space<vmem>>, vector<16xf32>,
      tpu.vector_store %arg9[%swap3A_1418], %add3A_1417 {strides = array<i32>} : memref<304xf32, #tpu.memory_space<vmem>>, vector<16xf32>,
      %get3A_1420 = arith.constant 224 : index
      %get3A_1421 = tpu.vector_load %arg9[%get3A_1420] {strides = array<i32>} : memref<304xf32, #tpu.memory_space<vmem>>, vector<16xf32>,
      %mul3A_1422 = arith.mulf %exp3A_1191, %div3A_1335 : vector<16xf32>
      %add3A_1423 = arith.addf %get3A_1421, %mul3A_1422 : vector<16xf32>
      %swap3A_1424 = arith.constant 224 : index
      %swap3A_1425 = tpu.vector_load %arg9[%swap3A_1424] {strides = array<i32>} : memref<304xf32, #tpu.memory_space<vmem>>, vector<16xf32>,
      tpu.vector_store %arg9[%swap3A_1424], %add3A_1423 {strides = array<i32>} : memref<304xf32, #tpu.memory_space<vmem>>, vector<16xf32>,
      %get3A_1426 = arith.constant 240 : index
      %get3A_1427 = tpu.vector_load %arg9[%get3A_1426] {strides = array<i32>} : memref<304xf32, #tpu.memory_space<vmem>>, vector<16xf32>,
      %mul3A_1428 = arith.mulf %exp3A_1196, %div3A_1335 : vector<16xf32>
      %add3A_1429 = arith.addf %get3A_1427, %mul3A_1428 : vector<16xf32>
      %swap3A_1430 = arith.constant 240 : index
      %swap3A_1431 = tpu.vector_load %arg9[%swap3A_1430] {strides = array<i32>} : memref<304xf32, #tpu.memory_space<vmem>>, vector<16xf32>,
      tpu.vector_store %arg9[%swap3A_1430], %add3A_1429 {strides = array<i32>} : memref<304xf32, #tpu.memory_space<vmem>>, vector<16xf32>,
      %get3A_1432 = arith.constant 256 : index
      %get3A_1433 = tpu.vector_load %arg9[%get3A_1432] {strides = array<i32>} : memref<304xf32, #tpu.memory_space<vmem>>, vector<16xf32>,
      %mul3A_1434 = arith.mulf %exp3A_1201, %div3A_1335 : vector<16xf32>
      %add3A_1435 = arith.addf %get3A_1433, %mul3A_1434 : vector<16xf32>
      %swap3A_1436 = arith.constant 256 : index
      %swap3A_1437 = tpu.vector_load %arg9[%swap3A_1436] {strides = array<i32>} : memref<304xf32, #tpu.memory_space<vmem>>, vector<16xf32>,
      tpu.vector_store %arg9[%swap3A_1436], %add3A_1435 {strides = array<i32>} : memref<304xf32, #tpu.memory_space<vmem>>, vector<16xf32>,
      %get3A_1438 = arith.constant 272 : index
      %get3A_1439 = tpu.vector_load %arg9[%get3A_1438] {strides = array<i32>} : memref<304xf32, #tpu.memory_space<vmem>>, vector<16xf32>,
      %mul3A_1440 = arith.mulf %exp3A_1206, %div3A_1335 : vector<16xf32>
      %add3A_1441 = arith.addf %get3A_1439, %mul3A_1440 : vector<16xf32>
      %swap3A_1442 = arith.constant 272 : index
      %swap3A_1443 = tpu.vector_load %arg9[%swap3A_1442] {strides = array<i32>} : memref<304xf32, #tpu.memory_space<vmem>>, vector<16xf32>,
      tpu.vector_store %arg9[%swap3A_1442], %add3A_1441 {strides = array<i32>} : memref<304xf32, #tpu.memory_space<vmem>>, vector<16xf32>,
      %get3A_1444 = arith.constant 288 : index
      %get3A_1445 = tpu.vector_load %arg9[%get3A_1444] {strides = array<i32>} : memref<304xf32, #tpu.memory_space<vmem>>, vector<16xf32>,
      %mul3A_1446 = arith.mulf %exp3A_1211, %div3A_1335 : vector<16xf32>
      %add3A_1447 = arith.addf %get3A_1445, %mul3A_1446 : vector<16xf32>
      %swap3A_1448 = arith.constant 288 : index
      %swap3A_1449 = tpu.vector_load %arg9[%swap3A_1448] {strides = array<i32>} : memref<304xf32, #tpu.memory_space<vmem>>, vector<16xf32>,
      tpu.vector_store %arg9[%swap3A_1448], %add3A_1447 {strides = array<i32>} : memref<304xf32, #tpu.memory_space<vmem>>, vector<16xf32>,
      %exp3A_1450 = math.exp %gather3A : vector<16xf32>
      %mul3A_1451 = arith.mulf %exp3A_1450, %div3A_1335 : vector<16xf32>
      %mul3A_1452 = arith.constant 16 : i32
      %mul3A_1453 = vector.broadcast %mul3A_1452 : i32 to vector<16xi32>
      %mul3A_1454 = arith.muli %get3A_1308, %mul3A_1453 : vector<16xi32>
      %add3A_1455 = arith.addi %mul3A_1454, %iota3A : vector<16xi32>
      tpu.vector_store_idx %arg10[%add3A_1455], %broadcast_in_dim3A_127 {add = true} : memref<304xf32, #tpu.memory_space<vmem>>[vector<16xi32>], vector<16xf32>,
      %mul3A_1456 = arith.constant 2.000000e+00 : f32
      %mul3A_1457 = vector.broadcast %mul3A_1456 : f32 to vector<16xf32>
      %mul3A_1458 = arith.mulf %mul3A_1457, %mul3A_1451 : vector<16xf32>
      %sub3A = arith.constant 1.000000e+00 : f32
      %sub3A_1459 = vector.broadcast %sub3A : f32 to vector<16xf32>
      %sub3A_1460 = arith.subf %sub3A_1459, %mul3A_1458 : vector<16xf32>
      tpu.vector_store_idx %arg11[%add3A_1455], %sub3A_1460 {add = true} : memref<304xf32, #tpu.memory_space<vmem>>[vector<16xi32>], vector<16xf32>,
      %add3A_1461 = arith.addf %exp3A_1216, %exp3A_1221 : vector<16xf32>
      %add3A_1462 = arith.addf %exp3A_1226, %exp3A_1231 : vector<16xf32>
      %add3A_1463 = arith.addf %exp3A_1236, %exp3A_1241 : vector<16xf32>
      %add3A_1464 = arith.addf %exp3A_1246, %exp3A_1251 : vector<16xf32>
      %add3A_1465 = arith.addf %exp3A_1256, %exp3A_1261 : vector<16xf32>
      %add3A_1466 = arith.addf %exp3A_1266, %exp3A_1271 : vector<16xf32>
      %add3A_1467 = arith.addf %exp3A_1276, %exp3A_1281 : vector<16xf32>
      %add3A_1468 = arith.addf %exp3A_1286, %exp3A_1291 : vector<16xf32>
      %add3A_1469 = arith.addf %exp3A_1296, %exp3A_1301 : vector<16xf32>
      %add3A_1470 = arith.addf %add3A_1461, %add3A_1462 : vector<16xf32>
      %add3A_1471 = arith.addf %add3A_1463, %add3A_1464 : vector<16xf32>
      %add3A_1472 = arith.addf %add3A_1465, %add3A_1466 : vector<16xf32>
      %add3A_1473 = arith.addf %add3A_1467, %add3A_1468 : vector<16xf32>
      %add3A_1474 = arith.addf %add3A_1469, %exp3A_1306 : vector<16xf32>
      %add3A_1475 = arith.addf %add3A_1470, %add3A_1471 : vector<16xf32>
      %add3A_1476 = arith.addf %add3A_1472, %add3A_1473 : vector<16xf32>
      %add3A_1477 = arith.addf %add3A_1475, %add3A_1476 : vector<16xf32>
      %add3A_1478 = arith.addf %add3A_1477, %add3A_1474 : vector<16xf32>
      %div3A_1479 = arith.constant 1.000000e+00 : f32
      %div3A_1480 = vector.broadcast %div3A_1479 : f32 to vector<16xf32>
      %div3A_1481 = arith.divf %div3A_1480, %add3A_1478 : vector<16xf32>
      %get3A_1482 = arith.constant 0 : index
      %get3A_1483 = tpu.vector_load %arg9[%get3A_1482] {strides = array<i32>} : memref<304xf32, #tpu.memory_space<vmem>>, vector<16xf32>,
      %mul3A_1484 = arith.mulf %exp3A_1216, %div3A_1481 : vector<16xf32>
      %add3A_1485 = arith.addf %get3A_1483, %mul3A_1484 : vector<16xf32>
      %swap3A_1486 = arith.constant 0 : index
      %swap3A_1487 = tpu.vector_load %arg9[%swap3A_1486] {strides = array<i32>} : memref<304xf32, #tpu.memory_space<vmem>>, vector<16xf32>,
      tpu.vector_store %arg9[%swap3A_1486], %add3A_1485 {strides = array<i32>} : memref<304xf32, #tpu.memory_space<vmem>>, vector<16xf32>,
      %get3A_1488 = arith.constant 16 : index
      %get3A_1489 = tpu.vector_load %arg9[%get3A_1488] {strides = array<i32>} : memref<304xf32, #tpu.memory_space<vmem>>, vector<16xf32>,
      %mul3A_1490 = arith.mulf %exp3A_1221, %div3A_1481 : vector<16xf32>
      %add3A_1491 = arith.addf %get3A_1489, %mul3A_1490 : vector<16xf32>
      %swap3A_1492 = arith.constant 16 : index
      %swap3A_1493 = tpu.vector_load %arg9[%swap3A_1492] {strides = array<i32>} : memref<304xf32, #tpu.memory_space<vmem>>, vector<16xf32>,
      tpu.vector_store %arg9[%swap3A_1492], %add3A_1491 {strides = array<i32>} : memref<304xf32, #tpu.memory_space<vmem>>, vector<16xf32>,
      %get3A_1494 = arith.constant 32 : index
      %get3A_1495 = tpu.vector_load %arg9[%get3A_1494] {strides = array<i32>} : memref<304xf32, #tpu.memory_space<vmem>>, vector<16xf32>,
      %mul3A_1496 = arith.mulf %exp3A_1226, %div3A_1481 : vector<16xf32>
      %add3A_1497 = arith.addf %get3A_1495, %mul3A_1496 : vector<16xf32>
      %swap3A_1498 = arith.constant 32 : index
      %swap3A_1499 = tpu.vector_load %arg9[%swap3A_1498] {strides = array<i32>} : memref<304xf32, #tpu.memory_space<vmem>>, vector<16xf32>,
      tpu.vector_store %arg9[%swap3A_1498], %add3A_1497 {strides = array<i32>} : memref<304xf32, #tpu.memory_space<vmem>>, vector<16xf32>,
      %get3A_1500 = arith.constant 48 : index
      %get3A_1501 = tpu.vector_load %arg9[%get3A_1500] {strides = array<i32>} : memref<304xf32, #tpu.memory_space<vmem>>, vector<16xf32>,
      %mul3A_1502 = arith.mulf %exp3A_1231, %div3A_1481 : vector<16xf32>
      %add3A_1503 = arith.addf %get3A_1501, %mul3A_1502 : vector<16xf32>
      %swap3A_1504 = arith.constant 48 : index
      %swap3A_1505 = tpu.vector_load %arg9[%swap3A_1504] {strides = array<i32>} : memref<304xf32, #tpu.memory_space<vmem>>, vector<16xf32>,
      tpu.vector_store %arg9[%swap3A_1504], %add3A_1503 {strides = array<i32>} : memref<304xf32, #tpu.memory_space<vmem>>, vector<16xf32>,
      %get3A_1506 = arith.constant 64 : index
      %get3A_1507 = tpu.vector_load %arg9[%get3A_1506] {strides = array<i32>} : memref<304xf32, #tpu.memory_space<vmem>>, vector<16xf32>,
      %mul3A_1508 = arith.mulf %exp3A_1236, %div3A_1481 : vector<16xf32>
      %add3A_1509 = arith.addf %get3A_1507, %mul3A_1508 : vector<16xf32>
      %swap3A_1510 = arith.constant 64 : index
      %swap3A_1511 = tpu.vector_load %arg9[%swap3A_1510] {strides = array<i32>} : memref<304xf32, #tpu.memory_space<vmem>>, vector<16xf32>,
      tpu.vector_store %arg9[%swap3A_1510], %add3A_1509 {strides = array<i32>} : memref<304xf32, #tpu.memory_space<vmem>>, vector<16xf32>,
      %get3A_1512 = arith.constant 80 : index
      %get3A_1513 = tpu.vector_load %arg9[%get3A_1512] {strides = array<i32>} : memref<304xf32, #tpu.memory_space<vmem>>, vector<16xf32>,
      %mul3A_1514 = arith.mulf %exp3A_1241, %div3A_1481 : vector<16xf32>
      %add3A_1515 = arith.addf %get3A_1513, %mul3A_1514 : vector<16xf32>
      %swap3A_1516 = arith.constant 80 : index
      %swap3A_1517 = tpu.vector_load %arg9[%swap3A_1516] {strides = array<i32>} : memref<304xf32, #tpu.memory_space<vmem>>, vector<16xf32>,
      tpu.vector_store %arg9[%swap3A_1516], %add3A_1515 {strides = array<i32>} : memref<304xf32, #tpu.memory_space<vmem>>, vector<16xf32>,
      %get3A_1518 = arith.constant 96 : index
      %get3A_1519 = tpu.vector_load %arg9[%get3A_1518] {strides = array<i32>} : memref<304xf32, #tpu.memory_space<vmem>>, vector<16xf32>,
      %mul3A_1520 = arith.mulf %exp3A_1246, %div3A_1481 : vector<16xf32>
      %add3A_1521 = arith.addf %get3A_1519, %mul3A_1520 : vector<16xf32>
      %swap3A_1522 = arith.constant 96 : index
      %swap3A_1523 = tpu.vector_load %arg9[%swap3A_1522] {strides = array<i32>} : memref<304xf32, #tpu.memory_space<vmem>>, vector<16xf32>,
      tpu.vector_store %arg9[%swap3A_1522], %add3A_1521 {strides = array<i32>} : memref<304xf32, #tpu.memory_space<vmem>>, vector<16xf32>,
      %get3A_1524 = arith.constant 112 : index
      %get3A_1525 = tpu.vector_load %arg9[%get3A_1524] {strides = array<i32>} : memref<304xf32, #tpu.memory_space<vmem>>, vector<16xf32>,
      %mul3A_1526 = arith.mulf %exp3A_1251, %div3A_1481 : vector<16xf32>
      %add3A_1527 = arith.addf %get3A_1525, %mul3A_1526 : vector<16xf32>
      %swap3A_1528 = arith.constant 112 : index
      %swap3A_1529 = tpu.vector_load %arg9[%swap3A_1528] {strides = array<i32>} : memref<304xf32, #tpu.memory_space<vmem>>, vector<16xf32>,
      tpu.vector_store %arg9[%swap3A_1528], %add3A_1527 {strides = array<i32>} : memref<304xf32, #tpu.memory_space<vmem>>, vector<16xf32>,
      %get3A_1530 = arith.constant 128 : index
      %get3A_1531 = tpu.vector_load %arg9[%get3A_1530] {strides = array<i32>} : memref<304xf32, #tpu.memory_space<vmem>>, vector<16xf32>,
      %mul3A_1532 = arith.mulf %exp3A_1256, %div3A_1481 : vector<16xf32>
      %add3A_1533 = arith.addf %get3A_1531, %mul3A_1532 : vector<16xf32>
      %swap3A_1534 = arith.constant 128 : index
      %swap3A_1535 = tpu.vector_load %arg9[%swap3A_1534] {strides = array<i32>} : memref<304xf32, #tpu.memory_space<vmem>>, vector<16xf32>,
      tpu.vector_store %arg9[%swap3A_1534], %add3A_1533 {strides = array<i32>} : memref<304xf32, #tpu.memory_space<vmem>>, vector<16xf32>,
      %get3A_1536 = arith.constant 144 : index
      %get3A_1537 = tpu.vector_load %arg9[%get3A_1536] {strides = array<i32>} : memref<304xf32, #tpu.memory_space<vmem>>, vector<16xf32>,
      %mul3A_1538 = arith.mulf %exp3A_1261, %div3A_1481 : vector<16xf32>
      %add3A_1539 = arith.addf %get3A_1537, %mul3A_1538 : vector<16xf32>
      %swap3A_1540 = arith.constant 144 : index
      %swap3A_1541 = tpu.vector_load %arg9[%swap3A_1540] {strides = array<i32>} : memref<304xf32, #tpu.memory_space<vmem>>, vector<16xf32>,
      tpu.vector_store %arg9[%swap3A_1540], %add3A_1539 {strides = array<i32>} : memref<304xf32, #tpu.memory_space<vmem>>, vector<16xf32>,
      %get3A_1542 = arith.constant 160 : index
      %get3A_1543 = tpu.vector_load %arg9[%get3A_1542] {strides = array<i32>} : memref<304xf32, #tpu.memory_space<vmem>>, vector<16xf32>,
      %mul3A_1544 = arith.mulf %exp3A_1266, %div3A_1481 : vector<16xf32>
      %add3A_1545 = arith.addf %get3A_1543, %mul3A_1544 : vector<16xf32>
      %swap3A_1546 = arith.constant 160 : index
      %swap3A_1547 = tpu.vector_load %arg9[%swap3A_1546] {strides = array<i32>} : memref<304xf32, #tpu.memory_space<vmem>>, vector<16xf32>,
      tpu.vector_store %arg9[%swap3A_1546], %add3A_1545 {strides = array<i32>} : memref<304xf32, #tpu.memory_space<vmem>>, vector<16xf32>,
      %get3A_1548 = arith.constant 176 : index
      %get3A_1549 = tpu.vector_load %arg9[%get3A_1548] {strides = array<i32>} : memref<304xf32, #tpu.memory_space<vmem>>, vector<16xf32>,
      %mul3A_1550 = arith.mulf %exp3A_1271, %div3A_1481 : vector<16xf32>
      %add3A_1551 = arith.addf %get3A_1549, %mul3A_1550 : vector<16xf32>
      %swap3A_1552 = arith.constant 176 : index
      %swap3A_1553 = tpu.vector_load %arg9[%swap3A_1552] {strides = array<i32>} : memref<304xf32, #tpu.memory_space<vmem>>, vector<16xf32>,
      tpu.vector_store %arg9[%swap3A_1552], %add3A_1551 {strides = array<i32>} : memref<304xf32, #tpu.memory_space<vmem>>, vector<16xf32>,
      %get3A_1554 = arith.constant 192 : index
      %get3A_1555 = tpu.vector_load %arg9[%get3A_1554] {strides = array<i32>} : memref<304xf32, #tpu.memory_space<vmem>>, vector<16xf32>,
      %mul3A_1556 = arith.mulf %exp3A_1276, %div3A_1481 : vector<16xf32>
      %add3A_1557 = arith.addf %get3A_1555, %mul3A_1556 : vector<16xf32>
      %swap3A_1558 = arith.constant 192 : index
      %swap3A_1559 = tpu.vector_load %arg9[%swap3A_1558] {strides = array<i32>} : memref<304xf32, #tpu.memory_space<vmem>>, vector<16xf32>,
      tpu.vector_store %arg9[%swap3A_1558], %add3A_1557 {strides = array<i32>} : memref<304xf32, #tpu.memory_space<vmem>>, vector<16xf32>,
      %get3A_1560 = arith.constant 208 : index
      %get3A_1561 = tpu.vector_load %arg9[%get3A_1560] {strides = array<i32>} : memref<304xf32, #tpu.memory_space<vmem>>, vector<16xf32>,
      %mul3A_1562 = arith.mulf %exp3A_1281, %div3A_1481 : vector<16xf32>
      %add3A_1563 = arith.addf %get3A_1561, %mul3A_1562 : vector<16xf32>
      %swap3A_1564 = arith.constant 208 : index
      %swap3A_1565 = tpu.vector_load %arg9[%swap3A_1564] {strides = array<i32>} : memref<304xf32, #tpu.memory_space<vmem>>, vector<16xf32>,
      tpu.vector_store %arg9[%swap3A_1564], %add3A_1563 {strides = array<i32>} : memref<304xf32, #tpu.memory_space<vmem>>, vector<16xf32>,
      %get3A_1566 = arith.constant 224 : index
      %get3A_1567 = tpu.vector_load %arg9[%get3A_1566] {strides = array<i32>} : memref<304xf32, #tpu.memory_space<vmem>>, vector<16xf32>,
      %mul3A_1568 = arith.mulf %exp3A_1286, %div3A_1481 : vector<16xf32>
      %add3A_1569 = arith.addf %get3A_1567, %mul3A_1568 : vector<16xf32>
      %swap3A_1570 = arith.constant 224 : index
      %swap3A_1571 = tpu.vector_load %arg9[%swap3A_1570] {strides = array<i32>} : memref<304xf32, #tpu.memory_space<vmem>>, vector<16xf32>,
      tpu.vector_store %arg9[%swap3A_1570], %add3A_1569 {strides = array<i32>} : memref<304xf32, #tpu.memory_space<vmem>>, vector<16xf32>,
      %get3A_1572 = arith.constant 240 : index
      %get3A_1573 = tpu.vector_load %arg9[%get3A_1572] {strides = array<i32>} : memref<304xf32, #tpu.memory_space<vmem>>, vector<16xf32>,
      %mul3A_1574 = arith.mulf %exp3A_1291, %div3A_1481 : vector<16xf32>
      %add3A_1575 = arith.addf %get3A_1573, %mul3A_1574 : vector<16xf32>
      %swap3A_1576 = arith.constant 240 : index
      %swap3A_1577 = tpu.vector_load %arg9[%swap3A_1576] {strides = array<i32>} : memref<304xf32, #tpu.memory_space<vmem>>, vector<16xf32>,
      tpu.vector_store %arg9[%swap3A_1576], %add3A_1575 {strides = array<i32>} : memref<304xf32, #tpu.memory_space<vmem>>, vector<16xf32>,
      %get3A_1578 = arith.constant 256 : index
      %get3A_1579 = tpu.vector_load %arg9[%get3A_1578] {strides = array<i32>} : memref<304xf32, #tpu.memory_space<vmem>>, vector<16xf32>,
      %mul3A_1580 = arith.mulf %exp3A_1296, %div3A_1481 : vector<16xf32>
      %add3A_1581 = arith.addf %get3A_1579, %mul3A_1580 : vector<16xf32>
      %swap3A_1582 = arith.constant 256 : index
      %swap3A_1583 = tpu.vector_load %arg9[%swap3A_1582] {strides = array<i32>} : memref<304xf32, #tpu.memory_space<vmem>>, vector<16xf32>,
      tpu.vector_store %arg9[%swap3A_1582], %add3A_1581 {strides = array<i32>} : memref<304xf32, #tpu.memory_space<vmem>>, vector<16xf32>,
      %get3A_1584 = arith.constant 272 : index
      %get3A_1585 = tpu.vector_load %arg9[%get3A_1584] {strides = array<i32>} : memref<304xf32, #tpu.memory_space<vmem>>, vector<16xf32>,
      %mul3A_1586 = arith.mulf %exp3A_1301, %div3A_1481 : vector<16xf32>
      %add3A_1587 = arith.addf %get3A_1585, %mul3A_1586 : vector<16xf32>
      %swap3A_1588 = arith.constant 272 : index
      %swap3A_1589 = tpu.vector_load %arg9[%swap3A_1588] {strides = array<i32>} : memref<304xf32, #tpu.memory_space<vmem>>, vector<16xf32>,
      tpu.vector_store %arg9[%swap3A_1588], %add3A_1587 {strides = array<i32>} : memref<304xf32, #tpu.memory_space<vmem>>, vector<16xf32>,
      %get3A_1590 = arith.constant 288 : index
      %get3A_1591 = tpu.vector_load %arg9[%get3A_1590] {strides = array<i32>} : memref<304xf32, #tpu.memory_space<vmem>>, vector<16xf32>,
      %mul3A_1592 = arith.mulf %exp3A_1306, %div3A_1481 : vector<16xf32>
      %add3A_1593 = arith.addf %get3A_1591, %mul3A_1592 : vector<16xf32>
      %swap3A_1594 = arith.constant 288 : index
      %swap3A_1595 = tpu.vector_load %arg9[%swap3A_1594] {strides = array<i32>} : memref<304xf32, #tpu.memory_space<vmem>>, vector<16xf32>,
      tpu.vector_store %arg9[%swap3A_1594], %add3A_1593 {strides = array<i32>} : memref<304xf32, #tpu.memory_space<vmem>>, vector<16xf32>,
      %exp3A_1596 = math.exp %gather3A_1315 : vector<16xf32>
      %mul3A_1597 = arith.mulf %exp3A_1596, %div3A_1481 : vector<16xf32>
      %mul3A_1598 = arith.constant 16 : i32
      %mul3A_1599 = vector.broadcast %mul3A_1598 : i32 to vector<16xi32>
      %mul3A_1600 = arith.muli %get3A_1310, %mul3A_1599 : vector<16xi32>
      %add3A_1601 = arith.addi %mul3A_1600, %iota3A : vector<16xi32>
      tpu.vector_store_idx %arg10[%add3A_1601], %broadcast_in_dim3A_127 {add = true} : memref<304xf32, #tpu.memory_space<vmem>>[vector<16xi32>], vector<16xf32>,
      %mul3A_1602 = arith.constant 2.000000e+00 : f32
      %mul3A_1603 = vector.broadcast %mul3A_1602 : f32 to vector<16xf32>
      %mul3A_1604 = arith.mulf %mul3A_1603, %mul3A_1597 : vector<16xf32>
      %sub3A_1605 = arith.constant 1.000000e+00 : f32
      %sub3A_1606 = vector.broadcast %sub3A_1605 : f32 to vector<16xf32>
      %sub3A_1607 = arith.subf %sub3A_1606, %mul3A_1604 : vector<16xf32>
      tpu.vector_store_idx %arg11[%add3A_1601], %sub3A_1607 {add = true} : memref<304xf32, #tpu.memory_space<vmem>>[vector<16xi32>], vector<16xf32>,
    }
    %scan3A_167 = arith.constant 64 : i32
    %dma_wait3A_168 = arith.constant 0 : i32
    %dma_wait3A_169 = tpu.memref_slice %arg2[%dma_wait3A_168, %add3A_155] : memref<19x524288xf32, #tpu.memory_space<hbm>> -> memref<19x2048xf32, #tpu.memory_space<hbm>>
    %dma_wait3A_170 = arith.constant 0 : i32
    %dma_wait3A_171 = tpu.memref_slice %arg2[%dma_wait3A_170, %add3A_155] : memref<19x524288xf32, #tpu.memory_space<hbm>> -> memref<19x2048xf32, #tpu.memory_space<hbm>>
    tpu.wait_dma2 semaphore(%arg12 : memref<!tpu.dma_semaphore, #tpu.memory_space<semaphore_mem>>) src(%dma_wait3A_171 : memref<19x2048xf32, #tpu.memory_space<hbm>>) dst(%arg5 : memref<19x2048xf32, #tpu.memory_space<vmem>>)
    %dma_wait3A_172 = tpu.memref_slice %arg3[%add3A_155] : memref<524288xi32, #tpu.memory_space<hbm>> -> memref<2048xi32, #tpu.memory_space<hbm>>
    %dma_wait3A_173 = tpu.memref_slice %arg3[%add3A_155] : memref<524288xi32, #tpu.memory_space<hbm>> -> memref<2048xi32, #tpu.memory_space<hbm>>
    tpu.wait_dma2 semaphore(%arg14 : memref<!tpu.dma_semaphore, #tpu.memory_space<semaphore_mem>>) src(%dma_wait3A_173 : memref<2048xi32, #tpu.memory_space<hbm>>) dst(%arg7 : memref<2048xi32, #tpu.memory_space<vmem>>)
    %add3A_174 = arith.constant 6144 : i32
    %add3A_175 = arith.addi %add3A_118, %add3A_174 : i32
    %dma_start3A_176 = arith.constant 0 : i32
    %dma_start3A_177 = tpu.memref_slice %arg2[%dma_start3A_176, %add3A_175] : memref<19x524288xf32, #tpu.memory_space<hbm>> -> memref<19x2048xf32, #tpu.memory_space<hbm>>
    %dma_start3A_178 = arith.constant 0 : i32
    %dma_start3A_179 = tpu.memref_slice %arg2[%dma_start3A_178, %add3A_175] : memref<19x524288xf32, #tpu.memory_space<hbm>> -> memref<19x2048xf32, #tpu.memory_space<hbm>>
    tpu.enqueue_dma source(%dma_start3A_179 : memref<19x2048xf32, #tpu.memory_space<hbm>>) target(%arg6 : memref<19x2048xf32, #tpu.memory_space<vmem>>) target_semaphore(%arg13 : memref<!tpu.dma_semaphore, #tpu.memory_space<semaphore_mem>>)
    %dma_start3A_180 = tpu.memref_slice %arg3[%add3A_175] : memref<524288xi32, #tpu.memory_space<hbm>> -> memref<2048xi32, #tpu.memory_space<hbm>>
    %dma_start3A_181 = tpu.memref_slice %arg3[%add3A_175] : memref<524288xi32, #tpu.memory_space<hbm>> -> memref<2048xi32, #tpu.memory_space<hbm>>
    tpu.enqueue_dma source(%dma_start3A_181 : memref<2048xi32, #tpu.memory_space<hbm>>) target(%arg8 : memref<2048xi32, #tpu.memory_space<vmem>>) target_semaphore(%arg15 : memref<!tpu.dma_semaphore, #tpu.memory_space<semaphore_mem>>)
    %scan3A_182 = arith.constant 0 : i32
    %scan3A_183 = arith.constant 0 : i32
    %scan3A_184 = arith.constant 64 : i32
    %scan3A_185 = arith.addi %scan3A_183, %scan3A_184 : i32
    %scan3A_186 = arith.constant 1 : i32
    scf.for %scan3A_1112 = %scan3A_183 to %scan3A_185 step %scan3A_186  : i32 {
      %mul3A_1113 = arith.constant 32 : i32
      %mul3A_1114 = arith.muli %scan3A_1112, %mul3A_1113 : i32
      %mul3A_1115 = arith.constant 32 : i32
      %mul3A_1116 = arith.muli %scan3A_1112, %mul3A_1115 : i32
      %add3A_1117 = arith.constant 16 : i32
      %add3A_1118 = arith.addi %mul3A_1116, %add3A_1117 : i32
      %get3A = arith.constant 0 : i32
      %get3A_1119 = arith.index_cast %get3A : i32 to index
      %get3A_1120 = arith.index_cast %mul3A_1114 : i32 to index
      %get3A_1121 = tpu.vector_load %arg5[%get3A_1119, %get3A_1120] {strides = array<i32>} : memref<19x2048xf32, #tpu.memory_space<vmem>>, vector<16xf32>,
      %exp3A = math.exp %get3A_1121 : vector<16xf32>
      %get3A_1122 = arith.constant 1 : i32
      %get3A_1123 = arith.index_cast %get3A_1122 : i32 to index
      %get3A_1124 = arith.index_cast %mul3A_1114 : i32 to index
      %get3A_1125 = tpu.vector_load %arg5[%get3A_1123, %get3A_1124] {strides = array<i32>} : memref<19x2048xf32, #tpu.memory_space<vmem>>, vector<16xf32>,
      %exp3A_1126 = math.exp %get3A_1125 : vector<16xf32>
      %get3A_1127 = arith.constant 2 : i32
      %get3A_1128 = arith.index_cast %get3A_1127 : i32 to index
      %get3A_1129 = arith.index_cast %mul3A_1114 : i32 to index
      %get3A_1130 = tpu.vector_load %arg5[%get3A_1128, %get3A_1129] {strides = array<i32>} : memref<19x2048xf32, #tpu.memory_space<vmem>>, vector<16xf32>,
      %exp3A_1131 = math.exp %get3A_1130 : vector<16xf32>
      %get3A_1132 = arith.constant 3 : i32
      %get3A_1133 = arith.index_cast %get3A_1132 : i32 to index
      %get3A_1134 = arith.index_cast %mul3A_1114 : i32 to index
      %get3A_1135 = tpu.vector_load %arg5[%get3A_1133, %get3A_1134] {strides = array<i32>} : memref<19x2048xf32, #tpu.memory_space<vmem>>, vector<16xf32>,
      %exp3A_1136 = math.exp %get3A_1135 : vector<16xf32>
      %get3A_1137 = arith.constant 4 : i32
      %get3A_1138 = arith.index_cast %get3A_1137 : i32 to index
      %get3A_1139 = arith.index_cast %mul3A_1114 : i32 to index
      %get3A_1140 = tpu.vector_load %arg5[%get3A_1138, %get3A_1139] {strides = array<i32>} : memref<19x2048xf32, #tpu.memory_space<vmem>>, vector<16xf32>,
      %exp3A_1141 = math.exp %get3A_1140 : vector<16xf32>
      %get3A_1142 = arith.constant 5 : i32
      %get3A_1143 = arith.index_cast %get3A_1142 : i32 to index
      %get3A_1144 = arith.index_cast %mul3A_1114 : i32 to index
      %get3A_1145 = tpu.vector_load %arg5[%get3A_1143, %get3A_1144] {strides = array<i32>} : memref<19x2048xf32, #tpu.memory_space<vmem>>, vector<16xf32>,
      %exp3A_1146 = math.exp %get3A_1145 : vector<16xf32>
      %get3A_1147 = arith.constant 6 : i32
      %get3A_1148 = arith.index_cast %get3A_1147 : i32 to index
      %get3A_1149 = arith.index_cast %mul3A_1114 : i32 to index
      %get3A_1150 = tpu.vector_load %arg5[%get3A_1148, %get3A_1149] {strides = array<i32>} : memref<19x2048xf32, #tpu.memory_space<vmem>>, vector<16xf32>,
      %exp3A_1151 = math.exp %get3A_1150 : vector<16xf32>
      %get3A_1152 = arith.constant 7 : i32
      %get3A_1153 = arith.index_cast %get3A_1152 : i32 to index
      %get3A_1154 = arith.index_cast %mul3A_1114 : i32 to index
      %get3A_1155 = tpu.vector_load %arg5[%get3A_1153, %get3A_1154] {strides = array<i32>} : memref<19x2048xf32, #tpu.memory_space<vmem>>, vector<16xf32>,
      %exp3A_1156 = math.exp %get3A_1155 : vector<16xf32>
      %get3A_1157 = arith.constant 8 : i32
      %get3A_1158 = arith.index_cast %get3A_1157 : i32 to index
      %get3A_1159 = arith.index_cast %mul3A_1114 : i32 to index
      %get3A_1160 = tpu.vector_load %arg5[%get3A_1158, %get3A_1159] {strides = array<i32>} : memref<19x2048xf32, #tpu.memory_space<vmem>>, vector<16xf32>,
      %exp3A_1161 = math.exp %get3A_1160 : vector<16xf32>
      %get3A_1162 = arith.constant 9 : i32
      %get3A_1163 = arith.index_cast %get3A_1162 : i32 to index
      %get3A_1164 = arith.index_cast %mul3A_1114 : i32 to index
      %get3A_1165 = tpu.vector_load %arg5[%get3A_1163, %get3A_1164] {strides = array<i32>} : memref<19x2048xf32, #tpu.memory_space<vmem>>, vector<16xf32>,
      %exp3A_1166 = math.exp %get3A_1165 : vector<16xf32>
      %get3A_1167 = arith.constant 10 : i32
      %get3A_1168 = arith.index_cast %get3A_1167 : i32 to index
      %get3A_1169 = arith.index_cast %mul3A_1114 : i32 to index
      %get3A_1170 = tpu.vector_load %arg5[%get3A_1168, %get3A_1169] {strides = array<i32>} : memref<19x2048xf32, #tpu.memory_space<vmem>>, vector<16xf32>,
      %exp3A_1171 = math.exp %get3A_1170 : vector<16xf32>
      %get3A_1172 = arith.constant 11 : i32
      %get3A_1173 = arith.index_cast %get3A_1172 : i32 to index
      %get3A_1174 = arith.index_cast %mul3A_1114 : i32 to index
      %get3A_1175 = tpu.vector_load %arg5[%get3A_1173, %get3A_1174] {strides = array<i32>} : memref<19x2048xf32, #tpu.memory_space<vmem>>, vector<16xf32>,
      %exp3A_1176 = math.exp %get3A_1175 : vector<16xf32>
      %get3A_1177 = arith.constant 12 : i32
      %get3A_1178 = arith.index_cast %get3A_1177 : i32 to index
      %get3A_1179 = arith.index_cast %mul3A_1114 : i32 to index
      %get3A_1180 = tpu.vector_load %arg5[%get3A_1178, %get3A_1179] {strides = array<i32>} : memref<19x2048xf32, #tpu.memory_space<vmem>>, vector<16xf32>,
      %exp3A_1181 = math.exp %get3A_1180 : vector<16xf32>
      %get3A_1182 = arith.constant 13 : i32
      %get3A_1183 = arith.index_cast %get3A_1182 : i32 to index
      %get3A_1184 = arith.index_cast %mul3A_1114 : i32 to index
      %get3A_1185 = tpu.vector_load %arg5[%get3A_1183, %get3A_1184] {strides = array<i32>} : memref<19x2048xf32, #tpu.memory_space<vmem>>, vector<16xf32>,
      %exp3A_1186 = math.exp %get3A_1185 : vector<16xf32>
      %get3A_1187 = arith.constant 14 : i32
      %get3A_1188 = arith.index_cast %get3A_1187 : i32 to index
      %get3A_1189 = arith.index_cast %mul3A_1114 : i32 to index
      %get3A_1190 = tpu.vector_load %arg5[%get3A_1188, %get3A_1189] {strides = array<i32>} : memref<19x2048xf32, #tpu.memory_space<vmem>>, vector<16xf32>,
      %exp3A_1191 = math.exp %get3A_1190 : vector<16xf32>
      %get3A_1192 = arith.constant 15 : i32
      %get3A_1193 = arith.index_cast %get3A_1192 : i32 to index
      %get3A_1194 = arith.index_cast %mul3A_1114 : i32 to index
      %get3A_1195 = tpu.vector_load %arg5[%get3A_1193, %get3A_1194] {strides = array<i32>} : memref<19x2048xf32, #tpu.memory_space<vmem>>, vector<16xf32>,
      %exp3A_1196 = math.exp %get3A_1195 : vector<16xf32>
      %get3A_1197 = arith.constant 16 : i32
      %get3A_1198 = arith.index_cast %get3A_1197 : i32 to index
      %get3A_1199 = arith.index_cast %mul3A_1114 : i32 to index
      %get3A_1200 = tpu.vector_load %arg5[%get3A_1198, %get3A_1199] {strides = array<i32>} : memref<19x2048xf32, #tpu.memory_space<vmem>>, vector<16xf32>,
      %exp3A_1201 = math.exp %get3A_1200 : vector<16xf32>
      %get3A_1202 = arith.constant 17 : i32
      %get3A_1203 = arith.index_cast %get3A_1202 : i32 to index
      %get3A_1204 = arith.index_cast %mul3A_1114 : i32 to index
      %get3A_1205 = tpu.vector_load %arg5[%get3A_1203, %get3A_1204] {strides = array<i32>} : memref<19x2048xf32, #tpu.memory_space<vmem>>, vector<16xf32>,
      %exp3A_1206 = math.exp %get3A_1205 : vector<16xf32>
      %get3A_1207 = arith.constant 18 : i32
      %get3A_1208 = arith.index_cast %get3A_1207 : i32 to index
      %get3A_1209 = arith.index_cast %mul3A_1114 : i32 to index
      %get3A_1210 = tpu.vector_load %arg5[%get3A_1208, %get3A_1209] {strides = array<i32>} : memref<19x2048xf32, #tpu.memory_space<vmem>>, vector<16xf32>,
      %exp3A_1211 = math.exp %get3A_1210 : vector<16xf32>
      %get3A_1212 = arith.constant 0 : i32
      %get3A_1213 = arith.index_cast %get3A_1212 : i32 to index
      %get3A_1214 = arith.index_cast %add3A_1118 : i32 to index
      %get3A_1215 = tpu.vector_load %arg5[%get3A_1213, %get3A_1214] {strides = array<i32>} : memref<19x2048xf32, #tpu.memory_space<vmem>>, vector<16xf32>,
      %exp3A_1216 = math.exp %get3A_1215 : vector<16xf32>
      %get3A_1217 = arith.constant 1 : i32
      %get3A_1218 = arith.index_cast %get3A_1217 : i32 to index
      %get3A_1219 = arith.index_cast %add3A_1118 : i32 to index
      %get3A_1220 = tpu.vector_load %arg5[%get3A_1218, %get3A_1219] {strides = array<i32>} : memref<19x2048xf32, #tpu.memory_space<vmem>>, vector<16xf32>,
      %exp3A_1221 = math.exp %get3A_1220 : vector<16xf32>
      %get3A_1222 = arith.constant 2 : i32
      %get3A_1223 = arith.index_cast %get3A_1222 : i32 to index
      %get3A_1224 = arith.index_cast %add3A_1118 : i32 to index
      %get3A_1225 = tpu.vector_load %arg5[%get3A_1223, %get3A_1224] {strides = array<i32>} : memref<19x2048xf32, #tpu.memory_space<vmem>>, vector<16xf32>,
      %exp3A_1226 = math.exp %get3A_1225 : vector<16xf32>
      %get3A_1227 = arith.constant 3 : i32
      %get3A_1228 = arith.index_cast %get3A_1227 : i32 to index
      %get3A_1229 = arith.index_cast %add3A_1118 : i32 to index
      %get3A_1230 = tpu.vector_load %arg5[%get3A_1228, %get3A_1229] {strides = array<i32>} : memref<19x2048xf32, #tpu.memory_space<vmem>>, vector<16xf32>,
      %exp3A_1231 = math.exp %get3A_1230 : vector<16xf32>
      %get3A_1232 = arith.constant 4 : i32
      %get3A_1233 = arith.index_cast %get3A_1232 : i32 to index
      %get3A_1234 = arith.index_cast %add3A_1118 : i32 to index
      %get3A_1235 = tpu.vector_load %arg5[%get3A_1233, %get3A_1234] {strides = array<i32>} : memref<19x2048xf32, #tpu.memory_space<vmem>>, vector<16xf32>,
      %exp3A_1236 = math.exp %get3A_1235 : vector<16xf32>
      %get3A_1237 = arith.constant 5 : i32
      %get3A_1238 = arith.index_cast %get3A_1237 : i32 to index
      %get3A_1239 = arith.index_cast %add3A_1118 : i32 to index
      %get3A_1240 = tpu.vector_load %arg5[%get3A_1238, %get3A_1239] {strides = array<i32>} : memref<19x2048xf32, #tpu.memory_space<vmem>>, vector<16xf32>,
      %exp3A_1241 = math.exp %get3A_1240 : vector<16xf32>
      %get3A_1242 = arith.constant 6 : i32
      %get3A_1243 = arith.index_cast %get3A_1242 : i32 to index
      %get3A_1244 = arith.index_cast %add3A_1118 : i32 to index
      %get3A_1245 = tpu.vector_load %arg5[%get3A_1243, %get3A_1244] {strides = array<i32>} : memref<19x2048xf32, #tpu.memory_space<vmem>>, vector<16xf32>,
      %exp3A_1246 = math.exp %get3A_1245 : vector<16xf32>
      %get3A_1247 = arith.constant 7 : i32
      %get3A_1248 = arith.index_cast %get3A_1247 : i32 to index
      %get3A_1249 = arith.index_cast %add3A_1118 : i32 to index
      %get3A_1250 = tpu.vector_load %arg5[%get3A_1248, %get3A_1249] {strides = array<i32>} : memref<19x2048xf32, #tpu.memory_space<vmem>>, vector<16xf32>,
      %exp3A_1251 = math.exp %get3A_1250 : vector<16xf32>
      %get3A_1252 = arith.constant 8 : i32
      %get3A_1253 = arith.index_cast %get3A_1252 : i32 to index
      %get3A_1254 = arith.index_cast %add3A_1118 : i32 to index
      %get3A_1255 = tpu.vector_load %arg5[%get3A_1253, %get3A_1254] {strides = array<i32>} : memref<19x2048xf32, #tpu.memory_space<vmem>>, vector<16xf32>,
      %exp3A_1256 = math.exp %get3A_1255 : vector<16xf32>
      %get3A_1257 = arith.constant 9 : i32
      %get3A_1258 = arith.index_cast %get3A_1257 : i32 to index
      %get3A_1259 = arith.index_cast %add3A_1118 : i32 to index
      %get3A_1260 = tpu.vector_load %arg5[%get3A_1258, %get3A_1259] {strides = array<i32>} : memref<19x2048xf32, #tpu.memory_space<vmem>>, vector<16xf32>,
      %exp3A_1261 = math.exp %get3A_1260 : vector<16xf32>
      %get3A_1262 = arith.constant 10 : i32
      %get3A_1263 = arith.index_cast %get3A_1262 : i32 to index
      %get3A_1264 = arith.index_cast %add3A_1118 : i32 to index
      %get3A_1265 = tpu.vector_load %arg5[%get3A_1263, %get3A_1264] {strides = array<i32>} : memref<19x2048xf32, #tpu.memory_space<vmem>>, vector<16xf32>,
      %exp3A_1266 = math.exp %get3A_1265 : vector<16xf32>
      %get3A_1267 = arith.constant 11 : i32
      %get3A_1268 = arith.index_cast %get3A_1267 : i32 to index
      %get3A_1269 = arith.index_cast %add3A_1118 : i32 to index
      %get3A_1270 = tpu.vector_load %arg5[%get3A_1268, %get3A_1269] {strides = array<i32>} : memref<19x2048xf32, #tpu.memory_space<vmem>>, vector<16xf32>,
      %exp3A_1271 = math.exp %get3A_1270 : vector<16xf32>
      %get3A_1272 = arith.constant 12 : i32
      %get3A_1273 = arith.index_cast %get3A_1272 : i32 to index
      %get3A_1274 = arith.index_cast %add3A_1118 : i32 to index
      %get3A_1275 = tpu.vector_load %arg5[%get3A_1273, %get3A_1274] {strides = array<i32>} : memref<19x2048xf32, #tpu.memory_space<vmem>>, vector<16xf32>,
      %exp3A_1276 = math.exp %get3A_1275 : vector<16xf32>
      %get3A_1277 = arith.constant 13 : i32
      %get3A_1278 = arith.index_cast %get3A_1277 : i32 to index
      %get3A_1279 = arith.index_cast %add3A_1118 : i32 to index
      %get3A_1280 = tpu.vector_load %arg5[%get3A_1278, %get3A_1279] {strides = array<i32>} : memref<19x2048xf32, #tpu.memory_space<vmem>>, vector<16xf32>,
      %exp3A_1281 = math.exp %get3A_1280 : vector<16xf32>
      %get3A_1282 = arith.constant 14 : i32
      %get3A_1283 = arith.index_cast %get3A_1282 : i32 to index
      %get3A_1284 = arith.index_cast %add3A_1118 : i32 to index
      %get3A_1285 = tpu.vector_load %arg5[%get3A_1283, %get3A_1284] {strides = array<i32>} : memref<19x2048xf32, #tpu.memory_space<vmem>>, vector<16xf32>,
      %exp3A_1286 = math.exp %get3A_1285 : vector<16xf32>
      %get3A_1287 = arith.constant 15 : i32
      %get3A_1288 = arith.index_cast %get3A_1287 : i32 to index
      %get3A_1289 = arith.index_cast %add3A_1118 : i32 to index
      %get3A_1290 = tpu.vector_load %arg5[%get3A_1288, %get3A_1289] {strides = array<i32>} : memref<19x2048xf32, #tpu.memory_space<vmem>>, vector<16xf32>,
      %exp3A_1291 = math.exp %get3A_1290 : vector<16xf32>
      %get3A_1292 = arith.constant 16 : i32
      %get3A_1293 = arith.index_cast %get3A_1292 : i32 to index
      %get3A_1294 = arith.index_cast %add3A_1118 : i32 to index
      %get3A_1295 = tpu.vector_load %arg5[%get3A_1293, %get3A_1294] {strides = array<i32>} : memref<19x2048xf32, #tpu.memory_space<vmem>>, vector<16xf32>,
      %exp3A_1296 = math.exp %get3A_1295 : vector<16xf32>
      %get3A_1297 = arith.constant 17 : i32
      %get3A_1298 = arith.index_cast %get3A_1297 : i32 to index
      %get3A_1299 = arith.index_cast %add3A_1118 : i32 to index
      %get3A_1300 = tpu.vector_load %arg5[%get3A_1298, %get3A_1299] {strides = array<i32>} : memref<19x2048xf32, #tpu.memory_space<vmem>>, vector<16xf32>,
      %exp3A_1301 = math.exp %get3A_1300 : vector<16xf32>
      %get3A_1302 = arith.constant 18 : i32
      %get3A_1303 = arith.index_cast %get3A_1302 : i32 to index
      %get3A_1304 = arith.index_cast %add3A_1118 : i32 to index
      %get3A_1305 = tpu.vector_load %arg5[%get3A_1303, %get3A_1304] {strides = array<i32>} : memref<19x2048xf32, #tpu.memory_space<vmem>>, vector<16xf32>,
      %exp3A_1306 = math.exp %get3A_1305 : vector<16xf32>
      %get3A_1307 = arith.index_cast %mul3A_1114 : i32 to index
      %get3A_1308 = tpu.vector_load %arg7[%get3A_1307] {strides = array<i32>} : memref<2048xi32, #tpu.memory_space<vmem>>, vector<16xi32>,
      %get3A_1309 = arith.index_cast %add3A_1118 : i32 to index
      %get3A_1310 = tpu.vector_load %arg7[%get3A_1309] {strides = array<i32>} : memref<2048xi32, #tpu.memory_space<vmem>>, vector<16xi32>,
      %add3A_1311 = vector.broadcast %mul3A_1114 : i32 to vector<16xi32>
      %add3A_1312 = arith.addi %add3A_1311, %iota3A : vector<16xi32>
      %gather3A = tpu.vector_load_idx %arg5[%get3A_1308, %add3A_1312] : memref<19x2048xf32, #tpu.memory_space<vmem>>[vector<16xi32>, vector<16xi32>], vector<16xf32>,
      %add3A_1313 = vector.broadcast %add3A_1118 : i32 to vector<16xi32>
      %add3A_1314 = arith.addi %add3A_1313, %iota3A : vector<16xi32>
      %gather3A_1315 = tpu.vector_load_idx %arg5[%get3A_1310, %add3A_1314] : memref<19x2048xf32, #tpu.memory_space<vmem>>[vector<16xi32>, vector<16xi32>], vector<16xf32>,
      %add3A_1316 = arith.addf %exp3A, %exp3A_1126 : vector<16xf32>
      %add3A_1317 = arith.addf %exp3A_1131, %exp3A_1136 : vector<16xf32>
      %add3A_1318 = arith.addf %exp3A_1141, %exp3A_1146 : vector<16xf32>
      %add3A_1319 = arith.addf %exp3A_1151, %exp3A_1156 : vector<16xf32>
      %add3A_1320 = arith.addf %exp3A_1161, %exp3A_1166 : vector<16xf32>
      %add3A_1321 = arith.addf %exp3A_1171, %exp3A_1176 : vector<16xf32>
      %add3A_1322 = arith.addf %exp3A_1181, %exp3A_1186 : vector<16xf32>
      %add3A_1323 = arith.addf %exp3A_1191, %exp3A_1196 : vector<16xf32>
      %add3A_1324 = arith.addf %exp3A_1201, %exp3A_1206 : vector<16xf32>
      %add3A_1325 = arith.addf %add3A_1316, %add3A_1317 : vector<16xf32>
      %add3A_1326 = arith.addf %add3A_1318, %add3A_1319 : vector<16xf32>
      %add3A_1327 = arith.addf %add3A_1320, %add3A_1321 : vector<16xf32>
      %add3A_1328 = arith.addf %add3A_1322, %add3A_1323 : vector<16xf32>
      %add3A_1329 = arith.addf %add3A_1324, %exp3A_1211 : vector<16xf32>
      %add3A_1330 = arith.addf %add3A_1325, %add3A_1326 : vector<16xf32>
      %add3A_1331 = arith.addf %add3A_1327, %add3A_1328 : vector<16xf32>
      %add3A_1332 = arith.addf %add3A_1330, %add3A_1331 : vector<16xf32>
      %add3A_1333 = arith.addf %add3A_1332, %add3A_1329 : vector<16xf32>
      %div3A = arith.constant 1.000000e+00 : f32
      %div3A_1334 = vector.broadcast %div3A : f32 to vector<16xf32>
      %div3A_1335 = arith.divf %div3A_1334, %add3A_1333 : vector<16xf32>
      %get3A_1336 = arith.constant 0 : index
      %get3A_1337 = tpu.vector_load %arg9[%get3A_1336] {strides = array<i32>} : memref<304xf32, #tpu.memory_space<vmem>>, vector<16xf32>,
      %mul3A_1338 = arith.mulf %exp3A, %div3A_1335 : vector<16xf32>
      %add3A_1339 = arith.addf %get3A_1337, %mul3A_1338 : vector<16xf32>
      %swap3A_1340 = arith.constant 0 : index
      %swap3A_1341 = tpu.vector_load %arg9[%swap3A_1340] {strides = array<i32>} : memref<304xf32, #tpu.memory_space<vmem>>, vector<16xf32>,
      tpu.vector_store %arg9[%swap3A_1340], %add3A_1339 {strides = array<i32>} : memref<304xf32, #tpu.memory_space<vmem>>, vector<16xf32>,
      %get3A_1342 = arith.constant 16 : index
      %get3A_1343 = tpu.vector_load %arg9[%get3A_1342] {strides = array<i32>} : memref<304xf32, #tpu.memory_space<vmem>>, vector<16xf32>,
      %mul3A_1344 = arith.mulf %exp3A_1126, %div3A_1335 : vector<16xf32>
      %add3A_1345 = arith.addf %get3A_1343, %mul3A_1344 : vector<16xf32>
      %swap3A_1346 = arith.constant 16 : index
      %swap3A_1347 = tpu.vector_load %arg9[%swap3A_1346] {strides = array<i32>} : memref<304xf32, #tpu.memory_space<vmem>>, vector<16xf32>,
      tpu.vector_store %arg9[%swap3A_1346], %add3A_1345 {strides = array<i32>} : memref<304xf32, #tpu.memory_space<vmem>>, vector<16xf32>,
      %get3A_1348 = arith.constant 32 : index
      %get3A_1349 = tpu.vector_load %arg9[%get3A_1348] {strides = array<i32>} : memref<304xf32, #tpu.memory_space<vmem>>, vector<16xf32>,
      %mul3A_1350 = arith.mulf %exp3A_1131, %div3A_1335 : vector<16xf32>
      %add3A_1351 = arith.addf %get3A_1349, %mul3A_1350 : vector<16xf32>
      %swap3A_1352 = arith.constant 32 : index
      %swap3A_1353 = tpu.vector_load %arg9[%swap3A_1352] {strides = array<i32>} : memref<304xf32, #tpu.memory_space<vmem>>, vector<16xf32>,
      tpu.vector_store %arg9[%swap3A_1352], %add3A_1351 {strides = array<i32>} : memref<304xf32, #tpu.memory_space<vmem>>, vector<16xf32>,
      %get3A_1354 = arith.constant 48 : index
      %get3A_1355 = tpu.vector_load %arg9[%get3A_1354] {strides = array<i32>} : memref<304xf32, #tpu.memory_space<vmem>>, vector<16xf32>,
      %mul3A_1356 = arith.mulf %exp3A_1136, %div3A_1335 : vector<16xf32>
      %add3A_1357 = arith.addf %get3A_1355, %mul3A_1356 : vector<16xf32>
      %swap3A_1358 = arith.constant 48 : index
      %swap3A_1359 = tpu.vector_load %arg9[%swap3A_1358] {strides = array<i32>} : memref<304xf32, #tpu.memory_space<vmem>>, vector<16xf32>,
      tpu.vector_store %arg9[%swap3A_1358], %add3A_1357 {strides = array<i32>} : memref<304xf32, #tpu.memory_space<vmem>>, vector<16xf32>,
      %get3A_1360 = arith.constant 64 : index
      %get3A_1361 = tpu.vector_load %arg9[%get3A_1360] {strides = array<i32>} : memref<304xf32, #tpu.memory_space<vmem>>, vector<16xf32>,
      %mul3A_1362 = arith.mulf %exp3A_1141, %div3A_1335 : vector<16xf32>
      %add3A_1363 = arith.addf %get3A_1361, %mul3A_1362 : vector<16xf32>
      %swap3A_1364 = arith.constant 64 : index
      %swap3A_1365 = tpu.vector_load %arg9[%swap3A_1364] {strides = array<i32>} : memref<304xf32, #tpu.memory_space<vmem>>, vector<16xf32>,
      tpu.vector_store %arg9[%swap3A_1364], %add3A_1363 {strides = array<i32>} : memref<304xf32, #tpu.memory_space<vmem>>, vector<16xf32>,
      %get3A_1366 = arith.constant 80 : index
      %get3A_1367 = tpu.vector_load %arg9[%get3A_1366] {strides = array<i32>} : memref<304xf32, #tpu.memory_space<vmem>>, vector<16xf32>,
      %mul3A_1368 = arith.mulf %exp3A_1146, %div3A_1335 : vector<16xf32>
      %add3A_1369 = arith.addf %get3A_1367, %mul3A_1368 : vector<16xf32>
      %swap3A_1370 = arith.constant 80 : index
      %swap3A_1371 = tpu.vector_load %arg9[%swap3A_1370] {strides = array<i32>} : memref<304xf32, #tpu.memory_space<vmem>>, vector<16xf32>,
      tpu.vector_store %arg9[%swap3A_1370], %add3A_1369 {strides = array<i32>} : memref<304xf32, #tpu.memory_space<vmem>>, vector<16xf32>,
      %get3A_1372 = arith.constant 96 : index
      %get3A_1373 = tpu.vector_load %arg9[%get3A_1372] {strides = array<i32>} : memref<304xf32, #tpu.memory_space<vmem>>, vector<16xf32>,
      %mul3A_1374 = arith.mulf %exp3A_1151, %div3A_1335 : vector<16xf32>
      %add3A_1375 = arith.addf %get3A_1373, %mul3A_1374 : vector<16xf32>
      %swap3A_1376 = arith.constant 96 : index
      %swap3A_1377 = tpu.vector_load %arg9[%swap3A_1376] {strides = array<i32>} : memref<304xf32, #tpu.memory_space<vmem>>, vector<16xf32>,
      tpu.vector_store %arg9[%swap3A_1376], %add3A_1375 {strides = array<i32>} : memref<304xf32, #tpu.memory_space<vmem>>, vector<16xf32>,
      %get3A_1378 = arith.constant 112 : index
      %get3A_1379 = tpu.vector_load %arg9[%get3A_1378] {strides = array<i32>} : memref<304xf32, #tpu.memory_space<vmem>>, vector<16xf32>,
      %mul3A_1380 = arith.mulf %exp3A_1156, %div3A_1335 : vector<16xf32>
      %add3A_1381 = arith.addf %get3A_1379, %mul3A_1380 : vector<16xf32>
      %swap3A_1382 = arith.constant 112 : index
      %swap3A_1383 = tpu.vector_load %arg9[%swap3A_1382] {strides = array<i32>} : memref<304xf32, #tpu.memory_space<vmem>>, vector<16xf32>,
      tpu.vector_store %arg9[%swap3A_1382], %add3A_1381 {strides = array<i32>} : memref<304xf32, #tpu.memory_space<vmem>>, vector<16xf32>,
      %get3A_1384 = arith.constant 128 : index
      %get3A_1385 = tpu.vector_load %arg9[%get3A_1384] {strides = array<i32>} : memref<304xf32, #tpu.memory_space<vmem>>, vector<16xf32>,
      %mul3A_1386 = arith.mulf %exp3A_1161, %div3A_1335 : vector<16xf32>
      %add3A_1387 = arith.addf %get3A_1385, %mul3A_1386 : vector<16xf32>
      %swap3A_1388 = arith.constant 128 : index
      %swap3A_1389 = tpu.vector_load %arg9[%swap3A_1388] {strides = array<i32>} : memref<304xf32, #tpu.memory_space<vmem>>, vector<16xf32>,
      tpu.vector_store %arg9[%swap3A_1388], %add3A_1387 {strides = array<i32>} : memref<304xf32, #tpu.memory_space<vmem>>, vector<16xf32>,
      %get3A_1390 = arith.constant 144 : index
      %get3A_1391 = tpu.vector_load %arg9[%get3A_1390] {strides = array<i32>} : memref<304xf32, #tpu.memory_space<vmem>>, vector<16xf32>,
      %mul3A_1392 = arith.mulf %exp3A_1166, %div3A_1335 : vector<16xf32>
      %add3A_1393 = arith.addf %get3A_1391, %mul3A_1392 : vector<16xf32>
      %swap3A_1394 = arith.constant 144 : index
      %swap3A_1395 = tpu.vector_load %arg9[%swap3A_1394] {strides = array<i32>} : memref<304xf32, #tpu.memory_space<vmem>>, vector<16xf32>,
      tpu.vector_store %arg9[%swap3A_1394], %add3A_1393 {strides = array<i32>} : memref<304xf32, #tpu.memory_space<vmem>>, vector<16xf32>,
      %get3A_1396 = arith.constant 160 : index
      %get3A_1397 = tpu.vector_load %arg9[%get3A_1396] {strides = array<i32>} : memref<304xf32, #tpu.memory_space<vmem>>, vector<16xf32>,
      %mul3A_1398 = arith.mulf %exp3A_1171, %div3A_1335 : vector<16xf32>
      %add3A_1399 = arith.addf %get3A_1397, %mul3A_1398 : vector<16xf32>
      %swap3A_1400 = arith.constant 160 : index
      %swap3A_1401 = tpu.vector_load %arg9[%swap3A_1400] {strides = array<i32>} : memref<304xf32, #tpu.memory_space<vmem>>, vector<16xf32>,
      tpu.vector_store %arg9[%swap3A_1400], %add3A_1399 {strides = array<i32>} : memref<304xf32, #tpu.memory_space<vmem>>, vector<16xf32>,
      %get3A_1402 = arith.constant 176 : index
      %get3A_1403 = tpu.vector_load %arg9[%get3A_1402] {strides = array<i32>} : memref<304xf32, #tpu.memory_space<vmem>>, vector<16xf32>,
      %mul3A_1404 = arith.mulf %exp3A_1176, %div3A_1335 : vector<16xf32>
      %add3A_1405 = arith.addf %get3A_1403, %mul3A_1404 : vector<16xf32>
      %swap3A_1406 = arith.constant 176 : index
      %swap3A_1407 = tpu.vector_load %arg9[%swap3A_1406] {strides = array<i32>} : memref<304xf32, #tpu.memory_space<vmem>>, vector<16xf32>,
      tpu.vector_store %arg9[%swap3A_1406], %add3A_1405 {strides = array<i32>} : memref<304xf32, #tpu.memory_space<vmem>>, vector<16xf32>,
      %get3A_1408 = arith.constant 192 : index
      %get3A_1409 = tpu.vector_load %arg9[%get3A_1408] {strides = array<i32>} : memref<304xf32, #tpu.memory_space<vmem>>, vector<16xf32>,
      %mul3A_1410 = arith.mulf %exp3A_1181, %div3A_1335 : vector<16xf32>
      %add3A_1411 = arith.addf %get3A_1409, %mul3A_1410 : vector<16xf32>
      %swap3A_1412 = arith.constant 192 : index
      %swap3A_1413 = tpu.vector_load %arg9[%swap3A_1412] {strides = array<i32>} : memref<304xf32, #tpu.memory_space<vmem>>, vector<16xf32>,
      tpu.vector_store %arg9[%swap3A_1412], %add3A_1411 {strides = array<i32>} : memref<304xf32, #tpu.memory_space<vmem>>, vector<16xf32>,
      %get3A_1414 = arith.constant 208 : index
      %get3A_1415 = tpu.vector_load %arg9[%get3A_1414] {strides = array<i32>} : memref<304xf32, #tpu.memory_space<vmem>>, vector<16xf32>,
      %mul3A_1416 = arith.mulf %exp3A_1186, %div3A_1335 : vector<16xf32>
      %add3A_1417 = arith.addf %get3A_1415, %mul3A_1416 : vector<16xf32>
      %swap3A_1418 = arith.constant 208 : index
      %swap3A_1419 = tpu.vector_load %arg9[%swap3A_1418] {strides = array<i32>} : memref<304xf32, #tpu.memory_space<vmem>>, vector<16xf32>,
      tpu.vector_store %arg9[%swap3A_1418], %add3A_1417 {strides = array<i32>} : memref<304xf32, #tpu.memory_space<vmem>>, vector<16xf32>,
      %get3A_1420 = arith.constant 224 : index
      %get3A_1421 = tpu.vector_load %arg9[%get3A_1420] {strides = array<i32>} : memref<304xf32, #tpu.memory_space<vmem>>, vector<16xf32>,
      %mul3A_1422 = arith.mulf %exp3A_1191, %div3A_1335 : vector<16xf32>
      %add3A_1423 = arith.addf %get3A_1421, %mul3A_1422 : vector<16xf32>
      %swap3A_1424 = arith.constant 224 : index
      %swap3A_1425 = tpu.vector_load %arg9[%swap3A_1424] {strides = array<i32>} : memref<304xf32, #tpu.memory_space<vmem>>, vector<16xf32>,
      tpu.vector_store %arg9[%swap3A_1424], %add3A_1423 {strides = array<i32>} : memref<304xf32, #tpu.memory_space<vmem>>, vector<16xf32>,
      %get3A_1426 = arith.constant 240 : index
      %get3A_1427 = tpu.vector_load %arg9[%get3A_1426] {strides = array<i32>} : memref<304xf32, #tpu.memory_space<vmem>>, vector<16xf32>,
      %mul3A_1428 = arith.mulf %exp3A_1196, %div3A_1335 : vector<16xf32>
      %add3A_1429 = arith.addf %get3A_1427, %mul3A_1428 : vector<16xf32>
      %swap3A_1430 = arith.constant 240 : index
      %swap3A_1431 = tpu.vector_load %arg9[%swap3A_1430] {strides = array<i32>} : memref<304xf32, #tpu.memory_space<vmem>>, vector<16xf32>,
      tpu.vector_store %arg9[%swap3A_1430], %add3A_1429 {strides = array<i32>} : memref<304xf32, #tpu.memory_space<vmem>>, vector<16xf32>,
      %get3A_1432 = arith.constant 256 : index
      %get3A_1433 = tpu.vector_load %arg9[%get3A_1432] {strides = array<i32>} : memref<304xf32, #tpu.memory_space<vmem>>, vector<16xf32>,
      %mul3A_1434 = arith.mulf %exp3A_1201, %div3A_1335 : vector<16xf32>
      %add3A_1435 = arith.addf %get3A_1433, %mul3A_1434 : vector<16xf32>
      %swap3A_1436 = arith.constant 256 : index
      %swap3A_1437 = tpu.vector_load %arg9[%swap3A_1436] {strides = array<i32>} : memref<304xf32, #tpu.memory_space<vmem>>, vector<16xf32>,
      tpu.vector_store %arg9[%swap3A_1436], %add3A_1435 {strides = array<i32>} : memref<304xf32, #tpu.memory_space<vmem>>, vector<16xf32>,
      %get3A_1438 = arith.constant 272 : index
      %get3A_1439 = tpu.vector_load %arg9[%get3A_1438] {strides = array<i32>} : memref<304xf32, #tpu.memory_space<vmem>>, vector<16xf32>,
      %mul3A_1440 = arith.mulf %exp3A_1206, %div3A_1335 : vector<16xf32>
      %add3A_1441 = arith.addf %get3A_1439, %mul3A_1440 : vector<16xf32>
      %swap3A_1442 = arith.constant 272 : index
      %swap3A_1443 = tpu.vector_load %arg9[%swap3A_1442] {strides = array<i32>} : memref<304xf32, #tpu.memory_space<vmem>>, vector<16xf32>,
      tpu.vector_store %arg9[%swap3A_1442], %add3A_1441 {strides = array<i32>} : memref<304xf32, #tpu.memory_space<vmem>>, vector<16xf32>,
      %get3A_1444 = arith.constant 288 : index
      %get3A_1445 = tpu.vector_load %arg9[%get3A_1444] {strides = array<i32>} : memref<304xf32, #tpu.memory_space<vmem>>, vector<16xf32>,
      %mul3A_1446 = arith.mulf %exp3A_1211, %div3A_1335 : vector<16xf32>
      %add3A_1447 = arith.addf %get3A_1445, %mul3A_1446 : vector<16xf32>
      %swap3A_1448 = arith.constant 288 : index
      %swap3A_1449 = tpu.vector_load %arg9[%swap3A_1448] {strides = array<i32>} : memref<304xf32, #tpu.memory_space<vmem>>, vector<16xf32>,
      tpu.vector_store %arg9[%swap3A_1448], %add3A_1447 {strides = array<i32>} : memref<304xf32, #tpu.memory_space<vmem>>, vector<16xf32>,
      %exp3A_1450 = math.exp %gather3A : vector<16xf32>
      %mul3A_1451 = arith.mulf %exp3A_1450, %div3A_1335 : vector<16xf32>
      %mul3A_1452 = arith.constant 16 : i32
      %mul3A_1453 = vector.broadcast %mul3A_1452 : i32 to vector<16xi32>
      %mul3A_1454 = arith.muli %get3A_1308, %mul3A_1453 : vector<16xi32>
      %add3A_1455 = arith.addi %mul3A_1454, %iota3A : vector<16xi32>
      tpu.vector_store_idx %arg10[%add3A_1455], %broadcast_in_dim3A_127 {add = true} : memref<304xf32, #tpu.memory_space<vmem>>[vector<16xi32>], vector<16xf32>,
      %mul3A_1456 = arith.constant 2.000000e+00 : f32
      %mul3A_1457 = vector.broadcast %mul3A_1456 : f32 to vector<16xf32>
      %mul3A_1458 = arith.mulf %mul3A_1457, %mul3A_1451 : vector<16xf32>
      %sub3A = arith.constant 1.000000e+00 : f32
      %sub3A_1459 = vector.broadcast %sub3A : f32 to vector<16xf32>
      %sub3A_1460 = arith.subf %sub3A_1459, %mul3A_1458 : vector<16xf32>
      tpu.vector_store_idx %arg11[%add3A_1455], %sub3A_1460 {add = true} : memref<304xf32, #tpu.memory_space<vmem>>[vector<16xi32>], vector<16xf32>,
      %add3A_1461 = arith.addf %exp3A_1216, %exp3A_1221 : vector<16xf32>
      %add3A_1462 = arith.addf %exp3A_1226, %exp3A_1231 : vector<16xf32>
      %add3A_1463 = arith.addf %exp3A_1236, %exp3A_1241 : vector<16xf32>
      %add3A_1464 = arith.addf %exp3A_1246, %exp3A_1251 : vector<16xf32>
      %add3A_1465 = arith.addf %exp3A_1256, %exp3A_1261 : vector<16xf32>
      %add3A_1466 = arith.addf %exp3A_1266, %exp3A_1271 : vector<16xf32>
      %add3A_1467 = arith.addf %exp3A_1276, %exp3A_1281 : vector<16xf32>
      %add3A_1468 = arith.addf %exp3A_1286, %exp3A_1291 : vector<16xf32>
      %add3A_1469 = arith.addf %exp3A_1296, %exp3A_1301 : vector<16xf32>
      %add3A_1470 = arith.addf %add3A_1461, %add3A_1462 : vector<16xf32>
      %add3A_1471 = arith.addf %add3A_1463, %add3A_1464 : vector<16xf32>
      %add3A_1472 = arith.addf %add3A_1465, %add3A_1466 : vector<16xf32>
      %add3A_1473 = arith.addf %add3A_1467, %add3A_1468 : vector<16xf32>
      %add3A_1474 = arith.addf %add3A_1469, %exp3A_1306 : vector<16xf32>
      %add3A_1475 = arith.addf %add3A_1470, %add3A_1471 : vector<16xf32>
      %add3A_1476 = arith.addf %add3A_1472, %add3A_1473 : vector<16xf32>
      %add3A_1477 = arith.addf %add3A_1475, %add3A_1476 : vector<16xf32>
      %add3A_1478 = arith.addf %add3A_1477, %add3A_1474 : vector<16xf32>
      %div3A_1479 = arith.constant 1.000000e+00 : f32
      %div3A_1480 = vector.broadcast %div3A_1479 : f32 to vector<16xf32>
      %div3A_1481 = arith.divf %div3A_1480, %add3A_1478 : vector<16xf32>
      %get3A_1482 = arith.constant 0 : index
      %get3A_1483 = tpu.vector_load %arg9[%get3A_1482] {strides = array<i32>} : memref<304xf32, #tpu.memory_space<vmem>>, vector<16xf32>,
      %mul3A_1484 = arith.mulf %exp3A_1216, %div3A_1481 : vector<16xf32>
      %add3A_1485 = arith.addf %get3A_1483, %mul3A_1484 : vector<16xf32>
      %swap3A_1486 = arith.constant 0 : index
      %swap3A_1487 = tpu.vector_load %arg9[%swap3A_1486] {strides = array<i32>} : memref<304xf32, #tpu.memory_space<vmem>>, vector<16xf32>,
      tpu.vector_store %arg9[%swap3A_1486], %add3A_1485 {strides = array<i32>} : memref<304xf32, #tpu.memory_space<vmem>>, vector<16xf32>,
      %get3A_1488 = arith.constant 16 : index
      %get3A_1489 = tpu.vector_load %arg9[%get3A_1488] {strides = array<i32>} : memref<304xf32, #tpu.memory_space<vmem>>, vector<16xf32>,
      %mul3A_1490 = arith.mulf %exp3A_1221, %div3A_1481 : vector<16xf32>
      %add3A_1491 = arith.addf %get3A_1489, %mul3A_1490 : vector<16xf32>
      %swap3A_1492 = arith.constant 16 : index
      %swap3A_1493 = tpu.vector_load %arg9[%swap3A_1492] {strides = array<i32>} : memref<304xf32, #tpu.memory_space<vmem>>, vector<16xf32>,
      tpu.vector_store %arg9[%swap3A_1492], %add3A_1491 {strides = array<i32>} : memref<304xf32, #tpu.memory_space<vmem>>, vector<16xf32>,
      %get3A_1494 = arith.constant 32 : index
      %get3A_1495 = tpu.vector_load %arg9[%get3A_1494] {strides = array<i32>} : memref<304xf32, #tpu.memory_space<vmem>>, vector<16xf32>,
      %mul3A_1496 = arith.mulf %exp3A_1226, %div3A_1481 : vector<16xf32>
      %add3A_1497 = arith.addf %get3A_1495, %mul3A_1496 : vector<16xf32>
      %swap3A_1498 = arith.constant 32 : index
      %swap3A_1499 = tpu.vector_load %arg9[%swap3A_1498] {strides = array<i32>} : memref<304xf32, #tpu.memory_space<vmem>>, vector<16xf32>,
      tpu.vector_store %arg9[%swap3A_1498], %add3A_1497 {strides = array<i32>} : memref<304xf32, #tpu.memory_space<vmem>>, vector<16xf32>,
      %get3A_1500 = arith.constant 48 : index
      %get3A_1501 = tpu.vector_load %arg9[%get3A_1500] {strides = array<i32>} : memref<304xf32, #tpu.memory_space<vmem>>, vector<16xf32>,
      %mul3A_1502 = arith.mulf %exp3A_1231, %div3A_1481 : vector<16xf32>
      %add3A_1503 = arith.addf %get3A_1501, %mul3A_1502 : vector<16xf32>
      %swap3A_1504 = arith.constant 48 : index
      %swap3A_1505 = tpu.vector_load %arg9[%swap3A_1504] {strides = array<i32>} : memref<304xf32, #tpu.memory_space<vmem>>, vector<16xf32>,
      tpu.vector_store %arg9[%swap3A_1504], %add3A_1503 {strides = array<i32>} : memref<304xf32, #tpu.memory_space<vmem>>, vector<16xf32>,
      %get3A_1506 = arith.constant 64 : index
      %get3A_1507 = tpu.vector_load %arg9[%get3A_1506] {strides = array<i32>} : memref<304xf32, #tpu.memory_space<vmem>>, vector<16xf32>,
      %mul3A_1508 = arith.mulf %exp3A_1236, %div3A_1481 : vector<16xf32>
      %add3A_1509 = arith.addf %get3A_1507, %mul3A_1508 : vector<16xf32>
      %swap3A_1510 = arith.constant 64 : index
      %swap3A_1511 = tpu.vector_load %arg9[%swap3A_1510] {strides = array<i32>} : memref<304xf32, #tpu.memory_space<vmem>>, vector<16xf32>,
      tpu.vector_store %arg9[%swap3A_1510], %add3A_1509 {strides = array<i32>} : memref<304xf32, #tpu.memory_space<vmem>>, vector<16xf32>,
      %get3A_1512 = arith.constant 80 : index
      %get3A_1513 = tpu.vector_load %arg9[%get3A_1512] {strides = array<i32>} : memref<304xf32, #tpu.memory_space<vmem>>, vector<16xf32>,
      %mul3A_1514 = arith.mulf %exp3A_1241, %div3A_1481 : vector<16xf32>
      %add3A_1515 = arith.addf %get3A_1513, %mul3A_1514 : vector<16xf32>
      %swap3A_1516 = arith.constant 80 : index
      %swap3A_1517 = tpu.vector_load %arg9[%swap3A_1516] {strides = array<i32>} : memref<304xf32, #tpu.memory_space<vmem>>, vector<16xf32>,
      tpu.vector_store %arg9[%swap3A_1516], %add3A_1515 {strides = array<i32>} : memref<304xf32, #tpu.memory_space<vmem>>, vector<16xf32>,
      %get3A_1518 = arith.constant 96 : index
      %get3A_1519 = tpu.vector_load %arg9[%get3A_1518] {strides = array<i32>} : memref<304xf32, #tpu.memory_space<vmem>>, vector<16xf32>,
      %mul3A_1520 = arith.mulf %exp3A_1246, %div3A_1481 : vector<16xf32>
      %add3A_1521 = arith.addf %get3A_1519, %mul3A_1520 : vector<16xf32>
      %swap3A_1522 = arith.constant 96 : index
      %swap3A_1523 = tpu.vector_load %arg9[%swap3A_1522] {strides = array<i32>} : memref<304xf32, #tpu.memory_space<vmem>>, vector<16xf32>,
      tpu.vector_store %arg9[%swap3A_1522], %add3A_1521 {strides = array<i32>} : memref<304xf32, #tpu.memory_space<vmem>>, vector<16xf32>,
      %get3A_1524 = arith.constant 112 : index
      %get3A_1525 = tpu.vector_load %arg9[%get3A_1524] {strides = array<i32>} : memref<304xf32, #tpu.memory_space<vmem>>, vector<16xf32>,
      %mul3A_1526 = arith.mulf %exp3A_1251, %div3A_1481 : vector<16xf32>
      %add3A_1527 = arith.addf %get3A_1525, %mul3A_1526 : vector<16xf32>
      %swap3A_1528 = arith.constant 112 : index
      %swap3A_1529 = tpu.vector_load %arg9[%swap3A_1528] {strides = array<i32>} : memref<304xf32, #tpu.memory_space<vmem>>, vector<16xf32>,
      tpu.vector_store %arg9[%swap3A_1528], %add3A_1527 {strides = array<i32>} : memref<304xf32, #tpu.memory_space<vmem>>, vector<16xf32>,
      %get3A_1530 = arith.constant 128 : index
      %get3A_1531 = tpu.vector_load %arg9[%get3A_1530] {strides = array<i32>} : memref<304xf32, #tpu.memory_space<vmem>>, vector<16xf32>,
      %mul3A_1532 = arith.mulf %exp3A_1256, %div3A_1481 : vector<16xf32>
      %add3A_1533 = arith.addf %get3A_1531, %mul3A_1532 : vector<16xf32>
      %swap3A_1534 = arith.constant 128 : index
      %swap3A_1535 = tpu.vector_load %arg9[%swap3A_1534] {strides = array<i32>} : memref<304xf32, #tpu.memory_space<vmem>>, vector<16xf32>,
      tpu.vector_store %arg9[%swap3A_1534], %add3A_1533 {strides = array<i32>} : memref<304xf32, #tpu.memory_space<vmem>>, vector<16xf32>,
      %get3A_1536 = arith.constant 144 : index
      %get3A_1537 = tpu.vector_load %arg9[%get3A_1536] {strides = array<i32>} : memref<304xf32, #tpu.memory_space<vmem>>, vector<16xf32>,
      %mul3A_1538 = arith.mulf %exp3A_1261, %div3A_1481 : vector<16xf32>
      %add3A_1539 = arith.addf %get3A_1537, %mul3A_1538 : vector<16xf32>
      %swap3A_1540 = arith.constant 144 : index
      %swap3A_1541 = tpu.vector_load %arg9[%swap3A_1540] {strides = array<i32>} : memref<304xf32, #tpu.memory_space<vmem>>, vector<16xf32>,
      tpu.vector_store %arg9[%swap3A_1540], %add3A_1539 {strides = array<i32>} : memref<304xf32, #tpu.memory_space<vmem>>, vector<16xf32>,
      %get3A_1542 = arith.constant 160 : index
      %get3A_1543 = tpu.vector_load %arg9[%get3A_1542] {strides = array<i32>} : memref<304xf32, #tpu.memory_space<vmem>>, vector<16xf32>,
      %mul3A_1544 = arith.mulf %exp3A_1266, %div3A_1481 : vector<16xf32>
      %add3A_1545 = arith.addf %get3A_1543, %mul3A_1544 : vector<16xf32>
      %swap3A_1546 = arith.constant 160 : index
      %swap3A_1547 = tpu.vector_load %arg9[%swap3A_1546] {strides = array<i32>} : memref<304xf32, #tpu.memory_space<vmem>>, vector<16xf32>,
      tpu.vector_store %arg9[%swap3A_1546], %add3A_1545 {strides = array<i32>} : memref<304xf32, #tpu.memory_space<vmem>>, vector<16xf32>,
      %get3A_1548 = arith.constant 176 : index
      %get3A_1549 = tpu.vector_load %arg9[%get3A_1548] {strides = array<i32>} : memref<304xf32, #tpu.memory_space<vmem>>, vector<16xf32>,
      %mul3A_1550 = arith.mulf %exp3A_1271, %div3A_1481 : vector<16xf32>
      %add3A_1551 = arith.addf %get3A_1549, %mul3A_1550 : vector<16xf32>
      %swap3A_1552 = arith.constant 176 : index
      %swap3A_1553 = tpu.vector_load %arg9[%swap3A_1552] {strides = array<i32>} : memref<304xf32, #tpu.memory_space<vmem>>, vector<16xf32>,
      tpu.vector_store %arg9[%swap3A_1552], %add3A_1551 {strides = array<i32>} : memref<304xf32, #tpu.memory_space<vmem>>, vector<16xf32>,
      %get3A_1554 = arith.constant 192 : index
      %get3A_1555 = tpu.vector_load %arg9[%get3A_1554] {strides = array<i32>} : memref<304xf32, #tpu.memory_space<vmem>>, vector<16xf32>,
      %mul3A_1556 = arith.mulf %exp3A_1276, %div3A_1481 : vector<16xf32>
      %add3A_1557 = arith.addf %get3A_1555, %mul3A_1556 : vector<16xf32>
      %swap3A_1558 = arith.constant 192 : index
      %swap3A_1559 = tpu.vector_load %arg9[%swap3A_1558] {strides = array<i32>} : memref<304xf32, #tpu.memory_space<vmem>>, vector<16xf32>,
      tpu.vector_store %arg9[%swap3A_1558], %add3A_1557 {strides = array<i32>} : memref<304xf32, #tpu.memory_space<vmem>>, vector<16xf32>,
      %get3A_1560 = arith.constant 208 : index
      %get3A_1561 = tpu.vector_load %arg9[%get3A_1560] {strides = array<i32>} : memref<304xf32, #tpu.memory_space<vmem>>, vector<16xf32>,
      %mul3A_1562 = arith.mulf %exp3A_1281, %div3A_1481 : vector<16xf32>
      %add3A_1563 = arith.addf %get3A_1561, %mul3A_1562 : vector<16xf32>
      %swap3A_1564 = arith.constant 208 : index
      %swap3A_1565 = tpu.vector_load %arg9[%swap3A_1564] {strides = array<i32>} : memref<304xf32, #tpu.memory_space<vmem>>, vector<16xf32>,
      tpu.vector_store %arg9[%swap3A_1564], %add3A_1563 {strides = array<i32>} : memref<304xf32, #tpu.memory_space<vmem>>, vector<16xf32>,
      %get3A_1566 = arith.constant 224 : index
      %get3A_1567 = tpu.vector_load %arg9[%get3A_1566] {strides = array<i32>} : memref<304xf32, #tpu.memory_space<vmem>>, vector<16xf32>,
      %mul3A_1568 = arith.mulf %exp3A_1286, %div3A_1481 : vector<16xf32>
      %add3A_1569 = arith.addf %get3A_1567, %mul3A_1568 : vector<16xf32>
      %swap3A_1570 = arith.constant 224 : index
      %swap3A_1571 = tpu.vector_load %arg9[%swap3A_1570] {strides = array<i32>} : memref<304xf32, #tpu.memory_space<vmem>>, vector<16xf32>,
      tpu.vector_store %arg9[%swap3A_1570], %add3A_1569 {strides = array<i32>} : memref<304xf32, #tpu.memory_space<vmem>>, vector<16xf32>,
      %get3A_1572 = arith.constant 240 : index
      %get3A_1573 = tpu.vector_load %arg9[%get3A_1572] {strides = array<i32>} : memref<304xf32, #tpu.memory_space<vmem>>, vector<16xf32>,
      %mul3A_1574 = arith.mulf %exp3A_1291, %div3A_1481 : vector<16xf32>
      %add3A_1575 = arith.addf %get3A_1573, %mul3A_1574 : vector<16xf32>
      %swap3A_1576 = arith.constant 240 : index
      %swap3A_1577 = tpu.vector_load %arg9[%swap3A_1576] {strides = array<i32>} : memref<304xf32, #tpu.memory_space<vmem>>, vector<16xf32>,
      tpu.vector_store %arg9[%swap3A_1576], %add3A_1575 {strides = array<i32>} : memref<304xf32, #tpu.memory_space<vmem>>, vector<16xf32>,
      %get3A_1578 = arith.constant 256 : index
      %get3A_1579 = tpu.vector_load %arg9[%get3A_1578] {strides = array<i32>} : memref<304xf32, #tpu.memory_space<vmem>>, vector<16xf32>,
      %mul3A_1580 = arith.mulf %exp3A_1296, %div3A_1481 : vector<16xf32>
      %add3A_1581 = arith.addf %get3A_1579, %mul3A_1580 : vector<16xf32>
      %swap3A_1582 = arith.constant 256 : index
      %swap3A_1583 = tpu.vector_load %arg9[%swap3A_1582] {strides = array<i32>} : memref<304xf32, #tpu.memory_space<vmem>>, vector<16xf32>,
      tpu.vector_store %arg9[%swap3A_1582], %add3A_1581 {strides = array<i32>} : memref<304xf32, #tpu.memory_space<vmem>>, vector<16xf32>,
      %get3A_1584 = arith.constant 272 : index
      %get3A_1585 = tpu.vector_load %arg9[%get3A_1584] {strides = array<i32>} : memref<304xf32, #tpu.memory_space<vmem>>, vector<16xf32>,
      %mul3A_1586 = arith.mulf %exp3A_1301, %div3A_1481 : vector<16xf32>
      %add3A_1587 = arith.addf %get3A_1585, %mul3A_1586 : vector<16xf32>
      %swap3A_1588 = arith.constant 272 : index
      %swap3A_1589 = tpu.vector_load %arg9[%swap3A_1588] {strides = array<i32>} : memref<304xf32, #tpu.memory_space<vmem>>, vector<16xf32>,
      tpu.vector_store %arg9[%swap3A_1588], %add3A_1587 {strides = array<i32>} : memref<304xf32, #tpu.memory_space<vmem>>, vector<16xf32>,
      %get3A_1590 = arith.constant 288 : index
      %get3A_1591 = tpu.vector_load %arg9[%get3A_1590] {strides = array<i32>} : memref<304xf32, #tpu.memory_space<vmem>>, vector<16xf32>,
      %mul3A_1592 = arith.mulf %exp3A_1306, %div3A_1481 : vector<16xf32>
      %add3A_1593 = arith.addf %get3A_1591, %mul3A_1592 : vector<16xf32>
      %swap3A_1594 = arith.constant 288 : index
      %swap3A_1595 = tpu.vector_load %arg9[%swap3A_1594] {strides = array<i32>} : memref<304xf32, #tpu.memory_space<vmem>>, vector<16xf32>,
      tpu.vector_store %arg9[%swap3A_1594], %add3A_1593 {strides = array<i32>} : memref<304xf32, #tpu.memory_space<vmem>>, vector<16xf32>,
      %exp3A_1596 = math.exp %gather3A_1315 : vector<16xf32>
      %mul3A_1597 = arith.mulf %exp3A_1596, %div3A_1481 : vector<16xf32>
      %mul3A_1598 = arith.constant 16 : i32
      %mul3A_1599 = vector.broadcast %mul3A_1598 : i32 to vector<16xi32>
      %mul3A_1600 = arith.muli %get3A_1310, %mul3A_1599 : vector<16xi32>
      %add3A_1601 = arith.addi %mul3A_1600, %iota3A : vector<16xi32>
      tpu.vector_store_idx %arg10[%add3A_1601], %broadcast_in_dim3A_127 {add = true} : memref<304xf32, #tpu.memory_space<vmem>>[vector<16xi32>], vector<16xf32>,
      %mul3A_1602 = arith.constant 2.000000e+00 : f32
      %mul3A_1603 = vector.broadcast %mul3A_1602 : f32 to vector<16xf32>
      %mul3A_1604 = arith.mulf %mul3A_1603, %mul3A_1597 : vector<16xf32>
      %sub3A_1605 = arith.constant 1.000000e+00 : f32
      %sub3A_1606 = vector.broadcast %sub3A_1605 : f32 to vector<16xf32>
      %sub3A_1607 = arith.subf %sub3A_1606, %mul3A_1604 : vector<16xf32>
      tpu.vector_store_idx %arg11[%add3A_1601], %sub3A_1607 {add = true} : memref<304xf32, #tpu.memory_space<vmem>>[vector<16xi32>], vector<16xf32>,
    }
    %scan3A_187 = arith.constant 64 : i32
    %dma_wait3A_188 = arith.constant 0 : i32
    %dma_wait3A_189 = tpu.memref_slice %arg2[%dma_wait3A_188, %add3A_175] : memref<19x524288xf32, #tpu.memory_space<hbm>> -> memref<19x2048xf32, #tpu.memory_space<hbm>>
    %dma_wait3A_190 = arith.constant 0 : i32
    %dma_wait3A_191 = tpu.memref_slice %arg2[%dma_wait3A_190, %add3A_175] : memref<19x524288xf32, #tpu.memory_space<hbm>> -> memref<19x2048xf32, #tpu.memory_space<hbm>>
    tpu.wait_dma2 semaphore(%arg13 : memref<!tpu.dma_semaphore, #tpu.memory_space<semaphore_mem>>) src(%dma_wait3A_191 : memref<19x2048xf32, #tpu.memory_space<hbm>>) dst(%arg6 : memref<19x2048xf32, #tpu.memory_space<vmem>>)
    %dma_wait3A_192 = tpu.memref_slice %arg3[%add3A_175] : memref<524288xi32, #tpu.memory_space<hbm>> -> memref<2048xi32, #tpu.memory_space<hbm>>
    %dma_wait3A_193 = tpu.memref_slice %arg3[%add3A_175] : memref<524288xi32, #tpu.memory_space<hbm>> -> memref<2048xi32, #tpu.memory_space<hbm>>
    tpu.wait_dma2 semaphore(%arg15 : memref<!tpu.dma_semaphore, #tpu.memory_space<semaphore_mem>>) src(%dma_wait3A_193 : memref<2048xi32, #tpu.memory_space<hbm>>) dst(%arg8 : memref<2048xi32, #tpu.memory_space<vmem>>)
    %scan3A_194 = arith.constant 0 : i32
    %scan3A_195 = arith.constant 0 : i32
    %scan3A_196 = arith.constant 64 : i32
    %scan3A_197 = arith.addi %scan3A_195, %scan3A_196 : i32
    %scan3A_198 = arith.constant 1 : i32
    scf.for %scan3A_1112 = %scan3A_195 to %scan3A_197 step %scan3A_198  : i32 {
      %mul3A_1113 = arith.constant 32 : i32
      %mul3A_1114 = arith.muli %scan3A_1112, %mul3A_1113 : i32
      %mul3A_1115 = arith.constant 32 : i32
      %mul3A_1116 = arith.muli %scan3A_1112, %mul3A_1115 : i32
      %add3A_1117 = arith.constant 16 : i32
      %add3A_1118 = arith.addi %mul3A_1116, %add3A_1117 : i32
      %get3A = arith.constant 0 : i32
      %get3A_1119 = arith.index_cast %get3A : i32 to index
      %get3A_1120 = arith.index_cast %mul3A_1114 : i32 to index
      %get3A_1121 = tpu.vector_load %arg6[%get3A_1119, %get3A_1120] {strides = array<i32>} : memref<19x2048xf32, #tpu.memory_space<vmem>>, vector<16xf32>,
      %exp3A = math.exp %get3A_1121 : vector<16xf32>
      %get3A_1122 = arith.constant 1 : i32
      %get3A_1123 = arith.index_cast %get3A_1122 : i32 to index
      %get3A_1124 = arith.index_cast %mul3A_1114 : i32 to index
      %get3A_1125 = tpu.vector_load %arg6[%get3A_1123, %get3A_1124] {strides = array<i32>} : memref<19x2048xf32, #tpu.memory_space<vmem>>, vector<16xf32>,
      %exp3A_1126 = math.exp %get3A_1125 : vector<16xf32>
      %get3A_1127 = arith.constant 2 : i32
      %get3A_1128 = arith.index_cast %get3A_1127 : i32 to index
      %get3A_1129 = arith.index_cast %mul3A_1114 : i32 to index
      %get3A_1130 = tpu.vector_load %arg6[%get3A_1128, %get3A_1129] {strides = array<i32>} : memref<19x2048xf32, #tpu.memory_space<vmem>>, vector<16xf32>,
      %exp3A_1131 = math.exp %get3A_1130 : vector<16xf32>
      %get3A_1132 = arith.constant 3 : i32
      %get3A_1133 = arith.index_cast %get3A_1132 : i32 to index
      %get3A_1134 = arith.index_cast %mul3A_1114 : i32 to index
      %get3A_1135 = tpu.vector_load %arg6[%get3A_1133, %get3A_1134] {strides = array<i32>} : memref<19x2048xf32, #tpu.memory_space<vmem>>, vector<16xf32>,
      %exp3A_1136 = math.exp %get3A_1135 : vector<16xf32>
      %get3A_1137 = arith.constant 4 : i32
      %get3A_1138 = arith.index_cast %get3A_1137 : i32 to index
      %get3A_1139 = arith.index_cast %mul3A_1114 : i32 to index
      %get3A_1140 = tpu.vector_load %arg6[%get3A_1138, %get3A_1139] {strides = array<i32>} : memref<19x2048xf32, #tpu.memory_space<vmem>>, vector<16xf32>,
      %exp3A_1141 = math.exp %get3A_1140 : vector<16xf32>
      %get3A_1142 = arith.constant 5 : i32
      %get3A_1143 = arith.index_cast %get3A_1142 : i32 to index
      %get3A_1144 = arith.index_cast %mul3A_1114 : i32 to index
      %get3A_1145 = tpu.vector_load %arg6[%get3A_1143, %get3A_1144] {strides = array<i32>} : memref<19x2048xf32, #tpu.memory_space<vmem>>, vector<16xf32>,
      %exp3A_1146 = math.exp %get3A_1145 : vector<16xf32>
      %get3A_1147 = arith.constant 6 : i32
      %get3A_1148 = arith.index_cast %get3A_1147 : i32 to index
      %get3A_1149 = arith.index_cast %mul3A_1114 : i32 to index
      %get3A_1150 = tpu.vector_load %arg6[%get3A_1148, %get3A_1149] {strides = array<i32>} : memref<19x2048xf32, #tpu.memory_space<vmem>>, vector<16xf32>,
      %exp3A_1151 = math.exp %get3A_1150 : vector<16xf32>
      %get3A_1152 = arith.constant 7 : i32
      %get3A_1153 = arith.index_cast %get3A_1152 : i32 to index
      %get3A_1154 = arith.index_cast %mul3A_1114 : i32 to index
      %get3A_1155 = tpu.vector_load %arg6[%get3A_1153, %get3A_1154] {strides = array<i32>} : memref<19x2048xf32, #tpu.memory_space<vmem>>, vector<16xf32>,
      %exp3A_1156 = math.exp %get3A_1155 : vector<16xf32>
      %get3A_1157 = arith.constant 8 : i32
      %get3A_1158 = arith.index_cast %get3A_1157 : i32 to index
      %get3A_1159 = arith.index_cast %mul3A_1114 : i32 to index
      %get3A_1160 = tpu.vector_load %arg6[%get3A_1158, %get3A_1159] {strides = array<i32>} : memref<19x2048xf32, #tpu.memory_space<vmem>>, vector<16xf32>,
      %exp3A_1161 = math.exp %get3A_1160 : vector<16xf32>
      %get3A_1162 = arith.constant 9 : i32
      %get3A_1163 = arith.index_cast %get3A_1162 : i32 to index
      %get3A_1164 = arith.index_cast %mul3A_1114 : i32 to index
      %get3A_1165 = tpu.vector_load %arg6[%get3A_1163, %get3A_1164] {strides = array<i32>} : memref<19x2048xf32, #tpu.memory_space<vmem>>, vector<16xf32>,
      %exp3A_1166 = math.exp %get3A_1165 : vector<16xf32>
      %get3A_1167 = arith.constant 10 : i32
      %get3A_1168 = arith.index_cast %get3A_1167 : i32 to index
      %get3A_1169 = arith.index_cast %mul3A_1114 : i32 to index
      %get3A_1170 = tpu.vector_load %arg6[%get3A_1168, %get3A_1169] {strides = array<i32>} : memref<19x2048xf32, #tpu.memory_space<vmem>>, vector<16xf32>,
      %exp3A_1171 = math.exp %get3A_1170 : vector<16xf32>
      %get3A_1172 = arith.constant 11 : i32
      %get3A_1173 = arith.index_cast %get3A_1172 : i32 to index
      %get3A_1174 = arith.index_cast %mul3A_1114 : i32 to index
      %get3A_1175 = tpu.vector_load %arg6[%get3A_1173, %get3A_1174] {strides = array<i32>} : memref<19x2048xf32, #tpu.memory_space<vmem>>, vector<16xf32>,
      %exp3A_1176 = math.exp %get3A_1175 : vector<16xf32>
      %get3A_1177 = arith.constant 12 : i32
      %get3A_1178 = arith.index_cast %get3A_1177 : i32 to index
      %get3A_1179 = arith.index_cast %mul3A_1114 : i32 to index
      %get3A_1180 = tpu.vector_load %arg6[%get3A_1178, %get3A_1179] {strides = array<i32>} : memref<19x2048xf32, #tpu.memory_space<vmem>>, vector<16xf32>,
      %exp3A_1181 = math.exp %get3A_1180 : vector<16xf32>
      %get3A_1182 = arith.constant 13 : i32
      %get3A_1183 = arith.index_cast %get3A_1182 : i32 to index
      %get3A_1184 = arith.index_cast %mul3A_1114 : i32 to index
      %get3A_1185 = tpu.vector_load %arg6[%get3A_1183, %get3A_1184] {strides = array<i32>} : memref<19x2048xf32, #tpu.memory_space<vmem>>, vector<16xf32>,
      %exp3A_1186 = math.exp %get3A_1185 : vector<16xf32>
      %get3A_1187 = arith.constant 14 : i32
      %get3A_1188 = arith.index_cast %get3A_1187 : i32 to index
      %get3A_1189 = arith.index_cast %mul3A_1114 : i32 to index
      %get3A_1190 = tpu.vector_load %arg6[%get3A_1188, %get3A_1189] {strides = array<i32>} : memref<19x2048xf32, #tpu.memory_space<vmem>>, vector<16xf32>,
      %exp3A_1191 = math.exp %get3A_1190 : vector<16xf32>
      %get3A_1192 = arith.constant 15 : i32
      %get3A_1193 = arith.index_cast %get3A_1192 : i32 to index
      %get3A_1194 = arith.index_cast %mul3A_1114 : i32 to index
      %get3A_1195 = tpu.vector_load %arg6[%get3A_1193, %get3A_1194] {strides = array<i32>} : memref<19x2048xf32, #tpu.memory_space<vmem>>, vector<16xf32>,
      %exp3A_1196 = math.exp %get3A_1195 : vector<16xf32>
      %get3A_1197 = arith.constant 16 : i32
      %get3A_1198 = arith.index_cast %get3A_1197 : i32 to index
      %get3A_1199 = arith.index_cast %mul3A_1114 : i32 to index
      %get3A_1200 = tpu.vector_load %arg6[%get3A_1198, %get3A_1199] {strides = array<i32>} : memref<19x2048xf32, #tpu.memory_space<vmem>>, vector<16xf32>,
      %exp3A_1201 = math.exp %get3A_1200 : vector<16xf32>
      %get3A_1202 = arith.constant 17 : i32
      %get3A_1203 = arith.index_cast %get3A_1202 : i32 to index
      %get3A_1204 = arith.index_cast %mul3A_1114 : i32 to index
      %get3A_1205 = tpu.vector_load %arg6[%get3A_1203, %get3A_1204] {strides = array<i32>} : memref<19x2048xf32, #tpu.memory_space<vmem>>, vector<16xf32>,
      %exp3A_1206 = math.exp %get3A_1205 : vector<16xf32>
      %get3A_1207 = arith.constant 18 : i32
      %get3A_1208 = arith.index_cast %get3A_1207 : i32 to index
      %get3A_1209 = arith.index_cast %mul3A_1114 : i32 to index
      %get3A_1210 = tpu.vector_load %arg6[%get3A_1208, %get3A_1209] {strides = array<i32>} : memref<19x2048xf32, #tpu.memory_space<vmem>>, vector<16xf32>,
      %exp3A_1211 = math.exp %get3A_1210 : vector<16xf32>
      %get3A_1212 = arith.constant 0 : i32
      %get3A_1213 = arith.index_cast %get3A_1212 : i32 to index
      %get3A_1214 = arith.index_cast %add3A_1118 : i32 to index
      %get3A_1215 = tpu.vector_load %arg6[%get3A_1213, %get3A_1214] {strides = array<i32>} : memref<19x2048xf32, #tpu.memory_space<vmem>>, vector<16xf32>,
      %exp3A_1216 = math.exp %get3A_1215 : vector<16xf32>
      %get3A_1217 = arith.constant 1 : i32
      %get3A_1218 = arith.index_cast %get3A_1217 : i32 to index
      %get3A_1219 = arith.index_cast %add3A_1118 : i32 to index
      %get3A_1220 = tpu.vector_load %arg6[%get3A_1218, %get3A_1219] {strides = array<i32>} : memref<19x2048xf32, #tpu.memory_space<vmem>>, vector<16xf32>,
      %exp3A_1221 = math.exp %get3A_1220 : vector<16xf32>
      %get3A_1222 = arith.constant 2 : i32
      %get3A_1223 = arith.index_cast %get3A_1222 : i32 to index
      %get3A_1224 = arith.index_cast %add3A_1118 : i32 to index
      %get3A_1225 = tpu.vector_load %arg6[%get3A_1223, %get3A_1224] {strides = array<i32>} : memref<19x2048xf32, #tpu.memory_space<vmem>>, vector<16xf32>,
      %exp3A_1226 = math.exp %get3A_1225 : vector<16xf32>
      %get3A_1227 = arith.constant 3 : i32
      %get3A_1228 = arith.index_cast %get3A_1227 : i32 to index
      %get3A_1229 = arith.index_cast %add3A_1118 : i32 to index
      %get3A_1230 = tpu.vector_load %arg6[%get3A_1228, %get3A_1229] {strides = array<i32>} : memref<19x2048xf32, #tpu.memory_space<vmem>>, vector<16xf32>,
      %exp3A_1231 = math.exp %get3A_1230 : vector<16xf32>
      %get3A_1232 = arith.constant 4 : i32
      %get3A_1233 = arith.index_cast %get3A_1232 : i32 to index
      %get3A_1234 = arith.index_cast %add3A_1118 : i32 to index
      %get3A_1235 = tpu.vector_load %arg6[%get3A_1233, %get3A_1234] {strides = array<i32>} : memref<19x2048xf32, #tpu.memory_space<vmem>>, vector<16xf32>,
      %exp3A_1236 = math.exp %get3A_1235 : vector<16xf32>
      %get3A_1237 = arith.constant 5 : i32
      %get3A_1238 = arith.index_cast %get3A_1237 : i32 to index
      %get3A_1239 = arith.index_cast %add3A_1118 : i32 to index
      %get3A_1240 = tpu.vector_load %arg6[%get3A_1238, %get3A_1239] {strides = array<i32>} : memref<19x2048xf32, #tpu.memory_space<vmem>>, vector<16xf32>,
      %exp3A_1241 = math.exp %get3A_1240 : vector<16xf32>
      %get3A_1242 = arith.constant 6 : i32
      %get3A_1243 = arith.index_cast %get3A_1242 : i32 to index
      %get3A_1244 = arith.index_cast %add3A_1118 : i32 to index
      %get3A_1245 = tpu.vector_load %arg6[%get3A_1243, %get3A_1244] {strides = array<i32>} : memref<19x2048xf32, #tpu.memory_space<vmem>>, vector<16xf32>,
      %exp3A_1246 = math.exp %get3A_1245 : vector<16xf32>
      %get3A_1247 = arith.constant 7 : i32
      %get3A_1248 = arith.index_cast %get3A_1247 : i32 to index
      %get3A_1249 = arith.index_cast %add3A_1118 : i32 to index
      %get3A_1250 = tpu.vector_load %arg6[%get3A_1248, %get3A_1249] {strides = array<i32>} : memref<19x2048xf32, #tpu.memory_space<vmem>>, vector<16xf32>,
      %exp3A_1251 = math.exp %get3A_1250 : vector<16xf32>
      %get3A_1252 = arith.constant 8 : i32
      %get3A_1253 = arith.index_cast %get3A_1252 : i32 to index
      %get3A_1254 = arith.index_cast %add3A_1118 : i32 to index
      %get3A_1255 = tpu.vector_load %arg6[%get3A_1253, %get3A_1254] {strides = array<i32>} : memref<19x2048xf32, #tpu.memory_space<vmem>>, vector<16xf32>,
      %exp3A_1256 = math.exp %get3A_1255 : vector<16xf32>
      %get3A_1257 = arith.constant 9 : i32
      %get3A_1258 = arith.index_cast %get3A_1257 : i32 to index
      %get3A_1259 = arith.index_cast %add3A_1118 : i32 to index
      %get3A_1260 = tpu.vector_load %arg6[%get3A_1258, %get3A_1259] {strides = array<i32>} : memref<19x2048xf32, #tpu.memory_space<vmem>>, vector<16xf32>,
      %exp3A_1261 = math.exp %get3A_1260 : vector<16xf32>
      %get3A_1262 = arith.constant 10 : i32
      %get3A_1263 = arith.index_cast %get3A_1262 : i32 to index
      %get3A_1264 = arith.index_cast %add3A_1118 : i32 to index
      %get3A_1265 = tpu.vector_load %arg6[%get3A_1263, %get3A_1264] {strides = array<i32>} : memref<19x2048xf32, #tpu.memory_space<vmem>>, vector<16xf32>,
      %exp3A_1266 = math.exp %get3A_1265 : vector<16xf32>
      %get3A_1267 = arith.constant 11 : i32
      %get3A_1268 = arith.index_cast %get3A_1267 : i32 to index
      %get3A_1269 = arith.index_cast %add3A_1118 : i32 to index
      %get3A_1270 = tpu.vector_load %arg6[%get3A_1268, %get3A_1269] {strides = array<i32>} : memref<19x2048xf32, #tpu.memory_space<vmem>>, vector<16xf32>,
      %exp3A_1271 = math.exp %get3A_1270 : vector<16xf32>
      %get3A_1272 = arith.constant 12 : i32
      %get3A_1273 = arith.index_cast %get3A_1272 : i32 to index
      %get3A_1274 = arith.index_cast %add3A_1118 : i32 to index
      %get3A_1275 = tpu.vector_load %arg6[%get3A_1273, %get3A_1274] {strides = array<i32>} : memref<19x2048xf32, #tpu.memory_space<vmem>>, vector<16xf32>,
      %exp3A_1276 = math.exp %get3A_1275 : vector<16xf32>
      %get3A_1277 = arith.constant 13 : i32
      %get3A_1278 = arith.index_cast %get3A_1277 : i32 to index
      %get3A_1279 = arith.index_cast %add3A_1118 : i32 to index
      %get3A_1280 = tpu.vector_load %arg6[%get3A_1278, %get3A_1279] {strides = array<i32>} : memref<19x2048xf32, #tpu.memory_space<vmem>>, vector<16xf32>,
      %exp3A_1281 = math.exp %get3A_1280 : vector<16xf32>
      %get3A_1282 = arith.constant 14 : i32
      %get3A_1283 = arith.index_cast %get3A_1282 : i32 to index
      %get3A_1284 = arith.index_cast %add3A_1118 : i32 to index
      %get3A_1285 = tpu.vector_load %arg6[%get3A_1283, %get3A_1284] {strides = array<i32>} : memref<19x2048xf32, #tpu.memory_space<vmem>>, vector<16xf32>,
      %exp3A_1286 = math.exp %get3A_1285 : vector<16xf32>
      %get3A_1287 = arith.constant 15 : i32
      %get3A_1288 = arith.index_cast %get3A_1287 : i32 to index
      %get3A_1289 = arith.index_cast %add3A_1118 : i32 to index
      %get3A_1290 = tpu.vector_load %arg6[%get3A_1288, %get3A_1289] {strides = array<i32>} : memref<19x2048xf32, #tpu.memory_space<vmem>>, vector<16xf32>,
      %exp3A_1291 = math.exp %get3A_1290 : vector<16xf32>
      %get3A_1292 = arith.constant 16 : i32
      %get3A_1293 = arith.index_cast %get3A_1292 : i32 to index
      %get3A_1294 = arith.index_cast %add3A_1118 : i32 to index
      %get3A_1295 = tpu.vector_load %arg6[%get3A_1293, %get3A_1294] {strides = array<i32>} : memref<19x2048xf32, #tpu.memory_space<vmem>>, vector<16xf32>,
      %exp3A_1296 = math.exp %get3A_1295 : vector<16xf32>
      %get3A_1297 = arith.constant 17 : i32
      %get3A_1298 = arith.index_cast %get3A_1297 : i32 to index
      %get3A_1299 = arith.index_cast %add3A_1118 : i32 to index
      %get3A_1300 = tpu.vector_load %arg6[%get3A_1298, %get3A_1299] {strides = array<i32>} : memref<19x2048xf32, #tpu.memory_space<vmem>>, vector<16xf32>,
      %exp3A_1301 = math.exp %get3A_1300 : vector<16xf32>
      %get3A_1302 = arith.constant 18 : i32
      %get3A_1303 = arith.index_cast %get3A_1302 : i32 to index
      %get3A_1304 = arith.index_cast %add3A_1118 : i32 to index
      %get3A_1305 = tpu.vector_load %arg6[%get3A_1303, %get3A_1304] {strides = array<i32>} : memref<19x2048xf32, #tpu.memory_space<vmem>>, vector<16xf32>,
      %exp3A_1306 = math.exp %get3A_1305 : vector<16xf32>
      %get3A_1307 = arith.index_cast %mul3A_1114 : i32 to index
      %get3A_1308 = tpu.vector_load %arg8[%get3A_1307] {strides = array<i32>} : memref<2048xi32, #tpu.memory_space<vmem>>, vector<16xi32>,
      %get3A_1309 = arith.index_cast %add3A_1118 : i32 to index
      %get3A_1310 = tpu.vector_load %arg8[%get3A_1309] {strides = array<i32>} : memref<2048xi32, #tpu.memory_space<vmem>>, vector<16xi32>,
      %add3A_1311 = vector.broadcast %mul3A_1114 : i32 to vector<16xi32>
      %add3A_1312 = arith.addi %add3A_1311, %iota3A : vector<16xi32>
      %gather3A = tpu.vector_load_idx %arg6[%get3A_1308, %add3A_1312] : memref<19x2048xf32, #tpu.memory_space<vmem>>[vector<16xi32>, vector<16xi32>], vector<16xf32>,
      %add3A_1313 = vector.broadcast %add3A_1118 : i32 to vector<16xi32>
      %add3A_1314 = arith.addi %add3A_1313, %iota3A : vector<16xi32>
      %gather3A_1315 = tpu.vector_load_idx %arg6[%get3A_1310, %add3A_1314] : memref<19x2048xf32, #tpu.memory_space<vmem>>[vector<16xi32>, vector<16xi32>], vector<16xf32>,
      %add3A_1316 = arith.addf %exp3A, %exp3A_1126 : vector<16xf32>
      %add3A_1317 = arith.addf %exp3A_1131, %exp3A_1136 : vector<16xf32>
      %add3A_1318 = arith.addf %exp3A_1141, %exp3A_1146 : vector<16xf32>
      %add3A_1319 = arith.addf %exp3A_1151, %exp3A_1156 : vector<16xf32>
      %add3A_1320 = arith.addf %exp3A_1161, %exp3A_1166 : vector<16xf32>
      %add3A_1321 = arith.addf %exp3A_1171, %exp3A_1176 : vector<16xf32>
      %add3A_1322 = arith.addf %exp3A_1181, %exp3A_1186 : vector<16xf32>
      %add3A_1323 = arith.addf %exp3A_1191, %exp3A_1196 : vector<16xf32>
      %add3A_1324 = arith.addf %exp3A_1201, %exp3A_1206 : vector<16xf32>
      %add3A_1325 = arith.addf %add3A_1316, %add3A_1317 : vector<16xf32>
      %add3A_1326 = arith.addf %add3A_1318, %add3A_1319 : vector<16xf32>
      %add3A_1327 = arith.addf %add3A_1320, %add3A_1321 : vector<16xf32>
      %add3A_1328 = arith.addf %add3A_1322, %add3A_1323 : vector<16xf32>
      %add3A_1329 = arith.addf %add3A_1324, %exp3A_1211 : vector<16xf32>
      %add3A_1330 = arith.addf %add3A_1325, %add3A_1326 : vector<16xf32>
      %add3A_1331 = arith.addf %add3A_1327, %add3A_1328 : vector<16xf32>
      %add3A_1332 = arith.addf %add3A_1330, %add3A_1331 : vector<16xf32>
      %add3A_1333 = arith.addf %add3A_1332, %add3A_1329 : vector<16xf32>
      %div3A = arith.constant 1.000000e+00 : f32
      %div3A_1334 = vector.broadcast %div3A : f32 to vector<16xf32>
      %div3A_1335 = arith.divf %div3A_1334, %add3A_1333 : vector<16xf32>
      %get3A_1336 = arith.constant 0 : index
      %get3A_1337 = tpu.vector_load %arg9[%get3A_1336] {strides = array<i32>} : memref<304xf32, #tpu.memory_space<vmem>>, vector<16xf32>,
      %mul3A_1338 = arith.mulf %exp3A, %div3A_1335 : vector<16xf32>
      %add3A_1339 = arith.addf %get3A_1337, %mul3A_1338 : vector<16xf32>
      %swap3A_1340 = arith.constant 0 : index
      %swap3A_1341 = tpu.vector_load %arg9[%swap3A_1340] {strides = array<i32>} : memref<304xf32, #tpu.memory_space<vmem>>, vector<16xf32>,
      tpu.vector_store %arg9[%swap3A_1340], %add3A_1339 {strides = array<i32>} : memref<304xf32, #tpu.memory_space<vmem>>, vector<16xf32>,
      %get3A_1342 = arith.constant 16 : index
      %get3A_1343 = tpu.vector_load %arg9[%get3A_1342] {strides = array<i32>} : memref<304xf32, #tpu.memory_space<vmem>>, vector<16xf32>,
      %mul3A_1344 = arith.mulf %exp3A_1126, %div3A_1335 : vector<16xf32>
      %add3A_1345 = arith.addf %get3A_1343, %mul3A_1344 : vector<16xf32>
      %swap3A_1346 = arith.constant 16 : index
      %swap3A_1347 = tpu.vector_load %arg9[%swap3A_1346] {strides = array<i32>} : memref<304xf32, #tpu.memory_space<vmem>>, vector<16xf32>,
      tpu.vector_store %arg9[%swap3A_1346], %add3A_1345 {strides = array<i32>} : memref<304xf32, #tpu.memory_space<vmem>>, vector<16xf32>,
      %get3A_1348 = arith.constant 32 : index
      %get3A_1349 = tpu.vector_load %arg9[%get3A_1348] {strides = array<i32>} : memref<304xf32, #tpu.memory_space<vmem>>, vector<16xf32>,
      %mul3A_1350 = arith.mulf %exp3A_1131, %div3A_1335 : vector<16xf32>
      %add3A_1351 = arith.addf %get3A_1349, %mul3A_1350 : vector<16xf32>
      %swap3A_1352 = arith.constant 32 : index
      %swap3A_1353 = tpu.vector_load %arg9[%swap3A_1352] {strides = array<i32>} : memref<304xf32, #tpu.memory_space<vmem>>, vector<16xf32>,
      tpu.vector_store %arg9[%swap3A_1352], %add3A_1351 {strides = array<i32>} : memref<304xf32, #tpu.memory_space<vmem>>, vector<16xf32>,
      %get3A_1354 = arith.constant 48 : index
      %get3A_1355 = tpu.vector_load %arg9[%get3A_1354] {strides = array<i32>} : memref<304xf32, #tpu.memory_space<vmem>>, vector<16xf32>,
      %mul3A_1356 = arith.mulf %exp3A_1136, %div3A_1335 : vector<16xf32>
      %add3A_1357 = arith.addf %get3A_1355, %mul3A_1356 : vector<16xf32>
      %swap3A_1358 = arith.constant 48 : index
      %swap3A_1359 = tpu.vector_load %arg9[%swap3A_1358] {strides = array<i32>} : memref<304xf32, #tpu.memory_space<vmem>>, vector<16xf32>,
      tpu.vector_store %arg9[%swap3A_1358], %add3A_1357 {strides = array<i32>} : memref<304xf32, #tpu.memory_space<vmem>>, vector<16xf32>,
      %get3A_1360 = arith.constant 64 : index
      %get3A_1361 = tpu.vector_load %arg9[%get3A_1360] {strides = array<i32>} : memref<304xf32, #tpu.memory_space<vmem>>, vector<16xf32>,
      %mul3A_1362 = arith.mulf %exp3A_1141, %div3A_1335 : vector<16xf32>
      %add3A_1363 = arith.addf %get3A_1361, %mul3A_1362 : vector<16xf32>
      %swap3A_1364 = arith.constant 64 : index
      %swap3A_1365 = tpu.vector_load %arg9[%swap3A_1364] {strides = array<i32>} : memref<304xf32, #tpu.memory_space<vmem>>, vector<16xf32>,
      tpu.vector_store %arg9[%swap3A_1364], %add3A_1363 {strides = array<i32>} : memref<304xf32, #tpu.memory_space<vmem>>, vector<16xf32>,
      %get3A_1366 = arith.constant 80 : index
      %get3A_1367 = tpu.vector_load %arg9[%get3A_1366] {strides = array<i32>} : memref<304xf32, #tpu.memory_space<vmem>>, vector<16xf32>,
      %mul3A_1368 = arith.mulf %exp3A_1146, %div3A_1335 : vector<16xf32>
      %add3A_1369 = arith.addf %get3A_1367, %mul3A_1368 : vector<16xf32>
      %swap3A_1370 = arith.constant 80 : index
      %swap3A_1371 = tpu.vector_load %arg9[%swap3A_1370] {strides = array<i32>} : memref<304xf32, #tpu.memory_space<vmem>>, vector<16xf32>,
      tpu.vector_store %arg9[%swap3A_1370], %add3A_1369 {strides = array<i32>} : memref<304xf32, #tpu.memory_space<vmem>>, vector<16xf32>,
      %get3A_1372 = arith.constant 96 : index
      %get3A_1373 = tpu.vector_load %arg9[%get3A_1372] {strides = array<i32>} : memref<304xf32, #tpu.memory_space<vmem>>, vector<16xf32>,
      %mul3A_1374 = arith.mulf %exp3A_1151, %div3A_1335 : vector<16xf32>
      %add3A_1375 = arith.addf %get3A_1373, %mul3A_1374 : vector<16xf32>
      %swap3A_1376 = arith.constant 96 : index
      %swap3A_1377 = tpu.vector_load %arg9[%swap3A_1376] {strides = array<i32>} : memref<304xf32, #tpu.memory_space<vmem>>, vector<16xf32>,
      tpu.vector_store %arg9[%swap3A_1376], %add3A_1375 {strides = array<i32>} : memref<304xf32, #tpu.memory_space<vmem>>, vector<16xf32>,
      %get3A_1378 = arith.constant 112 : index
      %get3A_1379 = tpu.vector_load %arg9[%get3A_1378] {strides = array<i32>} : memref<304xf32, #tpu.memory_space<vmem>>, vector<16xf32>,
      %mul3A_1380 = arith.mulf %exp3A_1156, %div3A_1335 : vector<16xf32>
      %add3A_1381 = arith.addf %get3A_1379, %mul3A_1380 : vector<16xf32>
      %swap3A_1382 = arith.constant 112 : index
      %swap3A_1383 = tpu.vector_load %arg9[%swap3A_1382] {strides = array<i32>} : memref<304xf32, #tpu.memory_space<vmem>>, vector<16xf32>,
      tpu.vector_store %arg9[%swap3A_1382], %add3A_1381 {strides = array<i32>} : memref<304xf32, #tpu.memory_space<vmem>>, vector<16xf32>,
      %get3A_1384 = arith.constant 128 : index
      %get3A_1385 = tpu.vector_load %arg9[%get3A_1384] {strides = array<i32>} : memref<304xf32, #tpu.memory_space<vmem>>, vector<16xf32>,
      %mul3A_1386 = arith.mulf %exp3A_1161, %div3A_1335 : vector<16xf32>
      %add3A_1387 = arith.addf %get3A_1385, %mul3A_1386 : vector<16xf32>
      %swap3A_1388 = arith.constant 128 : index
      %swap3A_1389 = tpu.vector_load %arg9[%swap3A_1388] {strides = array<i32>} : memref<304xf32, #tpu.memory_space<vmem>>, vector<16xf32>,
      tpu.vector_store %arg9[%swap3A_1388], %add3A_1387 {strides = array<i32>} : memref<304xf32, #tpu.memory_space<vmem>>, vector<16xf32>,
      %get3A_1390 = arith.constant 144 : index
      %get3A_1391 = tpu.vector_load %arg9[%get3A_1390] {strides = array<i32>} : memref<304xf32, #tpu.memory_space<vmem>>, vector<16xf32>,
      %mul3A_1392 = arith.mulf %exp3A_1166, %div3A_1335 : vector<16xf32>
      %add3A_1393 = arith.addf %get3A_1391, %mul3A_1392 : vector<16xf32>
      %swap3A_1394 = arith.constant 144 : index
      %swap3A_1395 = tpu.vector_load %arg9[%swap3A_1394] {strides = array<i32>} : memref<304xf32, #tpu.memory_space<vmem>>, vector<16xf32>,
      tpu.vector_store %arg9[%swap3A_1394], %add3A_1393 {strides = array<i32>} : memref<304xf32, #tpu.memory_space<vmem>>, vector<16xf32>,
      %get3A_1396 = arith.constant 160 : index
      %get3A_1397 = tpu.vector_load %arg9[%get3A_1396] {strides = array<i32>} : memref<304xf32, #tpu.memory_space<vmem>>, vector<16xf32>,
      %mul3A_1398 = arith.mulf %exp3A_1171, %div3A_1335 : vector<16xf32>
      %add3A_1399 = arith.addf %get3A_1397, %mul3A_1398 : vector<16xf32>
      %swap3A_1400 = arith.constant 160 : index
      %swap3A_1401 = tpu.vector_load %arg9[%swap3A_1400] {strides = array<i32>} : memref<304xf32, #tpu.memory_space<vmem>>, vector<16xf32>,
      tpu.vector_store %arg9[%swap3A_1400], %add3A_1399 {strides = array<i32>} : memref<304xf32, #tpu.memory_space<vmem>>, vector<16xf32>,
      %get3A_1402 = arith.constant 176 : index
      %get3A_1403 = tpu.vector_load %arg9[%get3A_1402] {strides = array<i32>} : memref<304xf32, #tpu.memory_space<vmem>>, vector<16xf32>,
      %mul3A_1404 = arith.mulf %exp3A_1176, %div3A_1335 : vector<16xf32>
      %add3A_1405 = arith.addf %get3A_1403, %mul3A_1404 : vector<16xf32>
      %swap3A_1406 = arith.constant 176 : index
      %swap3A_1407 = tpu.vector_load %arg9[%swap3A_1406] {strides = array<i32>} : memref<304xf32, #tpu.memory_space<vmem>>, vector<16xf32>,
      tpu.vector_store %arg9[%swap3A_1406], %add3A_1405 {strides = array<i32>} : memref<304xf32, #tpu.memory_space<vmem>>, vector<16xf32>,
      %get3A_1408 = arith.constant 192 : index
      %get3A_1409 = tpu.vector_load %arg9[%get3A_1408] {strides = array<i32>} : memref<304xf32, #tpu.memory_space<vmem>>, vector<16xf32>,
      %mul3A_1410 = arith.mulf %exp3A_1181, %div3A_1335 : vector<16xf32>
      %add3A_1411 = arith.addf %get3A_1409, %mul3A_1410 : vector<16xf32>
      %swap3A_1412 = arith.constant 192 : index
      %swap3A_1413 = tpu.vector_load %arg9[%swap3A_1412] {strides = array<i32>} : memref<304xf32, #tpu.memory_space<vmem>>, vector<16xf32>,
      tpu.vector_store %arg9[%swap3A_1412], %add3A_1411 {strides = array<i32>} : memref<304xf32, #tpu.memory_space<vmem>>, vector<16xf32>,
      %get3A_1414 = arith.constant 208 : index
      %get3A_1415 = tpu.vector_load %arg9[%get3A_1414] {strides = array<i32>} : memref<304xf32, #tpu.memory_space<vmem>>, vector<16xf32>,
      %mul3A_1416 = arith.mulf %exp3A_1186, %div3A_1335 : vector<16xf32>
      %add3A_1417 = arith.addf %get3A_1415, %mul3A_1416 : vector<16xf32>
      %swap3A_1418 = arith.constant 208 : index
      %swap3A_1419 = tpu.vector_load %arg9[%swap3A_1418] {strides = array<i32>} : memref<304xf32, #tpu.memory_space<vmem>>, vector<16xf32>,
      tpu.vector_store %arg9[%swap3A_1418], %add3A_1417 {strides = array<i32>} : memref<304xf32, #tpu.memory_space<vmem>>, vector<16xf32>,
      %get3A_1420 = arith.constant 224 : index
      %get3A_1421 = tpu.vector_load %arg9[%get3A_1420] {strides = array<i32>} : memref<304xf32, #tpu.memory_space<vmem>>, vector<16xf32>,
      %mul3A_1422 = arith.mulf %exp3A_1191, %div3A_1335 : vector<16xf32>
      %add3A_1423 = arith.addf %get3A_1421, %mul3A_1422 : vector<16xf32>
      %swap3A_1424 = arith.constant 224 : index
      %swap3A_1425 = tpu.vector_load %arg9[%swap3A_1424] {strides = array<i32>} : memref<304xf32, #tpu.memory_space<vmem>>, vector<16xf32>,
      tpu.vector_store %arg9[%swap3A_1424], %add3A_1423 {strides = array<i32>} : memref<304xf32, #tpu.memory_space<vmem>>, vector<16xf32>,
      %get3A_1426 = arith.constant 240 : index
      %get3A_1427 = tpu.vector_load %arg9[%get3A_1426] {strides = array<i32>} : memref<304xf32, #tpu.memory_space<vmem>>, vector<16xf32>,
      %mul3A_1428 = arith.mulf %exp3A_1196, %div3A_1335 : vector<16xf32>
      %add3A_1429 = arith.addf %get3A_1427, %mul3A_1428 : vector<16xf32>
      %swap3A_1430 = arith.constant 240 : index
      %swap3A_1431 = tpu.vector_load %arg9[%swap3A_1430] {strides = array<i32>} : memref<304xf32, #tpu.memory_space<vmem>>, vector<16xf32>,
      tpu.vector_store %arg9[%swap3A_1430], %add3A_1429 {strides = array<i32>} : memref<304xf32, #tpu.memory_space<vmem>>, vector<16xf32>,
      %get3A_1432 = arith.constant 256 : index
      %get3A_1433 = tpu.vector_load %arg9[%get3A_1432] {strides = array<i32>} : memref<304xf32, #tpu.memory_space<vmem>>, vector<16xf32>,
      %mul3A_1434 = arith.mulf %exp3A_1201, %div3A_1335 : vector<16xf32>
      %add3A_1435 = arith.addf %get3A_1433, %mul3A_1434 : vector<16xf32>
      %swap3A_1436 = arith.constant 256 : index
      %swap3A_1437 = tpu.vector_load %arg9[%swap3A_1436] {strides = array<i32>} : memref<304xf32, #tpu.memory_space<vmem>>, vector<16xf32>,
      tpu.vector_store %arg9[%swap3A_1436], %add3A_1435 {strides = array<i32>} : memref<304xf32, #tpu.memory_space<vmem>>, vector<16xf32>,
      %get3A_1438 = arith.constant 272 : index
      %get3A_1439 = tpu.vector_load %arg9[%get3A_1438] {strides = array<i32>} : memref<304xf32, #tpu.memory_space<vmem>>, vector<16xf32>,
      %mul3A_1440 = arith.mulf %exp3A_1206, %div3A_1335 : vector<16xf32>
      %add3A_1441 = arith.addf %get3A_1439, %mul3A_1440 : vector<16xf32>
      %swap3A_1442 = arith.constant 272 : index
      %swap3A_1443 = tpu.vector_load %arg9[%swap3A_1442] {strides = array<i32>} : memref<304xf32, #tpu.memory_space<vmem>>, vector<16xf32>,
      tpu.vector_store %arg9[%swap3A_1442], %add3A_1441 {strides = array<i32>} : memref<304xf32, #tpu.memory_space<vmem>>, vector<16xf32>,
      %get3A_1444 = arith.constant 288 : index
      %get3A_1445 = tpu.vector_load %arg9[%get3A_1444] {strides = array<i32>} : memref<304xf32, #tpu.memory_space<vmem>>, vector<16xf32>,
      %mul3A_1446 = arith.mulf %exp3A_1211, %div3A_1335 : vector<16xf32>
      %add3A_1447 = arith.addf %get3A_1445, %mul3A_1446 : vector<16xf32>
      %swap3A_1448 = arith.constant 288 : index
      %swap3A_1449 = tpu.vector_load %arg9[%swap3A_1448] {strides = array<i32>} : memref<304xf32, #tpu.memory_space<vmem>>, vector<16xf32>,
      tpu.vector_store %arg9[%swap3A_1448], %add3A_1447 {strides = array<i32>} : memref<304xf32, #tpu.memory_space<vmem>>, vector<16xf32>,
      %exp3A_1450 = math.exp %gather3A : vector<16xf32>
      %mul3A_1451 = arith.mulf %exp3A_1450, %div3A_1335 : vector<16xf32>
      %mul3A_1452 = arith.constant 16 : i32
      %mul3A_1453 = vector.broadcast %mul3A_1452 : i32 to vector<16xi32>
      %mul3A_1454 = arith.muli %get3A_1308, %mul3A_1453 : vector<16xi32>
      %add3A_1455 = arith.addi %mul3A_1454, %iota3A : vector<16xi32>
      tpu.vector_store_idx %arg10[%add3A_1455], %broadcast_in_dim3A_127 {add = true} : memref<304xf32, #tpu.memory_space<vmem>>[vector<16xi32>], vector<16xf32>,
      %mul3A_1456 = arith.constant 2.000000e+00 : f32
      %mul3A_1457 = vector.broadcast %mul3A_1456 : f32 to vector<16xf32>
      %mul3A_1458 = arith.mulf %mul3A_1457, %mul3A_1451 : vector<16xf32>
      %sub3A = arith.constant 1.000000e+00 : f32
      %sub3A_1459 = vector.broadcast %sub3A : f32 to vector<16xf32>
      %sub3A_1460 = arith.subf %sub3A_1459, %mul3A_1458 : vector<16xf32>
      tpu.vector_store_idx %arg11[%add3A_1455], %sub3A_1460 {add = true} : memref<304xf32, #tpu.memory_space<vmem>>[vector<16xi32>], vector<16xf32>,
      %add3A_1461 = arith.addf %exp3A_1216, %exp3A_1221 : vector<16xf32>
      %add3A_1462 = arith.addf %exp3A_1226, %exp3A_1231 : vector<16xf32>
      %add3A_1463 = arith.addf %exp3A_1236, %exp3A_1241 : vector<16xf32>
      %add3A_1464 = arith.addf %exp3A_1246, %exp3A_1251 : vector<16xf32>
      %add3A_1465 = arith.addf %exp3A_1256, %exp3A_1261 : vector<16xf32>
      %add3A_1466 = arith.addf %exp3A_1266, %exp3A_1271 : vector<16xf32>
      %add3A_1467 = arith.addf %exp3A_1276, %exp3A_1281 : vector<16xf32>
      %add3A_1468 = arith.addf %exp3A_1286, %exp3A_1291 : vector<16xf32>
      %add3A_1469 = arith.addf %exp3A_1296, %exp3A_1301 : vector<16xf32>
      %add3A_1470 = arith.addf %add3A_1461, %add3A_1462 : vector<16xf32>
      %add3A_1471 = arith.addf %add3A_1463, %add3A_1464 : vector<16xf32>
      %add3A_1472 = arith.addf %add3A_1465, %add3A_1466 : vector<16xf32>
      %add3A_1473 = arith.addf %add3A_1467, %add3A_1468 : vector<16xf32>
      %add3A_1474 = arith.addf %add3A_1469, %exp3A_1306 : vector<16xf32>
      %add3A_1475 = arith.addf %add3A_1470, %add3A_1471 : vector<16xf32>
      %add3A_1476 = arith.addf %add3A_1472, %add3A_1473 : vector<16xf32>
      %add3A_1477 = arith.addf %add3A_1475, %add3A_1476 : vector<16xf32>
      %add3A_1478 = arith.addf %add3A_1477, %add3A_1474 : vector<16xf32>
      %div3A_1479 = arith.constant 1.000000e+00 : f32
      %div3A_1480 = vector.broadcast %div3A_1479 : f32 to vector<16xf32>
      %div3A_1481 = arith.divf %div3A_1480, %add3A_1478 : vector<16xf32>
      %get3A_1482 = arith.constant 0 : index
      %get3A_1483 = tpu.vector_load %arg9[%get3A_1482] {strides = array<i32>} : memref<304xf32, #tpu.memory_space<vmem>>, vector<16xf32>,
      %mul3A_1484 = arith.mulf %exp3A_1216, %div3A_1481 : vector<16xf32>
      %add3A_1485 = arith.addf %get3A_1483, %mul3A_1484 : vector<16xf32>
      %swap3A_1486 = arith.constant 0 : index
      %swap3A_1487 = tpu.vector_load %arg9[%swap3A_1486] {strides = array<i32>} : memref<304xf32, #tpu.memory_space<vmem>>, vector<16xf32>,
      tpu.vector_store %arg9[%swap3A_1486], %add3A_1485 {strides = array<i32>} : memref<304xf32, #tpu.memory_space<vmem>>, vector<16xf32>,
      %get3A_1488 = arith.constant 16 : index
      %get3A_1489 = tpu.vector_load %arg9[%get3A_1488] {strides = array<i32>} : memref<304xf32, #tpu.memory_space<vmem>>, vector<16xf32>,
      %mul3A_1490 = arith.mulf %exp3A_1221, %div3A_1481 : vector<16xf32>
      %add3A_1491 = arith.addf %get3A_1489, %mul3A_1490 : vector<16xf32>
      %swap3A_1492 = arith.constant 16 : index
      %swap3A_1493 = tpu.vector_load %arg9[%swap3A_1492] {strides = array<i32>} : memref<304xf32, #tpu.memory_space<vmem>>, vector<16xf32>,
      tpu.vector_store %arg9[%swap3A_1492], %add3A_1491 {strides = array<i32>} : memref<304xf32, #tpu.memory_space<vmem>>, vector<16xf32>,
      %get3A_1494 = arith.constant 32 : index
      %get3A_1495 = tpu.vector_load %arg9[%get3A_1494] {strides = array<i32>} : memref<304xf32, #tpu.memory_space<vmem>>, vector<16xf32>,
      %mul3A_1496 = arith.mulf %exp3A_1226, %div3A_1481 : vector<16xf32>
      %add3A_1497 = arith.addf %get3A_1495, %mul3A_1496 : vector<16xf32>
      %swap3A_1498 = arith.constant 32 : index
      %swap3A_1499 = tpu.vector_load %arg9[%swap3A_1498] {strides = array<i32>} : memref<304xf32, #tpu.memory_space<vmem>>, vector<16xf32>,
      tpu.vector_store %arg9[%swap3A_1498], %add3A_1497 {strides = array<i32>} : memref<304xf32, #tpu.memory_space<vmem>>, vector<16xf32>,
      %get3A_1500 = arith.constant 48 : index
      %get3A_1501 = tpu.vector_load %arg9[%get3A_1500] {strides = array<i32>} : memref<304xf32, #tpu.memory_space<vmem>>, vector<16xf32>,
      %mul3A_1502 = arith.mulf %exp3A_1231, %div3A_1481 : vector<16xf32>
      %add3A_1503 = arith.addf %get3A_1501, %mul3A_1502 : vector<16xf32>
      %swap3A_1504 = arith.constant 48 : index
      %swap3A_1505 = tpu.vector_load %arg9[%swap3A_1504] {strides = array<i32>} : memref<304xf32, #tpu.memory_space<vmem>>, vector<16xf32>,
      tpu.vector_store %arg9[%swap3A_1504], %add3A_1503 {strides = array<i32>} : memref<304xf32, #tpu.memory_space<vmem>>, vector<16xf32>,
      %get3A_1506 = arith.constant 64 : index
      %get3A_1507 = tpu.vector_load %arg9[%get3A_1506] {strides = array<i32>} : memref<304xf32, #tpu.memory_space<vmem>>, vector<16xf32>,
      %mul3A_1508 = arith.mulf %exp3A_1236, %div3A_1481 : vector<16xf32>
      %add3A_1509 = arith.addf %get3A_1507, %mul3A_1508 : vector<16xf32>
      %swap3A_1510 = arith.constant 64 : index
      %swap3A_1511 = tpu.vector_load %arg9[%swap3A_1510] {strides = array<i32>} : memref<304xf32, #tpu.memory_space<vmem>>, vector<16xf32>,
      tpu.vector_store %arg9[%swap3A_1510], %add3A_1509 {strides = array<i32>} : memref<304xf32, #tpu.memory_space<vmem>>, vector<16xf32>,
      %get3A_1512 = arith.constant 80 : index
      %get3A_1513 = tpu.vector_load %arg9[%get3A_1512] {strides = array<i32>} : memref<304xf32, #tpu.memory_space<vmem>>, vector<16xf32>,
      %mul3A_1514 = arith.mulf %exp3A_1241, %div3A_1481 : vector<16xf32>
      %add3A_1515 = arith.addf %get3A_1513, %mul3A_1514 : vector<16xf32>
      %swap3A_1516 = arith.constant 80 : index
      %swap3A_1517 = tpu.vector_load %arg9[%swap3A_1516] {strides = array<i32>} : memref<304xf32, #tpu.memory_space<vmem>>, vector<16xf32>,
      tpu.vector_store %arg9[%swap3A_1516], %add3A_1515 {strides = array<i32>} : memref<304xf32, #tpu.memory_space<vmem>>, vector<16xf32>,
      %get3A_1518 = arith.constant 96 : index
      %get3A_1519 = tpu.vector_load %arg9[%get3A_1518] {strides = array<i32>} : memref<304xf32, #tpu.memory_space<vmem>>, vector<16xf32>,
      %mul3A_1520 = arith.mulf %exp3A_1246, %div3A_1481 : vector<16xf32>
      %add3A_1521 = arith.addf %get3A_1519, %mul3A_1520 : vector<16xf32>
      %swap3A_1522 = arith.constant 96 : index
      %swap3A_1523 = tpu.vector_load %arg9[%swap3A_1522] {strides = array<i32>} : memref<304xf32, #tpu.memory_space<vmem>>, vector<16xf32>,
      tpu.vector_store %arg9[%swap3A_1522], %add3A_1521 {strides = array<i32>} : memref<304xf32, #tpu.memory_space<vmem>>, vector<16xf32>,
      %get3A_1524 = arith.constant 112 : index
      %get3A_1525 = tpu.vector_load %arg9[%get3A_1524] {strides = array<i32>} : memref<304xf32, #tpu.memory_space<vmem>>, vector<16xf32>,
      %mul3A_1526 = arith.mulf %exp3A_1251, %div3A_1481 : vector<16xf32>
      %add3A_1527 = arith.addf %get3A_1525, %mul3A_1526 : vector<16xf32>
      %swap3A_1528 = arith.constant 112 : index
      %swap3A_1529 = tpu.vector_load %arg9[%swap3A_1528] {strides = array<i32>} : memref<304xf32, #tpu.memory_space<vmem>>, vector<16xf32>,
      tpu.vector_store %arg9[%swap3A_1528], %add3A_1527 {strides = array<i32>} : memref<304xf32, #tpu.memory_space<vmem>>, vector<16xf32>,
      %get3A_1530 = arith.constant 128 : index
      %get3A_1531 = tpu.vector_load %arg9[%get3A_1530] {strides = array<i32>} : memref<304xf32, #tpu.memory_space<vmem>>, vector<16xf32>,
      %mul3A_1532 = arith.mulf %exp3A_1256, %div3A_1481 : vector<16xf32>
      %add3A_1533 = arith.addf %get3A_1531, %mul3A_1532 : vector<16xf32>
      %swap3A_1534 = arith.constant 128 : index
      %swap3A_1535 = tpu.vector_load %arg9[%swap3A_1534] {strides = array<i32>} : memref<304xf32, #tpu.memory_space<vmem>>, vector<16xf32>,
      tpu.vector_store %arg9[%swap3A_1534], %add3A_1533 {strides = array<i32>} : memref<304xf32, #tpu.memory_space<vmem>>, vector<16xf32>,
      %get3A_1536 = arith.constant 144 : index
      %get3A_1537 = tpu.vector_load %arg9[%get3A_1536] {strides = array<i32>} : memref<304xf32, #tpu.memory_space<vmem>>, vector<16xf32>,
      %mul3A_1538 = arith.mulf %exp3A_1261, %div3A_1481 : vector<16xf32>
      %add3A_1539 = arith.addf %get3A_1537, %mul3A_1538 : vector<16xf32>
      %swap3A_1540 = arith.constant 144 : index
      %swap3A_1541 = tpu.vector_load %arg9[%swap3A_1540] {strides = array<i32>} : memref<304xf32, #tpu.memory_space<vmem>>, vector<16xf32>,
      tpu.vector_store %arg9[%swap3A_1540], %add3A_1539 {strides = array<i32>} : memref<304xf32, #tpu.memory_space<vmem>>, vector<16xf32>,
      %get3A_1542 = arith.constant 160 : index
      %get3A_1543 = tpu.vector_load %arg9[%get3A_1542] {strides = array<i32>} : memref<304xf32, #tpu.memory_space<vmem>>, vector<16xf32>,
      %mul3A_1544 = arith.mulf %exp3A_1266, %div3A_1481 : vector<16xf32>
      %add3A_1545 = arith.addf %get3A_1543, %mul3A_1544 : vector<16xf32>
      %swap3A_1546 = arith.constant 160 : index
      %swap3A_1547 = tpu.vector_load %arg9[%swap3A_1546] {strides = array<i32>} : memref<304xf32, #tpu.memory_space<vmem>>, vector<16xf32>,
      tpu.vector_store %arg9[%swap3A_1546], %add3A_1545 {strides = array<i32>} : memref<304xf32, #tpu.memory_space<vmem>>, vector<16xf32>,
      %get3A_1548 = arith.constant 176 : index
      %get3A_1549 = tpu.vector_load %arg9[%get3A_1548] {strides = array<i32>} : memref<304xf32, #tpu.memory_space<vmem>>, vector<16xf32>,
      %mul3A_1550 = arith.mulf %exp3A_1271, %div3A_1481 : vector<16xf32>
      %add3A_1551 = arith.addf %get3A_1549, %mul3A_1550 : vector<16xf32>
      %swap3A_1552 = arith.constant 176 : index
      %swap3A_1553 = tpu.vector_load %arg9[%swap3A_1552] {strides = array<i32>} : memref<304xf32, #tpu.memory_space<vmem>>, vector<16xf32>,
      tpu.vector_store %arg9[%swap3A_1552], %add3A_1551 {strides = array<i32>} : memref<304xf32, #tpu.memory_space<vmem>>, vector<16xf32>,
      %get3A_1554 = arith.constant 192 : index
      %get3A_1555 = tpu.vector_load %arg9[%get3A_1554] {strides = array<i32>} : memref<304xf32, #tpu.memory_space<vmem>>, vector<16xf32>,
      %mul3A_1556 = arith.mulf %exp3A_1276, %div3A_1481 : vector<16xf32>
      %add3A_1557 = arith.addf %get3A_1555, %mul3A_1556 : vector<16xf32>
      %swap3A_1558 = arith.constant 192 : index
      %swap3A_1559 = tpu.vector_load %arg9[%swap3A_1558] {strides = array<i32>} : memref<304xf32, #tpu.memory_space<vmem>>, vector<16xf32>,
      tpu.vector_store %arg9[%swap3A_1558], %add3A_1557 {strides = array<i32>} : memref<304xf32, #tpu.memory_space<vmem>>, vector<16xf32>,
      %get3A_1560 = arith.constant 208 : index
      %get3A_1561 = tpu.vector_load %arg9[%get3A_1560] {strides = array<i32>} : memref<304xf32, #tpu.memory_space<vmem>>, vector<16xf32>,
      %mul3A_1562 = arith.mulf %exp3A_1281, %div3A_1481 : vector<16xf32>
      %add3A_1563 = arith.addf %get3A_1561, %mul3A_1562 : vector<16xf32>
      %swap3A_1564 = arith.constant 208 : index
      %swap3A_1565 = tpu.vector_load %arg9[%swap3A_1564] {strides = array<i32>} : memref<304xf32, #tpu.memory_space<vmem>>, vector<16xf32>,
      tpu.vector_store %arg9[%swap3A_1564], %add3A_1563 {strides = array<i32>} : memref<304xf32, #tpu.memory_space<vmem>>, vector<16xf32>,
      %get3A_1566 = arith.constant 224 : index
      %get3A_1567 = tpu.vector_load %arg9[%get3A_1566] {strides = array<i32>} : memref<304xf32, #tpu.memory_space<vmem>>, vector<16xf32>,
      %mul3A_1568 = arith.mulf %exp3A_1286, %div3A_1481 : vector<16xf32>
      %add3A_1569 = arith.addf %get3A_1567, %mul3A_1568 : vector<16xf32>
      %swap3A_1570 = arith.constant 224 : index
      %swap3A_1571 = tpu.vector_load %arg9[%swap3A_1570] {strides = array<i32>} : memref<304xf32, #tpu.memory_space<vmem>>, vector<16xf32>,
      tpu.vector_store %arg9[%swap3A_1570], %add3A_1569 {strides = array<i32>} : memref<304xf32, #tpu.memory_space<vmem>>, vector<16xf32>,
      %get3A_1572 = arith.constant 240 : index
      %get3A_1573 = tpu.vector_load %arg9[%get3A_1572] {strides = array<i32>} : memref<304xf32, #tpu.memory_space<vmem>>, vector<16xf32>,
      %mul3A_1574 = arith.mulf %exp3A_1291, %div3A_1481 : vector<16xf32>
      %add3A_1575 = arith.addf %get3A_1573, %mul3A_1574 : vector<16xf32>
      %swap3A_1576 = arith.constant 240 : index
      %swap3A_1577 = tpu.vector_load %arg9[%swap3A_1576] {strides = array<i32>} : memref<304xf32, #tpu.memory_space<vmem>>, vector<16xf32>,
      tpu.vector_store %arg9[%swap3A_1576], %add3A_1575 {strides = array<i32>} : memref<304xf32, #tpu.memory_space<vmem>>, vector<16xf32>,
      %get3A_1578 = arith.constant 256 : index
      %get3A_1579 = tpu.vector_load %arg9[%get3A_1578] {strides = array<i32>} : memref<304xf32, #tpu.memory_space<vmem>>, vector<16xf32>,
      %mul3A_1580 = arith.mulf %exp3A_1296, %div3A_1481 : vector<16xf32>
      %add3A_1581 = arith.addf %get3A_1579, %mul3A_1580 : vector<16xf32>
      %swap3A_1582 = arith.constant 256 : index
      %swap3A_1583 = tpu.vector_load %arg9[%swap3A_1582] {strides = array<i32>} : memref<304xf32, #tpu.memory_space<vmem>>, vector<16xf32>,
      tpu.vector_store %arg9[%swap3A_1582], %add3A_1581 {strides = array<i32>} : memref<304xf32, #tpu.memory_space<vmem>>, vector<16xf32>,
      %get3A_1584 = arith.constant 272 : index
      %get3A_1585 = tpu.vector_load %arg9[%get3A_1584] {strides = array<i32>} : memref<304xf32, #tpu.memory_space<vmem>>, vector<16xf32>,
      %mul3A_1586 = arith.mulf %exp3A_1301, %div3A_1481 : vector<16xf32>
      %add3A_1587 = arith.addf %get3A_1585, %mul3A_1586 : vector<16xf32>
      %swap3A_1588 = arith.constant 272 : index
      %swap3A_1589 = tpu.vector_load %arg9[%swap3A_1588] {strides = array<i32>} : memref<304xf32, #tpu.memory_space<vmem>>, vector<16xf32>,
      tpu.vector_store %arg9[%swap3A_1588], %add3A_1587 {strides = array<i32>} : memref<304xf32, #tpu.memory_space<vmem>>, vector<16xf32>,
      %get3A_1590 = arith.constant 288 : index
      %get3A_1591 = tpu.vector_load %arg9[%get3A_1590] {strides = array<i32>} : memref<304xf32, #tpu.memory_space<vmem>>, vector<16xf32>,
      %mul3A_1592 = arith.mulf %exp3A_1306, %div3A_1481 : vector<16xf32>
      %add3A_1593 = arith.addf %get3A_1591, %mul3A_1592 : vector<16xf32>
      %swap3A_1594 = arith.constant 288 : index
      %swap3A_1595 = tpu.vector_load %arg9[%swap3A_1594] {strides = array<i32>} : memref<304xf32, #tpu.memory_space<vmem>>, vector<16xf32>,
      tpu.vector_store %arg9[%swap3A_1594], %add3A_1593 {strides = array<i32>} : memref<304xf32, #tpu.memory_space<vmem>>, vector<16xf32>,
      %exp3A_1596 = math.exp %gather3A_1315 : vector<16xf32>
      %mul3A_1597 = arith.mulf %exp3A_1596, %div3A_1481 : vector<16xf32>
      %mul3A_1598 = arith.constant 16 : i32
      %mul3A_1599 = vector.broadcast %mul3A_1598 : i32 to vector<16xi32>
      %mul3A_1600 = arith.muli %get3A_1310, %mul3A_1599 : vector<16xi32>
      %add3A_1601 = arith.addi %mul3A_1600, %iota3A : vector<16xi32>
      tpu.vector_store_idx %arg10[%add3A_1601], %broadcast_in_dim3A_127 {add = true} : memref<304xf32, #tpu.memory_space<vmem>>[vector<16xi32>], vector<16xf32>,
      %mul3A_1602 = arith.constant 2.000000e+00 : f32
      %mul3A_1603 = vector.broadcast %mul3A_1602 : f32 to vector<16xf32>
      %mul3A_1604 = arith.mulf %mul3A_1603, %mul3A_1597 : vector<16xf32>
      %sub3A_1605 = arith.constant 1.000000e+00 : f32
      %sub3A_1606 = vector.broadcast %sub3A_1605 : f32 to vector<16xf32>
      %sub3A_1607 = arith.subf %sub3A_1606, %mul3A_1604 : vector<16xf32>
      tpu.vector_store_idx %arg11[%add3A_1601], %sub3A_1607 {add = true} : memref<304xf32, #tpu.memory_space<vmem>>[vector<16xi32>], vector<16xf32>,
    }
    %scan3A_199 = arith.constant 64 : i32
    %mul3A_200 = arith.constant 16 : i32
    %mul3A_201 = arith.muli %add3A, %mul3A_200 : i32
    %add3A_202 = arith.constant 0 : i32
    %add3A_203 = arith.addi %add3A_202, %mul3A_201 : i32
    %dma_start3A_204 = arith.constant 0 : i32
    %dma_start3A_205 = tpu.memref_slice %arg9[%dma_start3A_204] : memref<304xf32, #tpu.memory_space<vmem>> -> memref<16xf32, #tpu.memory_space<vmem>>
    %dma_start3A_206 = tpu.memref_slice %arg4[%add3A_203] : memref<29184xf32, #tpu.memory_space<hbm>> -> memref<16xf32, #tpu.memory_space<hbm>>
    %dma_start3A_207 = tpu.memref_slice %arg4[%add3A_203] : memref<29184xf32, #tpu.memory_space<hbm>> -> memref<16xf32, #tpu.memory_space<hbm>>
    %dma_start3A_208 = arith.constant 0 : i32
    %dma_start3A_209 = tpu.memref_slice %arg9[%dma_start3A_208] : memref<304xf32, #tpu.memory_space<vmem>> -> memref<16xf32, #tpu.memory_space<vmem>>
    tpu.enqueue_dma source(%dma_start3A_209 : memref<16xf32, #tpu.memory_space<vmem>>) target(%dma_start3A_207 : memref<16xf32, #tpu.memory_space<hbm>>) target_semaphore(%arg12 : memref<!tpu.dma_semaphore, #tpu.memory_space<semaphore_mem>>)
    %mul3A_210 = arith.constant 16 : i32
    %mul3A_211 = arith.muli %add3A, %mul3A_210 : i32
    %add3A_212 = arith.constant 512 : i32
    %add3A_213 = arith.addi %add3A_212, %mul3A_211 : i32
    %dma_start3A_214 = arith.constant 16 : i32
    %dma_start3A_215 = tpu.memref_slice %arg9[%dma_start3A_214] : memref<304xf32, #tpu.memory_space<vmem>> -> memref<16xf32, #tpu.memory_space<vmem>>
    %dma_start3A_216 = tpu.memref_slice %arg4[%add3A_213] : memref<29184xf32, #tpu.memory_space<hbm>> -> memref<16xf32, #tpu.memory_space<hbm>>
    %dma_start3A_217 = tpu.memref_slice %arg4[%add3A_213] : memref<29184xf32, #tpu.memory_space<hbm>> -> memref<16xf32, #tpu.memory_space<hbm>>
    %dma_start3A_218 = arith.constant 16 : i32
    %dma_start3A_219 = tpu.memref_slice %arg9[%dma_start3A_218] : memref<304xf32, #tpu.memory_space<vmem>> -> memref<16xf32, #tpu.memory_space<vmem>>
    tpu.enqueue_dma source(%dma_start3A_219 : memref<16xf32, #tpu.memory_space<vmem>>) target(%dma_start3A_217 : memref<16xf32, #tpu.memory_space<hbm>>) target_semaphore(%arg12 : memref<!tpu.dma_semaphore, #tpu.memory_space<semaphore_mem>>)
    %mul3A_220 = arith.constant 16 : i32
    %mul3A_221 = arith.muli %add3A, %mul3A_220 : i32
    %add3A_222 = arith.constant 1024 : i32
    %add3A_223 = arith.addi %add3A_222, %mul3A_221 : i32
    %dma_start3A_224 = arith.constant 32 : i32
    %dma_start3A_225 = tpu.memref_slice %arg9[%dma_start3A_224] : memref<304xf32, #tpu.memory_space<vmem>> -> memref<16xf32, #tpu.memory_space<vmem>>
    %dma_start3A_226 = tpu.memref_slice %arg4[%add3A_223] : memref<29184xf32, #tpu.memory_space<hbm>> -> memref<16xf32, #tpu.memory_space<hbm>>
    %dma_start3A_227 = tpu.memref_slice %arg4[%add3A_223] : memref<29184xf32, #tpu.memory_space<hbm>> -> memref<16xf32, #tpu.memory_space<hbm>>
    %dma_start3A_228 = arith.constant 32 : i32
    %dma_start3A_229 = tpu.memref_slice %arg9[%dma_start3A_228] : memref<304xf32, #tpu.memory_space<vmem>> -> memref<16xf32, #tpu.memory_space<vmem>>
    tpu.enqueue_dma source(%dma_start3A_229 : memref<16xf32, #tpu.memory_space<vmem>>) target(%dma_start3A_227 : memref<16xf32, #tpu.memory_space<hbm>>) target_semaphore(%arg12 : memref<!tpu.dma_semaphore, #tpu.memory_space<semaphore_mem>>)
    %mul3A_230 = arith.constant 16 : i32
    %mul3A_231 = arith.muli %add3A, %mul3A_230 : i32
    %add3A_232 = arith.constant 1536 : i32
    %add3A_233 = arith.addi %add3A_232, %mul3A_231 : i32
    %dma_start3A_234 = arith.constant 48 : i32
    %dma_start3A_235 = tpu.memref_slice %arg9[%dma_start3A_234] : memref<304xf32, #tpu.memory_space<vmem>> -> memref<16xf32, #tpu.memory_space<vmem>>
    %dma_start3A_236 = tpu.memref_slice %arg4[%add3A_233] : memref<29184xf32, #tpu.memory_space<hbm>> -> memref<16xf32, #tpu.memory_space<hbm>>
    %dma_start3A_237 = tpu.memref_slice %arg4[%add3A_233] : memref<29184xf32, #tpu.memory_space<hbm>> -> memref<16xf32, #tpu.memory_space<hbm>>
    %dma_start3A_238 = arith.constant 48 : i32
    %dma_start3A_239 = tpu.memref_slice %arg9[%dma_start3A_238] : memref<304xf32, #tpu.memory_space<vmem>> -> memref<16xf32, #tpu.memory_space<vmem>>
    tpu.enqueue_dma source(%dma_start3A_239 : memref<16xf32, #tpu.memory_space<vmem>>) target(%dma_start3A_237 : memref<16xf32, #tpu.memory_space<hbm>>) target_semaphore(%arg12 : memref<!tpu.dma_semaphore, #tpu.memory_space<semaphore_mem>>)
    %mul3A_240 = arith.constant 16 : i32
    %mul3A_241 = arith.muli %add3A, %mul3A_240 : i32
    %add3A_242 = arith.constant 2048 : i32
    %add3A_243 = arith.addi %add3A_242, %mul3A_241 : i32
    %dma_start3A_244 = arith.constant 64 : i32
    %dma_start3A_245 = tpu.memref_slice %arg9[%dma_start3A_244] : memref<304xf32, #tpu.memory_space<vmem>> -> memref<16xf32, #tpu.memory_space<vmem>>
    %dma_start3A_246 = tpu.memref_slice %arg4[%add3A_243] : memref<29184xf32, #tpu.memory_space<hbm>> -> memref<16xf32, #tpu.memory_space<hbm>>
    %dma_start3A_247 = tpu.memref_slice %arg4[%add3A_243] : memref<29184xf32, #tpu.memory_space<hbm>> -> memref<16xf32, #tpu.memory_space<hbm>>
    %dma_start3A_248 = arith.constant 64 : i32
    %dma_start3A_249 = tpu.memref_slice %arg9[%dma_start3A_248] : memref<304xf32, #tpu.memory_space<vmem>> -> memref<16xf32, #tpu.memory_space<vmem>>
    tpu.enqueue_dma source(%dma_start3A_249 : memref<16xf32, #tpu.memory_space<vmem>>) target(%dma_start3A_247 : memref<16xf32, #tpu.memory_space<hbm>>) target_semaphore(%arg12 : memref<!tpu.dma_semaphore, #tpu.memory_space<semaphore_mem>>)
    %mul3A_250 = arith.constant 16 : i32
    %mul3A_251 = arith.muli %add3A, %mul3A_250 : i32
    %add3A_252 = arith.constant 2560 : i32
    %add3A_253 = arith.addi %add3A_252, %mul3A_251 : i32
    %dma_start3A_254 = arith.constant 80 : i32
    %dma_start3A_255 = tpu.memref_slice %arg9[%dma_start3A_254] : memref<304xf32, #tpu.memory_space<vmem>> -> memref<16xf32, #tpu.memory_space<vmem>>
    %dma_start3A_256 = tpu.memref_slice %arg4[%add3A_253] : memref<29184xf32, #tpu.memory_space<hbm>> -> memref<16xf32, #tpu.memory_space<hbm>>
    %dma_start3A_257 = tpu.memref_slice %arg4[%add3A_253] : memref<29184xf32, #tpu.memory_space<hbm>> -> memref<16xf32, #tpu.memory_space<hbm>>
    %dma_start3A_258 = arith.constant 80 : i32
    %dma_start3A_259 = tpu.memref_slice %arg9[%dma_start3A_258] : memref<304xf32, #tpu.memory_space<vmem>> -> memref<16xf32, #tpu.memory_space<vmem>>
    tpu.enqueue_dma source(%dma_start3A_259 : memref<16xf32, #tpu.memory_space<vmem>>) target(%dma_start3A_257 : memref<16xf32, #tpu.memory_space<hbm>>) target_semaphore(%arg12 : memref<!tpu.dma_semaphore, #tpu.memory_space<semaphore_mem>>)
    %mul3A_260 = arith.constant 16 : i32
    %mul3A_261 = arith.muli %add3A, %mul3A_260 : i32
    %add3A_262 = arith.constant 3072 : i32
    %add3A_263 = arith.addi %add3A_262, %mul3A_261 : i32
    %dma_start3A_264 = arith.constant 96 : i32
    %dma_start3A_265 = tpu.memref_slice %arg9[%dma_start3A_264] : memref<304xf32, #tpu.memory_space<vmem>> -> memref<16xf32, #tpu.memory_space<vmem>>
    %dma_start3A_266 = tpu.memref_slice %arg4[%add3A_263] : memref<29184xf32, #tpu.memory_space<hbm>> -> memref<16xf32, #tpu.memory_space<hbm>>
    %dma_start3A_267 = tpu.memref_slice %arg4[%add3A_263] : memref<29184xf32, #tpu.memory_space<hbm>> -> memref<16xf32, #tpu.memory_space<hbm>>
    %dma_start3A_268 = arith.constant 96 : i32
    %dma_start3A_269 = tpu.memref_slice %arg9[%dma_start3A_268] : memref<304xf32, #tpu.memory_space<vmem>> -> memref<16xf32, #tpu.memory_space<vmem>>
    tpu.enqueue_dma source(%dma_start3A_269 : memref<16xf32, #tpu.memory_space<vmem>>) target(%dma_start3A_267 : memref<16xf32, #tpu.memory_space<hbm>>) target_semaphore(%arg12 : memref<!tpu.dma_semaphore, #tpu.memory_space<semaphore_mem>>)
    %mul3A_270 = arith.constant 16 : i32
    %mul3A_271 = arith.muli %add3A, %mul3A_270 : i32
    %add3A_272 = arith.constant 3584 : i32
    %add3A_273 = arith.addi %add3A_272, %mul3A_271 : i32
    %dma_start3A_274 = arith.constant 112 : i32
    %dma_start3A_275 = tpu.memref_slice %arg9[%dma_start3A_274] : memref<304xf32, #tpu.memory_space<vmem>> -> memref<16xf32, #tpu.memory_space<vmem>>
    %dma_start3A_276 = tpu.memref_slice %arg4[%add3A_273] : memref<29184xf32, #tpu.memory_space<hbm>> -> memref<16xf32, #tpu.memory_space<hbm>>
    %dma_start3A_277 = tpu.memref_slice %arg4[%add3A_273] : memref<29184xf32, #tpu.memory_space<hbm>> -> memref<16xf32, #tpu.memory_space<hbm>>
    %dma_start3A_278 = arith.constant 112 : i32
    %dma_start3A_279 = tpu.memref_slice %arg9[%dma_start3A_278] : memref<304xf32, #tpu.memory_space<vmem>> -> memref<16xf32, #tpu.memory_space<vmem>>
    tpu.enqueue_dma source(%dma_start3A_279 : memref<16xf32, #tpu.memory_space<vmem>>) target(%dma_start3A_277 : memref<16xf32, #tpu.memory_space<hbm>>) target_semaphore(%arg12 : memref<!tpu.dma_semaphore, #tpu.memory_space<semaphore_mem>>)
    %mul3A_280 = arith.constant 16 : i32
    %mul3A_281 = arith.muli %add3A, %mul3A_280 : i32
    %add3A_282 = arith.constant 4096 : i32
    %add3A_283 = arith.addi %add3A_282, %mul3A_281 : i32
    %dma_start3A_284 = arith.constant 128 : i32
    %dma_start3A_285 = tpu.memref_slice %arg9[%dma_start3A_284] : memref<304xf32, #tpu.memory_space<vmem>> -> memref<16xf32, #tpu.memory_space<vmem>>
    %dma_start3A_286 = tpu.memref_slice %arg4[%add3A_283] : memref<29184xf32, #tpu.memory_space<hbm>> -> memref<16xf32, #tpu.memory_space<hbm>>
    %dma_start3A_287 = tpu.memref_slice %arg4[%add3A_283] : memref<29184xf32, #tpu.memory_space<hbm>> -> memref<16xf32, #tpu.memory_space<hbm>>
    %dma_start3A_288 = arith.constant 128 : i32
    %dma_start3A_289 = tpu.memref_slice %arg9[%dma_start3A_288] : memref<304xf32, #tpu.memory_space<vmem>> -> memref<16xf32, #tpu.memory_space<vmem>>
    tpu.enqueue_dma source(%dma_start3A_289 : memref<16xf32, #tpu.memory_space<vmem>>) target(%dma_start3A_287 : memref<16xf32, #tpu.memory_space<hbm>>) target_semaphore(%arg12 : memref<!tpu.dma_semaphore, #tpu.memory_space<semaphore_mem>>)
    %mul3A_290 = arith.constant 16 : i32
    %mul3A_291 = arith.muli %add3A, %mul3A_290 : i32
    %add3A_292 = arith.constant 4608 : i32
    %add3A_293 = arith.addi %add3A_292, %mul3A_291 : i32
    %dma_start3A_294 = arith.constant 144 : i32
    %dma_start3A_295 = tpu.memref_slice %arg9[%dma_start3A_294] : memref<304xf32, #tpu.memory_space<vmem>> -> memref<16xf32, #tpu.memory_space<vmem>>
    %dma_start3A_296 = tpu.memref_slice %arg4[%add3A_293] : memref<29184xf32, #tpu.memory_space<hbm>> -> memref<16xf32, #tpu.memory_space<hbm>>
    %dma_start3A_297 = tpu.memref_slice %arg4[%add3A_293] : memref<29184xf32, #tpu.memory_space<hbm>> -> memref<16xf32, #tpu.memory_space<hbm>>
    %dma_start3A_298 = arith.constant 144 : i32
    %dma_start3A_299 = tpu.memref_slice %arg9[%dma_start3A_298] : memref<304xf32, #tpu.memory_space<vmem>> -> memref<16xf32, #tpu.memory_space<vmem>>
    tpu.enqueue_dma source(%dma_start3A_299 : memref<16xf32, #tpu.memory_space<vmem>>) target(%dma_start3A_297 : memref<16xf32, #tpu.memory_space<hbm>>) target_semaphore(%arg12 : memref<!tpu.dma_semaphore, #tpu.memory_space<semaphore_mem>>)
    %mul3A_300 = arith.constant 16 : i32
    %mul3A_301 = arith.muli %add3A, %mul3A_300 : i32
    %add3A_302 = arith.constant 5120 : i32
    %add3A_303 = arith.addi %add3A_302, %mul3A_301 : i32
    %dma_start3A_304 = arith.constant 160 : i32
    %dma_start3A_305 = tpu.memref_slice %arg9[%dma_start3A_304] : memref<304xf32, #tpu.memory_space<vmem>> -> memref<16xf32, #tpu.memory_space<vmem>>
    %dma_start3A_306 = tpu.memref_slice %arg4[%add3A_303] : memref<29184xf32, #tpu.memory_space<hbm>> -> memref<16xf32, #tpu.memory_space<hbm>>
    %dma_start3A_307 = tpu.memref_slice %arg4[%add3A_303] : memref<29184xf32, #tpu.memory_space<hbm>> -> memref<16xf32, #tpu.memory_space<hbm>>
    %dma_start3A_308 = arith.constant 160 : i32
    %dma_start3A_309 = tpu.memref_slice %arg9[%dma_start3A_308] : memref<304xf32, #tpu.memory_space<vmem>> -> memref<16xf32, #tpu.memory_space<vmem>>
    tpu.enqueue_dma source(%dma_start3A_309 : memref<16xf32, #tpu.memory_space<vmem>>) target(%dma_start3A_307 : memref<16xf32, #tpu.memory_space<hbm>>) target_semaphore(%arg12 : memref<!tpu.dma_semaphore, #tpu.memory_space<semaphore_mem>>)
    %mul3A_310 = arith.constant 16 : i32
    %mul3A_311 = arith.muli %add3A, %mul3A_310 : i32
    %add3A_312 = arith.constant 5632 : i32
    %add3A_313 = arith.addi %add3A_312, %mul3A_311 : i32
    %dma_start3A_314 = arith.constant 176 : i32
    %dma_start3A_315 = tpu.memref_slice %arg9[%dma_start3A_314] : memref<304xf32, #tpu.memory_space<vmem>> -> memref<16xf32, #tpu.memory_space<vmem>>
    %dma_start3A_316 = tpu.memref_slice %arg4[%add3A_313] : memref<29184xf32, #tpu.memory_space<hbm>> -> memref<16xf32, #tpu.memory_space<hbm>>
    %dma_start3A_317 = tpu.memref_slice %arg4[%add3A_313] : memref<29184xf32, #tpu.memory_space<hbm>> -> memref<16xf32, #tpu.memory_space<hbm>>
    %dma_start3A_318 = arith.constant 176 : i32
    %dma_start3A_319 = tpu.memref_slice %arg9[%dma_start3A_318] : memref<304xf32, #tpu.memory_space<vmem>> -> memref<16xf32, #tpu.memory_space<vmem>>
    tpu.enqueue_dma source(%dma_start3A_319 : memref<16xf32, #tpu.memory_space<vmem>>) target(%dma_start3A_317 : memref<16xf32, #tpu.memory_space<hbm>>) target_semaphore(%arg12 : memref<!tpu.dma_semaphore, #tpu.memory_space<semaphore_mem>>)
    %mul3A_320 = arith.constant 16 : i32
    %mul3A_321 = arith.muli %add3A, %mul3A_320 : i32
    %add3A_322 = arith.constant 6144 : i32
    %add3A_323 = arith.addi %add3A_322, %mul3A_321 : i32
    %dma_start3A_324 = arith.constant 192 : i32
    %dma_start3A_325 = tpu.memref_slice %arg9[%dma_start3A_324] : memref<304xf32, #tpu.memory_space<vmem>> -> memref<16xf32, #tpu.memory_space<vmem>>
    %dma_start3A_326 = tpu.memref_slice %arg4[%add3A_323] : memref<29184xf32, #tpu.memory_space<hbm>> -> memref<16xf32, #tpu.memory_space<hbm>>
    %dma_start3A_327 = tpu.memref_slice %arg4[%add3A_323] : memref<29184xf32, #tpu.memory_space<hbm>> -> memref<16xf32, #tpu.memory_space<hbm>>
    %dma_start3A_328 = arith.constant 192 : i32
    %dma_start3A_329 = tpu.memref_slice %arg9[%dma_start3A_328] : memref<304xf32, #tpu.memory_space<vmem>> -> memref<16xf32, #tpu.memory_space<vmem>>
    tpu.enqueue_dma source(%dma_start3A_329 : memref<16xf32, #tpu.memory_space<vmem>>) target(%dma_start3A_327 : memref<16xf32, #tpu.memory_space<hbm>>) target_semaphore(%arg12 : memref<!tpu.dma_semaphore, #tpu.memory_space<semaphore_mem>>)
    %mul3A_330 = arith.constant 16 : i32
    %mul3A_331 = arith.muli %add3A, %mul3A_330 : i32
    %add3A_332 = arith.constant 6656 : i32
    %add3A_333 = arith.addi %add3A_332, %mul3A_331 : i32
    %dma_start3A_334 = arith.constant 208 : i32
    %dma_start3A_335 = tpu.memref_slice %arg9[%dma_start3A_334] : memref<304xf32, #tpu.memory_space<vmem>> -> memref<16xf32, #tpu.memory_space<vmem>>
    %dma_start3A_336 = tpu.memref_slice %arg4[%add3A_333] : memref<29184xf32, #tpu.memory_space<hbm>> -> memref<16xf32, #tpu.memory_space<hbm>>
    %dma_start3A_337 = tpu.memref_slice %arg4[%add3A_333] : memref<29184xf32, #tpu.memory_space<hbm>> -> memref<16xf32, #tpu.memory_space<hbm>>
    %dma_start3A_338 = arith.constant 208 : i32
    %dma_start3A_339 = tpu.memref_slice %arg9[%dma_start3A_338] : memref<304xf32, #tpu.memory_space<vmem>> -> memref<16xf32, #tpu.memory_space<vmem>>
    tpu.enqueue_dma source(%dma_start3A_339 : memref<16xf32, #tpu.memory_space<vmem>>) target(%dma_start3A_337 : memref<16xf32, #tpu.memory_space<hbm>>) target_semaphore(%arg12 : memref<!tpu.dma_semaphore, #tpu.memory_space<semaphore_mem>>)
    %mul3A_340 = arith.constant 16 : i32
    %mul3A_341 = arith.muli %add3A, %mul3A_340 : i32
    %add3A_342 = arith.constant 7168 : i32
    %add3A_343 = arith.addi %add3A_342, %mul3A_341 : i32
    %dma_start3A_344 = arith.constant 224 : i32
    %dma_start3A_345 = tpu.memref_slice %arg9[%dma_start3A_344] : memref<304xf32, #tpu.memory_space<vmem>> -> memref<16xf32, #tpu.memory_space<vmem>>
    %dma_start3A_346 = tpu.memref_slice %arg4[%add3A_343] : memref<29184xf32, #tpu.memory_space<hbm>> -> memref<16xf32, #tpu.memory_space<hbm>>
    %dma_start3A_347 = tpu.memref_slice %arg4[%add3A_343] : memref<29184xf32, #tpu.memory_space<hbm>> -> memref<16xf32, #tpu.memory_space<hbm>>
    %dma_start3A_348 = arith.constant 224 : i32
    %dma_start3A_349 = tpu.memref_slice %arg9[%dma_start3A_348] : memref<304xf32, #tpu.memory_space<vmem>> -> memref<16xf32, #tpu.memory_space<vmem>>
    tpu.enqueue_dma source(%dma_start3A_349 : memref<16xf32, #tpu.memory_space<vmem>>) target(%dma_start3A_347 : memref<16xf32, #tpu.memory_space<hbm>>) target_semaphore(%arg12 : memref<!tpu.dma_semaphore, #tpu.memory_space<semaphore_mem>>)
    %mul3A_350 = arith.constant 16 : i32
    %mul3A_351 = arith.muli %add3A, %mul3A_350 : i32
    %add3A_352 = arith.constant 7680 : i32
    %add3A_353 = arith.addi %add3A_352, %mul3A_351 : i32
    %dma_start3A_354 = arith.constant 240 : i32
    %dma_start3A_355 = tpu.memref_slice %arg9[%dma_start3A_354] : memref<304xf32, #tpu.memory_space<vmem>> -> memref<16xf32, #tpu.memory_space<vmem>>
    %dma_start3A_356 = tpu.memref_slice %arg4[%add3A_353] : memref<29184xf32, #tpu.memory_space<hbm>> -> memref<16xf32, #tpu.memory_space<hbm>>
    %dma_start3A_357 = tpu.memref_slice %arg4[%add3A_353] : memref<29184xf32, #tpu.memory_space<hbm>> -> memref<16xf32, #tpu.memory_space<hbm>>
    %dma_start3A_358 = arith.constant 240 : i32
    %dma_start3A_359 = tpu.memref_slice %arg9[%dma_start3A_358] : memref<304xf32, #tpu.memory_space<vmem>> -> memref<16xf32, #tpu.memory_space<vmem>>
    tpu.enqueue_dma source(%dma_start3A_359 : memref<16xf32, #tpu.memory_space<vmem>>) target(%dma_start3A_357 : memref<16xf32, #tpu.memory_space<hbm>>) target_semaphore(%arg12 : memref<!tpu.dma_semaphore, #tpu.memory_space<semaphore_mem>>)
    %mul3A_360 = arith.constant 16 : i32
    %mul3A_361 = arith.muli %add3A, %mul3A_360 : i32
    %add3A_362 = arith.constant 8192 : i32
    %add3A_363 = arith.addi %add3A_362, %mul3A_361 : i32
    %dma_start3A_364 = arith.constant 256 : i32
    %dma_start3A_365 = tpu.memref_slice %arg9[%dma_start3A_364] : memref<304xf32, #tpu.memory_space<vmem>> -> memref<16xf32, #tpu.memory_space<vmem>>
    %dma_start3A_366 = tpu.memref_slice %arg4[%add3A_363] : memref<29184xf32, #tpu.memory_space<hbm>> -> memref<16xf32, #tpu.memory_space<hbm>>
    %dma_start3A_367 = tpu.memref_slice %arg4[%add3A_363] : memref<29184xf32, #tpu.memory_space<hbm>> -> memref<16xf32, #tpu.memory_space<hbm>>
    %dma_start3A_368 = arith.constant 256 : i32
    %dma_start3A_369 = tpu.memref_slice %arg9[%dma_start3A_368] : memref<304xf32, #tpu.memory_space<vmem>> -> memref<16xf32, #tpu.memory_space<vmem>>
    tpu.enqueue_dma source(%dma_start3A_369 : memref<16xf32, #tpu.memory_space<vmem>>) target(%dma_start3A_367 : memref<16xf32, #tpu.memory_space<hbm>>) target_semaphore(%arg12 : memref<!tpu.dma_semaphore, #tpu.memory_space<semaphore_mem>>)
    %mul3A_370 = arith.constant 16 : i32
    %mul3A_371 = arith.muli %add3A, %mul3A_370 : i32
    %add3A_372 = arith.constant 8704 : i32
    %add3A_373 = arith.addi %add3A_372, %mul3A_371 : i32
    %dma_start3A_374 = arith.constant 272 : i32
    %dma_start3A_375 = tpu.memref_slice %arg9[%dma_start3A_374] : memref<304xf32, #tpu.memory_space<vmem>> -> memref<16xf32, #tpu.memory_space<vmem>>
    %dma_start3A_376 = tpu.memref_slice %arg4[%add3A_373] : memref<29184xf32, #tpu.memory_space<hbm>> -> memref<16xf32, #tpu.memory_space<hbm>>
    %dma_start3A_377 = tpu.memref_slice %arg4[%add3A_373] : memref<29184xf32, #tpu.memory_space<hbm>> -> memref<16xf32, #tpu.memory_space<hbm>>
    %dma_start3A_378 = arith.constant 272 : i32
    %dma_start3A_379 = tpu.memref_slice %arg9[%dma_start3A_378] : memref<304xf32, #tpu.memory_space<vmem>> -> memref<16xf32, #tpu.memory_space<vmem>>
    tpu.enqueue_dma source(%dma_start3A_379 : memref<16xf32, #tpu.memory_space<vmem>>) target(%dma_start3A_377 : memref<16xf32, #tpu.memory_space<hbm>>) target_semaphore(%arg12 : memref<!tpu.dma_semaphore, #tpu.memory_space<semaphore_mem>>)
    %mul3A_380 = arith.constant 16 : i32
    %mul3A_381 = arith.muli %add3A, %mul3A_380 : i32
    %add3A_382 = arith.constant 9216 : i32
    %add3A_383 = arith.addi %add3A_382, %mul3A_381 : i32
    %dma_start3A_384 = arith.constant 288 : i32
    %dma_start3A_385 = tpu.memref_slice %arg9[%dma_start3A_384] : memref<304xf32, #tpu.memory_space<vmem>> -> memref<16xf32, #tpu.memory_space<vmem>>
    %dma_start3A_386 = tpu.memref_slice %arg4[%add3A_383] : memref<29184xf32, #tpu.memory_space<hbm>> -> memref<16xf32, #tpu.memory_space<hbm>>
    %dma_start3A_387 = tpu.memref_slice %arg4[%add3A_383] : memref<29184xf32, #tpu.memory_space<hbm>> -> memref<16xf32, #tpu.memory_space<hbm>>
    %dma_start3A_388 = arith.constant 288 : i32
    %dma_start3A_389 = tpu.memref_slice %arg9[%dma_start3A_388] : memref<304xf32, #tpu.memory_space<vmem>> -> memref<16xf32, #tpu.memory_space<vmem>>
    tpu.enqueue_dma source(%dma_start3A_389 : memref<16xf32, #tpu.memory_space<vmem>>) target(%dma_start3A_387 : memref<16xf32, #tpu.memory_space<hbm>>) target_semaphore(%arg12 : memref<!tpu.dma_semaphore, #tpu.memory_space<semaphore_mem>>)
    %mul3A_390 = arith.constant 16 : i32
    %mul3A_391 = arith.muli %add3A, %mul3A_390 : i32
    %add3A_392 = arith.constant 9728 : i32
    %add3A_393 = arith.addi %add3A_392, %mul3A_391 : i32
    %dma_start3A_394 = arith.constant 0 : i32
    %dma_start3A_395 = tpu.memref_slice %arg10[%dma_start3A_394] : memref<304xf32, #tpu.memory_space<vmem>> -> memref<16xf32, #tpu.memory_space<vmem>>
    %dma_start3A_396 = tpu.memref_slice %arg4[%add3A_393] : memref<29184xf32, #tpu.memory_space<hbm>> -> memref<16xf32, #tpu.memory_space<hbm>>
    %dma_start3A_397 = tpu.memref_slice %arg4[%add3A_393] : memref<29184xf32, #tpu.memory_space<hbm>> -> memref<16xf32, #tpu.memory_space<hbm>>
    %dma_start3A_398 = arith.constant 0 : i32
    %dma_start3A_399 = tpu.memref_slice %arg10[%dma_start3A_398] : memref<304xf32, #tpu.memory_space<vmem>> -> memref<16xf32, #tpu.memory_space<vmem>>
    tpu.enqueue_dma source(%dma_start3A_399 : memref<16xf32, #tpu.memory_space<vmem>>) target(%dma_start3A_397 : memref<16xf32, #tpu.memory_space<hbm>>) target_semaphore(%arg12 : memref<!tpu.dma_semaphore, #tpu.memory_space<semaphore_mem>>)
    %mul3A_400 = arith.constant 16 : i32
    %mul3A_401 = arith.muli %add3A, %mul3A_400 : i32
    %add3A_402 = arith.constant 10240 : i32
    %add3A_403 = arith.addi %add3A_402, %mul3A_401 : i32
    %dma_start3A_404 = arith.constant 16 : i32
    %dma_start3A_405 = tpu.memref_slice %arg10[%dma_start3A_404] : memref<304xf32, #tpu.memory_space<vmem>> -> memref<16xf32, #tpu.memory_space<vmem>>
    %dma_start3A_406 = tpu.memref_slice %arg4[%add3A_403] : memref<29184xf32, #tpu.memory_space<hbm>> -> memref<16xf32, #tpu.memory_space<hbm>>
    %dma_start3A_407 = tpu.memref_slice %arg4[%add3A_403] : memref<29184xf32, #tpu.memory_space<hbm>> -> memref<16xf32, #tpu.memory_space<hbm>>
    %dma_start3A_408 = arith.constant 16 : i32
    %dma_start3A_409 = tpu.memref_slice %arg10[%dma_start3A_408] : memref<304xf32, #tpu.memory_space<vmem>> -> memref<16xf32, #tpu.memory_space<vmem>>
    tpu.enqueue_dma source(%dma_start3A_409 : memref<16xf32, #tpu.memory_space<vmem>>) target(%dma_start3A_407 : memref<16xf32, #tpu.memory_space<hbm>>) target_semaphore(%arg12 : memref<!tpu.dma_semaphore, #tpu.memory_space<semaphore_mem>>)
    %mul3A_410 = arith.constant 16 : i32
    %mul3A_411 = arith.muli %add3A, %mul3A_410 : i32
    %add3A_412 = arith.constant 10752 : i32
    %add3A_413 = arith.addi %add3A_412, %mul3A_411 : i32
    %dma_start3A_414 = arith.constant 32 : i32
    %dma_start3A_415 = tpu.memref_slice %arg10[%dma_start3A_414] : memref<304xf32, #tpu.memory_space<vmem>> -> memref<16xf32, #tpu.memory_space<vmem>>
    %dma_start3A_416 = tpu.memref_slice %arg4[%add3A_413] : memref<29184xf32, #tpu.memory_space<hbm>> -> memref<16xf32, #tpu.memory_space<hbm>>
    %dma_start3A_417 = tpu.memref_slice %arg4[%add3A_413] : memref<29184xf32, #tpu.memory_space<hbm>> -> memref<16xf32, #tpu.memory_space<hbm>>
    %dma_start3A_418 = arith.constant 32 : i32
    %dma_start3A_419 = tpu.memref_slice %arg10[%dma_start3A_418] : memref<304xf32, #tpu.memory_space<vmem>> -> memref<16xf32, #tpu.memory_space<vmem>>
    tpu.enqueue_dma source(%dma_start3A_419 : memref<16xf32, #tpu.memory_space<vmem>>) target(%dma_start3A_417 : memref<16xf32, #tpu.memory_space<hbm>>) target_semaphore(%arg12 : memref<!tpu.dma_semaphore, #tpu.memory_space<semaphore_mem>>)
    %mul3A_420 = arith.constant 16 : i32
    %mul3A_421 = arith.muli %add3A, %mul3A_420 : i32
    %add3A_422 = arith.constant 11264 : i32
    %add3A_423 = arith.addi %add3A_422, %mul3A_421 : i32
    %dma_start3A_424 = arith.constant 48 : i32
    %dma_start3A_425 = tpu.memref_slice %arg10[%dma_start3A_424] : memref<304xf32, #tpu.memory_space<vmem>> -> memref<16xf32, #tpu.memory_space<vmem>>
    %dma_start3A_426 = tpu.memref_slice %arg4[%add3A_423] : memref<29184xf32, #tpu.memory_space<hbm>> -> memref<16xf32, #tpu.memory_space<hbm>>
    %dma_start3A_427 = tpu.memref_slice %arg4[%add3A_423] : memref<29184xf32, #tpu.memory_space<hbm>> -> memref<16xf32, #tpu.memory_space<hbm>>
    %dma_start3A_428 = arith.constant 48 : i32
    %dma_start3A_429 = tpu.memref_slice %arg10[%dma_start3A_428] : memref<304xf32, #tpu.memory_space<vmem>> -> memref<16xf32, #tpu.memory_space<vmem>>
    tpu.enqueue_dma source(%dma_start3A_429 : memref<16xf32, #tpu.memory_space<vmem>>) target(%dma_start3A_427 : memref<16xf32, #tpu.memory_space<hbm>>) target_semaphore(%arg12 : memref<!tpu.dma_semaphore, #tpu.memory_space<semaphore_mem>>)
    %mul3A_430 = arith.constant 16 : i32
    %mul3A_431 = arith.muli %add3A, %mul3A_430 : i32
    %add3A_432 = arith.constant 11776 : i32
    %add3A_433 = arith.addi %add3A_432, %mul3A_431 : i32
    %dma_start3A_434 = arith.constant 64 : i32
    %dma_start3A_435 = tpu.memref_slice %arg10[%dma_start3A_434] : memref<304xf32, #tpu.memory_space<vmem>> -> memref<16xf32, #tpu.memory_space<vmem>>
    %dma_start3A_436 = tpu.memref_slice %arg4[%add3A_433] : memref<29184xf32, #tpu.memory_space<hbm>> -> memref<16xf32, #tpu.memory_space<hbm>>
    %dma_start3A_437 = tpu.memref_slice %arg4[%add3A_433] : memref<29184xf32, #tpu.memory_space<hbm>> -> memref<16xf32, #tpu.memory_space<hbm>>
    %dma_start3A_438 = arith.constant 64 : i32
    %dma_start3A_439 = tpu.memref_slice %arg10[%dma_start3A_438] : memref<304xf32, #tpu.memory_space<vmem>> -> memref<16xf32, #tpu.memory_space<vmem>>
    tpu.enqueue_dma source(%dma_start3A_439 : memref<16xf32, #tpu.memory_space<vmem>>) target(%dma_start3A_437 : memref<16xf32, #tpu.memory_space<hbm>>) target_semaphore(%arg12 : memref<!tpu.dma_semaphore, #tpu.memory_space<semaphore_mem>>)
    %mul3A_440 = arith.constant 16 : i32
    %mul3A_441 = arith.muli %add3A, %mul3A_440 : i32
    %add3A_442 = arith.constant 12288 : i32
    %add3A_443 = arith.addi %add3A_442, %mul3A_441 : i32
    %dma_start3A_444 = arith.constant 80 : i32
    %dma_start3A_445 = tpu.memref_slice %arg10[%dma_start3A_444] : memref<304xf32, #tpu.memory_space<vmem>> -> memref<16xf32, #tpu.memory_space<vmem>>
    %dma_start3A_446 = tpu.memref_slice %arg4[%add3A_443] : memref<29184xf32, #tpu.memory_space<hbm>> -> memref<16xf32, #tpu.memory_space<hbm>>
    %dma_start3A_447 = tpu.memref_slice %arg4[%add3A_443] : memref<29184xf32, #tpu.memory_space<hbm>> -> memref<16xf32, #tpu.memory_space<hbm>>
    %dma_start3A_448 = arith.constant 80 : i32
    %dma_start3A_449 = tpu.memref_slice %arg10[%dma_start3A_448] : memref<304xf32, #tpu.memory_space<vmem>> -> memref<16xf32, #tpu.memory_space<vmem>>
    tpu.enqueue_dma source(%dma_start3A_449 : memref<16xf32, #tpu.memory_space<vmem>>) target(%dma_start3A_447 : memref<16xf32, #tpu.memory_space<hbm>>) target_semaphore(%arg12 : memref<!tpu.dma_semaphore, #tpu.memory_space<semaphore_mem>>)
    %mul3A_450 = arith.constant 16 : i32
    %mul3A_451 = arith.muli %add3A, %mul3A_450 : i32
    %add3A_452 = arith.constant 12800 : i32
    %add3A_453 = arith.addi %add3A_452, %mul3A_451 : i32
    %dma_start3A_454 = arith.constant 96 : i32
    %dma_start3A_455 = tpu.memref_slice %arg10[%dma_start3A_454] : memref<304xf32, #tpu.memory_space<vmem>> -> memref<16xf32, #tpu.memory_space<vmem>>
    %dma_start3A_456 = tpu.memref_slice %arg4[%add3A_453] : memref<29184xf32, #tpu.memory_space<hbm>> -> memref<16xf32, #tpu.memory_space<hbm>>
    %dma_start3A_457 = tpu.memref_slice %arg4[%add3A_453] : memref<29184xf32, #tpu.memory_space<hbm>> -> memref<16xf32, #tpu.memory_space<hbm>>
    %dma_start3A_458 = arith.constant 96 : i32
    %dma_start3A_459 = tpu.memref_slice %arg10[%dma_start3A_458] : memref<304xf32, #tpu.memory_space<vmem>> -> memref<16xf32, #tpu.memory_space<vmem>>
    tpu.enqueue_dma source(%dma_start3A_459 : memref<16xf32, #tpu.memory_space<vmem>>) target(%dma_start3A_457 : memref<16xf32, #tpu.memory_space<hbm>>) target_semaphore(%arg12 : memref<!tpu.dma_semaphore, #tpu.memory_space<semaphore_mem>>)
    %mul3A_460 = arith.constant 16 : i32
    %mul3A_461 = arith.muli %add3A, %mul3A_460 : i32
    %add3A_462 = arith.constant 13312 : i32
    %add3A_463 = arith.addi %add3A_462, %mul3A_461 : i32
    %dma_start3A_464 = arith.constant 112 : i32
    %dma_start3A_465 = tpu.memref_slice %arg10[%dma_start3A_464] : memref<304xf32, #tpu.memory_space<vmem>> -> memref<16xf32, #tpu.memory_space<vmem>>
    %dma_start3A_466 = tpu.memref_slice %arg4[%add3A_463] : memref<29184xf32, #tpu.memory_space<hbm>> -> memref<16xf32, #tpu.memory_space<hbm>>
    %dma_start3A_467 = tpu.memref_slice %arg4[%add3A_463] : memref<29184xf32, #tpu.memory_space<hbm>> -> memref<16xf32, #tpu.memory_space<hbm>>
    %dma_start3A_468 = arith.constant 112 : i32
    %dma_start3A_469 = tpu.memref_slice %arg10[%dma_start3A_468] : memref<304xf32, #tpu.memory_space<vmem>> -> memref<16xf32, #tpu.memory_space<vmem>>
    tpu.enqueue_dma source(%dma_start3A_469 : memref<16xf32, #tpu.memory_space<vmem>>) target(%dma_start3A_467 : memref<16xf32, #tpu.memory_space<hbm>>) target_semaphore(%arg12 : memref<!tpu.dma_semaphore, #tpu.memory_space<semaphore_mem>>)
    %mul3A_470 = arith.constant 16 : i32
    %mul3A_471 = arith.muli %add3A, %mul3A_470 : i32
    %add3A_472 = arith.constant 13824 : i32
    %add3A_473 = arith.addi %add3A_472, %mul3A_471 : i32
    %dma_start3A_474 = arith.constant 128 : i32
    %dma_start3A_475 = tpu.memref_slice %arg10[%dma_start3A_474] : memref<304xf32, #tpu.memory_space<vmem>> -> memref<16xf32, #tpu.memory_space<vmem>>
    %dma_start3A_476 = tpu.memref_slice %arg4[%add3A_473] : memref<29184xf32, #tpu.memory_space<hbm>> -> memref<16xf32, #tpu.memory_space<hbm>>
    %dma_start3A_477 = tpu.memref_slice %arg4[%add3A_473] : memref<29184xf32, #tpu.memory_space<hbm>> -> memref<16xf32, #tpu.memory_space<hbm>>
    %dma_start3A_478 = arith.constant 128 : i32
    %dma_start3A_479 = tpu.memref_slice %arg10[%dma_start3A_478] : memref<304xf32, #tpu.memory_space<vmem>> -> memref<16xf32, #tpu.memory_space<vmem>>
    tpu.enqueue_dma source(%dma_start3A_479 : memref<16xf32, #tpu.memory_space<vmem>>) target(%dma_start3A_477 : memref<16xf32, #tpu.memory_space<hbm>>) target_semaphore(%arg12 : memref<!tpu.dma_semaphore, #tpu.memory_space<semaphore_mem>>)
    %mul3A_480 = arith.constant 16 : i32
    %mul3A_481 = arith.muli %add3A, %mul3A_480 : i32
    %add3A_482 = arith.constant 14336 : i32
    %add3A_483 = arith.addi %add3A_482, %mul3A_481 : i32
    %dma_start3A_484 = arith.constant 144 : i32
    %dma_start3A_485 = tpu.memref_slice %arg10[%dma_start3A_484] : memref<304xf32, #tpu.memory_space<vmem>> -> memref<16xf32, #tpu.memory_space<vmem>>
    %dma_start3A_486 = tpu.memref_slice %arg4[%add3A_483] : memref<29184xf32, #tpu.memory_space<hbm>> -> memref<16xf32, #tpu.memory_space<hbm>>
    %dma_start3A_487 = tpu.memref_slice %arg4[%add3A_483] : memref<29184xf32, #tpu.memory_space<hbm>> -> memref<16xf32, #tpu.memory_space<hbm>>
    %dma_start3A_488 = arith.constant 144 : i32
    %dma_start3A_489 = tpu.memref_slice %arg10[%dma_start3A_488] : memref<304xf32, #tpu.memory_space<vmem>> -> memref<16xf32, #tpu.memory_space<vmem>>
    tpu.enqueue_dma source(%dma_start3A_489 : memref<16xf32, #tpu.memory_space<vmem>>) target(%dma_start3A_487 : memref<16xf32, #tpu.memory_space<hbm>>) target_semaphore(%arg12 : memref<!tpu.dma_semaphore, #tpu.memory_space<semaphore_mem>>)
    %mul3A_490 = arith.constant 16 : i32
    %mul3A_491 = arith.muli %add3A, %mul3A_490 : i32
    %add3A_492 = arith.constant 14848 : i32
    %add3A_493 = arith.addi %add3A_492, %mul3A_491 : i32
    %dma_start3A_494 = arith.constant 160 : i32
    %dma_start3A_495 = tpu.memref_slice %arg10[%dma_start3A_494] : memref<304xf32, #tpu.memory_space<vmem>> -> memref<16xf32, #tpu.memory_space<vmem>>
    %dma_start3A_496 = tpu.memref_slice %arg4[%add3A_493] : memref<29184xf32, #tpu.memory_space<hbm>> -> memref<16xf32, #tpu.memory_space<hbm>>
    %dma_start3A_497 = tpu.memref_slice %arg4[%add3A_493] : memref<29184xf32, #tpu.memory_space<hbm>> -> memref<16xf32, #tpu.memory_space<hbm>>
    %dma_start3A_498 = arith.constant 160 : i32
    %dma_start3A_499 = tpu.memref_slice %arg10[%dma_start3A_498] : memref<304xf32, #tpu.memory_space<vmem>> -> memref<16xf32, #tpu.memory_space<vmem>>
    tpu.enqueue_dma source(%dma_start3A_499 : memref<16xf32, #tpu.memory_space<vmem>>) target(%dma_start3A_497 : memref<16xf32, #tpu.memory_space<hbm>>) target_semaphore(%arg12 : memref<!tpu.dma_semaphore, #tpu.memory_space<semaphore_mem>>)
    %mul3A_500 = arith.constant 16 : i32
    %mul3A_501 = arith.muli %add3A, %mul3A_500 : i32
    %add3A_502 = arith.constant 15360 : i32
    %add3A_503 = arith.addi %add3A_502, %mul3A_501 : i32
    %dma_start3A_504 = arith.constant 176 : i32
    %dma_start3A_505 = tpu.memref_slice %arg10[%dma_start3A_504] : memref<304xf32, #tpu.memory_space<vmem>> -> memref<16xf32, #tpu.memory_space<vmem>>
    %dma_start3A_506 = tpu.memref_slice %arg4[%add3A_503] : memref<29184xf32, #tpu.memory_space<hbm>> -> memref<16xf32, #tpu.memory_space<hbm>>
    %dma_start3A_507 = tpu.memref_slice %arg4[%add3A_503] : memref<29184xf32, #tpu.memory_space<hbm>> -> memref<16xf32, #tpu.memory_space<hbm>>
    %dma_start3A_508 = arith.constant 176 : i32
    %dma_start3A_509 = tpu.memref_slice %arg10[%dma_start3A_508] : memref<304xf32, #tpu.memory_space<vmem>> -> memref<16xf32, #tpu.memory_space<vmem>>
    tpu.enqueue_dma source(%dma_start3A_509 : memref<16xf32, #tpu.memory_space<vmem>>) target(%dma_start3A_507 : memref<16xf32, #tpu.memory_space<hbm>>) target_semaphore(%arg12 : memref<!tpu.dma_semaphore, #tpu.memory_space<semaphore_mem>>)
    %mul3A_510 = arith.constant 16 : i32
    %mul3A_511 = arith.muli %add3A, %mul3A_510 : i32
    %add3A_512 = arith.constant 15872 : i32
    %add3A_513 = arith.addi %add3A_512, %mul3A_511 : i32
    %dma_start3A_514 = arith.constant 192 : i32
    %dma_start3A_515 = tpu.memref_slice %arg10[%dma_start3A_514] : memref<304xf32, #tpu.memory_space<vmem>> -> memref<16xf32, #tpu.memory_space<vmem>>
    %dma_start3A_516 = tpu.memref_slice %arg4[%add3A_513] : memref<29184xf32, #tpu.memory_space<hbm>> -> memref<16xf32, #tpu.memory_space<hbm>>
    %dma_start3A_517 = tpu.memref_slice %arg4[%add3A_513] : memref<29184xf32, #tpu.memory_space<hbm>> -> memref<16xf32, #tpu.memory_space<hbm>>
    %dma_start3A_518 = arith.constant 192 : i32
    %dma_start3A_519 = tpu.memref_slice %arg10[%dma_start3A_518] : memref<304xf32, #tpu.memory_space<vmem>> -> memref<16xf32, #tpu.memory_space<vmem>>
    tpu.enqueue_dma source(%dma_start3A_519 : memref<16xf32, #tpu.memory_space<vmem>>) target(%dma_start3A_517 : memref<16xf32, #tpu.memory_space<hbm>>) target_semaphore(%arg12 : memref<!tpu.dma_semaphore, #tpu.memory_space<semaphore_mem>>)
    %mul3A_520 = arith.constant 16 : i32
    %mul3A_521 = arith.muli %add3A, %mul3A_520 : i32
    %add3A_522 = arith.constant 16384 : i32
    %add3A_523 = arith.addi %add3A_522, %mul3A_521 : i32
    %dma_start3A_524 = arith.constant 208 : i32
    %dma_start3A_525 = tpu.memref_slice %arg10[%dma_start3A_524] : memref<304xf32, #tpu.memory_space<vmem>> -> memref<16xf32, #tpu.memory_space<vmem>>
    %dma_start3A_526 = tpu.memref_slice %arg4[%add3A_523] : memref<29184xf32, #tpu.memory_space<hbm>> -> memref<16xf32, #tpu.memory_space<hbm>>
    %dma_start3A_527 = tpu.memref_slice %arg4[%add3A_523] : memref<29184xf32, #tpu.memory_space<hbm>> -> memref<16xf32, #tpu.memory_space<hbm>>
    %dma_start3A_528 = arith.constant 208 : i32
    %dma_start3A_529 = tpu.memref_slice %arg10[%dma_start3A_528] : memref<304xf32, #tpu.memory_space<vmem>> -> memref<16xf32, #tpu.memory_space<vmem>>
    tpu.enqueue_dma source(%dma_start3A_529 : memref<16xf32, #tpu.memory_space<vmem>>) target(%dma_start3A_527 : memref<16xf32, #tpu.memory_space<hbm>>) target_semaphore(%arg12 : memref<!tpu.dma_semaphore, #tpu.memory_space<semaphore_mem>>)
    %mul3A_530 = arith.constant 16 : i32
    %mul3A_531 = arith.muli %add3A, %mul3A_530 : i32
    %add3A_532 = arith.constant 16896 : i32
    %add3A_533 = arith.addi %add3A_532, %mul3A_531 : i32
    %dma_start3A_534 = arith.constant 224 : i32
    %dma_start3A_535 = tpu.memref_slice %arg10[%dma_start3A_534] : memref<304xf32, #tpu.memory_space<vmem>> -> memref<16xf32, #tpu.memory_space<vmem>>
    %dma_start3A_536 = tpu.memref_slice %arg4[%add3A_533] : memref<29184xf32, #tpu.memory_space<hbm>> -> memref<16xf32, #tpu.memory_space<hbm>>
    %dma_start3A_537 = tpu.memref_slice %arg4[%add3A_533] : memref<29184xf32, #tpu.memory_space<hbm>> -> memref<16xf32, #tpu.memory_space<hbm>>
    %dma_start3A_538 = arith.constant 224 : i32
    %dma_start3A_539 = tpu.memref_slice %arg10[%dma_start3A_538] : memref<304xf32, #tpu.memory_space<vmem>> -> memref<16xf32, #tpu.memory_space<vmem>>
    tpu.enqueue_dma source(%dma_start3A_539 : memref<16xf32, #tpu.memory_space<vmem>>) target(%dma_start3A_537 : memref<16xf32, #tpu.memory_space<hbm>>) target_semaphore(%arg12 : memref<!tpu.dma_semaphore, #tpu.memory_space<semaphore_mem>>)
    %mul3A_540 = arith.constant 16 : i32
    %mul3A_541 = arith.muli %add3A, %mul3A_540 : i32
    %add3A_542 = arith.constant 17408 : i32
    %add3A_543 = arith.addi %add3A_542, %mul3A_541 : i32
    %dma_start3A_544 = arith.constant 240 : i32
    %dma_start3A_545 = tpu.memref_slice %arg10[%dma_start3A_544] : memref<304xf32, #tpu.memory_space<vmem>> -> memref<16xf32, #tpu.memory_space<vmem>>
    %dma_start3A_546 = tpu.memref_slice %arg4[%add3A_543] : memref<29184xf32, #tpu.memory_space<hbm>> -> memref<16xf32, #tpu.memory_space<hbm>>
    %dma_start3A_547 = tpu.memref_slice %arg4[%add3A_543] : memref<29184xf32, #tpu.memory_space<hbm>> -> memref<16xf32, #tpu.memory_space<hbm>>
    %dma_start3A_548 = arith.constant 240 : i32
    %dma_start3A_549 = tpu.memref_slice %arg10[%dma_start3A_548] : memref<304xf32, #tpu.memory_space<vmem>> -> memref<16xf32, #tpu.memory_space<vmem>>
    tpu.enqueue_dma source(%dma_start3A_549 : memref<16xf32, #tpu.memory_space<vmem>>) target(%dma_start3A_547 : memref<16xf32, #tpu.memory_space<hbm>>) target_semaphore(%arg12 : memref<!tpu.dma_semaphore, #tpu.memory_space<semaphore_mem>>)
    %mul3A_550 = arith.constant 16 : i32
    %mul3A_551 = arith.muli %add3A, %mul3A_550 : i32
    %add3A_552 = arith.constant 17920 : i32
    %add3A_553 = arith.addi %add3A_552, %mul3A_551 : i32
    %dma_start3A_554 = arith.constant 256 : i32
    %dma_start3A_555 = tpu.memref_slice %arg10[%dma_start3A_554] : memref<304xf32, #tpu.memory_space<vmem>> -> memref<16xf32, #tpu.memory_space<vmem>>
    %dma_start3A_556 = tpu.memref_slice %arg4[%add3A_553] : memref<29184xf32, #tpu.memory_space<hbm>> -> memref<16xf32, #tpu.memory_space<hbm>>
    %dma_start3A_557 = tpu.memref_slice %arg4[%add3A_553] : memref<29184xf32, #tpu.memory_space<hbm>> -> memref<16xf32, #tpu.memory_space<hbm>>
    %dma_start3A_558 = arith.constant 256 : i32
    %dma_start3A_559 = tpu.memref_slice %arg10[%dma_start3A_558] : memref<304xf32, #tpu.memory_space<vmem>> -> memref<16xf32, #tpu.memory_space<vmem>>
    tpu.enqueue_dma source(%dma_start3A_559 : memref<16xf32, #tpu.memory_space<vmem>>) target(%dma_start3A_557 : memref<16xf32, #tpu.memory_space<hbm>>) target_semaphore(%arg12 : memref<!tpu.dma_semaphore, #tpu.memory_space<semaphore_mem>>)
    %mul3A_560 = arith.constant 16 : i32
    %mul3A_561 = arith.muli %add3A, %mul3A_560 : i32
    %add3A_562 = arith.constant 18432 : i32
    %add3A_563 = arith.addi %add3A_562, %mul3A_561 : i32
    %dma_start3A_564 = arith.constant 272 : i32
    %dma_start3A_565 = tpu.memref_slice %arg10[%dma_start3A_564] : memref<304xf32, #tpu.memory_space<vmem>> -> memref<16xf32, #tpu.memory_space<vmem>>
    %dma_start3A_566 = tpu.memref_slice %arg4[%add3A_563] : memref<29184xf32, #tpu.memory_space<hbm>> -> memref<16xf32, #tpu.memory_space<hbm>>
    %dma_start3A_567 = tpu.memref_slice %arg4[%add3A_563] : memref<29184xf32, #tpu.memory_space<hbm>> -> memref<16xf32, #tpu.memory_space<hbm>>
    %dma_start3A_568 = arith.constant 272 : i32
    %dma_start3A_569 = tpu.memref_slice %arg10[%dma_start3A_568] : memref<304xf32, #tpu.memory_space<vmem>> -> memref<16xf32, #tpu.memory_space<vmem>>
    tpu.enqueue_dma source(%dma_start3A_569 : memref<16xf32, #tpu.memory_space<vmem>>) target(%dma_start3A_567 : memref<16xf32, #tpu.memory_space<hbm>>) target_semaphore(%arg12 : memref<!tpu.dma_semaphore, #tpu.memory_space<semaphore_mem>>)
    %mul3A_570 = arith.constant 16 : i32
    %mul3A_571 = arith.muli %add3A, %mul3A_570 : i32
    %add3A_572 = arith.constant 18944 : i32
    %add3A_573 = arith.addi %add3A_572, %mul3A_571 : i32
    %dma_start3A_574 = arith.constant 288 : i32
    %dma_start3A_575 = tpu.memref_slice %arg10[%dma_start3A_574] : memref<304xf32, #tpu.memory_space<vmem>> -> memref<16xf32, #tpu.memory_space<vmem>>
    %dma_start3A_576 = tpu.memref_slice %arg4[%add3A_573] : memref<29184xf32, #tpu.memory_space<hbm>> -> memref<16xf32, #tpu.memory_space<hbm>>
    %dma_start3A_577 = tpu.memref_slice %arg4[%add3A_573] : memref<29184xf32, #tpu.memory_space<hbm>> -> memref<16xf32, #tpu.memory_space<hbm>>
    %dma_start3A_578 = arith.constant 288 : i32
    %dma_start3A_579 = tpu.memref_slice %arg10[%dma_start3A_578] : memref<304xf32, #tpu.memory_space<vmem>> -> memref<16xf32, #tpu.memory_space<vmem>>
    tpu.enqueue_dma source(%dma_start3A_579 : memref<16xf32, #tpu.memory_space<vmem>>) target(%dma_start3A_577 : memref<16xf32, #tpu.memory_space<hbm>>) target_semaphore(%arg12 : memref<!tpu.dma_semaphore, #tpu.memory_space<semaphore_mem>>)
    %mul3A_580 = arith.constant 16 : i32
    %mul3A_581 = arith.muli %add3A, %mul3A_580 : i32
    %add3A_582 = arith.constant 19456 : i32
    %add3A_583 = arith.addi %add3A_582, %mul3A_581 : i32
    %dma_start3A_584 = arith.constant 0 : i32
    %dma_start3A_585 = tpu.memref_slice %arg11[%dma_start3A_584] : memref<304xf32, #tpu.memory_space<vmem>> -> memref<16xf32, #tpu.memory_space<vmem>>
    %dma_start3A_586 = tpu.memref_slice %arg4[%add3A_583] : memref<29184xf32, #tpu.memory_space<hbm>> -> memref<16xf32, #tpu.memory_space<hbm>>
    %dma_start3A_587 = tpu.memref_slice %arg4[%add3A_583] : memref<29184xf32, #tpu.memory_space<hbm>> -> memref<16xf32, #tpu.memory_space<hbm>>
    %dma_start3A_588 = arith.constant 0 : i32
    %dma_start3A_589 = tpu.memref_slice %arg11[%dma_start3A_588] : memref<304xf32, #tpu.memory_space<vmem>> -> memref<16xf32, #tpu.memory_space<vmem>>
    tpu.enqueue_dma source(%dma_start3A_589 : memref<16xf32, #tpu.memory_space<vmem>>) target(%dma_start3A_587 : memref<16xf32, #tpu.memory_space<hbm>>) target_semaphore(%arg12 : memref<!tpu.dma_semaphore, #tpu.memory_space<semaphore_mem>>)
    %mul3A_590 = arith.constant 16 : i32
    %mul3A_591 = arith.muli %add3A, %mul3A_590 : i32
    %add3A_592 = arith.constant 19968 : i32
    %add3A_593 = arith.addi %add3A_592, %mul3A_591 : i32
    %dma_start3A_594 = arith.constant 16 : i32
    %dma_start3A_595 = tpu.memref_slice %arg11[%dma_start3A_594] : memref<304xf32, #tpu.memory_space<vmem>> -> memref<16xf32, #tpu.memory_space<vmem>>
    %dma_start3A_596 = tpu.memref_slice %arg4[%add3A_593] : memref<29184xf32, #tpu.memory_space<hbm>> -> memref<16xf32, #tpu.memory_space<hbm>>
    %dma_start3A_597 = tpu.memref_slice %arg4[%add3A_593] : memref<29184xf32, #tpu.memory_space<hbm>> -> memref<16xf32, #tpu.memory_space<hbm>>
    %dma_start3A_598 = arith.constant 16 : i32
    %dma_start3A_599 = tpu.memref_slice %arg11[%dma_start3A_598] : memref<304xf32, #tpu.memory_space<vmem>> -> memref<16xf32, #tpu.memory_space<vmem>>
    tpu.enqueue_dma source(%dma_start3A_599 : memref<16xf32, #tpu.memory_space<vmem>>) target(%dma_start3A_597 : memref<16xf32, #tpu.memory_space<hbm>>) target_semaphore(%arg12 : memref<!tpu.dma_semaphore, #tpu.memory_space<semaphore_mem>>)
    %mul3A_600 = arith.constant 16 : i32
    %mul3A_601 = arith.muli %add3A, %mul3A_600 : i32
    %add3A_602 = arith.constant 20480 : i32
    %add3A_603 = arith.addi %add3A_602, %mul3A_601 : i32
    %dma_start3A_604 = arith.constant 32 : i32
    %dma_start3A_605 = tpu.memref_slice %arg11[%dma_start3A_604] : memref<304xf32, #tpu.memory_space<vmem>> -> memref<16xf32, #tpu.memory_space<vmem>>
    %dma_start3A_606 = tpu.memref_slice %arg4[%add3A_603] : memref<29184xf32, #tpu.memory_space<hbm>> -> memref<16xf32, #tpu.memory_space<hbm>>
    %dma_start3A_607 = tpu.memref_slice %arg4[%add3A_603] : memref<29184xf32, #tpu.memory_space<hbm>> -> memref<16xf32, #tpu.memory_space<hbm>>
    %dma_start3A_608 = arith.constant 32 : i32
    %dma_start3A_609 = tpu.memref_slice %arg11[%dma_start3A_608] : memref<304xf32, #tpu.memory_space<vmem>> -> memref<16xf32, #tpu.memory_space<vmem>>
    tpu.enqueue_dma source(%dma_start3A_609 : memref<16xf32, #tpu.memory_space<vmem>>) target(%dma_start3A_607 : memref<16xf32, #tpu.memory_space<hbm>>) target_semaphore(%arg12 : memref<!tpu.dma_semaphore, #tpu.memory_space<semaphore_mem>>)
    %mul3A_610 = arith.constant 16 : i32
    %mul3A_611 = arith.muli %add3A, %mul3A_610 : i32
    %add3A_612 = arith.constant 20992 : i32
    %add3A_613 = arith.addi %add3A_612, %mul3A_611 : i32
    %dma_start3A_614 = arith.constant 48 : i32
    %dma_start3A_615 = tpu.memref_slice %arg11[%dma_start3A_614] : memref<304xf32, #tpu.memory_space<vmem>> -> memref<16xf32, #tpu.memory_space<vmem>>
    %dma_start3A_616 = tpu.memref_slice %arg4[%add3A_613] : memref<29184xf32, #tpu.memory_space<hbm>> -> memref<16xf32, #tpu.memory_space<hbm>>
    %dma_start3A_617 = tpu.memref_slice %arg4[%add3A_613] : memref<29184xf32, #tpu.memory_space<hbm>> -> memref<16xf32, #tpu.memory_space<hbm>>
    %dma_start3A_618 = arith.constant 48 : i32
    %dma_start3A_619 = tpu.memref_slice %arg11[%dma_start3A_618] : memref<304xf32, #tpu.memory_space<vmem>> -> memref<16xf32, #tpu.memory_space<vmem>>
    tpu.enqueue_dma source(%dma_start3A_619 : memref<16xf32, #tpu.memory_space<vmem>>) target(%dma_start3A_617 : memref<16xf32, #tpu.memory_space<hbm>>) target_semaphore(%arg12 : memref<!tpu.dma_semaphore, #tpu.memory_space<semaphore_mem>>)
    %mul3A_620 = arith.constant 16 : i32
    %mul3A_621 = arith.muli %add3A, %mul3A_620 : i32
    %add3A_622 = arith.constant 21504 : i32
    %add3A_623 = arith.addi %add3A_622, %mul3A_621 : i32
    %dma_start3A_624 = arith.constant 64 : i32
    %dma_start3A_625 = tpu.memref_slice %arg11[%dma_start3A_624] : memref<304xf32, #tpu.memory_space<vmem>> -> memref<16xf32, #tpu.memory_space<vmem>>
    %dma_start3A_626 = tpu.memref_slice %arg4[%add3A_623] : memref<29184xf32, #tpu.memory_space<hbm>> -> memref<16xf32, #tpu.memory_space<hbm>>
    %dma_start3A_627 = tpu.memref_slice %arg4[%add3A_623] : memref<29184xf32, #tpu.memory_space<hbm>> -> memref<16xf32, #tpu.memory_space<hbm>>
    %dma_start3A_628 = arith.constant 64 : i32
    %dma_start3A_629 = tpu.memref_slice %arg11[%dma_start3A_628] : memref<304xf32, #tpu.memory_space<vmem>> -> memref<16xf32, #tpu.memory_space<vmem>>
    tpu.enqueue_dma source(%dma_start3A_629 : memref<16xf32, #tpu.memory_space<vmem>>) target(%dma_start3A_627 : memref<16xf32, #tpu.memory_space<hbm>>) target_semaphore(%arg12 : memref<!tpu.dma_semaphore, #tpu.memory_space<semaphore_mem>>)
    %mul3A_630 = arith.constant 16 : i32
    %mul3A_631 = arith.muli %add3A, %mul3A_630 : i32
    %add3A_632 = arith.constant 22016 : i32
    %add3A_633 = arith.addi %add3A_632, %mul3A_631 : i32
    %dma_start3A_634 = arith.constant 80 : i32
    %dma_start3A_635 = tpu.memref_slice %arg11[%dma_start3A_634] : memref<304xf32, #tpu.memory_space<vmem>> -> memref<16xf32, #tpu.memory_space<vmem>>
    %dma_start3A_636 = tpu.memref_slice %arg4[%add3A_633] : memref<29184xf32, #tpu.memory_space<hbm>> -> memref<16xf32, #tpu.memory_space<hbm>>
    %dma_start3A_637 = tpu.memref_slice %arg4[%add3A_633] : memref<29184xf32, #tpu.memory_space<hbm>> -> memref<16xf32, #tpu.memory_space<hbm>>
    %dma_start3A_638 = arith.constant 80 : i32
    %dma_start3A_639 = tpu.memref_slice %arg11[%dma_start3A_638] : memref<304xf32, #tpu.memory_space<vmem>> -> memref<16xf32, #tpu.memory_space<vmem>>
    tpu.enqueue_dma source(%dma_start3A_639 : memref<16xf32, #tpu.memory_space<vmem>>) target(%dma_start3A_637 : memref<16xf32, #tpu.memory_space<hbm>>) target_semaphore(%arg12 : memref<!tpu.dma_semaphore, #tpu.memory_space<semaphore_mem>>)
    %mul3A_640 = arith.constant 16 : i32
    %mul3A_641 = arith.muli %add3A, %mul3A_640 : i32
    %add3A_642 = arith.constant 22528 : i32
    %add3A_643 = arith.addi %add3A_642, %mul3A_641 : i32
    %dma_start3A_644 = arith.constant 96 : i32
    %dma_start3A_645 = tpu.memref_slice %arg11[%dma_start3A_644] : memref<304xf32, #tpu.memory_space<vmem>> -> memref<16xf32, #tpu.memory_space<vmem>>
    %dma_start3A_646 = tpu.memref_slice %arg4[%add3A_643] : memref<29184xf32, #tpu.memory_space<hbm>> -> memref<16xf32, #tpu.memory_space<hbm>>
    %dma_start3A_647 = tpu.memref_slice %arg4[%add3A_643] : memref<29184xf32, #tpu.memory_space<hbm>> -> memref<16xf32, #tpu.memory_space<hbm>>
    %dma_start3A_648 = arith.constant 96 : i32
    %dma_start3A_649 = tpu.memref_slice %arg11[%dma_start3A_648] : memref<304xf32, #tpu.memory_space<vmem>> -> memref<16xf32, #tpu.memory_space<vmem>>
    tpu.enqueue_dma source(%dma_start3A_649 : memref<16xf32, #tpu.memory_space<vmem>>) target(%dma_start3A_647 : memref<16xf32, #tpu.memory_space<hbm>>) target_semaphore(%arg12 : memref<!tpu.dma_semaphore, #tpu.memory_space<semaphore_mem>>)
    %mul3A_650 = arith.constant 16 : i32
    %mul3A_651 = arith.muli %add3A, %mul3A_650 : i32
    %add3A_652 = arith.constant 23040 : i32
    %add3A_653 = arith.addi %add3A_652, %mul3A_651 : i32
    %dma_start3A_654 = arith.constant 112 : i32
    %dma_start3A_655 = tpu.memref_slice %arg11[%dma_start3A_654] : memref<304xf32, #tpu.memory_space<vmem>> -> memref<16xf32, #tpu.memory_space<vmem>>
    %dma_start3A_656 = tpu.memref_slice %arg4[%add3A_653] : memref<29184xf32, #tpu.memory_space<hbm>> -> memref<16xf32, #tpu.memory_space<hbm>>
    %dma_start3A_657 = tpu.memref_slice %arg4[%add3A_653] : memref<29184xf32, #tpu.memory_space<hbm>> -> memref<16xf32, #tpu.memory_space<hbm>>
    %dma_start3A_658 = arith.constant 112 : i32
    %dma_start3A_659 = tpu.memref_slice %arg11[%dma_start3A_658] : memref<304xf32, #tpu.memory_space<vmem>> -> memref<16xf32, #tpu.memory_space<vmem>>
    tpu.enqueue_dma source(%dma_start3A_659 : memref<16xf32, #tpu.memory_space<vmem>>) target(%dma_start3A_657 : memref<16xf32, #tpu.memory_space<hbm>>) target_semaphore(%arg12 : memref<!tpu.dma_semaphore, #tpu.memory_space<semaphore_mem>>)
    %mul3A_660 = arith.constant 16 : i32
    %mul3A_661 = arith.muli %add3A, %mul3A_660 : i32
    %add3A_662 = arith.constant 23552 : i32
    %add3A_663 = arith.addi %add3A_662, %mul3A_661 : i32
    %dma_start3A_664 = arith.constant 128 : i32
    %dma_start3A_665 = tpu.memref_slice %arg11[%dma_start3A_664] : memref<304xf32, #tpu.memory_space<vmem>> -> memref<16xf32, #tpu.memory_space<vmem>>
    %dma_start3A_666 = tpu.memref_slice %arg4[%add3A_663] : memref<29184xf32, #tpu.memory_space<hbm>> -> memref<16xf32, #tpu.memory_space<hbm>>
    %dma_start3A_667 = tpu.memref_slice %arg4[%add3A_663] : memref<29184xf32, #tpu.memory_space<hbm>> -> memref<16xf32, #tpu.memory_space<hbm>>
    %dma_start3A_668 = arith.constant 128 : i32
    %dma_start3A_669 = tpu.memref_slice %arg11[%dma_start3A_668] : memref<304xf32, #tpu.memory_space<vmem>> -> memref<16xf32, #tpu.memory_space<vmem>>
    tpu.enqueue_dma source(%dma_start3A_669 : memref<16xf32, #tpu.memory_space<vmem>>) target(%dma_start3A_667 : memref<16xf32, #tpu.memory_space<hbm>>) target_semaphore(%arg12 : memref<!tpu.dma_semaphore, #tpu.memory_space<semaphore_mem>>)
    %mul3A_670 = arith.constant 16 : i32
    %mul3A_671 = arith.muli %add3A, %mul3A_670 : i32
    %add3A_672 = arith.constant 24064 : i32
    %add3A_673 = arith.addi %add3A_672, %mul3A_671 : i32
    %dma_start3A_674 = arith.constant 144 : i32
    %dma_start3A_675 = tpu.memref_slice %arg11[%dma_start3A_674] : memref<304xf32, #tpu.memory_space<vmem>> -> memref<16xf32, #tpu.memory_space<vmem>>
    %dma_start3A_676 = tpu.memref_slice %arg4[%add3A_673] : memref<29184xf32, #tpu.memory_space<hbm>> -> memref<16xf32, #tpu.memory_space<hbm>>
    %dma_start3A_677 = tpu.memref_slice %arg4[%add3A_673] : memref<29184xf32, #tpu.memory_space<hbm>> -> memref<16xf32, #tpu.memory_space<hbm>>
    %dma_start3A_678 = arith.constant 144 : i32
    %dma_start3A_679 = tpu.memref_slice %arg11[%dma_start3A_678] : memref<304xf32, #tpu.memory_space<vmem>> -> memref<16xf32, #tpu.memory_space<vmem>>
    tpu.enqueue_dma source(%dma_start3A_679 : memref<16xf32, #tpu.memory_space<vmem>>) target(%dma_start3A_677 : memref<16xf32, #tpu.memory_space<hbm>>) target_semaphore(%arg12 : memref<!tpu.dma_semaphore, #tpu.memory_space<semaphore_mem>>)
    %mul3A_680 = arith.constant 16 : i32
    %mul3A_681 = arith.muli %add3A, %mul3A_680 : i32
    %add3A_682 = arith.constant 24576 : i32
    %add3A_683 = arith.addi %add3A_682, %mul3A_681 : i32
    %dma_start3A_684 = arith.constant 160 : i32
    %dma_start3A_685 = tpu.memref_slice %arg11[%dma_start3A_684] : memref<304xf32, #tpu.memory_space<vmem>> -> memref<16xf32, #tpu.memory_space<vmem>>
    %dma_start3A_686 = tpu.memref_slice %arg4[%add3A_683] : memref<29184xf32, #tpu.memory_space<hbm>> -> memref<16xf32, #tpu.memory_space<hbm>>
    %dma_start3A_687 = tpu.memref_slice %arg4[%add3A_683] : memref<29184xf32, #tpu.memory_space<hbm>> -> memref<16xf32, #tpu.memory_space<hbm>>
    %dma_start3A_688 = arith.constant 160 : i32
    %dma_start3A_689 = tpu.memref_slice %arg11[%dma_start3A_688] : memref<304xf32, #tpu.memory_space<vmem>> -> memref<16xf32, #tpu.memory_space<vmem>>
    tpu.enqueue_dma source(%dma_start3A_689 : memref<16xf32, #tpu.memory_space<vmem>>) target(%dma_start3A_687 : memref<16xf32, #tpu.memory_space<hbm>>) target_semaphore(%arg12 : memref<!tpu.dma_semaphore, #tpu.memory_space<semaphore_mem>>)
    %mul3A_690 = arith.constant 16 : i32
    %mul3A_691 = arith.muli %add3A, %mul3A_690 : i32
    %add3A_692 = arith.constant 25088 : i32
    %add3A_693 = arith.addi %add3A_692, %mul3A_691 : i32
    %dma_start3A_694 = arith.constant 176 : i32
    %dma_start3A_695 = tpu.memref_slice %arg11[%dma_start3A_694] : memref<304xf32, #tpu.memory_space<vmem>> -> memref<16xf32, #tpu.memory_space<vmem>>
    %dma_start3A_696 = tpu.memref_slice %arg4[%add3A_693] : memref<29184xf32, #tpu.memory_space<hbm>> -> memref<16xf32, #tpu.memory_space<hbm>>
    %dma_start3A_697 = tpu.memref_slice %arg4[%add3A_693] : memref<29184xf32, #tpu.memory_space<hbm>> -> memref<16xf32, #tpu.memory_space<hbm>>
    %dma_start3A_698 = arith.constant 176 : i32
    %dma_start3A_699 = tpu.memref_slice %arg11[%dma_start3A_698] : memref<304xf32, #tpu.memory_space<vmem>> -> memref<16xf32, #tpu.memory_space<vmem>>
    tpu.enqueue_dma source(%dma_start3A_699 : memref<16xf32, #tpu.memory_space<vmem>>) target(%dma_start3A_697 : memref<16xf32, #tpu.memory_space<hbm>>) target_semaphore(%arg12 : memref<!tpu.dma_semaphore, #tpu.memory_space<semaphore_mem>>)
    %mul3A_700 = arith.constant 16 : i32
    %mul3A_701 = arith.muli %add3A, %mul3A_700 : i32
    %add3A_702 = arith.constant 25600 : i32
    %add3A_703 = arith.addi %add3A_702, %mul3A_701 : i32
    %dma_start3A_704 = arith.constant 192 : i32
    %dma_start3A_705 = tpu.memref_slice %arg11[%dma_start3A_704] : memref<304xf32, #tpu.memory_space<vmem>> -> memref<16xf32, #tpu.memory_space<vmem>>
    %dma_start3A_706 = tpu.memref_slice %arg4[%add3A_703] : memref<29184xf32, #tpu.memory_space<hbm>> -> memref<16xf32, #tpu.memory_space<hbm>>
    %dma_start3A_707 = tpu.memref_slice %arg4[%add3A_703] : memref<29184xf32, #tpu.memory_space<hbm>> -> memref<16xf32, #tpu.memory_space<hbm>>
    %dma_start3A_708 = arith.constant 192 : i32
    %dma_start3A_709 = tpu.memref_slice %arg11[%dma_start3A_708] : memref<304xf32, #tpu.memory_space<vmem>> -> memref<16xf32, #tpu.memory_space<vmem>>
    tpu.enqueue_dma source(%dma_start3A_709 : memref<16xf32, #tpu.memory_space<vmem>>) target(%dma_start3A_707 : memref<16xf32, #tpu.memory_space<hbm>>) target_semaphore(%arg12 : memref<!tpu.dma_semaphore, #tpu.memory_space<semaphore_mem>>)
    %mul3A_710 = arith.constant 16 : i32
    %mul3A_711 = arith.muli %add3A, %mul3A_710 : i32
    %add3A_712 = arith.constant 26112 : i32
    %add3A_713 = arith.addi %add3A_712, %mul3A_711 : i32
    %dma_start3A_714 = arith.constant 208 : i32
    %dma_start3A_715 = tpu.memref_slice %arg11[%dma_start3A_714] : memref<304xf32, #tpu.memory_space<vmem>> -> memref<16xf32, #tpu.memory_space<vmem>>
    %dma_start3A_716 = tpu.memref_slice %arg4[%add3A_713] : memref<29184xf32, #tpu.memory_space<hbm>> -> memref<16xf32, #tpu.memory_space<hbm>>
    %dma_start3A_717 = tpu.memref_slice %arg4[%add3A_713] : memref<29184xf32, #tpu.memory_space<hbm>> -> memref<16xf32, #tpu.memory_space<hbm>>
    %dma_start3A_718 = arith.constant 208 : i32
    %dma_start3A_719 = tpu.memref_slice %arg11[%dma_start3A_718] : memref<304xf32, #tpu.memory_space<vmem>> -> memref<16xf32, #tpu.memory_space<vmem>>
    tpu.enqueue_dma source(%dma_start3A_719 : memref<16xf32, #tpu.memory_space<vmem>>) target(%dma_start3A_717 : memref<16xf32, #tpu.memory_space<hbm>>) target_semaphore(%arg12 : memref<!tpu.dma_semaphore, #tpu.memory_space<semaphore_mem>>)
    %mul3A_720 = arith.constant 16 : i32
    %mul3A_721 = arith.muli %add3A, %mul3A_720 : i32
    %add3A_722 = arith.constant 26624 : i32
    %add3A_723 = arith.addi %add3A_722, %mul3A_721 : i32
    %dma_start3A_724 = arith.constant 224 : i32
    %dma_start3A_725 = tpu.memref_slice %arg11[%dma_start3A_724] : memref<304xf32, #tpu.memory_space<vmem>> -> memref<16xf32, #tpu.memory_space<vmem>>
    %dma_start3A_726 = tpu.memref_slice %arg4[%add3A_723] : memref<29184xf32, #tpu.memory_space<hbm>> -> memref<16xf32, #tpu.memory_space<hbm>>
    %dma_start3A_727 = tpu.memref_slice %arg4[%add3A_723] : memref<29184xf32, #tpu.memory_space<hbm>> -> memref<16xf32, #tpu.memory_space<hbm>>
    %dma_start3A_728 = arith.constant 224 : i32
    %dma_start3A_729 = tpu.memref_slice %arg11[%dma_start3A_728] : memref<304xf32, #tpu.memory_space<vmem>> -> memref<16xf32, #tpu.memory_space<vmem>>
    tpu.enqueue_dma source(%dma_start3A_729 : memref<16xf32, #tpu.memory_space<vmem>>) target(%dma_start3A_727 : memref<16xf32, #tpu.memory_space<hbm>>) target_semaphore(%arg12 : memref<!tpu.dma_semaphore, #tpu.memory_space<semaphore_mem>>)
    %mul3A_730 = arith.constant 16 : i32
    %mul3A_731 = arith.muli %add3A, %mul3A_730 : i32
    %add3A_732 = arith.constant 27136 : i32
    %add3A_733 = arith.addi %add3A_732, %mul3A_731 : i32
    %dma_start3A_734 = arith.constant 240 : i32
    %dma_start3A_735 = tpu.memref_slice %arg11[%dma_start3A_734] : memref<304xf32, #tpu.memory_space<vmem>> -> memref<16xf32, #tpu.memory_space<vmem>>
    %dma_start3A_736 = tpu.memref_slice %arg4[%add3A_733] : memref<29184xf32, #tpu.memory_space<hbm>> -> memref<16xf32, #tpu.memory_space<hbm>>
    %dma_start3A_737 = tpu.memref_slice %arg4[%add3A_733] : memref<29184xf32, #tpu.memory_space<hbm>> -> memref<16xf32, #tpu.memory_space<hbm>>
    %dma_start3A_738 = arith.constant 240 : i32
    %dma_start3A_739 = tpu.memref_slice %arg11[%dma_start3A_738] : memref<304xf32, #tpu.memory_space<vmem>> -> memref<16xf32, #tpu.memory_space<vmem>>
    tpu.enqueue_dma source(%dma_start3A_739 : memref<16xf32, #tpu.memory_space<vmem>>) target(%dma_start3A_737 : memref<16xf32, #tpu.memory_space<hbm>>) target_semaphore(%arg12 : memref<!tpu.dma_semaphore, #tpu.memory_space<semaphore_mem>>)
    %mul3A_740 = arith.constant 16 : i32
    %mul3A_741 = arith.muli %add3A, %mul3A_740 : i32
    %add3A_742 = arith.constant 27648 : i32
    %add3A_743 = arith.addi %add3A_742, %mul3A_741 : i32
    %dma_start3A_744 = arith.constant 256 : i32
    %dma_start3A_745 = tpu.memref_slice %arg11[%dma_start3A_744] : memref<304xf32, #tpu.memory_space<vmem>> -> memref<16xf32, #tpu.memory_space<vmem>>
    %dma_start3A_746 = tpu.memref_slice %arg4[%add3A_743] : memref<29184xf32, #tpu.memory_space<hbm>> -> memref<16xf32, #tpu.memory_space<hbm>>
    %dma_start3A_747 = tpu.memref_slice %arg4[%add3A_743] : memref<29184xf32, #tpu.memory_space<hbm>> -> memref<16xf32, #tpu.memory_space<hbm>>
    %dma_start3A_748 = arith.constant 256 : i32
    %dma_start3A_749 = tpu.memref_slice %arg11[%dma_start3A_748] : memref<304xf32, #tpu.memory_space<vmem>> -> memref<16xf32, #tpu.memory_space<vmem>>
    tpu.enqueue_dma source(%dma_start3A_749 : memref<16xf32, #tpu.memory_space<vmem>>) target(%dma_start3A_747 : memref<16xf32, #tpu.memory_space<hbm>>) target_semaphore(%arg12 : memref<!tpu.dma_semaphore, #tpu.memory_space<semaphore_mem>>)
    %mul3A_750 = arith.constant 16 : i32
    %mul3A_751 = arith.muli %add3A, %mul3A_750 : i32
    %add3A_752 = arith.constant 28160 : i32
    %add3A_753 = arith.addi %add3A_752, %mul3A_751 : i32
    %dma_start3A_754 = arith.constant 272 : i32
    %dma_start3A_755 = tpu.memref_slice %arg11[%dma_start3A_754] : memref<304xf32, #tpu.memory_space<vmem>> -> memref<16xf32, #tpu.memory_space<vmem>>
    %dma_start3A_756 = tpu.memref_slice %arg4[%add3A_753] : memref<29184xf32, #tpu.memory_space<hbm>> -> memref<16xf32, #tpu.memory_space<hbm>>
    %dma_start3A_757 = tpu.memref_slice %arg4[%add3A_753] : memref<29184xf32, #tpu.memory_space<hbm>> -> memref<16xf32, #tpu.memory_space<hbm>>
    %dma_start3A_758 = arith.constant 272 : i32
    %dma_start3A_759 = tpu.memref_slice %arg11[%dma_start3A_758] : memref<304xf32, #tpu.memory_space<vmem>> -> memref<16xf32, #tpu.memory_space<vmem>>
    tpu.enqueue_dma source(%dma_start3A_759 : memref<16xf32, #tpu.memory_space<vmem>>) target(%dma_start3A_757 : memref<16xf32, #tpu.memory_space<hbm>>) target_semaphore(%arg12 : memref<!tpu.dma_semaphore, #tpu.memory_space<semaphore_mem>>)
    %mul3A_760 = arith.constant 16 : i32
    %mul3A_761 = arith.muli %add3A, %mul3A_760 : i32
    %add3A_762 = arith.constant 28672 : i32
    %add3A_763 = arith.addi %add3A_762, %mul3A_761 : i32
    %dma_start3A_764 = arith.constant 288 : i32
    %dma_start3A_765 = tpu.memref_slice %arg11[%dma_start3A_764] : memref<304xf32, #tpu.memory_space<vmem>> -> memref<16xf32, #tpu.memory_space<vmem>>
    %dma_start3A_766 = tpu.memref_slice %arg4[%add3A_763] : memref<29184xf32, #tpu.memory_space<hbm>> -> memref<16xf32, #tpu.memory_space<hbm>>
    %dma_start3A_767 = tpu.memref_slice %arg4[%add3A_763] : memref<29184xf32, #tpu.memory_space<hbm>> -> memref<16xf32, #tpu.memory_space<hbm>>
    %dma_start3A_768 = arith.constant 288 : i32
    %dma_start3A_769 = tpu.memref_slice %arg11[%dma_start3A_768] : memref<304xf32, #tpu.memory_space<vmem>> -> memref<16xf32, #tpu.memory_space<vmem>>
    tpu.enqueue_dma source(%dma_start3A_769 : memref<16xf32, #tpu.memory_space<vmem>>) target(%dma_start3A_767 : memref<16xf32, #tpu.memory_space<hbm>>) target_semaphore(%arg12 : memref<!tpu.dma_semaphore, #tpu.memory_space<semaphore_mem>>)
    %dma_wait3A_770 = arith.constant 0 : i32
    %dma_wait3A_771 = tpu.memref_slice %arg9[%dma_wait3A_770] : memref<304xf32, #tpu.memory_space<vmem>> -> memref<16xf32, #tpu.memory_space<vmem>>
    %dma_wait3A_772 = tpu.memref_slice %arg4[%add3A_203] : memref<29184xf32, #tpu.memory_space<hbm>> -> memref<16xf32, #tpu.memory_space<hbm>>
    %dma_wait3A_773 = tpu.memref_slice %arg4[%add3A_203] : memref<29184xf32, #tpu.memory_space<hbm>> -> memref<16xf32, #tpu.memory_space<hbm>>
    %dma_wait3A_774 = arith.constant 0 : i32
    %dma_wait3A_775 = tpu.memref_slice %arg9[%dma_wait3A_774] : memref<304xf32, #tpu.memory_space<vmem>> -> memref<16xf32, #tpu.memory_space<vmem>>
    tpu.wait_dma2 semaphore(%arg12 : memref<!tpu.dma_semaphore, #tpu.memory_space<semaphore_mem>>) src(%dma_wait3A_775 : memref<16xf32, #tpu.memory_space<vmem>>) dst(%dma_wait3A_773 : memref<16xf32, #tpu.memory_space<hbm>>)
    %dma_wait3A_776 = arith.constant 16 : i32
    %dma_wait3A_777 = tpu.memref_slice %arg9[%dma_wait3A_776] : memref<304xf32, #tpu.memory_space<vmem>> -> memref<16xf32, #tpu.memory_space<vmem>>
    %dma_wait3A_778 = tpu.memref_slice %arg4[%add3A_213] : memref<29184xf32, #tpu.memory_space<hbm>> -> memref<16xf32, #tpu.memory_space<hbm>>
    %dma_wait3A_779 = tpu.memref_slice %arg4[%add3A_213] : memref<29184xf32, #tpu.memory_space<hbm>> -> memref<16xf32, #tpu.memory_space<hbm>>
    %dma_wait3A_780 = arith.constant 16 : i32
    %dma_wait3A_781 = tpu.memref_slice %arg9[%dma_wait3A_780] : memref<304xf32, #tpu.memory_space<vmem>> -> memref<16xf32, #tpu.memory_space<vmem>>
    tpu.wait_dma2 semaphore(%arg12 : memref<!tpu.dma_semaphore, #tpu.memory_space<semaphore_mem>>) src(%dma_wait3A_781 : memref<16xf32, #tpu.memory_space<vmem>>) dst(%dma_wait3A_779 : memref<16xf32, #tpu.memory_space<hbm>>)
    %dma_wait3A_782 = arith.constant 32 : i32
    %dma_wait3A_783 = tpu.memref_slice %arg9[%dma_wait3A_782] : memref<304xf32, #tpu.memory_space<vmem>> -> memref<16xf32, #tpu.memory_space<vmem>>
    %dma_wait3A_784 = tpu.memref_slice %arg4[%add3A_223] : memref<29184xf32, #tpu.memory_space<hbm>> -> memref<16xf32, #tpu.memory_space<hbm>>
    %dma_wait3A_785 = tpu.memref_slice %arg4[%add3A_223] : memref<29184xf32, #tpu.memory_space<hbm>> -> memref<16xf32, #tpu.memory_space<hbm>>
    %dma_wait3A_786 = arith.constant 32 : i32
    %dma_wait3A_787 = tpu.memref_slice %arg9[%dma_wait3A_786] : memref<304xf32, #tpu.memory_space<vmem>> -> memref<16xf32, #tpu.memory_space<vmem>>
    tpu.wait_dma2 semaphore(%arg12 : memref<!tpu.dma_semaphore, #tpu.memory_space<semaphore_mem>>) src(%dma_wait3A_787 : memref<16xf32, #tpu.memory_space<vmem>>) dst(%dma_wait3A_785 : memref<16xf32, #tpu.memory_space<hbm>>)
    %dma_wait3A_788 = arith.constant 48 : i32
    %dma_wait3A_789 = tpu.memref_slice %arg9[%dma_wait3A_788] : memref<304xf32, #tpu.memory_space<vmem>> -> memref<16xf32, #tpu.memory_space<vmem>>
    %dma_wait3A_790 = tpu.memref_slice %arg4[%add3A_233] : memref<29184xf32, #tpu.memory_space<hbm>> -> memref<16xf32, #tpu.memory_space<hbm>>
    %dma_wait3A_791 = tpu.memref_slice %arg4[%add3A_233] : memref<29184xf32, #tpu.memory_space<hbm>> -> memref<16xf32, #tpu.memory_space<hbm>>
    %dma_wait3A_792 = arith.constant 48 : i32
    %dma_wait3A_793 = tpu.memref_slice %arg9[%dma_wait3A_792] : memref<304xf32, #tpu.memory_space<vmem>> -> memref<16xf32, #tpu.memory_space<vmem>>
    tpu.wait_dma2 semaphore(%arg12 : memref<!tpu.dma_semaphore, #tpu.memory_space<semaphore_mem>>) src(%dma_wait3A_793 : memref<16xf32, #tpu.memory_space<vmem>>) dst(%dma_wait3A_791 : memref<16xf32, #tpu.memory_space<hbm>>)
    %dma_wait3A_794 = arith.constant 64 : i32
    %dma_wait3A_795 = tpu.memref_slice %arg9[%dma_wait3A_794] : memref<304xf32, #tpu.memory_space<vmem>> -> memref<16xf32, #tpu.memory_space<vmem>>
    %dma_wait3A_796 = tpu.memref_slice %arg4[%add3A_243] : memref<29184xf32, #tpu.memory_space<hbm>> -> memref<16xf32, #tpu.memory_space<hbm>>
    %dma_wait3A_797 = tpu.memref_slice %arg4[%add3A_243] : memref<29184xf32, #tpu.memory_space<hbm>> -> memref<16xf32, #tpu.memory_space<hbm>>
    %dma_wait3A_798 = arith.constant 64 : i32
    %dma_wait3A_799 = tpu.memref_slice %arg9[%dma_wait3A_798] : memref<304xf32, #tpu.memory_space<vmem>> -> memref<16xf32, #tpu.memory_space<vmem>>
    tpu.wait_dma2 semaphore(%arg12 : memref<!tpu.dma_semaphore, #tpu.memory_space<semaphore_mem>>) src(%dma_wait3A_799 : memref<16xf32, #tpu.memory_space<vmem>>) dst(%dma_wait3A_797 : memref<16xf32, #tpu.memory_space<hbm>>)
    %dma_wait3A_800 = arith.constant 80 : i32
    %dma_wait3A_801 = tpu.memref_slice %arg9[%dma_wait3A_800] : memref<304xf32, #tpu.memory_space<vmem>> -> memref<16xf32, #tpu.memory_space<vmem>>
    %dma_wait3A_802 = tpu.memref_slice %arg4[%add3A_253] : memref<29184xf32, #tpu.memory_space<hbm>> -> memref<16xf32, #tpu.memory_space<hbm>>
    %dma_wait3A_803 = tpu.memref_slice %arg4[%add3A_253] : memref<29184xf32, #tpu.memory_space<hbm>> -> memref<16xf32, #tpu.memory_space<hbm>>
    %dma_wait3A_804 = arith.constant 80 : i32
    %dma_wait3A_805 = tpu.memref_slice %arg9[%dma_wait3A_804] : memref<304xf32, #tpu.memory_space<vmem>> -> memref<16xf32, #tpu.memory_space<vmem>>
    tpu.wait_dma2 semaphore(%arg12 : memref<!tpu.dma_semaphore, #tpu.memory_space<semaphore_mem>>) src(%dma_wait3A_805 : memref<16xf32, #tpu.memory_space<vmem>>) dst(%dma_wait3A_803 : memref<16xf32, #tpu.memory_space<hbm>>)
    %dma_wait3A_806 = arith.constant 96 : i32
    %dma_wait3A_807 = tpu.memref_slice %arg9[%dma_wait3A_806] : memref<304xf32, #tpu.memory_space<vmem>> -> memref<16xf32, #tpu.memory_space<vmem>>
    %dma_wait3A_808 = tpu.memref_slice %arg4[%add3A_263] : memref<29184xf32, #tpu.memory_space<hbm>> -> memref<16xf32, #tpu.memory_space<hbm>>
    %dma_wait3A_809 = tpu.memref_slice %arg4[%add3A_263] : memref<29184xf32, #tpu.memory_space<hbm>> -> memref<16xf32, #tpu.memory_space<hbm>>
    %dma_wait3A_810 = arith.constant 96 : i32
    %dma_wait3A_811 = tpu.memref_slice %arg9[%dma_wait3A_810] : memref<304xf32, #tpu.memory_space<vmem>> -> memref<16xf32, #tpu.memory_space<vmem>>
    tpu.wait_dma2 semaphore(%arg12 : memref<!tpu.dma_semaphore, #tpu.memory_space<semaphore_mem>>) src(%dma_wait3A_811 : memref<16xf32, #tpu.memory_space<vmem>>) dst(%dma_wait3A_809 : memref<16xf32, #tpu.memory_space<hbm>>)
    %dma_wait3A_812 = arith.constant 112 : i32
    %dma_wait3A_813 = tpu.memref_slice %arg9[%dma_wait3A_812] : memref<304xf32, #tpu.memory_space<vmem>> -> memref<16xf32, #tpu.memory_space<vmem>>
    %dma_wait3A_814 = tpu.memref_slice %arg4[%add3A_273] : memref<29184xf32, #tpu.memory_space<hbm>> -> memref<16xf32, #tpu.memory_space<hbm>>
    %dma_wait3A_815 = tpu.memref_slice %arg4[%add3A_273] : memref<29184xf32, #tpu.memory_space<hbm>> -> memref<16xf32, #tpu.memory_space<hbm>>
    %dma_wait3A_816 = arith.constant 112 : i32
    %dma_wait3A_817 = tpu.memref_slice %arg9[%dma_wait3A_816] : memref<304xf32, #tpu.memory_space<vmem>> -> memref<16xf32, #tpu.memory_space<vmem>>
    tpu.wait_dma2 semaphore(%arg12 : memref<!tpu.dma_semaphore, #tpu.memory_space<semaphore_mem>>) src(%dma_wait3A_817 : memref<16xf32, #tpu.memory_space<vmem>>) dst(%dma_wait3A_815 : memref<16xf32, #tpu.memory_space<hbm>>)
    %dma_wait3A_818 = arith.constant 128 : i32
    %dma_wait3A_819 = tpu.memref_slice %arg9[%dma_wait3A_818] : memref<304xf32, #tpu.memory_space<vmem>> -> memref<16xf32, #tpu.memory_space<vmem>>
    %dma_wait3A_820 = tpu.memref_slice %arg4[%add3A_283] : memref<29184xf32, #tpu.memory_space<hbm>> -> memref<16xf32, #tpu.memory_space<hbm>>
    %dma_wait3A_821 = tpu.memref_slice %arg4[%add3A_283] : memref<29184xf32, #tpu.memory_space<hbm>> -> memref<16xf32, #tpu.memory_space<hbm>>
    %dma_wait3A_822 = arith.constant 128 : i32
    %dma_wait3A_823 = tpu.memref_slice %arg9[%dma_wait3A_822] : memref<304xf32, #tpu.memory_space<vmem>> -> memref<16xf32, #tpu.memory_space<vmem>>
    tpu.wait_dma2 semaphore(%arg12 : memref<!tpu.dma_semaphore, #tpu.memory_space<semaphore_mem>>) src(%dma_wait3A_823 : memref<16xf32, #tpu.memory_space<vmem>>) dst(%dma_wait3A_821 : memref<16xf32, #tpu.memory_space<hbm>>)
    %dma_wait3A_824 = arith.constant 144 : i32
    %dma_wait3A_825 = tpu.memref_slice %arg9[%dma_wait3A_824] : memref<304xf32, #tpu.memory_space<vmem>> -> memref<16xf32, #tpu.memory_space<vmem>>
    %dma_wait3A_826 = tpu.memref_slice %arg4[%add3A_293] : memref<29184xf32, #tpu.memory_space<hbm>> -> memref<16xf32, #tpu.memory_space<hbm>>
    %dma_wait3A_827 = tpu.memref_slice %arg4[%add3A_293] : memref<29184xf32, #tpu.memory_space<hbm>> -> memref<16xf32, #tpu.memory_space<hbm>>
    %dma_wait3A_828 = arith.constant 144 : i32
    %dma_wait3A_829 = tpu.memref_slice %arg9[%dma_wait3A_828] : memref<304xf32, #tpu.memory_space<vmem>> -> memref<16xf32, #tpu.memory_space<vmem>>
    tpu.wait_dma2 semaphore(%arg12 : memref<!tpu.dma_semaphore, #tpu.memory_space<semaphore_mem>>) src(%dma_wait3A_829 : memref<16xf32, #tpu.memory_space<vmem>>) dst(%dma_wait3A_827 : memref<16xf32, #tpu.memory_space<hbm>>)
    %dma_wait3A_830 = arith.constant 160 : i32
    %dma_wait3A_831 = tpu.memref_slice %arg9[%dma_wait3A_830] : memref<304xf32, #tpu.memory_space<vmem>> -> memref<16xf32, #tpu.memory_space<vmem>>
    %dma_wait3A_832 = tpu.memref_slice %arg4[%add3A_303] : memref<29184xf32, #tpu.memory_space<hbm>> -> memref<16xf32, #tpu.memory_space<hbm>>
    %dma_wait3A_833 = tpu.memref_slice %arg4[%add3A_303] : memref<29184xf32, #tpu.memory_space<hbm>> -> memref<16xf32, #tpu.memory_space<hbm>>
    %dma_wait3A_834 = arith.constant 160 : i32
    %dma_wait3A_835 = tpu.memref_slice %arg9[%dma_wait3A_834] : memref<304xf32, #tpu.memory_space<vmem>> -> memref<16xf32, #tpu.memory_space<vmem>>
    tpu.wait_dma2 semaphore(%arg12 : memref<!tpu.dma_semaphore, #tpu.memory_space<semaphore_mem>>) src(%dma_wait3A_835 : memref<16xf32, #tpu.memory_space<vmem>>) dst(%dma_wait3A_833 : memref<16xf32, #tpu.memory_space<hbm>>)
    %dma_wait3A_836 = arith.constant 176 : i32
    %dma_wait3A_837 = tpu.memref_slice %arg9[%dma_wait3A_836] : memref<304xf32, #tpu.memory_space<vmem>> -> memref<16xf32, #tpu.memory_space<vmem>>
    %dma_wait3A_838 = tpu.memref_slice %arg4[%add3A_313] : memref<29184xf32, #tpu.memory_space<hbm>> -> memref<16xf32, #tpu.memory_space<hbm>>
    %dma_wait3A_839 = tpu.memref_slice %arg4[%add3A_313] : memref<29184xf32, #tpu.memory_space<hbm>> -> memref<16xf32, #tpu.memory_space<hbm>>
    %dma_wait3A_840 = arith.constant 176 : i32
    %dma_wait3A_841 = tpu.memref_slice %arg9[%dma_wait3A_840] : memref<304xf32, #tpu.memory_space<vmem>> -> memref<16xf32, #tpu.memory_space<vmem>>
    tpu.wait_dma2 semaphore(%arg12 : memref<!tpu.dma_semaphore, #tpu.memory_space<semaphore_mem>>) src(%dma_wait3A_841 : memref<16xf32, #tpu.memory_space<vmem>>) dst(%dma_wait3A_839 : memref<16xf32, #tpu.memory_space<hbm>>)
    %dma_wait3A_842 = arith.constant 192 : i32
    %dma_wait3A_843 = tpu.memref_slice %arg9[%dma_wait3A_842] : memref<304xf32, #tpu.memory_space<vmem>> -> memref<16xf32, #tpu.memory_space<vmem>>
    %dma_wait3A_844 = tpu.memref_slice %arg4[%add3A_323] : memref<29184xf32, #tpu.memory_space<hbm>> -> memref<16xf32, #tpu.memory_space<hbm>>
    %dma_wait3A_845 = tpu.memref_slice %arg4[%add3A_323] : memref<29184xf32, #tpu.memory_space<hbm>> -> memref<16xf32, #tpu.memory_space<hbm>>
    %dma_wait3A_846 = arith.constant 192 : i32
    %dma_wait3A_847 = tpu.memref_slice %arg9[%dma_wait3A_846] : memref<304xf32, #tpu.memory_space<vmem>> -> memref<16xf32, #tpu.memory_space<vmem>>
    tpu.wait_dma2 semaphore(%arg12 : memref<!tpu.dma_semaphore, #tpu.memory_space<semaphore_mem>>) src(%dma_wait3A_847 : memref<16xf32, #tpu.memory_space<vmem>>) dst(%dma_wait3A_845 : memref<16xf32, #tpu.memory_space<hbm>>)
    %dma_wait3A_848 = arith.constant 208 : i32
    %dma_wait3A_849 = tpu.memref_slice %arg9[%dma_wait3A_848] : memref<304xf32, #tpu.memory_space<vmem>> -> memref<16xf32, #tpu.memory_space<vmem>>
    %dma_wait3A_850 = tpu.memref_slice %arg4[%add3A_333] : memref<29184xf32, #tpu.memory_space<hbm>> -> memref<16xf32, #tpu.memory_space<hbm>>
    %dma_wait3A_851 = tpu.memref_slice %arg4[%add3A_333] : memref<29184xf32, #tpu.memory_space<hbm>> -> memref<16xf32, #tpu.memory_space<hbm>>
    %dma_wait3A_852 = arith.constant 208 : i32
    %dma_wait3A_853 = tpu.memref_slice %arg9[%dma_wait3A_852] : memref<304xf32, #tpu.memory_space<vmem>> -> memref<16xf32, #tpu.memory_space<vmem>>
    tpu.wait_dma2 semaphore(%arg12 : memref<!tpu.dma_semaphore, #tpu.memory_space<semaphore_mem>>) src(%dma_wait3A_853 : memref<16xf32, #tpu.memory_space<vmem>>) dst(%dma_wait3A_851 : memref<16xf32, #tpu.memory_space<hbm>>)
    %dma_wait3A_854 = arith.constant 224 : i32
    %dma_wait3A_855 = tpu.memref_slice %arg9[%dma_wait3A_854] : memref<304xf32, #tpu.memory_space<vmem>> -> memref<16xf32, #tpu.memory_space<vmem>>
    %dma_wait3A_856 = tpu.memref_slice %arg4[%add3A_343] : memref<29184xf32, #tpu.memory_space<hbm>> -> memref<16xf32, #tpu.memory_space<hbm>>
    %dma_wait3A_857 = tpu.memref_slice %arg4[%add3A_343] : memref<29184xf32, #tpu.memory_space<hbm>> -> memref<16xf32, #tpu.memory_space<hbm>>
    %dma_wait3A_858 = arith.constant 224 : i32
    %dma_wait3A_859 = tpu.memref_slice %arg9[%dma_wait3A_858] : memref<304xf32, #tpu.memory_space<vmem>> -> memref<16xf32, #tpu.memory_space<vmem>>
    tpu.wait_dma2 semaphore(%arg12 : memref<!tpu.dma_semaphore, #tpu.memory_space<semaphore_mem>>) src(%dma_wait3A_859 : memref<16xf32, #tpu.memory_space<vmem>>) dst(%dma_wait3A_857 : memref<16xf32, #tpu.memory_space<hbm>>)
    %dma_wait3A_860 = arith.constant 240 : i32
    %dma_wait3A_861 = tpu.memref_slice %arg9[%dma_wait3A_860] : memref<304xf32, #tpu.memory_space<vmem>> -> memref<16xf32, #tpu.memory_space<vmem>>
    %dma_wait3A_862 = tpu.memref_slice %arg4[%add3A_353] : memref<29184xf32, #tpu.memory_space<hbm>> -> memref<16xf32, #tpu.memory_space<hbm>>
    %dma_wait3A_863 = tpu.memref_slice %arg4[%add3A_353] : memref<29184xf32, #tpu.memory_space<hbm>> -> memref<16xf32, #tpu.memory_space<hbm>>
    %dma_wait3A_864 = arith.constant 240 : i32
    %dma_wait3A_865 = tpu.memref_slice %arg9[%dma_wait3A_864] : memref<304xf32, #tpu.memory_space<vmem>> -> memref<16xf32, #tpu.memory_space<vmem>>
    tpu.wait_dma2 semaphore(%arg12 : memref<!tpu.dma_semaphore, #tpu.memory_space<semaphore_mem>>) src(%dma_wait3A_865 : memref<16xf32, #tpu.memory_space<vmem>>) dst(%dma_wait3A_863 : memref<16xf32, #tpu.memory_space<hbm>>)
    %dma_wait3A_866 = arith.constant 256 : i32
    %dma_wait3A_867 = tpu.memref_slice %arg9[%dma_wait3A_866] : memref<304xf32, #tpu.memory_space<vmem>> -> memref<16xf32, #tpu.memory_space<vmem>>
    %dma_wait3A_868 = tpu.memref_slice %arg4[%add3A_363] : memref<29184xf32, #tpu.memory_space<hbm>> -> memref<16xf32, #tpu.memory_space<hbm>>
    %dma_wait3A_869 = tpu.memref_slice %arg4[%add3A_363] : memref<29184xf32, #tpu.memory_space<hbm>> -> memref<16xf32, #tpu.memory_space<hbm>>
    %dma_wait3A_870 = arith.constant 256 : i32
    %dma_wait3A_871 = tpu.memref_slice %arg9[%dma_wait3A_870] : memref<304xf32, #tpu.memory_space<vmem>> -> memref<16xf32, #tpu.memory_space<vmem>>
    tpu.wait_dma2 semaphore(%arg12 : memref<!tpu.dma_semaphore, #tpu.memory_space<semaphore_mem>>) src(%dma_wait3A_871 : memref<16xf32, #tpu.memory_space<vmem>>) dst(%dma_wait3A_869 : memref<16xf32, #tpu.memory_space<hbm>>)
    %dma_wait3A_872 = arith.constant 272 : i32
    %dma_wait3A_873 = tpu.memref_slice %arg9[%dma_wait3A_872] : memref<304xf32, #tpu.memory_space<vmem>> -> memref<16xf32, #tpu.memory_space<vmem>>
    %dma_wait3A_874 = tpu.memref_slice %arg4[%add3A_373] : memref<29184xf32, #tpu.memory_space<hbm>> -> memref<16xf32, #tpu.memory_space<hbm>>
    %dma_wait3A_875 = tpu.memref_slice %arg4[%add3A_373] : memref<29184xf32, #tpu.memory_space<hbm>> -> memref<16xf32, #tpu.memory_space<hbm>>
    %dma_wait3A_876 = arith.constant 272 : i32
    %dma_wait3A_877 = tpu.memref_slice %arg9[%dma_wait3A_876] : memref<304xf32, #tpu.memory_space<vmem>> -> memref<16xf32, #tpu.memory_space<vmem>>
    tpu.wait_dma2 semaphore(%arg12 : memref<!tpu.dma_semaphore, #tpu.memory_space<semaphore_mem>>) src(%dma_wait3A_877 : memref<16xf32, #tpu.memory_space<vmem>>) dst(%dma_wait3A_875 : memref<16xf32, #tpu.memory_space<hbm>>)
    %dma_wait3A_878 = arith.constant 288 : i32
    %dma_wait3A_879 = tpu.memref_slice %arg9[%dma_wait3A_878] : memref<304xf32, #tpu.memory_space<vmem>> -> memref<16xf32, #tpu.memory_space<vmem>>
    %dma_wait3A_880 = tpu.memref_slice %arg4[%add3A_383] : memref<29184xf32, #tpu.memory_space<hbm>> -> memref<16xf32, #tpu.memory_space<hbm>>
    %dma_wait3A_881 = tpu.memref_slice %arg4[%add3A_383] : memref<29184xf32, #tpu.memory_space<hbm>> -> memref<16xf32, #tpu.memory_space<hbm>>
    %dma_wait3A_882 = arith.constant 288 : i32
    %dma_wait3A_883 = tpu.memref_slice %arg9[%dma_wait3A_882] : memref<304xf32, #tpu.memory_space<vmem>> -> memref<16xf32, #tpu.memory_space<vmem>>
    tpu.wait_dma2 semaphore(%arg12 : memref<!tpu.dma_semaphore, #tpu.memory_space<semaphore_mem>>) src(%dma_wait3A_883 : memref<16xf32, #tpu.memory_space<vmem>>) dst(%dma_wait3A_881 : memref<16xf32, #tpu.memory_space<hbm>>)
    %dma_wait3A_884 = arith.constant 0 : i32
    %dma_wait3A_885 = tpu.memref_slice %arg10[%dma_wait3A_884] : memref<304xf32, #tpu.memory_space<vmem>> -> memref<16xf32, #tpu.memory_space<vmem>>
    %dma_wait3A_886 = tpu.memref_slice %arg4[%add3A_393] : memref<29184xf32, #tpu.memory_space<hbm>> -> memref<16xf32, #tpu.memory_space<hbm>>
    %dma_wait3A_887 = tpu.memref_slice %arg4[%add3A_393] : memref<29184xf32, #tpu.memory_space<hbm>> -> memref<16xf32, #tpu.memory_space<hbm>>
    %dma_wait3A_888 = arith.constant 0 : i32
    %dma_wait3A_889 = tpu.memref_slice %arg10[%dma_wait3A_888] : memref<304xf32, #tpu.memory_space<vmem>> -> memref<16xf32, #tpu.memory_space<vmem>>
    tpu.wait_dma2 semaphore(%arg12 : memref<!tpu.dma_semaphore, #tpu.memory_space<semaphore_mem>>) src(%dma_wait3A_889 : memref<16xf32, #tpu.memory_space<vmem>>) dst(%dma_wait3A_887 : memref<16xf32, #tpu.memory_space<hbm>>)
    %dma_wait3A_890 = arith.constant 16 : i32
    %dma_wait3A_891 = tpu.memref_slice %arg10[%dma_wait3A_890] : memref<304xf32, #tpu.memory_space<vmem>> -> memref<16xf32, #tpu.memory_space<vmem>>
    %dma_wait3A_892 = tpu.memref_slice %arg4[%add3A_403] : memref<29184xf32, #tpu.memory_space<hbm>> -> memref<16xf32, #tpu.memory_space<hbm>>
    %dma_wait3A_893 = tpu.memref_slice %arg4[%add3A_403] : memref<29184xf32, #tpu.memory_space<hbm>> -> memref<16xf32, #tpu.memory_space<hbm>>
    %dma_wait3A_894 = arith.constant 16 : i32
    %dma_wait3A_895 = tpu.memref_slice %arg10[%dma_wait3A_894] : memref<304xf32, #tpu.memory_space<vmem>> -> memref<16xf32, #tpu.memory_space<vmem>>
    tpu.wait_dma2 semaphore(%arg12 : memref<!tpu.dma_semaphore, #tpu.memory_space<semaphore_mem>>) src(%dma_wait3A_895 : memref<16xf32, #tpu.memory_space<vmem>>) dst(%dma_wait3A_893 : memref<16xf32, #tpu.memory_space<hbm>>)
    %dma_wait3A_896 = arith.constant 32 : i32
    %dma_wait3A_897 = tpu.memref_slice %arg10[%dma_wait3A_896] : memref<304xf32, #tpu.memory_space<vmem>> -> memref<16xf32, #tpu.memory_space<vmem>>
    %dma_wait3A_898 = tpu.memref_slice %arg4[%add3A_413] : memref<29184xf32, #tpu.memory_space<hbm>> -> memref<16xf32, #tpu.memory_space<hbm>>
    %dma_wait3A_899 = tpu.memref_slice %arg4[%add3A_413] : memref<29184xf32, #tpu.memory_space<hbm>> -> memref<16xf32, #tpu.memory_space<hbm>>
    %dma_wait3A_900 = arith.constant 32 : i32
    %dma_wait3A_901 = tpu.memref_slice %arg10[%dma_wait3A_900] : memref<304xf32, #tpu.memory_space<vmem>> -> memref<16xf32, #tpu.memory_space<vmem>>
    tpu.wait_dma2 semaphore(%arg12 : memref<!tpu.dma_semaphore, #tpu.memory_space<semaphore_mem>>) src(%dma_wait3A_901 : memref<16xf32, #tpu.memory_space<vmem>>) dst(%dma_wait3A_899 : memref<16xf32, #tpu.memory_space<hbm>>)
    %dma_wait3A_902 = arith.constant 48 : i32
    %dma_wait3A_903 = tpu.memref_slice %arg10[%dma_wait3A_902] : memref<304xf32, #tpu.memory_space<vmem>> -> memref<16xf32, #tpu.memory_space<vmem>>
    %dma_wait3A_904 = tpu.memref_slice %arg4[%add3A_423] : memref<29184xf32, #tpu.memory_space<hbm>> -> memref<16xf32, #tpu.memory_space<hbm>>
    %dma_wait3A_905 = tpu.memref_slice %arg4[%add3A_423] : memref<29184xf32, #tpu.memory_space<hbm>> -> memref<16xf32, #tpu.memory_space<hbm>>
    %dma_wait3A_906 = arith.constant 48 : i32
    %dma_wait3A_907 = tpu.memref_slice %arg10[%dma_wait3A_906] : memref<304xf32, #tpu.memory_space<vmem>> -> memref<16xf32, #tpu.memory_space<vmem>>
    tpu.wait_dma2 semaphore(%arg12 : memref<!tpu.dma_semaphore, #tpu.memory_space<semaphore_mem>>) src(%dma_wait3A_907 : memref<16xf32, #tpu.memory_space<vmem>>) dst(%dma_wait3A_905 : memref<16xf32, #tpu.memory_space<hbm>>)
    %dma_wait3A_908 = arith.constant 64 : i32
    %dma_wait3A_909 = tpu.memref_slice %arg10[%dma_wait3A_908] : memref<304xf32, #tpu.memory_space<vmem>> -> memref<16xf32, #tpu.memory_space<vmem>>
    %dma_wait3A_910 = tpu.memref_slice %arg4[%add3A_433] : memref<29184xf32, #tpu.memory_space<hbm>> -> memref<16xf32, #tpu.memory_space<hbm>>
    %dma_wait3A_911 = tpu.memref_slice %arg4[%add3A_433] : memref<29184xf32, #tpu.memory_space<hbm>> -> memref<16xf32, #tpu.memory_space<hbm>>
    %dma_wait3A_912 = arith.constant 64 : i32
    %dma_wait3A_913 = tpu.memref_slice %arg10[%dma_wait3A_912] : memref<304xf32, #tpu.memory_space<vmem>> -> memref<16xf32, #tpu.memory_space<vmem>>
    tpu.wait_dma2 semaphore(%arg12 : memref<!tpu.dma_semaphore, #tpu.memory_space<semaphore_mem>>) src(%dma_wait3A_913 : memref<16xf32, #tpu.memory_space<vmem>>) dst(%dma_wait3A_911 : memref<16xf32, #tpu.memory_space<hbm>>)
    %dma_wait3A_914 = arith.constant 80 : i32
    %dma_wait3A_915 = tpu.memref_slice %arg10[%dma_wait3A_914] : memref<304xf32, #tpu.memory_space<vmem>> -> memref<16xf32, #tpu.memory_space<vmem>>
    %dma_wait3A_916 = tpu.memref_slice %arg4[%add3A_443] : memref<29184xf32, #tpu.memory_space<hbm>> -> memref<16xf32, #tpu.memory_space<hbm>>
    %dma_wait3A_917 = tpu.memref_slice %arg4[%add3A_443] : memref<29184xf32, #tpu.memory_space<hbm>> -> memref<16xf32, #tpu.memory_space<hbm>>
    %dma_wait3A_918 = arith.constant 80 : i32
    %dma_wait3A_919 = tpu.memref_slice %arg10[%dma_wait3A_918] : memref<304xf32, #tpu.memory_space<vmem>> -> memref<16xf32, #tpu.memory_space<vmem>>
    tpu.wait_dma2 semaphore(%arg12 : memref<!tpu.dma_semaphore, #tpu.memory_space<semaphore_mem>>) src(%dma_wait3A_919 : memref<16xf32, #tpu.memory_space<vmem>>) dst(%dma_wait3A_917 : memref<16xf32, #tpu.memory_space<hbm>>)
    %dma_wait3A_920 = arith.constant 96 : i32
    %dma_wait3A_921 = tpu.memref_slice %arg10[%dma_wait3A_920] : memref<304xf32, #tpu.memory_space<vmem>> -> memref<16xf32, #tpu.memory_space<vmem>>
    %dma_wait3A_922 = tpu.memref_slice %arg4[%add3A_453] : memref<29184xf32, #tpu.memory_space<hbm>> -> memref<16xf32, #tpu.memory_space<hbm>>
    %dma_wait3A_923 = tpu.memref_slice %arg4[%add3A_453] : memref<29184xf32, #tpu.memory_space<hbm>> -> memref<16xf32, #tpu.memory_space<hbm>>
    %dma_wait3A_924 = arith.constant 96 : i32
    %dma_wait3A_925 = tpu.memref_slice %arg10[%dma_wait3A_924] : memref<304xf32, #tpu.memory_space<vmem>> -> memref<16xf32, #tpu.memory_space<vmem>>
    tpu.wait_dma2 semaphore(%arg12 : memref<!tpu.dma_semaphore, #tpu.memory_space<semaphore_mem>>) src(%dma_wait3A_925 : memref<16xf32, #tpu.memory_space<vmem>>) dst(%dma_wait3A_923 : memref<16xf32, #tpu.memory_space<hbm>>)
    %dma_wait3A_926 = arith.constant 112 : i32
    %dma_wait3A_927 = tpu.memref_slice %arg10[%dma_wait3A_926] : memref<304xf32, #tpu.memory_space<vmem>> -> memref<16xf32, #tpu.memory_space<vmem>>
    %dma_wait3A_928 = tpu.memref_slice %arg4[%add3A_463] : memref<29184xf32, #tpu.memory_space<hbm>> -> memref<16xf32, #tpu.memory_space<hbm>>
    %dma_wait3A_929 = tpu.memref_slice %arg4[%add3A_463] : memref<29184xf32, #tpu.memory_space<hbm>> -> memref<16xf32, #tpu.memory_space<hbm>>
    %dma_wait3A_930 = arith.constant 112 : i32
    %dma_wait3A_931 = tpu.memref_slice %arg10[%dma_wait3A_930] : memref<304xf32, #tpu.memory_space<vmem>> -> memref<16xf32, #tpu.memory_space<vmem>>
    tpu.wait_dma2 semaphore(%arg12 : memref<!tpu.dma_semaphore, #tpu.memory_space<semaphore_mem>>) src(%dma_wait3A_931 : memref<16xf32, #tpu.memory_space<vmem>>) dst(%dma_wait3A_929 : memref<16xf32, #tpu.memory_space<hbm>>)
    %dma_wait3A_932 = arith.constant 128 : i32
    %dma_wait3A_933 = tpu.memref_slice %arg10[%dma_wait3A_932] : memref<304xf32, #tpu.memory_space<vmem>> -> memref<16xf32, #tpu.memory_space<vmem>>
    %dma_wait3A_934 = tpu.memref_slice %arg4[%add3A_473] : memref<29184xf32, #tpu.memory_space<hbm>> -> memref<16xf32, #tpu.memory_space<hbm>>
    %dma_wait3A_935 = tpu.memref_slice %arg4[%add3A_473] : memref<29184xf32, #tpu.memory_space<hbm>> -> memref<16xf32, #tpu.memory_space<hbm>>
    %dma_wait3A_936 = arith.constant 128 : i32
    %dma_wait3A_937 = tpu.memref_slice %arg10[%dma_wait3A_936] : memref<304xf32, #tpu.memory_space<vmem>> -> memref<16xf32, #tpu.memory_space<vmem>>
    tpu.wait_dma2 semaphore(%arg12 : memref<!tpu.dma_semaphore, #tpu.memory_space<semaphore_mem>>) src(%dma_wait3A_937 : memref<16xf32, #tpu.memory_space<vmem>>) dst(%dma_wait3A_935 : memref<16xf32, #tpu.memory_space<hbm>>)
    %dma_wait3A_938 = arith.constant 144 : i32
    %dma_wait3A_939 = tpu.memref_slice %arg10[%dma_wait3A_938] : memref<304xf32, #tpu.memory_space<vmem>> -> memref<16xf32, #tpu.memory_space<vmem>>
    %dma_wait3A_940 = tpu.memref_slice %arg4[%add3A_483] : memref<29184xf32, #tpu.memory_space<hbm>> -> memref<16xf32, #tpu.memory_space<hbm>>
    %dma_wait3A_941 = tpu.memref_slice %arg4[%add3A_483] : memref<29184xf32, #tpu.memory_space<hbm>> -> memref<16xf32, #tpu.memory_space<hbm>>
    %dma_wait3A_942 = arith.constant 144 : i32
    %dma_wait3A_943 = tpu.memref_slice %arg10[%dma_wait3A_942] : memref<304xf32, #tpu.memory_space<vmem>> -> memref<16xf32, #tpu.memory_space<vmem>>
    tpu.wait_dma2 semaphore(%arg12 : memref<!tpu.dma_semaphore, #tpu.memory_space<semaphore_mem>>) src(%dma_wait3A_943 : memref<16xf32, #tpu.memory_space<vmem>>) dst(%dma_wait3A_941 : memref<16xf32, #tpu.memory_space<hbm>>)
    %dma_wait3A_944 = arith.constant 160 : i32
    %dma_wait3A_945 = tpu.memref_slice %arg10[%dma_wait3A_944] : memref<304xf32, #tpu.memory_space<vmem>> -> memref<16xf32, #tpu.memory_space<vmem>>
    %dma_wait3A_946 = tpu.memref_slice %arg4[%add3A_493] : memref<29184xf32, #tpu.memory_space<hbm>> -> memref<16xf32, #tpu.memory_space<hbm>>
    %dma_wait3A_947 = tpu.memref_slice %arg4[%add3A_493] : memref<29184xf32, #tpu.memory_space<hbm>> -> memref<16xf32, #tpu.memory_space<hbm>>
    %dma_wait3A_948 = arith.constant 160 : i32
    %dma_wait3A_949 = tpu.memref_slice %arg10[%dma_wait3A_948] : memref<304xf32, #tpu.memory_space<vmem>> -> memref<16xf32, #tpu.memory_space<vmem>>
    tpu.wait_dma2 semaphore(%arg12 : memref<!tpu.dma_semaphore, #tpu.memory_space<semaphore_mem>>) src(%dma_wait3A_949 : memref<16xf32, #tpu.memory_space<vmem>>) dst(%dma_wait3A_947 : memref<16xf32, #tpu.memory_space<hbm>>)
    %dma_wait3A_950 = arith.constant 176 : i32
    %dma_wait3A_951 = tpu.memref_slice %arg10[%dma_wait3A_950] : memref<304xf32, #tpu.memory_space<vmem>> -> memref<16xf32, #tpu.memory_space<vmem>>
    %dma_wait3A_952 = tpu.memref_slice %arg4[%add3A_503] : memref<29184xf32, #tpu.memory_space<hbm>> -> memref<16xf32, #tpu.memory_space<hbm>>
    %dma_wait3A_953 = tpu.memref_slice %arg4[%add3A_503] : memref<29184xf32, #tpu.memory_space<hbm>> -> memref<16xf32, #tpu.memory_space<hbm>>
    %dma_wait3A_954 = arith.constant 176 : i32
    %dma_wait3A_955 = tpu.memref_slice %arg10[%dma_wait3A_954] : memref<304xf32, #tpu.memory_space<vmem>> -> memref<16xf32, #tpu.memory_space<vmem>>
    tpu.wait_dma2 semaphore(%arg12 : memref<!tpu.dma_semaphore, #tpu.memory_space<semaphore_mem>>) src(%dma_wait3A_955 : memref<16xf32, #tpu.memory_space<vmem>>) dst(%dma_wait3A_953 : memref<16xf32, #tpu.memory_space<hbm>>)
    %dma_wait3A_956 = arith.constant 192 : i32
    %dma_wait3A_957 = tpu.memref_slice %arg10[%dma_wait3A_956] : memref<304xf32, #tpu.memory_space<vmem>> -> memref<16xf32, #tpu.memory_space<vmem>>
    %dma_wait3A_958 = tpu.memref_slice %arg4[%add3A_513] : memref<29184xf32, #tpu.memory_space<hbm>> -> memref<16xf32, #tpu.memory_space<hbm>>
    %dma_wait3A_959 = tpu.memref_slice %arg4[%add3A_513] : memref<29184xf32, #tpu.memory_space<hbm>> -> memref<16xf32, #tpu.memory_space<hbm>>
    %dma_wait3A_960 = arith.constant 192 : i32
    %dma_wait3A_961 = tpu.memref_slice %arg10[%dma_wait3A_960] : memref<304xf32, #tpu.memory_space<vmem>> -> memref<16xf32, #tpu.memory_space<vmem>>
    tpu.wait_dma2 semaphore(%arg12 : memref<!tpu.dma_semaphore, #tpu.memory_space<semaphore_mem>>) src(%dma_wait3A_961 : memref<16xf32, #tpu.memory_space<vmem>>) dst(%dma_wait3A_959 : memref<16xf32, #tpu.memory_space<hbm>>)
    %dma_wait3A_962 = arith.constant 208 : i32
    %dma_wait3A_963 = tpu.memref_slice %arg10[%dma_wait3A_962] : memref<304xf32, #tpu.memory_space<vmem>> -> memref<16xf32, #tpu.memory_space<vmem>>
    %dma_wait3A_964 = tpu.memref_slice %arg4[%add3A_523] : memref<29184xf32, #tpu.memory_space<hbm>> -> memref<16xf32, #tpu.memory_space<hbm>>
    %dma_wait3A_965 = tpu.memref_slice %arg4[%add3A_523] : memref<29184xf32, #tpu.memory_space<hbm>> -> memref<16xf32, #tpu.memory_space<hbm>>
    %dma_wait3A_966 = arith.constant 208 : i32
    %dma_wait3A_967 = tpu.memref_slice %arg10[%dma_wait3A_966] : memref<304xf32, #tpu.memory_space<vmem>> -> memref<16xf32, #tpu.memory_space<vmem>>
    tpu.wait_dma2 semaphore(%arg12 : memref<!tpu.dma_semaphore, #tpu.memory_space<semaphore_mem>>) src(%dma_wait3A_967 : memref<16xf32, #tpu.memory_space<vmem>>) dst(%dma_wait3A_965 : memref<16xf32, #tpu.memory_space<hbm>>)
    %dma_wait3A_968 = arith.constant 224 : i32
    %dma_wait3A_969 = tpu.memref_slice %arg10[%dma_wait3A_968] : memref<304xf32, #tpu.memory_space<vmem>> -> memref<16xf32, #tpu.memory_space<vmem>>
    %dma_wait3A_970 = tpu.memref_slice %arg4[%add3A_533] : memref<29184xf32, #tpu.memory_space<hbm>> -> memref<16xf32, #tpu.memory_space<hbm>>
    %dma_wait3A_971 = tpu.memref_slice %arg4[%add3A_533] : memref<29184xf32, #tpu.memory_space<hbm>> -> memref<16xf32, #tpu.memory_space<hbm>>
    %dma_wait3A_972 = arith.constant 224 : i32
    %dma_wait3A_973 = tpu.memref_slice %arg10[%dma_wait3A_972] : memref<304xf32, #tpu.memory_space<vmem>> -> memref<16xf32, #tpu.memory_space<vmem>>
    tpu.wait_dma2 semaphore(%arg12 : memref<!tpu.dma_semaphore, #tpu.memory_space<semaphore_mem>>) src(%dma_wait3A_973 : memref<16xf32, #tpu.memory_space<vmem>>) dst(%dma_wait3A_971 : memref<16xf32, #tpu.memory_space<hbm>>)
    %dma_wait3A_974 = arith.constant 240 : i32
    %dma_wait3A_975 = tpu.memref_slice %arg10[%dma_wait3A_974] : memref<304xf32, #tpu.memory_space<vmem>> -> memref<16xf32, #tpu.memory_space<vmem>>
    %dma_wait3A_976 = tpu.memref_slice %arg4[%add3A_543] : memref<29184xf32, #tpu.memory_space<hbm>> -> memref<16xf32, #tpu.memory_space<hbm>>
    %dma_wait3A_977 = tpu.memref_slice %arg4[%add3A_543] : memref<29184xf32, #tpu.memory_space<hbm>> -> memref<16xf32, #tpu.memory_space<hbm>>
    %dma_wait3A_978 = arith.constant 240 : i32
    %dma_wait3A_979 = tpu.memref_slice %arg10[%dma_wait3A_978] : memref<304xf32, #tpu.memory_space<vmem>> -> memref<16xf32, #tpu.memory_space<vmem>>
    tpu.wait_dma2 semaphore(%arg12 : memref<!tpu.dma_semaphore, #tpu.memory_space<semaphore_mem>>) src(%dma_wait3A_979 : memref<16xf32, #tpu.memory_space<vmem>>) dst(%dma_wait3A_977 : memref<16xf32, #tpu.memory_space<hbm>>)
    %dma_wait3A_980 = arith.constant 256 : i32
    %dma_wait3A_981 = tpu.memref_slice %arg10[%dma_wait3A_980] : memref<304xf32, #tpu.memory_space<vmem>> -> memref<16xf32, #tpu.memory_space<vmem>>
    %dma_wait3A_982 = tpu.memref_slice %arg4[%add3A_553] : memref<29184xf32, #tpu.memory_space<hbm>> -> memref<16xf32, #tpu.memory_space<hbm>>
    %dma_wait3A_983 = tpu.memref_slice %arg4[%add3A_553] : memref<29184xf32, #tpu.memory_space<hbm>> -> memref<16xf32, #tpu.memory_space<hbm>>
    %dma_wait3A_984 = arith.constant 256 : i32
    %dma_wait3A_985 = tpu.memref_slice %arg10[%dma_wait3A_984] : memref<304xf32, #tpu.memory_space<vmem>> -> memref<16xf32, #tpu.memory_space<vmem>>
    tpu.wait_dma2 semaphore(%arg12 : memref<!tpu.dma_semaphore, #tpu.memory_space<semaphore_mem>>) src(%dma_wait3A_985 : memref<16xf32, #tpu.memory_space<vmem>>) dst(%dma_wait3A_983 : memref<16xf32, #tpu.memory_space<hbm>>)
    %dma_wait3A_986 = arith.constant 272 : i32
    %dma_wait3A_987 = tpu.memref_slice %arg10[%dma_wait3A_986] : memref<304xf32, #tpu.memory_space<vmem>> -> memref<16xf32, #tpu.memory_space<vmem>>
    %dma_wait3A_988 = tpu.memref_slice %arg4[%add3A_563] : memref<29184xf32, #tpu.memory_space<hbm>> -> memref<16xf32, #tpu.memory_space<hbm>>
    %dma_wait3A_989 = tpu.memref_slice %arg4[%add3A_563] : memref<29184xf32, #tpu.memory_space<hbm>> -> memref<16xf32, #tpu.memory_space<hbm>>
    %dma_wait3A_990 = arith.constant 272 : i32
    %dma_wait3A_991 = tpu.memref_slice %arg10[%dma_wait3A_990] : memref<304xf32, #tpu.memory_space<vmem>> -> memref<16xf32, #tpu.memory_space<vmem>>
    tpu.wait_dma2 semaphore(%arg12 : memref<!tpu.dma_semaphore, #tpu.memory_space<semaphore_mem>>) src(%dma_wait3A_991 : memref<16xf32, #tpu.memory_space<vmem>>) dst(%dma_wait3A_989 : memref<16xf32, #tpu.memory_space<hbm>>)
    %dma_wait3A_992 = arith.constant 288 : i32
    %dma_wait3A_993 = tpu.memref_slice %arg10[%dma_wait3A_992] : memref<304xf32, #tpu.memory_space<vmem>> -> memref<16xf32, #tpu.memory_space<vmem>>
    %dma_wait3A_994 = tpu.memref_slice %arg4[%add3A_573] : memref<29184xf32, #tpu.memory_space<hbm>> -> memref<16xf32, #tpu.memory_space<hbm>>
    %dma_wait3A_995 = tpu.memref_slice %arg4[%add3A_573] : memref<29184xf32, #tpu.memory_space<hbm>> -> memref<16xf32, #tpu.memory_space<hbm>>
    %dma_wait3A_996 = arith.constant 288 : i32
    %dma_wait3A_997 = tpu.memref_slice %arg10[%dma_wait3A_996] : memref<304xf32, #tpu.memory_space<vmem>> -> memref<16xf32, #tpu.memory_space<vmem>>
    tpu.wait_dma2 semaphore(%arg12 : memref<!tpu.dma_semaphore, #tpu.memory_space<semaphore_mem>>) src(%dma_wait3A_997 : memref<16xf32, #tpu.memory_space<vmem>>) dst(%dma_wait3A_995 : memref<16xf32, #tpu.memory_space<hbm>>)
    %dma_wait3A_998 = arith.constant 0 : i32
    %dma_wait3A_999 = tpu.memref_slice %arg11[%dma_wait3A_998] : memref<304xf32, #tpu.memory_space<vmem>> -> memref<16xf32, #tpu.memory_space<vmem>>
    %dma_wait3A_1000 = tpu.memref_slice %arg4[%add3A_583] : memref<29184xf32, #tpu.memory_space<hbm>> -> memref<16xf32, #tpu.memory_space<hbm>>
    %dma_wait3A_1001 = tpu.memref_slice %arg4[%add3A_583] : memref<29184xf32, #tpu.memory_space<hbm>> -> memref<16xf32, #tpu.memory_space<hbm>>
    %dma_wait3A_1002 = arith.constant 0 : i32
    %dma_wait3A_1003 = tpu.memref_slice %arg11[%dma_wait3A_1002] : memref<304xf32, #tpu.memory_space<vmem>> -> memref<16xf32, #tpu.memory_space<vmem>>
    tpu.wait_dma2 semaphore(%arg12 : memref<!tpu.dma_semaphore, #tpu.memory_space<semaphore_mem>>) src(%dma_wait3A_1003 : memref<16xf32, #tpu.memory_space<vmem>>) dst(%dma_wait3A_1001 : memref<16xf32, #tpu.memory_space<hbm>>)
    %dma_wait3A_1004 = arith.constant 16 : i32
    %dma_wait3A_1005 = tpu.memref_slice %arg11[%dma_wait3A_1004] : memref<304xf32, #tpu.memory_space<vmem>> -> memref<16xf32, #tpu.memory_space<vmem>>
    %dma_wait3A_1006 = tpu.memref_slice %arg4[%add3A_593] : memref<29184xf32, #tpu.memory_space<hbm>> -> memref<16xf32, #tpu.memory_space<hbm>>
    %dma_wait3A_1007 = tpu.memref_slice %arg4[%add3A_593] : memref<29184xf32, #tpu.memory_space<hbm>> -> memref<16xf32, #tpu.memory_space<hbm>>
    %dma_wait3A_1008 = arith.constant 16 : i32
    %dma_wait3A_1009 = tpu.memref_slice %arg11[%dma_wait3A_1008] : memref<304xf32, #tpu.memory_space<vmem>> -> memref<16xf32, #tpu.memory_space<vmem>>
    tpu.wait_dma2 semaphore(%arg12 : memref<!tpu.dma_semaphore, #tpu.memory_space<semaphore_mem>>) src(%dma_wait3A_1009 : memref<16xf32, #tpu.memory_space<vmem>>) dst(%dma_wait3A_1007 : memref<16xf32, #tpu.memory_space<hbm>>)
    %dma_wait3A_1010 = arith.constant 32 : i32
    %dma_wait3A_1011 = tpu.memref_slice %arg11[%dma_wait3A_1010] : memref<304xf32, #tpu.memory_space<vmem>> -> memref<16xf32, #tpu.memory_space<vmem>>
    %dma_wait3A_1012 = tpu.memref_slice %arg4[%add3A_603] : memref<29184xf32, #tpu.memory_space<hbm>> -> memref<16xf32, #tpu.memory_space<hbm>>
    %dma_wait3A_1013 = tpu.memref_slice %arg4[%add3A_603] : memref<29184xf32, #tpu.memory_space<hbm>> -> memref<16xf32, #tpu.memory_space<hbm>>
    %dma_wait3A_1014 = arith.constant 32 : i32
    %dma_wait3A_1015 = tpu.memref_slice %arg11[%dma_wait3A_1014] : memref<304xf32, #tpu.memory_space<vmem>> -> memref<16xf32, #tpu.memory_space<vmem>>
    tpu.wait_dma2 semaphore(%arg12 : memref<!tpu.dma_semaphore, #tpu.memory_space<semaphore_mem>>) src(%dma_wait3A_1015 : memref<16xf32, #tpu.memory_space<vmem>>) dst(%dma_wait3A_1013 : memref<16xf32, #tpu.memory_space<hbm>>)
    %dma_wait3A_1016 = arith.constant 48 : i32
    %dma_wait3A_1017 = tpu.memref_slice %arg11[%dma_wait3A_1016] : memref<304xf32, #tpu.memory_space<vmem>> -> memref<16xf32, #tpu.memory_space<vmem>>
    %dma_wait3A_1018 = tpu.memref_slice %arg4[%add3A_613] : memref<29184xf32, #tpu.memory_space<hbm>> -> memref<16xf32, #tpu.memory_space<hbm>>
    %dma_wait3A_1019 = tpu.memref_slice %arg4[%add3A_613] : memref<29184xf32, #tpu.memory_space<hbm>> -> memref<16xf32, #tpu.memory_space<hbm>>
    %dma_wait3A_1020 = arith.constant 48 : i32
    %dma_wait3A_1021 = tpu.memref_slice %arg11[%dma_wait3A_1020] : memref<304xf32, #tpu.memory_space<vmem>> -> memref<16xf32, #tpu.memory_space<vmem>>
    tpu.wait_dma2 semaphore(%arg12 : memref<!tpu.dma_semaphore, #tpu.memory_space<semaphore_mem>>) src(%dma_wait3A_1021 : memref<16xf32, #tpu.memory_space<vmem>>) dst(%dma_wait3A_1019 : memref<16xf32, #tpu.memory_space<hbm>>)
    %dma_wait3A_1022 = arith.constant 64 : i32
    %dma_wait3A_1023 = tpu.memref_slice %arg11[%dma_wait3A_1022] : memref<304xf32, #tpu.memory_space<vmem>> -> memref<16xf32, #tpu.memory_space<vmem>>
    %dma_wait3A_1024 = tpu.memref_slice %arg4[%add3A_623] : memref<29184xf32, #tpu.memory_space<hbm>> -> memref<16xf32, #tpu.memory_space<hbm>>
    %dma_wait3A_1025 = tpu.memref_slice %arg4[%add3A_623] : memref<29184xf32, #tpu.memory_space<hbm>> -> memref<16xf32, #tpu.memory_space<hbm>>
    %dma_wait3A_1026 = arith.constant 64 : i32
    %dma_wait3A_1027 = tpu.memref_slice %arg11[%dma_wait3A_1026] : memref<304xf32, #tpu.memory_space<vmem>> -> memref<16xf32, #tpu.memory_space<vmem>>
    tpu.wait_dma2 semaphore(%arg12 : memref<!tpu.dma_semaphore, #tpu.memory_space<semaphore_mem>>) src(%dma_wait3A_1027 : memref<16xf32, #tpu.memory_space<vmem>>) dst(%dma_wait3A_1025 : memref<16xf32, #tpu.memory_space<hbm>>)
    %dma_wait3A_1028 = arith.constant 80 : i32
    %dma_wait3A_1029 = tpu.memref_slice %arg11[%dma_wait3A_1028] : memref<304xf32, #tpu.memory_space<vmem>> -> memref<16xf32, #tpu.memory_space<vmem>>
    %dma_wait3A_1030 = tpu.memref_slice %arg4[%add3A_633] : memref<29184xf32, #tpu.memory_space<hbm>> -> memref<16xf32, #tpu.memory_space<hbm>>
    %dma_wait3A_1031 = tpu.memref_slice %arg4[%add3A_633] : memref<29184xf32, #tpu.memory_space<hbm>> -> memref<16xf32, #tpu.memory_space<hbm>>
    %dma_wait3A_1032 = arith.constant 80 : i32
    %dma_wait3A_1033 = tpu.memref_slice %arg11[%dma_wait3A_1032] : memref<304xf32, #tpu.memory_space<vmem>> -> memref<16xf32, #tpu.memory_space<vmem>>
    tpu.wait_dma2 semaphore(%arg12 : memref<!tpu.dma_semaphore, #tpu.memory_space<semaphore_mem>>) src(%dma_wait3A_1033 : memref<16xf32, #tpu.memory_space<vmem>>) dst(%dma_wait3A_1031 : memref<16xf32, #tpu.memory_space<hbm>>)
    %dma_wait3A_1034 = arith.constant 96 : i32
    %dma_wait3A_1035 = tpu.memref_slice %arg11[%dma_wait3A_1034] : memref<304xf32, #tpu.memory_space<vmem>> -> memref<16xf32, #tpu.memory_space<vmem>>
    %dma_wait3A_1036 = tpu.memref_slice %arg4[%add3A_643] : memref<29184xf32, #tpu.memory_space<hbm>> -> memref<16xf32, #tpu.memory_space<hbm>>
    %dma_wait3A_1037 = tpu.memref_slice %arg4[%add3A_643] : memref<29184xf32, #tpu.memory_space<hbm>> -> memref<16xf32, #tpu.memory_space<hbm>>
    %dma_wait3A_1038 = arith.constant 96 : i32
    %dma_wait3A_1039 = tpu.memref_slice %arg11[%dma_wait3A_1038] : memref<304xf32, #tpu.memory_space<vmem>> -> memref<16xf32, #tpu.memory_space<vmem>>
    tpu.wait_dma2 semaphore(%arg12 : memref<!tpu.dma_semaphore, #tpu.memory_space<semaphore_mem>>) src(%dma_wait3A_1039 : memref<16xf32, #tpu.memory_space<vmem>>) dst(%dma_wait3A_1037 : memref<16xf32, #tpu.memory_space<hbm>>)
    %dma_wait3A_1040 = arith.constant 112 : i32
    %dma_wait3A_1041 = tpu.memref_slice %arg11[%dma_wait3A_1040] : memref<304xf32, #tpu.memory_space<vmem>> -> memref<16xf32, #tpu.memory_space<vmem>>
    %dma_wait3A_1042 = tpu.memref_slice %arg4[%add3A_653] : memref<29184xf32, #tpu.memory_space<hbm>> -> memref<16xf32, #tpu.memory_space<hbm>>
    %dma_wait3A_1043 = tpu.memref_slice %arg4[%add3A_653] : memref<29184xf32, #tpu.memory_space<hbm>> -> memref<16xf32, #tpu.memory_space<hbm>>
    %dma_wait3A_1044 = arith.constant 112 : i32
    %dma_wait3A_1045 = tpu.memref_slice %arg11[%dma_wait3A_1044] : memref<304xf32, #tpu.memory_space<vmem>> -> memref<16xf32, #tpu.memory_space<vmem>>
    tpu.wait_dma2 semaphore(%arg12 : memref<!tpu.dma_semaphore, #tpu.memory_space<semaphore_mem>>) src(%dma_wait3A_1045 : memref<16xf32, #tpu.memory_space<vmem>>) dst(%dma_wait3A_1043 : memref<16xf32, #tpu.memory_space<hbm>>)
    %dma_wait3A_1046 = arith.constant 128 : i32
    %dma_wait3A_1047 = tpu.memref_slice %arg11[%dma_wait3A_1046] : memref<304xf32, #tpu.memory_space<vmem>> -> memref<16xf32, #tpu.memory_space<vmem>>
    %dma_wait3A_1048 = tpu.memref_slice %arg4[%add3A_663] : memref<29184xf32, #tpu.memory_space<hbm>> -> memref<16xf32, #tpu.memory_space<hbm>>
    %dma_wait3A_1049 = tpu.memref_slice %arg4[%add3A_663] : memref<29184xf32, #tpu.memory_space<hbm>> -> memref<16xf32, #tpu.memory_space<hbm>>
    %dma_wait3A_1050 = arith.constant 128 : i32
    %dma_wait3A_1051 = tpu.memref_slice %arg11[%dma_wait3A_1050] : memref<304xf32, #tpu.memory_space<vmem>> -> memref<16xf32, #tpu.memory_space<vmem>>
    tpu.wait_dma2 semaphore(%arg12 : memref<!tpu.dma_semaphore, #tpu.memory_space<semaphore_mem>>) src(%dma_wait3A_1051 : memref<16xf32, #tpu.memory_space<vmem>>) dst(%dma_wait3A_1049 : memref<16xf32, #tpu.memory_space<hbm>>)
    %dma_wait3A_1052 = arith.constant 144 : i32
    %dma_wait3A_1053 = tpu.memref_slice %arg11[%dma_wait3A_1052] : memref<304xf32, #tpu.memory_space<vmem>> -> memref<16xf32, #tpu.memory_space<vmem>>
    %dma_wait3A_1054 = tpu.memref_slice %arg4[%add3A_673] : memref<29184xf32, #tpu.memory_space<hbm>> -> memref<16xf32, #tpu.memory_space<hbm>>
    %dma_wait3A_1055 = tpu.memref_slice %arg4[%add3A_673] : memref<29184xf32, #tpu.memory_space<hbm>> -> memref<16xf32, #tpu.memory_space<hbm>>
    %dma_wait3A_1056 = arith.constant 144 : i32
    %dma_wait3A_1057 = tpu.memref_slice %arg11[%dma_wait3A_1056] : memref<304xf32, #tpu.memory_space<vmem>> -> memref<16xf32, #tpu.memory_space<vmem>>
    tpu.wait_dma2 semaphore(%arg12 : memref<!tpu.dma_semaphore, #tpu.memory_space<semaphore_mem>>) src(%dma_wait3A_1057 : memref<16xf32, #tpu.memory_space<vmem>>) dst(%dma_wait3A_1055 : memref<16xf32, #tpu.memory_space<hbm>>)
    %dma_wait3A_1058 = arith.constant 160 : i32
    %dma_wait3A_1059 = tpu.memref_slice %arg11[%dma_wait3A_1058] : memref<304xf32, #tpu.memory_space<vmem>> -> memref<16xf32, #tpu.memory_space<vmem>>
    %dma_wait3A_1060 = tpu.memref_slice %arg4[%add3A_683] : memref<29184xf32, #tpu.memory_space<hbm>> -> memref<16xf32, #tpu.memory_space<hbm>>
    %dma_wait3A_1061 = tpu.memref_slice %arg4[%add3A_683] : memref<29184xf32, #tpu.memory_space<hbm>> -> memref<16xf32, #tpu.memory_space<hbm>>
    %dma_wait3A_1062 = arith.constant 160 : i32
    %dma_wait3A_1063 = tpu.memref_slice %arg11[%dma_wait3A_1062] : memref<304xf32, #tpu.memory_space<vmem>> -> memref<16xf32, #tpu.memory_space<vmem>>
    tpu.wait_dma2 semaphore(%arg12 : memref<!tpu.dma_semaphore, #tpu.memory_space<semaphore_mem>>) src(%dma_wait3A_1063 : memref<16xf32, #tpu.memory_space<vmem>>) dst(%dma_wait3A_1061 : memref<16xf32, #tpu.memory_space<hbm>>)
    %dma_wait3A_1064 = arith.constant 176 : i32
    %dma_wait3A_1065 = tpu.memref_slice %arg11[%dma_wait3A_1064] : memref<304xf32, #tpu.memory_space<vmem>> -> memref<16xf32, #tpu.memory_space<vmem>>
    %dma_wait3A_1066 = tpu.memref_slice %arg4[%add3A_693] : memref<29184xf32, #tpu.memory_space<hbm>> -> memref<16xf32, #tpu.memory_space<hbm>>
    %dma_wait3A_1067 = tpu.memref_slice %arg4[%add3A_693] : memref<29184xf32, #tpu.memory_space<hbm>> -> memref<16xf32, #tpu.memory_space<hbm>>
    %dma_wait3A_1068 = arith.constant 176 : i32
    %dma_wait3A_1069 = tpu.memref_slice %arg11[%dma_wait3A_1068] : memref<304xf32, #tpu.memory_space<vmem>> -> memref<16xf32, #tpu.memory_space<vmem>>
    tpu.wait_dma2 semaphore(%arg12 : memref<!tpu.dma_semaphore, #tpu.memory_space<semaphore_mem>>) src(%dma_wait3A_1069 : memref<16xf32, #tpu.memory_space<vmem>>) dst(%dma_wait3A_1067 : memref<16xf32, #tpu.memory_space<hbm>>)
    %dma_wait3A_1070 = arith.constant 192 : i32
    %dma_wait3A_1071 = tpu.memref_slice %arg11[%dma_wait3A_1070] : memref<304xf32, #tpu.memory_space<vmem>> -> memref<16xf32, #tpu.memory_space<vmem>>
    %dma_wait3A_1072 = tpu.memref_slice %arg4[%add3A_703] : memref<29184xf32, #tpu.memory_space<hbm>> -> memref<16xf32, #tpu.memory_space<hbm>>
    %dma_wait3A_1073 = tpu.memref_slice %arg4[%add3A_703] : memref<29184xf32, #tpu.memory_space<hbm>> -> memref<16xf32, #tpu.memory_space<hbm>>
    %dma_wait3A_1074 = arith.constant 192 : i32
    %dma_wait3A_1075 = tpu.memref_slice %arg11[%dma_wait3A_1074] : memref<304xf32, #tpu.memory_space<vmem>> -> memref<16xf32, #tpu.memory_space<vmem>>
    tpu.wait_dma2 semaphore(%arg12 : memref<!tpu.dma_semaphore, #tpu.memory_space<semaphore_mem>>) src(%dma_wait3A_1075 : memref<16xf32, #tpu.memory_space<vmem>>) dst(%dma_wait3A_1073 : memref<16xf32, #tpu.memory_space<hbm>>)
    %dma_wait3A_1076 = arith.constant 208 : i32
    %dma_wait3A_1077 = tpu.memref_slice %arg11[%dma_wait3A_1076] : memref<304xf32, #tpu.memory_space<vmem>> -> memref<16xf32, #tpu.memory_space<vmem>>
    %dma_wait3A_1078 = tpu.memref_slice %arg4[%add3A_713] : memref<29184xf32, #tpu.memory_space<hbm>> -> memref<16xf32, #tpu.memory_space<hbm>>
    %dma_wait3A_1079 = tpu.memref_slice %arg4[%add3A_713] : memref<29184xf32, #tpu.memory_space<hbm>> -> memref<16xf32, #tpu.memory_space<hbm>>
    %dma_wait3A_1080 = arith.constant 208 : i32
    %dma_wait3A_1081 = tpu.memref_slice %arg11[%dma_wait3A_1080] : memref<304xf32, #tpu.memory_space<vmem>> -> memref<16xf32, #tpu.memory_space<vmem>>
    tpu.wait_dma2 semaphore(%arg12 : memref<!tpu.dma_semaphore, #tpu.memory_space<semaphore_mem>>) src(%dma_wait3A_1081 : memref<16xf32, #tpu.memory_space<vmem>>) dst(%dma_wait3A_1079 : memref<16xf32, #tpu.memory_space<hbm>>)
    %dma_wait3A_1082 = arith.constant 224 : i32
    %dma_wait3A_1083 = tpu.memref_slice %arg11[%dma_wait3A_1082] : memref<304xf32, #tpu.memory_space<vmem>> -> memref<16xf32, #tpu.memory_space<vmem>>
    %dma_wait3A_1084 = tpu.memref_slice %arg4[%add3A_723] : memref<29184xf32, #tpu.memory_space<hbm>> -> memref<16xf32, #tpu.memory_space<hbm>>
    %dma_wait3A_1085 = tpu.memref_slice %arg4[%add3A_723] : memref<29184xf32, #tpu.memory_space<hbm>> -> memref<16xf32, #tpu.memory_space<hbm>>
    %dma_wait3A_1086 = arith.constant 224 : i32
    %dma_wait3A_1087 = tpu.memref_slice %arg11[%dma_wait3A_1086] : memref<304xf32, #tpu.memory_space<vmem>> -> memref<16xf32, #tpu.memory_space<vmem>>
    tpu.wait_dma2 semaphore(%arg12 : memref<!tpu.dma_semaphore, #tpu.memory_space<semaphore_mem>>) src(%dma_wait3A_1087 : memref<16xf32, #tpu.memory_space<vmem>>) dst(%dma_wait3A_1085 : memref<16xf32, #tpu.memory_space<hbm>>)
    %dma_wait3A_1088 = arith.constant 240 : i32
    %dma_wait3A_1089 = tpu.memref_slice %arg11[%dma_wait3A_1088] : memref<304xf32, #tpu.memory_space<vmem>> -> memref<16xf32, #tpu.memory_space<vmem>>
    %dma_wait3A_1090 = tpu.memref_slice %arg4[%add3A_733] : memref<29184xf32, #tpu.memory_space<hbm>> -> memref<16xf32, #tpu.memory_space<hbm>>
    %dma_wait3A_1091 = tpu.memref_slice %arg4[%add3A_733] : memref<29184xf32, #tpu.memory_space<hbm>> -> memref<16xf32, #tpu.memory_space<hbm>>
    %dma_wait3A_1092 = arith.constant 240 : i32
    %dma_wait3A_1093 = tpu.memref_slice %arg11[%dma_wait3A_1092] : memref<304xf32, #tpu.memory_space<vmem>> -> memref<16xf32, #tpu.memory_space<vmem>>
    tpu.wait_dma2 semaphore(%arg12 : memref<!tpu.dma_semaphore, #tpu.memory_space<semaphore_mem>>) src(%dma_wait3A_1093 : memref<16xf32, #tpu.memory_space<vmem>>) dst(%dma_wait3A_1091 : memref<16xf32, #tpu.memory_space<hbm>>)
    %dma_wait3A_1094 = arith.constant 256 : i32
    %dma_wait3A_1095 = tpu.memref_slice %arg11[%dma_wait3A_1094] : memref<304xf32, #tpu.memory_space<vmem>> -> memref<16xf32, #tpu.memory_space<vmem>>
    %dma_wait3A_1096 = tpu.memref_slice %arg4[%add3A_743] : memref<29184xf32, #tpu.memory_space<hbm>> -> memref<16xf32, #tpu.memory_space<hbm>>
    %dma_wait3A_1097 = tpu.memref_slice %arg4[%add3A_743] : memref<29184xf32, #tpu.memory_space<hbm>> -> memref<16xf32, #tpu.memory_space<hbm>>
    %dma_wait3A_1098 = arith.constant 256 : i32
    %dma_wait3A_1099 = tpu.memref_slice %arg11[%dma_wait3A_1098] : memref<304xf32, #tpu.memory_space<vmem>> -> memref<16xf32, #tpu.memory_space<vmem>>
    tpu.wait_dma2 semaphore(%arg12 : memref<!tpu.dma_semaphore, #tpu.memory_space<semaphore_mem>>) src(%dma_wait3A_1099 : memref<16xf32, #tpu.memory_space<vmem>>) dst(%dma_wait3A_1097 : memref<16xf32, #tpu.memory_space<hbm>>)
    %dma_wait3A_1100 = arith.constant 272 : i32
    %dma_wait3A_1101 = tpu.memref_slice %arg11[%dma_wait3A_1100] : memref<304xf32, #tpu.memory_space<vmem>> -> memref<16xf32, #tpu.memory_space<vmem>>
    %dma_wait3A_1102 = tpu.memref_slice %arg4[%add3A_753] : memref<29184xf32, #tpu.memory_space<hbm>> -> memref<16xf32, #tpu.memory_space<hbm>>
    %dma_wait3A_1103 = tpu.memref_slice %arg4[%add3A_753] : memref<29184xf32, #tpu.memory_space<hbm>> -> memref<16xf32, #tpu.memory_space<hbm>>
    %dma_wait3A_1104 = arith.constant 272 : i32
    %dma_wait3A_1105 = tpu.memref_slice %arg11[%dma_wait3A_1104] : memref<304xf32, #tpu.memory_space<vmem>> -> memref<16xf32, #tpu.memory_space<vmem>>
    tpu.wait_dma2 semaphore(%arg12 : memref<!tpu.dma_semaphore, #tpu.memory_space<semaphore_mem>>) src(%dma_wait3A_1105 : memref<16xf32, #tpu.memory_space<vmem>>) dst(%dma_wait3A_1103 : memref<16xf32, #tpu.memory_space<hbm>>)
    %dma_wait3A_1106 = arith.constant 288 : i32
    %dma_wait3A_1107 = tpu.memref_slice %arg11[%dma_wait3A_1106] : memref<304xf32, #tpu.memory_space<vmem>> -> memref<16xf32, #tpu.memory_space<vmem>>
    %dma_wait3A_1108 = tpu.memref_slice %arg4[%add3A_763] : memref<29184xf32, #tpu.memory_space<hbm>> -> memref<16xf32, #tpu.memory_space<hbm>>
    %dma_wait3A_1109 = tpu.memref_slice %arg4[%add3A_763] : memref<29184xf32, #tpu.memory_space<hbm>> -> memref<16xf32, #tpu.memory_space<hbm>>
    %dma_wait3A_1110 = arith.constant 288 : i32
    %dma_wait3A_1111 = tpu.memref_slice %arg11[%dma_wait3A_1110] : memref<304xf32, #tpu.memory_space<vmem>> -> memref<16xf32, #tpu.memory_space<vmem>>
    tpu.wait_dma2 semaphore(%arg12 : memref<!tpu.dma_semaphore, #tpu.memory_space<semaphore_mem>>) src(%dma_wait3A_1111 : memref<16xf32, #tpu.memory_space<vmem>>) dst(%dma_wait3A_1109 : memref<16xf32, #tpu.memory_space<hbm>>)
    return
  }
}

module attributes {stable_mosaic.version = 14 : i64} {
  func.func @_tc_kernel(%arg0: i32, %arg1: memref<19x16384xf32, #tpu.memory_space<vmem>>, %arg2: memref<1x16384xi32, #tpu.memory_space<vmem>>, %arg3: memref<19x2xf32, #tpu.memory_space<vmem>>, %arg4: memref<19x1xf32, #tpu.memory_space<vmem>>, %arg5: memref<19x1xf32, #tpu.memory_space<vmem>>) attributes {dimension_semantics = [#tpu.dimension_semantics<arbitrary>], iteration_bounds = array<i64: 16>, scalar_prefetch = 0 : i64, scratch_operands = 2 : i64, tpu.core_type = #tpu.core_type<tc>, window_params = [{transform_indices = @transform_0, window_bounds = array<i64: 19, 16384>}, {transform_indices = @transform_1, window_bounds = array<i64: 1, 16384>}, {pipeline_mode = #tpu.pipeline_mode<synchronous>, transform_indices = @transform_2, window_bounds = array<i64: 19, 2>}]} {
    %eq3A = arith.constant 0 : i32
    %eq3A_0 = arith.cmpi eq, %arg0, %eq3A : i32
    %convert_element_type3A = arith.extui %eq3A_0 : i1 to i32
    %cond3A = arith.constant 0 : i32
    %cond3A_1 = arith.cmpi ne, %convert_element_type3A, %cond3A : i32
    scf.if %cond3A_1 {
      %broadcast_in_dim3A_37 = arith.constant 0.000000e+00 : f32
      %broadcast_in_dim3A_38 = vector.broadcast %broadcast_in_dim3A_37 : f32 to vector<19x1xf32>
      %swap3A_39 = arith.constant 0 : index
      %swap3A_40 = arith.constant 0 : index
      %swap3A_41 = vector.load %arg4[%swap3A_39, %swap3A_40] : memref<19x1xf32, #tpu.memory_space<vmem>>, vector<19x1xf32>
      tpu.vector_store %arg4[%swap3A_39, %swap3A_40], %broadcast_in_dim3A_38 {strides = array<i32>} : memref<19x1xf32, #tpu.memory_space<vmem>>, vector<19x1xf32>,
      %broadcast_in_dim3A_42 = arith.constant 0.000000e+00 : f32
      %broadcast_in_dim3A_43 = vector.broadcast %broadcast_in_dim3A_42 : f32 to vector<19x1xf32>
      %swap3A_44 = arith.constant 0 : index
      %swap3A_45 = arith.constant 0 : index
      %swap3A_46 = vector.load %arg5[%swap3A_44, %swap3A_45] : memref<19x1xf32, #tpu.memory_space<vmem>>, vector<19x1xf32>
      tpu.vector_store %arg5[%swap3A_44, %swap3A_45], %broadcast_in_dim3A_43 {strides = array<i32>} : memref<19x1xf32, #tpu.memory_space<vmem>>, vector<19x1xf32>,
    } else {
    }
    %get3A = arith.constant 0 : index
    %get3A_2 = arith.constant 0 : index
    %get3A_3 = vector.load %arg1[%get3A, %get3A_2] : memref<19x16384xf32, #tpu.memory_space<vmem>>, vector<19x16384xf32>
    %exp3A = math.exp %get3A_3 : vector<19x16384xf32>
    %reduce_sum3A = arith.constant dense<0.000000e+00> : vector<16384xf32>
    %reduce_sum3A_4 = vector.multi_reduction <add>, %exp3A, %reduce_sum3A [0] : vector<19x16384xf32> to vector<16384xf32>
    %broadcast_in_dim3A = vector.shape_cast %reduce_sum3A_4 : vector<16384xf32> to vector<1x16384xf32>
    %div3A = vector.broadcast %broadcast_in_dim3A : vector<1x16384xf32> to vector<19x16384xf32>
    %div3A_5 = arith.divf %exp3A, %div3A : vector<19x16384xf32>
    %get3A_6 = arith.constant 0 : index
    %get3A_7 = arith.constant 0 : index
    %get3A_8 = vector.load %arg2[%get3A_6, %get3A_7] : memref<1x16384xi32, #tpu.memory_space<vmem>>, vector<1x16384xi32>
    %iota3A = tpu.iota {dimensions = array<i32: 0>} : vector<19x1xi32>
    %eq3A_9 = vector.broadcast %get3A_8 : vector<1x16384xi32> to vector<19x16384xi32>
    %eq3A_10 = vector.broadcast %iota3A : vector<19x1xi32> to vector<19x16384xi32>
    %eq3A_11 = arith.cmpi eq, %eq3A_9, %eq3A_10 : vector<19x16384xi32>
    %convert_element_type3A_12 = arith.extui %eq3A_11 : vector<19x16384xi1> to vector<19x16384xi32>
    %convert_element_type3A_13 = arith.sitofp %convert_element_type3A_12 : vector<19x16384xi32> to vector<19x16384xf32>
    %sub3A = arith.subf %convert_element_type3A_13, %div3A_5 : vector<19x16384xf32>
    %abs3A = math.absf %sub3A : vector<19x16384xf32>
    %get3A_14 = arith.constant 0 : index
    %get3A_15 = arith.constant 0 : index
    %get3A_16 = vector.load %arg4[%get3A_14, %get3A_15] : memref<19x1xf32, #tpu.memory_space<vmem>>, vector<19x1xf32>
    %reduce_sum3A_17 = arith.constant dense<0.000000e+00> : vector<19xf32>
    %reduce_sum3A_18 = vector.multi_reduction <add>, %abs3A, %reduce_sum3A_17 [1] : vector<19x16384xf32> to vector<19xf32>
    %broadcast_in_dim3A_19 = vector.shape_cast %reduce_sum3A_18 : vector<19xf32> to vector<19x1xf32>
    %add3A = arith.addf %get3A_16, %broadcast_in_dim3A_19 : vector<19x1xf32>
    %swap3A = arith.constant 0 : index
    %swap3A_20 = arith.constant 0 : index
    %swap3A_21 = vector.load %arg4[%swap3A, %swap3A_20] : memref<19x1xf32, #tpu.memory_space<vmem>>, vector<19x1xf32>
    tpu.vector_store %arg4[%swap3A, %swap3A_20], %add3A {strides = array<i32>} : memref<19x1xf32, #tpu.memory_space<vmem>>, vector<19x1xf32>,
    %get3A_22 = arith.constant 0 : index
    %get3A_23 = arith.constant 0 : index
    %get3A_24 = vector.load %arg5[%get3A_22, %get3A_23] : memref<19x1xf32, #tpu.memory_space<vmem>>, vector<19x1xf32>
    %reduce_sum3A_25 = arith.constant dense<0.000000e+00> : vector<19xf32>
    %reduce_sum3A_26 = vector.multi_reduction <add>, %convert_element_type3A_13, %reduce_sum3A_25 [1] : vector<19x16384xf32> to vector<19xf32>
    %broadcast_in_dim3A_27 = vector.shape_cast %reduce_sum3A_26 : vector<19xf32> to vector<19x1xf32>
    %add3A_28 = arith.addf %get3A_24, %broadcast_in_dim3A_27 : vector<19x1xf32>
    %swap3A_29 = arith.constant 0 : index
    %swap3A_30 = arith.constant 0 : index
    %swap3A_31 = vector.load %arg5[%swap3A_29, %swap3A_30] : memref<19x1xf32, #tpu.memory_space<vmem>>, vector<19x1xf32>
    tpu.vector_store %arg5[%swap3A_29, %swap3A_30], %add3A_28 {strides = array<i32>} : memref<19x1xf32, #tpu.memory_space<vmem>>, vector<19x1xf32>,
    %eq3A_32 = arith.constant 15 : i32
    %eq3A_33 = arith.cmpi eq, %arg0, %eq3A_32 : i32
    %convert_element_type3A_34 = arith.extui %eq3A_33 : i1 to i32
    %cond3A_35 = arith.constant 0 : i32
    %cond3A_36 = arith.cmpi ne, %convert_element_type3A_34, %cond3A_35 : i32
    scf.if %cond3A_36 {
      %get3A_37 = arith.constant 0 : index
      %get3A_38 = arith.constant 0 : index
      %get3A_39 = vector.load %arg4[%get3A_37, %get3A_38] : memref<19x1xf32, #tpu.memory_space<vmem>>, vector<19x1xf32>
      %swap3A_40 = arith.constant 0 : index
      %swap3A_41 = arith.constant 0 : index
      %swap3A_42 = vector.load %arg3[%swap3A_40, %swap3A_41] : memref<19x2xf32, #tpu.memory_space<vmem>>, vector<19x1xf32>
      tpu.vector_store %arg3[%swap3A_40, %swap3A_41], %get3A_39 {strides = array<i32>} : memref<19x2xf32, #tpu.memory_space<vmem>>, vector<19x1xf32>,
      %get3A_43 = arith.constant 0 : index
      %get3A_44 = arith.constant 0 : index
      %get3A_45 = vector.load %arg5[%get3A_43, %get3A_44] : memref<19x1xf32, #tpu.memory_space<vmem>>, vector<19x1xf32>
      %swap3A_46 = arith.constant 0 : index
      %swap3A_47 = arith.constant 1 : index
      %swap3A_48 = vector.load %arg3[%swap3A_46, %swap3A_47] : memref<19x2xf32, #tpu.memory_space<vmem>>, vector<19x1xf32>
      tpu.vector_store %arg3[%swap3A_46, %swap3A_47], %get3A_45 {strides = array<i32>} : memref<19x2xf32, #tpu.memory_space<vmem>>, vector<19x1xf32>,
    } else {
    }
    return
  }
  func.func @transform_0(%arg0: i32) -> (i32, i32) {
    %c0_i32 = arith.constant 0 : i32
    %c0_i32_0 = arith.constant 0 : i32
    return %c0_i32, %arg0 : i32, i32
  }
  func.func @transform_1(%arg0: i32) -> (i32, i32) {
    %c0_i32 = arith.constant 0 : i32
    %c0_i32_0 = arith.constant 0 : i32
    return %c0_i32, %arg0 : i32, i32
  }
  func.func @transform_2(%arg0: i32) -> (i32, i32) {
    %c0_i32 = arith.constant 0 : i32
    %c0_i32_0 = arith.constant 0 : i32
    %c0_i32_1 = arith.constant 0 : i32
    return %c0_i32, %c0_i32_0 : i32, i32
  }
}

module attributes {stable_mosaic.version = 14 : i64} {
  func.func @_combine_kernel(%arg0: memref<3x19x512xf32, #tpu.memory_space<vmem>>, %arg1: memref<19x2xf32, #tpu.memory_space<vmem>>, %arg2: memref<1x1xf32, #tpu.memory_space<vmem>>) attributes {dimension_semantics = [], scalar_prefetch = 0 : i64, scratch_operands = 0 : i64, tpu.core_type = #tpu.core_type<tc>} {
    %get3A = arith.constant 0 : index
    %get3A_0 = arith.constant 0 : index
    %get3A_1 = arith.constant 0 : index
    %get3A_2 = vector.load %arg0[%get3A, %get3A_0, %get3A_1] : memref<3x19x512xf32, #tpu.memory_space<vmem>>, vector<3x19x512xf32>
    %slice3A = vector.extract_strided_slice %get3A_2 {offsets = [0, 0, 0], sizes = [1, 19, 512], strides = [1, 1, 1]} : vector<3x19x512xf32> to vector<1x19x512xf32>
    %squeeze3A = vector.shape_cast %slice3A : vector<1x19x512xf32> to vector<19x512xf32>
    %reduce_sum3A = arith.constant dense<0.000000e+00> : vector<19xf32>
    %reduce_sum3A_3 = vector.multi_reduction <add>, %squeeze3A, %reduce_sum3A [1] : vector<19x512xf32> to vector<19xf32>
    %broadcast_in_dim3A = vector.shape_cast %reduce_sum3A_3 : vector<19xf32> to vector<19x1xf32>
    %slice3A_4 = vector.extract_strided_slice %get3A_2 {offsets = [1, 0, 0], sizes = [1, 19, 512], strides = [1, 1, 1]} : vector<3x19x512xf32> to vector<1x19x512xf32>
    %squeeze3A_5 = vector.shape_cast %slice3A_4 : vector<1x19x512xf32> to vector<19x512xf32>
    %reduce_sum3A_6 = arith.constant dense<0.000000e+00> : vector<19xf32>
    %reduce_sum3A_7 = vector.multi_reduction <add>, %squeeze3A_5, %reduce_sum3A_6 [1] : vector<19x512xf32> to vector<19xf32>
    %broadcast_in_dim3A_8 = vector.shape_cast %reduce_sum3A_7 : vector<19xf32> to vector<19x1xf32>
    %slice3A_9 = vector.extract_strided_slice %get3A_2 {offsets = [2, 0, 0], sizes = [1, 19, 512], strides = [1, 1, 1]} : vector<3x19x512xf32> to vector<1x19x512xf32>
    %squeeze3A_10 = vector.shape_cast %slice3A_9 : vector<1x19x512xf32> to vector<19x512xf32>
    %reduce_sum3A_11 = arith.constant dense<0.000000e+00> : vector<19xf32>
    %reduce_sum3A_12 = vector.multi_reduction <add>, %squeeze3A_10, %reduce_sum3A_11 [1] : vector<19x512xf32> to vector<19xf32>
    %broadcast_in_dim3A_13 = vector.shape_cast %reduce_sum3A_12 : vector<19xf32> to vector<19x1xf32>
    %get3A_14 = arith.constant 0 : index
    %get3A_15 = arith.constant 0 : index
    %get3A_16 = vector.load %arg1[%get3A_14, %get3A_15] : memref<19x2xf32, #tpu.memory_space<vmem>>, vector<19x2xf32>
    %slice3A_17 = vector.extract_strided_slice %get3A_16 {offsets = [0, 0], sizes = [19, 1], strides = [1, 1]} : vector<19x2xf32> to vector<19x1xf32>
    %add3A = arith.addf %slice3A_17, %broadcast_in_dim3A : vector<19x1xf32>
    %add3A_18 = arith.addf %add3A, %broadcast_in_dim3A_13 : vector<19x1xf32>
    %slice3A_19 = vector.extract_strided_slice %get3A_16 {offsets = [0, 1], sizes = [19, 1], strides = [1, 1]} : vector<19x2xf32> to vector<19x1xf32>
    %add3A_20 = arith.addf %slice3A_19, %broadcast_in_dim3A_8 : vector<19x1xf32>
    %mul3A = arith.mulf %add3A_20, %add3A_18 : vector<19x1xf32>
    %reduce_sum3A_21 = vector.shape_cast %mul3A : vector<19x1xf32> to vector<1x19x1xf32>
    %reduce_sum3A_22 = arith.constant dense<0.000000e+00> : vector<1xf32>
    %reduce_sum3A_23 = vector.multi_reduction <add>, %reduce_sum3A_21, %reduce_sum3A_22 [1, 2] : vector<1x19x1xf32> to vector<1xf32>
    %reduce_sum3A_24 = vector.shape_cast %reduce_sum3A_23 : vector<1xf32> to vector<1x1x1xf32>
    %reduce_sum3A_25 = vector.extract %reduce_sum3A_24[0, 0, 0] : f32 from vector<1x1x1xf32>
    %broadcast_in_dim3A_26 = vector.broadcast %reduce_sum3A_25 : f32 to vector<1x1xf32>
    %div3A = arith.constant 5.242880e+05 : f32
    %div3A_27 = vector.broadcast %div3A : f32 to vector<1x1xf32>
    %div3A_28 = arith.divf %broadcast_in_dim3A_26, %div3A_27 : vector<1x1xf32>
    %swap3A = arith.constant 0 : index
    %swap3A_29 = arith.constant 0 : index
    %swap3A_30 = vector.load %arg2[%swap3A, %swap3A_29] : memref<1x1xf32, #tpu.memory_space<vmem>>, vector<1x1xf32>
    tpu.vector_store %arg2[%swap3A, %swap3A_29], %div3A_28 {strides = array<i32>} : memref<1x1xf32, #tpu.memory_space<vmem>>, vector<1x1xf32>,
    return
  }
}

</mosaic_0001>

<sc_bundles>
// kernel: kernel.5.cloned.1.call-start
scs
__scs_entry_jumppad:
0x0: {  	(pc) =	sbr.rel $0x88, $3  }
0x1: {  	(tag) =	ssettag $0x0;
	lr =	simm.s32 $0x1  }
0x2: {  	[smem:$0x3F9F] =	sst lr;
	_ =	strace $0xD0000000  }
0x3: {  	_ = 	snop  }
0x4: {  	_ = 	snop  }
0x5: {  	_ = 	snop  }
0x6: {  	_ = 	snop  }
0x7: {  	_ = 	snop  }
__scs_overlays_trampoline_lowered:
0x8: {  	[smem:$0x3FAE] =	sst s0  }
0x9: {  	[smem:$0x3FAF] =	sst s1  }
0xa: {  	[smem:$0x3FB0] =	sst s2  }
0xb: {  	[smem:$0x3FB1] =	sst s3  }
0xc: {  	[smem:$0x3FB2] =	sst s4  }
0xd: {  	[smem:$0x3FB3] =	sst s5  }
0xe: {  	[smem:$0x3FB4] =	sst s6  }
0xf: {  	[smem:$0x3FB5] =	sst s7  }
0x10: {  	[smem:$0x3FB6] =	sst s8  }
0x11: {  	[smem:$0x3FB7] =	sst s9;
	s0 =	simm.s32 @!p0 $0x0  }
0x12: {  	s1 =	sld [smem:$0x3F9D];
	s0 =	simm.s32 @p0 $0x1  }
0x13: {  	[smem:$0x3FB8] =	sst s0;
	s0 =	simm.s32 @!p1 $0x0  }
0x14: {  	s2 =	sld [smem:$0x3F9C];
	s0 =	simm.s32 @p1 $0x1  }
0x15: {  	[smem:$0x3FB9] =	sst s0;
	s0 =	simm.s32 @!p2 $0x0  }
0x16: {  	s3 =	sld [smem:$0x3FDB];
	s0 =	simm.s32 @p2 $0x1  }
0x17: {  	s4 =	simm.s32 $0x1BF5;
	[smem:$0x3FBB] =	sst s0  }
0x18: {  	s0 =	sld [smem:$0x3F9E];
	_ =	swait.ge [sflag:s4], $0x0  }
0x19: {  	s7 =	sld [smem:$0x3F9F]  }
0x1a: {  	s8 =	sadd.s32 $0xFFFFE003, lr  }
0x1b: {  	s9 =	sadd.s32 $0xFFFFFEF7, lr;
	s5 =	simm.s32 $0xFFFFFFFF;
	p2 =	slt.u32 s8, $0xFFFFF086  }
0x1c: {  	p1 =	slt.u32 s9, $0xF7A;
	s5 =	simm.s32 @!p2 $0x0  }
0x1d: {  	s5 =	simm.s32 @p1 $0x1;
	p0 =	seq.s32 s7, s2  }
0x1e: {  	s7 =	smul.u32 @!p0 $0xF7A, s2;
	p2 =	seq.s32 @!p0 s5, $0x0  }
0x1f: {  	s9 =	smul.u32 $0xF7A, s1;
	s8 =	simm.s32 @!p0 $0x1BF5;
	p2 =	por !p2, p0  }
0x20: {  	[sflag:s8] =	ssyncset.s32 @!p0 $0xFFFFF086;
	s6 =	sadd.s32 @!p0 s3, s7;
	s7 =	simm.s32 @!p0 $0x108  }
0x21: {  	s3 =	sadd.s32 s3, s9;
	s6 =	sadd.s32 @!p0 $0x88, s6;
	s7 =	simm.s32 @p2 $0x1082  }
0x22: {  	[simem:s7], [sflag:s8] =	dma.local @!p0 [hbm:s6], $0xF7A  }
0x23: {  	s9 =	sor.u32 $0xD0000000, s2;
	s6 =	simm.s32 $0x108;
	_ =	swait.ge @!p0 [sflag:s8], $0x0  }
0x24: {  	s3 =	sadd.s32 $0x88, s3;
	s6 =	simm.s32 @!p1 $0x1082;
	[sflag:s4] =	ssyncset.s32 $0xFFFFF086  }
0x25: {  	[simem:s6], [sflag:s4] =	dma.local [hbm:s3], $0xF7A  }
0x26: {  	[smem:$0x3F9F] =	sst s1;
	(tag) =	ssettag s2;
	_ =	strace s9  }
0x27: {  	s1 =	sld [smem:$0x3FAF]  }
0x28: {  	s2 =	sld [smem:$0x3FB0]  }
0x29: {  	s4 =	sld [smem:$0x3FB2]  }
0x2a: {  	p0 =	seq.s32 s5, $0x0;
	s5 =	sld [smem:$0x3FB3]  }
0x2b: {  	s6 =	sld [smem:$0x3FB4]  }
0x2c: {  	s7 =	sld [smem:$0x3FB5]  }
0x2d: {  	s3 =	simm.s32 $0x108;
	s8 =	sld [smem:$0x3FB6]  }
0x2e: {  	s3 =	simm.s32 @!p0 $0x1082;
	s9 =	sld [smem:$0x3FB7]  }
0x2f: {  	lr =	sadd.s32 s0, s3;
	s0 =	sld [smem:$0x3FAE]  }
0x30: {  	s3 =	sld [smem:$0x3FB1]  }
0x31: {  	[smem:$0x3FBA] =	sst s10  }
0x32: {  	s10 =	sld [smem:$0x3FB8];
	_ =	sdelay $0x3  }
0x33: {  	p0 =	seq.s32 s10, $0x1;
	s10 =	sld [smem:$0x3FBA];
	_ =	sdelay $0x3  }
0x34: {  	[smem:$0x3FBA] =	sst s10  }
0x35: {  	s10 =	sld [smem:$0x3FB9];
	_ =	sdelay $0x3  }
0x36: {  	p1 =	seq.s32 s10, $0x1;
	s10 =	sld [smem:$0x3FBA];
	_ =	sdelay $0x3  }
0x37: {  	[smem:$0x3FBA] =	sst s10  }
0x38: {  	s10 =	sld [smem:$0x3FBB]  }
0x39: {  	_ = 	snop;
	(pc) =	sbr.ind lr, $3  }
0x3a: {  	_ = 	snop  }
0x3b: {  	_ = 	snop  }
0x3c: {  	p2 =	seq.s32 s10, $0x1;
	s10 =	sld [smem:$0x3FBA]  }
0x3d: {  	_ =	shalt  }
0x3e: {  	_ =	shalt  }
0x3f: {  	_ =	shalt  }
0x40: {  	_ =	shalt  }
0x41: {  	_ =	shalt  }
0x42: {  	_ =	shalt  }
0x43: {  	_ =	shalt  }
0x44: {  	_ =	shalt  }
0x45: {  	_ =	shalt  }
0x46: {  	_ =	shalt  }
0x47: {  	_ =	shalt  }
0x48: {  	_ =	shalt  }
0x49: {  	_ =	shalt  }
0x4a: {  	_ =	shalt  }
0x4b: {  	_ =	shalt  }
0x4c: {  	_ =	shalt  }
0x4d: {  	_ =	shalt  }
0x4e: {  	_ =	shalt  }
0x4f: {  	_ =	shalt  }
0x50: {  	_ =	shalt  }
0x51: {  	_ =	shalt  }
0x52: {  	_ =	shalt  }
0x53: {  	_ =	shalt  }
0x54: {  	_ =	shalt  }
0x55: {  	_ =	shalt  }
0x56: {  	_ =	shalt  }
0x57: {  	_ =	shalt  }
0x58: {  	_ =	shalt  }
0x59: {  	_ =	shalt  }
0x5a: {  	_ =	shalt  }
0x5b: {  	_ =	shalt  }
0x5c: {  	_ =	shalt  }
0x5d: {  	_ =	shalt  }
0x5e: {  	_ =	shalt  }
0x5f: {  	_ =	shalt  }
0x60: {  	_ =	shalt  }
0x61: {  	_ =	shalt  }
0x62: {  	_ =	shalt  }
0x63: {  	_ =	shalt  }
0x64: {  	_ =	shalt  }
0x65: {  	_ =	shalt  }
0x66: {  	_ =	shalt  }
0x67: {  	_ =	shalt  }
0x68: {  	_ =	shalt  }
0x69: {  	_ =	shalt  }
0x6a: {  	_ =	shalt  }
0x6b: {  	_ =	shalt  }
0x6c: {  	_ =	shalt  }
0x6d: {  	_ =	shalt  }
0x6e: {  	_ =	shalt  }
0x6f: {  	_ =	shalt  }
0x70: {  	_ =	shalt  }
0x71: {  	_ =	shalt  }
0x72: {  	_ =	shalt  }
0x73: {  	_ =	shalt  }
0x74: {  	_ =	shalt  }
0x75: {  	_ =	shalt  }
0x76: {  	_ =	shalt  }
0x77: {  	_ =	shalt  }
0x78: {  	_ =	shalt  }
0x79: {  	_ =	shalt  }
0x7a: {  	_ =	shalt  }
0x7b: {  	_ =	shalt  }
0x7c: {  	_ =	shalt  }
0x7d: {  	_ =	shalt  }
0x7e: {  	_ =	shalt  }
0x7f: {  	_ =	shalt  }
0x80: {  	_ =	shalt  }
0x81: {  	_ =	shalt  }
0x82: {  	_ =	shalt  }
0x83: {  	_ =	shalt  }
0x84: {  	_ =	shalt  }
0x85: {  	_ =	shalt  }
0x86: {  	_ =	shalt  }
0x87: {  	_ =	shalt  }
.Lfunc_end0:
.L_simem_size_0:
called_computation_lowered:
.L_overlay_start_0:
0x88: {  	s2 =	sld [smem:$0x3FD9]  }
0x89: {  	s3 =	sld [smem:$0x3FFE];
	_ =	sdelay $0x1  }
0x8a: {  	s1 =	srdreg.scid  }
0x8b: {  	s0 =	sand.u32 $0x1, s1  }
0x8c: {  	s17 =	sshll.u32 s0, $0xA;
	s2 =	sadd.s32 s3, s2  }
0x8d: {  	s2 =	sadd.s32 s2, s17  }
0x8e: {  	[smem:$0x3FC6] =	sst s2  }
0x8f: {  	_ = 	snop  }
0x90: {  	s2 =	sld [smem:$0x3FC9]  }
0x91: {  	s18 =	sld [smem:$0x3FC8];
	(tm) =	ssettm $0x1  }
0x92: {  	s4 =	sld [smem:$0x3FFB];
	_ =	sdelay $0x3  }
0x93: {  	_ =	strace s4  }
0x94: {  	s4 =	sld [smem:$0x3FFC];
	_ =	sdelay $0x3  }
0x95: {  	_ =	strace s4  }
0x96: {  	s4 =	sld [smem:$0x3FFD];
	_ =	sdelay $0x3  }
0x97: {  	_ =	strace s4  }
0x98: {  	_ =	strace $0x8FFFFFFF  }
0x99: {  	s19 =	sld [smem:$0x3FDB];
	_ =	sdelay $0x1  }
0x9a: {  	s5 =	simm.s32 $_scs_section_size  }
0x9b: {  	s6 =	simm.s32 $_size__tile_overlayer_lowered;
	s7 =	simm.s32 $_tile_overlayer_lowered  }
0x9c: {  	s22 =	simm.s32 $0x1BFF;
	s21 =	sshll.u32 s7, $0x1;
	s4 =	sadd.s32 s5, s19  }
0x9d: {  	s8 =	simm.s32 $0x0;
	s20 =	sshll.u32 s6, $0x1;
	s6 =	sadd.s32 s21, s4  }
0x9e: {  	[timem:s8], [sflag:s22] =	dma.local [hbm:s6], s20  }
0x9f: {  	_ =	swait.ge [sflag:s22], s20  }
0xa0: {  	s5 =	ssub.s32 $0x0, s20;
	[sflag:s22] =	ssyncset.done $0x0  }
0xa1: {  	[sflag:s22] =	ssyncadd.s32 s5;
	_ =	sdelay $0x1  }
0xa2: {  	s23 =	simm.s32 $0x1B8B  }
0xa3: {  	_ =	swait.ge [sflag:s23], $0x1  }
0xa4: {  	[sflag:s23] =	ssyncset.done $0x0  }
0xa5: {  	s25 =	simm.s32 $0x1B8E;
	s24 =	sld [smem:$0x3FFE];
	[sflag:s23] =	ssyncadd.s32 $0xFFFFFFFF  }
0xa6: {  	s26 =	simm.s32 $execute0_lowered;
	[smem:$0x3FD2] =	sst s25  }
0xa7: {  	s6 =	sshll.u32 s26, $0x1;
	_ =	strace $0x80000046;
	[dreg:$0x1] =	wrdreg $0xFFFFFFFF  }
0xa8: {  	s28 =	simm.s32 $_size_execute0_lowered;
	s4 =	sadd.s32 s4, s6;
	[dreg:$0x0] =	wrdreg $0x0  }
0xa9: {  	s6 =	sshll.u32 s28, $0x1;
	[dreg:$0x2] =	wrdreg s4  }
0xaa: {  	[dreg:$0x3] =	wrdreg s6  }
0xab: {  	[dreg:$0x4] =	wrdreg $0xC0  }
0xac: {  	_ =	task [dreg:s8], $0x5FFFF  }
0xad: {  	[dreg:$0x1] =	wrdreg $0xFFFFFFFF  }
0xae: {  	[dreg:$0x0] =	wrdreg $0x60  }
0xaf: {  	[dreg:$0x2] =	wrdreg s2  }
0xb0: {  	[dreg:$0x3] =	wrdreg s18  }
0xb1: {  	[dreg:$0x4] =	wrdreg s24  }
0xb2: {  	[dreg:$0x5] =	wrdreg $0x9  }
0xb3: {  	_ =	task.clear_ibuf [dreg:s8], $0x6FFFF;
	_ =	strace $0x90000046  }
0xb4: {  	s29 =	simm.s32 $0x9;
	_ =	strace $0x80000048  }
0xb5: {  	_ =	swait.ge [sflag:s29], $0x1  }
0xb6: {  	[sflag:s29] =	ssyncadd.s32 $0xFFFFFFFF  }
0xb7: {  	_ =	strace $0x90000048  }
0xb8: {  	_ =	sfence  }
0xb9: {  	s30 =	sld [smem:$0x0];
	_ =	sdelay $0x2  }
0xba: {  	s31 =	sshll.u32 s1, $0xD;
	s1 =	sshrl.u32 s1, $0x2  }
0xbb: {  	s3 =	sand.u32 $0x4000, s31;
	s1 =	sadd.s32 s1, s30  }
0xbc: {  	s0 =	sor.u32 s3, s0;
	s1 =	sshll.u32 s1, $0x11  }
0xbd: {  	s0 =	sor.u32 s1, s0  }
0xbe: {  	s0 =	sadd.s32 $0x8F2B, s0  }
0xbf: {  	[sflag:s0] =	ssyncadd.remote.s32 $0x1  }
0xc0: {  	_ =	sfence.sel $0xFFFF  }
0xc1: {  	[dreg:$0x0] =	wrdreg $0xFFFFFFFF;
	(pc) =	sbr.abs _section_cstart, $3  }
0xc2: {  	[dreg:$0x1] =	wrdreg $0xFFFFFFFF  }
0xc3: {  	_ =	task.clear_ibuf [dreg:s8], $0x2FFFF;
	_ =	strace $0x9FFFFFFF  }
0xc4: {  	(tm) =	ssettm $0x7FFFFFFF  }
0xc5: {  	_ =	shalt  }
tec
execute0_lowered:
.L_overlay_start_1:
0x0: {  	(tag) =	ssettag $0x1  }
0x1: {  	s1 =	srdreg.scid  }
0x2: {  	s1 =	sand.u32 $0x1, s1  }
0x3: {  	s3 =	rddreg [dreg:$0x0];
	s6 =	stileid.u32;
	s5 =	sshll.u32 s1, $0x4  }
0x4: {  	s4 =	rddreg [dreg:$0x1];
	s2 =	simm.s32 $0x0;
	s5 =	sor.u32 s6, s5  }
0x5: {  	[smem:$0x7FF] =	sst s2;
	s6 =	sshll.u32 s5, $0x1;
	s5 =	sshll.u32 s5, $0xD  }
0x6: {  	s0 =	rddreg [dreg:$0x2];
	_ =	strace $0x80000047;
	s7 =	sor.u32 $0x40000, s5  }
0x7: {  	s8 =	sor.u32 $0x40800, s5;
	s23 =	sshrl.u32 s7, $0x3;
	s7 =	sadd.s32 s3, s7  }
0x8: {  	s26 =	sor.u32 $0x41000, s5;
	s25 =	sadd.s32 s3, s8;
	[dreg:$0x4] =	wrdreg s7  }
0x9: {  	s5 =	sor.u32 $0x41800, s5;
	s28 =	sadd.s32 s3, s26;
	[dreg:$0x6] =	wrdreg s25  }
0xa: {  	s0 =	sadd.s32 s6, s0;
	s3 =	sadd.s32 s3, s5;
	[dreg:$0x8] =	wrdreg s28  }
0xb: {  	s30 =	sadd.s32 $0x600, s0;
	[dreg:$0xa] =	wrdreg s3  }
0xc: {  	s31 =	sadd.s32 $0x640, s0;
	[dreg:$0xc] =	wrdreg s30  }
0xd: {  	s29 =	sshrl.u32 s5, $0x3;
	s5 =	sadd.s32 $0x6C0, s0;
	[dreg:$0xd] =	wrdreg s31  }
0xe: {  	s24 =	sshrl.u32 s8, $0x3;
	s8 =	sadd.s32 $0x780, s0;
	[dreg:$0xf] =	wrdreg s5  }
0xf: {  	s9 =	sadd.s32 $0x7C0, s0;
	[dreg:$0x12] =	wrdreg s8  }
0x10: {  	s10 =	sadd.s32 $0x800, s0;
	[dreg:$0x13] =	wrdreg s9  }
0x11: {  	s11 =	sadd.s32 $0x840, s0;
	[dreg:$0x14] =	wrdreg s10  }
0x12: {  	s12 =	sadd.s32 $0x880, s0;
	[dreg:$0x15] =	wrdreg s11  }
0x13: {  	s13 =	sadd.s32 $0x8C0, s0;
	[dreg:$0x16] =	wrdreg s12  }
0x14: {  	s14 =	sadd.s32 $0x900, s0;
	[dreg:$0x17] =	wrdreg s13  }
0x15: {  	s15 =	sadd.s32 $0x940, s0;
	[dreg:$0x18] =	wrdreg s14  }
0x16: {  	s16 =	sadd.s32 $0x980, s0;
	[dreg:$0x19] =	wrdreg s15  }
0x17: {  	s17 =	sadd.s32 $0x9C0, s0;
	[dreg:$0x1a] =	wrdreg s16  }
0x18: {  	s18 =	sadd.s32 $0xA00, s0;
	[dreg:$0x1b] =	wrdreg s17  }
0x19: {  	s19 =	sadd.s32 $0xA40, s0;
	[dreg:$0x1c] =	wrdreg s18  }
0x1a: {  	s1 =	ssub.s32 $0x2, s1;
	s20 =	sadd.s32 $0xA80, s0;
	[dreg:$0x1d] =	wrdreg s19  }
0x1b: {  	s22 =	sshrl.u32 s1, $0x1;
	s21 =	sadd.s32 $0xAC0, s0;
	[dreg:$0x1e] =	wrdreg s20  }
0x1c: {  	s1 =	ssub.s32 s1, s22;
	s22 =	sadd.s32 $0xB00, s0;
	[dreg:$0x1f] =	wrdreg s21  }
0x1d: {  	s6 =	sadd.s32 s4, s23;
	[smem:$0x7DA] =	sst s22  }
0x1e: {  	s3 =	sadd.s32 s4, s29;
	[dreg:$0x5] =	wrdreg s6  }
0x1f: {  	s7 =	sadd.s32 $0x740, s0;
	[dreg:$0xb] =	wrdreg s3  }
0x20: {  	s23 =	sadd.s32 $0xB40, s0;
	[dreg:$0x11] =	wrdreg s7  }
0x21: {  	s25 =	sadd.s32 $0xBC0, s0;
	[smem:$0x7DB] =	sst s23  }
0x22: {  	s28 =	sadd.s32 $0xC40, s0;
	[smem:$0x7DD] =	sst s25  }
0x23: {  	s29 =	sadd.s32 $0xC80, s0;
	[smem:$0x7DF] =	sst s28  }
0x24: {  	s30 =	sadd.s32 $0xCC0, s0;
	[smem:$0x7E0] =	sst s29  }
0x25: {  	s31 =	sadd.s32 $0xD00, s0;
	[smem:$0x7E1] =	sst s30  }
0x26: {  	s5 =	sadd.s32 $0xD80, s0;
	[smem:$0x7E2] =	sst s31  }
0x27: {  	s8 =	sadd.s32 $0xE40, s0;
	[smem:$0x7E4] =	sst s5  }
0x28: {  	s9 =	sadd.s32 $0xE80, s0;
	[smem:$0x7E7] =	sst s8  }
0x29: {  	s10 =	sadd.s32 $0xEC0, s0;
	[smem:$0x7E8] =	sst s9  }
0x2a: {  	s11 =	sadd.s32 $0xF00, s0;
	[smem:$0x7E9] =	sst s10  }
0x2b: {  	s12 =	sadd.s32 $0xF40, s0;
	[smem:$0x7EA] =	sst s11  }
0x2c: {  	s13 =	sadd.s32 $0xF80, s0;
	[smem:$0x7EB] =	sst s12  }
0x2d: {  	s14 =	sadd.s32 $0xFC0, s0;
	[smem:$0x7EC] =	sst s13  }
0x2e: {  	s15 =	sadd.s32 $0x1000, s0;
	[smem:$0x7ED] =	sst s14  }
0x2f: {  	s16 =	sadd.s32 $0x1040, s0;
	[smem:$0x7EE] =	sst s15  }
0x30: {  	s17 =	sadd.s32 $0x1080, s0;
	[smem:$0x7EF] =	sst s16  }
0x31: {  	s18 =	sadd.s32 $0x10C0, s0;
	[smem:$0x7F0] =	sst s17  }
0x32: {  	s19 =	sadd.s32 $0x1100, s0;
	[smem:$0x7F1] =	sst s18  }
0x33: {  	s20 =	sadd.s32 $0x1140, s0;
	[smem:$0x7F2] =	sst s19  }
0x34: {  	s21 =	sadd.s32 $0x1180, s0;
	[smem:$0x7F3] =	sst s20  }
0x35: {  	s22 =	sadd.s32 $0x11C0, s0;
	[smem:$0x7F4] =	sst s21  }
0x36: {  	s6 =	sadd.s32 s4, s24;
	[smem:$0x7F5] =	sst s22  }
0x37: {  	s24 =	sadd.s32 $0xB80, s0;
	[dreg:$0x7] =	wrdreg s6  }
0x38: {  	s7 =	sadd.s32 $0xE00, s0;
	[smem:$0x7DC] =	sst s24  }
0x39: {  	s23 =	sadd.s32 $0x1200, s0;
	[smem:$0x7E6] =	sst s7  }
0x3a: {  	s25 =	sadd.s32 $0x1280, s0;
	[smem:$0x7F6] =	sst s23  }
0x3b: {  	s28 =	sadd.s32 $0x1300, s0;
	[smem:$0x7F8] =	sst s25  }
0x3c: {  	s29 =	sadd.s32 $0x1340, s0;
	s30 =	sadd.s32 $0x1380, s0;
	[smem:$0x7FA] =	sst s28  }
0x3d: {  	s31 =	sadd.s32 $0x13C0, s0;
	s8 =	smax.u32 s1, $0x1;
	[smem:$0x7FB] =	sst s29  }
0x3e: {  	s9 =	simm.s32 $0x4000;
	s10 =	simm.s32 $0x400000;
	[smem:$0x7FC] =	sst s30  }
0x3f: {  	s6 =	sshrl.u32 s26, $0x3;
	s26 =	sadd.s32 $0xC00, s0;
	[smem:$0x7FD] =	sst s31  }
0x40: {  	s11 =	simm.s32 $0x1;
	s24 =	sadd.s32 $0x1240, s0;
	[smem:$0x7DE] =	sst s26  }
0x41: {  	s12 =	simm.s32 $0x3;
	s6 =	sadd.s32 s4, s6;
	[smem:$0x7F7] =	sst s24  }
0x42: {  	s13 =	simm.s32 $0xC000;
	s4 =	sadd.s32 $0x680, s0;
	[dreg:$0x9] =	wrdreg s6  }
0x43: {  	s14 =	simm.s32 $0x19180;
	s26 =	sadd.s32 $0x12C0, s0;
	[dreg:$0xe] =	wrdreg s4  }
0x44: {  	s15 =	simm.s32 $0x19300;
	s6 =	sadd.s32 $0x700, s0;
	[smem:$0x7F9] =	sst s26  }
0x45: {  	s16 =	simm.s32 $0x2;
	s4 =	sadd.s32 $0xD40, s0;
	[dreg:$0x10] =	wrdreg s6  }
0x46: {  	s17 =	simm.s32 $0x4;
	[smem:$0x7E3] =	sst s4;
	s6 =	sadd.s32 $0xDC0, s0  }
0x47: {  	v0 =	vimm.f32 $0.0e+00;
	v1 =	vlaneseq.u32;
	v2 =	vimm.f32 $1.000000000e+00;
	s18 =	simm.s32 $0x0;
	s7 =	sadd.s32 $0x1400, s0;
	[smem:$0x7E5] =	sst s6  }
.LBB2_1:
0x48: {  	[tilespmem:$0x19000] =	vst v0  }
0x49: {  	[tilespmem:$0x19180] =	vst v0  }
0x4a: {  	[tilespmem:$0x19300] =	vst v0  }
0x4b: {  	[tilespmem:$0x19010] =	vst v0  }
0x4c: {  	[tilespmem:$0x19190] =	vst v0  }
0x4d: {  	[tilespmem:$0x19310] =	vst v0  }
0x4e: {  	[tilespmem:$0x19020] =	vst v0  }
0x4f: {  	[tilespmem:$0x191A0] =	vst v0  }
0x50: {  	[tilespmem:$0x19320] =	vst v0  }
0x51: {  	[tilespmem:$0x19030] =	vst v0  }
0x52: {  	[tilespmem:$0x191B0] =	vst v0  }
0x53: {  	[tilespmem:$0x19330] =	vst v0  }
0x54: {  	[tilespmem:$0x19040] =	vst v0  }
0x55: {  	[tilespmem:$0x191C0] =	vst v0  }
0x56: {  	[tilespmem:$0x19340] =	vst v0  }
0x57: {  	[tilespmem:$0x19050] =	vst v0  }
0x58: {  	[tilespmem:$0x191D0] =	vst v0  }
0x59: {  	[tilespmem:$0x19350] =	vst v0  }
0x5a: {  	[tilespmem:$0x19060] =	vst v0  }
0x5b: {  	[tilespmem:$0x191E0] =	vst v0  }
0x5c: {  	[tilespmem:$0x19360] =	vst v0  }
0x5d: {  	[tilespmem:$0x19070] =	vst v0  }
0x5e: {  	[tilespmem:$0x191F0] =	vst v0  }
0x5f: {  	[tilespmem:$0x19370] =	vst v0  }
0x60: {  	[tilespmem:$0x19080] =	vst v0  }
0x61: {  	[tilespmem:$0x19200] =	vst v0  }
0x62: {  	[tilespmem:$0x19380] =	vst v0  }
0x63: {  	[tilespmem:$0x19090] =	vst v0  }
0x64: {  	[tilespmem:$0x19210] =	vst v0  }
0x65: {  	[tilespmem:$0x19390] =	vst v0  }
0x66: {  	[tilespmem:$0x190A0] =	vst v0  }
0x67: {  	[tilespmem:$0x19220] =	vst v0  }
0x68: {  	[tilespmem:$0x193A0] =	vst v0  }
0x69: {  	[tilespmem:$0x190B0] =	vst v0  }
0x6a: {  	[tilespmem:$0x19230] =	vst v0  }
0x6b: {  	[tilespmem:$0x193B0] =	vst v0  }
0x6c: {  	[tilespmem:$0x190C0] =	vst v0  }
0x6d: {  	[tilespmem:$0x19240] =	vst v0  }
0x6e: {  	[tilespmem:$0x193C0] =	vst v0  }
0x6f: {  	[tilespmem:$0x190D0] =	vst v0  }
0x70: {  	[tilespmem:$0x19250] =	vst v0  }
0x71: {  	[tilespmem:$0x193D0] =	vst v0  }
0x72: {  	[tilespmem:$0x190E0] =	vst v0  }
0x73: {  	[tilespmem:$0x19260] =	vst v0  }
0x74: {  	[tilespmem:$0x193E0] =	vst v0  }
0x75: {  	[tilespmem:$0x190F0] =	vst v0  }
0x76: {  	[tilespmem:$0x19270] =	vst v0  }
0x77: {  	[tilespmem:$0x193F0] =	vst v0  }
0x78: {  	[tilespmem:$0x19100] =	vst v0  }
0x79: {  	[tilespmem:$0x19280] =	vst v0  }
0x7a: {  	[tilespmem:$0x19400] =	vst v0  }
0x7b: {  	[tilespmem:$0x19110] =	vst v0  }
0x7c: {  	[tilespmem:$0x19290] =	vst v0  }
0x7d: {  	[tilespmem:$0x19410] =	vst v0  }
0x7e: {  	[tilespmem:$0x19120] =	vst v0  }
0x7f: {  	[tilespmem:$0x192A0] =	vst v0  }
0x80: {  	[tilespmem:$0x19420] =	vst v0;
	s0 =	rddreg [dreg:$0x4]  }
0x81: {  	[tilespmem:s2], [sflag:$0x1] =	stream.strided.gather [hbm4b:s0+s9], $0xC000, s10, s9, $0x38;
	[tilespmem:$0x19480] =	vst v63  }
0x82: {  	s28 =	rddreg [dreg:$0x5];
	s1 =	simm.s32 $0x18000  }
0x83: {  	[tilespmem:s1], [sflag:$0x3] =	stream.linear.gather [hbm4b:s28+s2], $0x800, $0x38;
	[tilespmem:$0x19480] =	vst v63  }
0x84: {  	_ =	swait.ge [sflag:s11], $0xC000  }
0x85: {  	[sflag:s11] =	ssyncset.done $0x0  }
0x86: {  	[sflag:s11] =	ssyncadd.s32 $0xFFFF4000  }
0x87: {  	_ =	swait.ge [sflag:s12], $0x800  }
0x88: {  	s31 =	simm.s32 $0x18800;
	[sflag:s12] =	ssyncset.done $0x0  }
0x89: {  	s19 =	simm.s32 $0x18010;
	s29 =	rddreg [dreg:$0x6];
	[sflag:s12] =	ssyncadd.s32 $0xFFFFF800  }
0x8a: {  	[tilespmem:s13], [sflag:$0x2] =	stream.strided.gather [hbm4b:s29+s9], $0xC000, s10, s9, $0x38;
	[tilespmem:$0x19480] =	vst v63  }
0x8b: {  	s20 =	simm.s32 $0x0;
	s21 =	simm.s32 $0x0;
	s30 =	rddreg [dreg:$0x7]  }
0x8c: {  	[tilespmem:s31], [sflag:$0x4] =	stream.linear.gather [hbm4b:s30+s2], $0x800, $0x38;
	[tilespmem:$0x19480] =	vst v63  }
.LBB2_2:
0x8d: {  	s30 =	sand.u32 $0x60, s21;
	s5 =	sand.u32 $0x3C00, s20  }
0x8e: {  	s0 =	sor.u32 s30, s5  }
0x8f: {  	v3 =	vld [tilespmem:s0+$0x0]  }
0x90: {  	v4 =	vld [tilespmem:s0+$0x80]  }
0x91: {  	v5 =	vld [tilespmem:s0+$0x100]  }
0x92: {  	v6 =	vld [tilespmem:s0+$0x180]  }
0x93: {  	v7 =	vld [tilespmem:s0+$0x200]  }
0x94: {  	v8 =	vld [tilespmem:s0+$0x280];
	v3 =	vmul.f32 $1.442695020e+00, v3  }
0x95: {  	s1 =	sor.u32 $0x4000, s5;
	v9 =	vld [tilespmem:s0+$0x300];
	v4 =	vmul.f32 $1.442695020e+00, v4  }
0x96: {  	s3 =	sor.u32 $0x4080, s5;
	v34 =	vld [tilespmem:s0+$0x380];
	s26 =	sor.u32 s30, s1;
	(erf) = vpow2.f32 v3;
	v3 =	vmul.f32 $1.442695020e+00, v5  }
0x97: {  	s4 =	sor.u32 $0x4100, s5;
	s28 =	sor.u32 s30, s3;
	v36 =	vld [tilespmem:s26+$0x0];
	v35 =	vmul.f32 $1.442695020e+00, v6;
	(erf) = vpow2.f32 v4  }
0x98: {  	s31 =	sor.u32 $0x4180, s5;
	s29 =	sor.u32 s30, s4;
	v37 =	vld [tilespmem:s28+$0x0];
	(erf) = vpow2.f32 v3;
	v3 =	vmul.f32 $1.442695020e+00, v7  }
0x99: {  	s22 =	sor.u32 s30, s31;
	s0 =	sor.u32 $0x4200, s5;
	v39 =	vld [tilespmem:s29+$0x0];
	v38 =	vmul.f32 $1.442695020e+00, v8;
	(erf) = vpow2.f32 v35  }
0x9a: {  	v40 =	vld [tilespmem:s22+$0x0];
	s6 =	sor.u32 s30, s0;
	s26 =	sor.u32 $0x4280, s5;
	(erf) = vpow2.f32 v3;
	v3 =	vmul.f32 $1.442695020e+00, v9  }
0x9b: {  	s28 =	sor.u32 $0x4300, s5;
	v42 =	vld [tilespmem:s6+$0x0];
	s23 =	sor.u32 s30, s26;
	v41 =	vmul.f32 $1.442695020e+00, v34;
	(erf) = vpow2.f32 v38  }
0x9c: {  	s29 =	sor.u32 $0x4380, s5;
	s24 =	sor.u32 s30, s28;
	v43 =	vld [tilespmem:s23+$0x0];
	(erf) = vpow2.f32 v3;
	v3 =	vmul.f32 $1.442695020e+00, v36  }
0x9d: {  	s25 =	sor.u32 s30, s29;
	v45 =	vld [tilespmem:s24+$0x0];
	s23 =	sor.u32 $0x8000, s5;
	v44 =	vmul.f32 $1.442695020e+00, v37;
	(erf) = vpow2.f32 v41  }
0x9e: {  	v46 =	vld [tilespmem:s25+$0x0];
	s24 =	sor.u32 $0x8080, s5;
	s25 =	sor.u32 s30, s23;
	(erf) = vpow2.f32 v3;
	v3 =	vmul.f32 $1.442695020e+00, v39  }
0x9f: {  	s22 =	sadd.s32 $0x10, s21;
	s6 =	sor.u32 s30, s24;
	v48 =	vld [tilespmem:s25+$0x0];
	s25 =	sor.u32 $0x8100, s5;
	v47 =	vmul.f32 $1.442695020e+00, v40;
	(erf) = vpow2.f32 v44  }
0xa0: {  	v49 =	vld [tilespmem:s6+$0x0];
	s6 =	sor.u32 s30, s25;
	s30 =	sand.u32 $0x70, s22;
	(erf) = vpow2.f32 v3;
	v3 =	vmul.f32 $1.442695020e+00, v42  }
0xa1: {  	v10 =	vld [tilespmem:s6+$0x0];
	s5 =	sor.u32 s30, s5;
	v50 =	vmul.f32 $1.442695020e+00, v43;
	v29 =	vpop (erf);
	(erf) = vpow2.f32 v47  }
0xa2: {  	v51 =	vld [tilespmem:s5+$0x0];
	(erf) = vpow2.f32 v3;
	v3 =	vmul.f32 $1.442695020e+00, v45  }
0xa3: {  	v52 =	vmul.f32 $1.442695020e+00, v46;
	v53 =	vld [tilespmem:s5+$0x80];
	v30 =	vpop (erf);
	(erf) = vpow2.f32 v50  }
0xa4: {  	v54 =	vld [tilespmem:s5+$0x100];
	v31 =	vpop (erf);
	(erf) = vpow2.f32 v3;
	v3 =	vmul.f32 $1.442695020e+00, v48  }
0xa5: {  	v56 =	vld [tilespmem:s5+$0x180];
	v55 =	vmul.f32 $1.442695020e+00, v49;
	v32 =	vpop (erf);
	(erf) = vpow2.f32 v52  }
0xa6: {  	v57 =	vld [tilespmem:s5+$0x200];
	v33 =	vpop (erf);
	(erf) = vpow2.f32 v3;
	v3 =	vmul.f32 $1.442695020e+00, v10  }
0xa7: {  	v59 =	vld [tilespmem:s5+$0x280];
	v58 =	vmul.f32 $1.442695020e+00, v51;
	v34 =	vpop (erf);
	(erf) = vpow2.f32 v55  }
0xa8: {  	v60 =	vld [tilespmem:s5+$0x300];
	v36 =	vpop (erf);
	(erf) = vpow2.f32 v3;
	v3 =	vmul.f32 $1.442695020e+00, v53  }
0xa9: {  	s1 =	sor.u32 s30, s1;
	v62 =	vld [tilespmem:s5+$0x380];
	v61 =	vmul.f32 $1.442695020e+00, v54;
	v37 =	vpop (erf);
	(erf) = vpow2.f32 v58  }
0xaa: {  	s6 =	sor.u32 s30, s3;
	v63 =	vld [tilespmem:s1+$0x0];
	v35 =	vpop (erf);
	(erf) = vpow2.f32 v3;
	v3 =	vmul.f32 $1.442695020e+00, v56  }
0xab: {  	v13 =	vld [tilespmem:s6+$0x0];
	v12 =	vmul.f32 $1.442695020e+00, v57;
	v38 =	vpop (erf);
	(erf) = vpow2.f32 v61  }
0xac: {  	s3 =	sor.u32 s30, s4;
	v39 =	vpop (erf);
	(erf) = vpow2.f32 v3;
	v3 =	vmul.f32 $1.442695020e+00, v59  }
0xad: {  	s4 =	sor.u32 s30, s31;
	v14 =	vld [tilespmem:s3+$0x0];
	v15 =	vmul.f32 $1.442695020e+00, v60;
	v40 =	vpop (erf);
	(erf) = vpow2.f32 v12  }
0xae: {  	v17 =	vld [tilespmem:s4+$0x0];
	s6 =	sor.u32 s30, s28;
	v41 =	vpop (erf);
	(erf) = vpow2.f32 v3;
	v3 =	vmul.f32 $1.442695020e+00, v62  }
0xaf: {  	s0 =	sor.u32 s30, s0;
	v16 =	vmul.f32 $1.442695020e+00, v63;
	v44 =	vld [tilespmem:s6+$0x0];
	v28 =	vpop (erf);
	(erf) = vpow2.f32 v15  }
0xb0: {  	v42 =	vld [tilespmem:s0+$0x0];
	v25 =	vpop (erf);
	(erf) = vpow2.f32 v3;
	v3 =	vmul.f32 $1.442695020e+00, v13  }
0xb1: {  	s5 =	sor.u32 s30, s26;
	v20 =	vpop (erf);
	(erf) = vpow2.f32 v16  }
0xb2: {  	v45 =	vadd.f32 v30, v29;
	v46 =	vadd.f32 v32, v31;
	v27 =	vpop (erf);
	(erf) = vpow2.f32 v3;
	v3 =	vld [tilespmem:s5+$0x0]  }
0xb3: {  	s26 =	sor.u32 s30, s29;
	v43 =	vmul.f32 $1.442695020e+00, v14;
	v5 =	vmul.f32 $1.442695020e+00, v17;
	v11 =	vadd.f32 v34, v33  }
0xb4: {  	v47 =	vld [tilespmem:s26+$0x0];
	v6 =	vmul.f32 $1.442695020e+00, v44;
	v8 =	vadd.f32 v46, v45;
	v48 =	vadd.f32 v38, v35;
	v14 =	vpop (erf)  }
0xb5: {  	s28 =	sor.u32 s30, s23;
	v7 =	vmul.f32 $1.442695020e+00, v42;
	v12 =	vadd.f32 v37, v36;
	v17 =	vadd.f32 v20, v25;
	v26 =	vpop (erf)  }
0xb6: {  	s29 =	sor.u32 s30, s24;
	v49 =	vld [tilespmem:s28+$0x0];
	v13 =	vadd.f32 v40, v39;
	v16 =	vadd.f32 v28, v41;
	v4 =	vpop (erf);
	(erf) = vpow2.f32 v43  }
0xb7: {  	s31 =	sor.u32 s30, s25;
	v19 =	vld [tilespmem:s29+$0x0];
	v50 =	vadd.f32 v12, v11;
	v15 =	vpop (erf);
	(erf) = vpow2.f32 v5;
	v3 =	vmul.f32 $1.442695020e+00, v3  }
0xb8: {  	v51 =	vld [tilespmem:s31+$0x0];
	v52 =	vadd.f32 v17, v16;
	v18 =	vpop (erf);
	v5 =	vadd.f32 v13, v48;
	(erf) = vpow2.f32 v7  }
0xb9: {  	v53 =	vadd.f32 v14, v27;
	v22 =	vpop (erf);
	(erf) = vpow2.f32 v3;
	v3 =	vmul.f32 $1.442695020e+00, v47  }
0xba: {  	v54 =	vadd.f32 v50, v8;
	v23 =	vpop (erf);
	v5 =	vadd.f32 v52, v5;
	(erf) = vpow2.f32 v6  }
0xbb: {  	v24 =	vpop (erf);
	(erf) = vpow2.f32 v3;
	v3 =	vmul.f32 $1.442695020e+00, v49  }
0xbc: {  	v55 =	vmul.f32 $1.442695020e+00, v19;
	v56 =	vadd.f32 v26, v53;
	v21 =	vpop (erf);
	v5 =	vadd.f32 v5, v54  }
0xbd: {  	v19 =	vpop (erf);
	(erf) = vpow2.f32 v3;
	v3 =	vmul.f32 $1.442695020e+00, v51  }
0xbe: {  	v42 =	vld [tilespmem:s19+$0xFFFFFFF0];
	v17 =	vpop (erf);
	v5 =	vadd.f32 v56, v5;
	(erf) = vpow2.f32 v55  }
0xbf: {  	v16 =	vpop (erf);
	(erf) = vpow2.f32 v3  }
0xc0: {  	v12 =	vpop (erf);
	(erf) = vrcp.f32 v5  }
0xc1: {  	v57 =	vmov s21;
	v10 =	vpop (erf)  }
0xc2: {  	v63 =	vld [tilespmem:$0x19070];
	v58 =	vor.u32 s21, v1;
	v59 =	vshll.u32 v57, $0x3;
	v6 =	vpop (erf)  }
0xc3: {  	v60 =	vshll.u32 v42, $0xB;
	v9 =	vand.u32 $0x3C00, v59;
	v8 =	vand.u32 $0x6F, v58;
	v3 =	vld [tilespmem:s19+$0x0];
	v5 =	vpop (erf)  }
0xc4: {  	v44 =	vld [tilespmem:$0x19010];
	v46 =	vshll.u32 v42, $0x7;
	v45 =	vand.u32 $0xFFFFC000, v60;
	v8 =	vor.u32 v9, v8;
	v7 =	vpop (erf)  }
0xc5: {  	v61 =	vand.u32 $0x380, v46;
	v62 =	vld [tilespmem:$0x19030];
	v45 =	vor.u32 v45, v8;
	v48 =	vmov s22;
	v11 =	vpop (erf)  }
0xc6: {  	v50 =	vor.u32 s22, v1;
	v43 =	vld [tilespmem:$0x19000];
	v45 =	vor.u32 v61, v45;
	v48 =	vshll.u32 v48, $0x3;
	v13 =	vpop (erf)  }
0xc7: {  	v50 =	vand.u32 $0x7F, v50;
	v52 =	vld [tilespmem:$0x19050];
	v48 =	vand.u32 $0x3C00, v48;
	v8 =	vpop (erf)  }
0xc8: {  	v48 =	vor.u32 v48, v50;
	v54 =	vld [tilespmem:$0x19060];
	v51 =	vshll.u32 v3, $0xB;
	v55 =	vshll.u32 v3, $0x7;
	v9 =	vpop (erf)  }
0xc9: {  	v50 =	vadd.f32 v24, v23;
	v47 =	vld [tilespmem:$0x19020];
	v51 =	vand.u32 $0xFFFFC000, v51;
	v55 =	vand.u32 $0x380, v55;
	v53 =	vpop (erf)  }
0xca: {  	v49 =	vld [tilespmem:$0x19040];
	v48 =	vor.u32 v51, v48;
	v29 =	vmul.f32 v53, v29;
	v30 =	vmul.f32 v53, v30  }
0xcb: {  	v45 =	vld.idx.msk [tilespmem:v45+s2+$0x0], $0xffff;
	v51 =	vadd.f32 v19, v21;
	v31 =	vmul.f32 v53, v31;
	v32 =	vmul.f32 v53, v32  }
0xcc: {  	v56 =	vld [tilespmem:$0x19080];
	v48 =	vor.u32 v55, v48;
	v33 =	vmul.f32 v53, v33;
	v34 =	vmul.f32 v53, v34  }
0xcd: {  	v36 =	vmul.f32 v53, v36;
	v29 =	vadd.f32 v43, v29;
	v30 =	vadd.f32 v44, v30  }
0xce: {  	v57 =	vld [tilespmem:$0x19090];
	v37 =	vmul.f32 v53, v37;
	v31 =	vadd.f32 v47, v31;
	v32 =	vadd.f32 v62, v32  }
0xcf: {  	v55 =	vld [tilespmem:$0x190E0];
	v35 =	vmul.f32 v53, v35;
	v33 =	vadd.f32 v49, v33;
	v34 =	vadd.f32 v52, v34  }
0xd0: {  	v59 =	vld [tilespmem:$0x190B0];
	v38 =	vmul.f32 v53, v38;
	v36 =	vadd.f32 v54, v36;
	v37 =	vadd.f32 v63, v37  }
0xd1: {  	v61 =	vmul.f32 $1.442695020e+00, v45;
	v48 =	vld.idx.msk [tilespmem:v48+s2+$0x0], $0xffff;
	v35 =	vadd.f32 v56, v35;
	v62 =	vadd.f32 v15, v4;
	[tilespmem:$0x19000] =	vst v29  }
0xd2: {  	v25 =	vmul.f32 v53, v25;
	v63 =	vadd.f32 v22, v18;
	v52 =	vadd.f32 v16, v17;
	[tilespmem:$0x19010] =	vst v30  }
0xd3: {  	v58 =	vld [tilespmem:$0x190A0];
	v40 =	vmul.f32 v53, v40;
	v54 =	vadd.f32 v10, v12;
	v56 =	vadd.f32 v5, v6;
	[tilespmem:$0x19020] =	vst v31  }
0xd4: {  	v25 =	vadd.f32 v55, v25;
	v29 =	vadd.f32 v57, v38;
	[tilespmem:$0x19030] =	vst v32  }
0xd5: {  	v60 =	vld [tilespmem:$0x190C0];
	(erf) = vpow2.f32 v61;
	v30 =	vadd.f32 v59, v40;
	[tilespmem:$0x19040] =	vst v33;
	v57 =	vadd.f32 v11, v7  }
0xd6: {  	v39 =	vmul.f32 v53, v39;
	[tilespmem:$0x19050] =	vst v34;
	v40 =	vadd.f32 v63, v62;
	v59 =	vadd.f32 v51, v50  }
0xd7: {  	[tilespmem:$0x19060] =	vst v36;
	v31 =	vadd.f32 v54, v52;
	v61 =	vadd.f32 v57, v56  }
0xd8: {  	v41 =	vmul.f32 v53, v41;
	v49 =	vld [tilespmem:$0x190D0];
	v38 =	vadd.f32 v58, v39;
	[tilespmem:$0x19070] =	vst v37;
	v62 =	vadd.f32 v8, v13  }
0xd9: {  	v58 =	vld [tilespmem:$0x190F0];
	[tilespmem:$0x19080] =	vst v35;
	v63 =	vadd.f32 v59, v40;
	v31 =	vadd.f32 v61, v31  }
0xda: {  	v28 =	vmul.f32 v53, v28;
	v39 =	vadd.f32 v60, v41;
	v60 =	vld [tilespmem:$0x19100];
	[tilespmem:$0x190E0] =	vst v25  }
0xdb: {  	v20 =	vmul.f32 v53, v20;
	v41 =	vld [tilespmem:$0x19120];
	[tilespmem:$0x19090] =	vst v29;
	v32 =	vadd.f32 v9, v62;
	v29 =	vadd.f32 v31, v63  }
0xdc: {  	v27 =	vmul.f32 v53, v27;
	v14 =	vmul.f32 v53, v14;
	[tilespmem:$0x190A0] =	vst v38;
	v40 =	vld [tilespmem:$0x19110]  }
0xdd: {  	v44 =	vshll.u32 v42, $0x4;
	[tilespmem:$0x190B0] =	vst v30;
	v28 =	vadd.f32 v49, v28;
	v29 =	vadd.f32 v32, v29  }
0xde: {  	v45 =	vmul.f32 v53, v26;
	v43 =	vpop (erf);
	v47 =	vor.u32 v1, v44;
	[tilespmem:$0x190C0] =	vst v39;
	v20 =	vadd.f32 v58, v20  }
0xdf: {  	v46 =	vmul.f32 v43, v53;
	v27 =	vadd.f32 v60, v27;
	[tilespmem:$0x190D0] =	vst v28;
	(erf) = vrcp.f32 v29  }
0xe0: {  	v49 =	vadd.f32 v41, v45;
	[tilespmem:$0x190F0] =	vst v20  }
0xe1: {  	v50 =	vadd.f32 v46, v46;
	v14 =	vadd.f32 v40, v14;
	[tilespmem:$0x19100] =	vst v27  }
0xe2: {  	[tilespmem:$0x19120] =	vst v49  }
0xe3: {  	v51 =	vsub.f32 $1.000000000e+00, v50;
	[tilespmem:$0x19110] =	vst v14  }
0xe4: {  	[tilespmem:v47+s14+$0x0] =	vst.idx.add.f32.msk $0xffff, v2  }
0xe5: {  	[tilespmem:v47+s15+$0x0] =	vst.idx.add.f32.msk $0xffff, v51  }
0xe6: {  	v14 =	vld [tilespmem:$0x19000]  }
0xe7: {  	v52 =	vld [tilespmem:$0x19010]  }
0xe8: {  	v53 =	vld [tilespmem:$0x19020];
	v26 =	vpop (erf)  }
0xe9: {  	v54 =	vld [tilespmem:$0x19030];
	v4 =	vmul.f32 v26, v4  }
0xea: {  	v28 =	vld [tilespmem:$0x19040];
	v15 =	vmul.f32 v26, v15  }
0xeb: {  	v55 =	vld [tilespmem:$0x19050];
	v56 =	vmul.f32 v26, v18;
	v4 =	vadd.f32 v14, v4  }
0xec: {  	v57 =	vld [tilespmem:$0x19060];
	v58 =	vmul.f32 v26, v22;
	v15 =	vadd.f32 v52, v15  }
0xed: {  	v59 =	vld [tilespmem:$0x19070];
	v61 =	vmul.f32 v26, v23;
	v60 =	vadd.f32 v53, v56;
	[tilespmem:$0x19000] =	vst v4  }
0xee: {  	v62 =	vld [tilespmem:$0x19080];
	v30 =	vmul.f32 v26, v24;
	v63 =	vadd.f32 v54, v58;
	[tilespmem:$0x19010] =	vst v15  }
0xef: {  	v35 =	vmul.f32 $1.442695020e+00, v48;
	v31 =	vld [tilespmem:$0x19090];
	v33 =	vmul.f32 v26, v21;
	v32 =	vadd.f32 v28, v61;
	[tilespmem:$0x19020] =	vst v60  }
0xf0: {  	v34 =	vld [tilespmem:$0x190A0];
	v19 =	vmul.f32 v26, v19;
	v36 =	vadd.f32 v55, v30;
	[tilespmem:$0x19030] =	vst v63  }
0xf1: {  	v37 =	vld [tilespmem:$0x190B0];
	(erf) = vpow2.f32 v35;
	v39 =	vmul.f32 v26, v17;
	v38 =	vadd.f32 v57, v33;
	[tilespmem:$0x19040] =	vst v32  }
0xf2: {  	v40 =	vld [tilespmem:$0x190C0];
	v16 =	vmul.f32 v26, v16;
	v41 =	vadd.f32 v59, v19;
	[tilespmem:$0x19050] =	vst v36  }
0xf3: {  	v42 =	vld [tilespmem:$0x190D0];
	v12 =	vmul.f32 v26, v12;
	v43 =	vadd.f32 v62, v39;
	[tilespmem:$0x19060] =	vst v38  }
0xf4: {  	v44 =	vld [tilespmem:$0x190E0];
	v10 =	vmul.f32 v26, v10;
	v45 =	vadd.f32 v31, v16;
	[tilespmem:$0x19070] =	vst v41  }
0xf5: {  	v46 =	vld [tilespmem:$0x190F0];
	v6 =	vmul.f32 v26, v6;
	v47 =	vadd.f32 v34, v12;
	[tilespmem:$0x19080] =	vst v43  }
0xf6: {  	v48 =	vld [tilespmem:$0x19100];
	v5 =	vmul.f32 v26, v5;
	v10 =	vadd.f32 v37, v10;
	[tilespmem:$0x19090] =	vst v45  }
0xf7: {  	v50 =	vmul.f32 v26, v7;
	v49 =	vadd.f32 v40, v6;
	v52 =	vld [tilespmem:$0x19110];
	[tilespmem:$0x190A0] =	vst v47  }
0xf8: {  	v51 =	vmul.f32 v26, v11;
	v5 =	vadd.f32 v42, v5;
	v54 =	vld [tilespmem:$0x19120];
	[tilespmem:$0x190B0] =	vst v10  }
0xf9: {  	v3 =	vshll.u32 v3, $0x4;
	v53 =	vmul.f32 v26, v13;
	v55 =	vadd.f32 v44, v50;
	[tilespmem:$0x190C0] =	vst v49  }
0xfa: {  	v3 =	vor.u32 v1, v3;
	v56 =	vadd.f32 v46, v51;
	v58 =	vmul.f32 v26, v8;
	[tilespmem:$0x190D0] =	vst v5;
	v59 =	vpop (erf)  }
0xfb: {  	v57 =	vadd.f32 v48, v53;
	[tilespmem:$0x190E0] =	vst v55;
	v60 =	vmul.f32 v26, v9;
	v8 =	vmul.f32 v59, v26  }
0xfc: {  	p0 =	sne.s32 s21, $0x7E0;
	[tilespmem:$0x190F0] =	vst v56;
	v61 =	vadd.f32 v52, v58  }
.Ltmp0:
0xfd: {  	[tilespmem:$0x19100] =	vst v57;
	v4 =	vadd.f32 v54, v60;
	v62 =	vadd.f32 v8, v8;
	(pc) =	sbr.rel @p0 .LBB2_2-.Ltmp0, $4  }
0xfe: {  	[tilespmem:$0x19110] =	vst v61  }
0xff: {  	[tilespmem:$0x19120] =	vst v4;
	v63 =	vsub.f32 $1.000000000e+00, v62  }
0x100: {  	[tilespmem:v3+s14+$0x0] =	vst.idx.add.f32.msk $0xffff, v2  }
0x101: {  	s20 =	sadd.s32 $0x100, s20;
	s21 =	sadd.s32 $0x20, s21;
	s19 =	sadd.s32 $0x20, s19;
	[tilespmem:v3+s15+$0x0] =	vst.idx.add.f32.msk $0xffff, v63  }
0x102: {  	_ =	swait.ge [sflag:s16], $0xC000  }
0x103: {  	[sflag:s16] =	ssyncset.done $0x0  }
0x104: {  	[sflag:s16] =	ssyncadd.s32 $0xFFFF4000  }
0x105: {  	_ =	swait.ge [sflag:s17], $0x800  }
0x106: {  	s19 =	simm.s32 $0x0;
	[sflag:s17] =	ssyncset.done $0x0  }
0x107: {  	s1 =	simm.s32 $0x18000;
	s0 =	rddreg [dreg:$0x8];
	[sflag:s17] =	ssyncadd.s32 $0xFFFFF800  }
0x108: {  	[tilespmem:s19], [sflag:$0x1] =	stream.strided.gather [hbm4b:s0+s9], $0xC000, s10, s9, $0x38;
	[tilespmem:$0x19480] =	vst v63  }
0x109: {  	s20 =	simm.s32 $0x18810;
	s21 =	simm.s32 $0x0;
	s31 =	rddreg [dreg:$0x9]  }
0x10a: {  	[tilespmem:s1], [sflag:$0x3] =	stream.linear.gather [hbm4b:s31+s19], $0x800, $0x38;
	[tilespmem:$0x19480] =	vst v63  }
.LBB2_4:
0x10b: {  	s25 =	sand.u32 $0x3C00, s19  }
0x10c: {  	s30 =	sand.u32 $0x60, s21;
	s5 =	sor.u32 $0xC000, s25  }
0x10d: {  	s0 =	sor.u32 s30, s5  }
0x10e: {  	v3 =	vld [tilespmem:s0+$0x0]  }
0x10f: {  	v4 =	vld [tilespmem:s0+$0x80]  }
0x110: {  	v5 =	vld [tilespmem:s0+$0x100]  }
0x111: {  	v6 =	vld [tilespmem:s0+$0x180]  }
0x112: {  	v7 =	vld [tilespmem:s0+$0x200]  }
0x113: {  	v8 =	vld [tilespmem:s0+$0x280];
	v3 =	vmul.f32 $1.442695020e+00, v3  }
0x114: {  	s1 =	sor.u32 $0x10000, s25;
	v9 =	vld [tilespmem:s0+$0x300];
	v4 =	vmul.f32 $1.442695020e+00, v4  }
0x115: {  	s3 =	sor.u32 $0x10080, s25;
	s24 =	sor.u32 s30, s1;
	v34 =	vld [tilespmem:s0+$0x380];
	(erf) = vpow2.f32 v3;
	v3 =	vmul.f32 $1.442695020e+00, v5  }
0x116: {  	s4 =	sor.u32 $0x10100, s25;
	s26 =	sor.u32 s30, s3;
	v36 =	vld [tilespmem:s24+$0x0];
	v35 =	vmul.f32 $1.442695020e+00, v6;
	(erf) = vpow2.f32 v4  }
0x117: {  	s6 =	sor.u32 s30, s4;
	v37 =	vld [tilespmem:s26+$0x0];
	s0 =	sor.u32 $0x10180, s25;
	(erf) = vpow2.f32 v3;
	v3 =	vmul.f32 $1.442695020e+00, v7  }
0x118: {  	s31 =	sor.u32 $0x10200, s25;
	v39 =	vld [tilespmem:s6+$0x0];
	s28 =	sor.u32 s30, s0;
	v38 =	vmul.f32 $1.442695020e+00, v8;
	(erf) = vpow2.f32 v35  }
0x119: {  	s29 =	sor.u32 s30, s31;
	s26 =	sor.u32 $0x10280, s25;
	v40 =	vld [tilespmem:s28+$0x0];
	(erf) = vpow2.f32 v3;
	v3 =	vmul.f32 $1.442695020e+00, v9  }
0x11a: {  	v42 =	vld [tilespmem:s29+$0x0];
	s22 =	sor.u32 s30, s26;
	s28 =	sor.u32 $0x10300, s25;
	v41 =	vmul.f32 $1.442695020e+00, v34;
	(erf) = vpow2.f32 v38  }
0x11b: {  	s29 =	sor.u32 $0x10380, s25;
	v43 =	vld [tilespmem:s22+$0x0];
	s23 =	sor.u32 s30, s28;
	(erf) = vpow2.f32 v3;
	v3 =	vmul.f32 $1.442695020e+00, v36  }
0x11c: {  	s24 =	sor.u32 s30, s29;
	v45 =	vld [tilespmem:s23+$0x0];
	s23 =	sor.u32 $0x14000, s25;
	v44 =	vmul.f32 $1.442695020e+00, v37;
	(erf) = vpow2.f32 v41  }
0x11d: {  	v46 =	vld [tilespmem:s24+$0x0];
	s24 =	sor.u32 $0x14080, s25;
	s6 =	sor.u32 s30, s23;
	(erf) = vpow2.f32 v3;
	v3 =	vmul.f32 $1.442695020e+00, v39  }
0x11e: {  	s22 =	sadd.s32 $0x10, s21;
	s25 =	sor.u32 $0x14100, s25;
	v48 =	vld [tilespmem:s6+$0x0];
	s6 =	sor.u32 s30, s24;
	v47 =	vmul.f32 $1.442695020e+00, v40;
	(erf) = vpow2.f32 v44  }
0x11f: {  	v49 =	vld [tilespmem:s6+$0x0];
	s6 =	sor.u32 s30, s25;
	s30 =	sand.u32 $0x70, s22;
	(erf) = vpow2.f32 v3;
	v3 =	vmul.f32 $1.442695020e+00, v42  }
0x120: {  	v50 =	vmul.f32 $1.442695020e+00, v43;
	v51 =	vld [tilespmem:s6+$0x0];
	s5 =	sor.u32 s30, s5;
	v29 =	vpop (erf);
	(erf) = vpow2.f32 v47  }
0x121: {  	v52 =	vld [tilespmem:s5+$0x0];
	(erf) = vpow2.f32 v3;
	v3 =	vmul.f32 $1.442695020e+00, v45  }
0x122: {  	v53 =	vmul.f32 $1.442695020e+00, v46;
	v54 =	vld [tilespmem:s5+$0x80];
	v30 =	vpop (erf);
	(erf) = vpow2.f32 v50  }
0x123: {  	v55 =	vld [tilespmem:s5+$0x100];
	v31 =	vpop (erf);
	(erf) = vpow2.f32 v3;
	v3 =	vmul.f32 $1.442695020e+00, v48  }
0x124: {  	v57 =	vld [tilespmem:s5+$0x180];
	v56 =	vmul.f32 $1.442695020e+00, v49;
	v32 =	vpop (erf);
	(erf) = vpow2.f32 v53  }
0x125: {  	v58 =	vld [tilespmem:s5+$0x200];
	v33 =	vpop (erf);
	(erf) = vpow2.f32 v3;
	v3 =	vmul.f32 $1.442695020e+00, v51  }
0x126: {  	v60 =	vld [tilespmem:s5+$0x280];
	v59 =	vmul.f32 $1.442695020e+00, v52;
	v34 =	vpop (erf);
	(erf) = vpow2.f32 v56  }
0x127: {  	v61 =	vld [tilespmem:s5+$0x300];
	v36 =	vpop (erf);
	(erf) = vpow2.f32 v3;
	v3 =	vmul.f32 $1.442695020e+00, v54  }
0x128: {  	s1 =	sor.u32 s30, s1;
	v63 =	vld [tilespmem:s5+$0x380];
	v62 =	vmul.f32 $1.442695020e+00, v55;
	v37 =	vpop (erf);
	(erf) = vpow2.f32 v59  }
0x129: {  	s6 =	sor.u32 s30, s3;
	v12 =	vld [tilespmem:s1+$0x0];
	v35 =	vpop (erf);
	(erf) = vpow2.f32 v3;
	v3 =	vmul.f32 $1.442695020e+00, v57  }
0x12a: {  	v14 =	vld [tilespmem:s6+$0x0];
	v13 =	vmul.f32 $1.442695020e+00, v58;
	v38 =	vpop (erf);
	(erf) = vpow2.f32 v62  }
0x12b: {  	s3 =	sor.u32 s30, s4;
	v39 =	vpop (erf);
	(erf) = vpow2.f32 v3;
	v3 =	vmul.f32 $1.442695020e+00, v60  }
0x12c: {  	s4 =	sor.u32 s30, s31;
	v15 =	vld [tilespmem:s3+$0x0];
	v16 =	vmul.f32 $1.442695020e+00, v61;
	v40 =	vpop (erf);
	(erf) = vpow2.f32 v13  }
0x12d: {  	s0 =	sor.u32 s30, s0;
	v43 =	vld [tilespmem:s4+$0x0];
	v41 =	vpop (erf);
	(erf) = vpow2.f32 v3;
	v3 =	vmul.f32 $1.442695020e+00, v63  }
0x12e: {  	s6 =	sor.u32 s30, s28;
	v17 =	vmul.f32 $1.442695020e+00, v12;
	v42 =	vld [tilespmem:s0+$0x0];
	v28 =	vpop (erf);
	(erf) = vpow2.f32 v16  }
0x12f: {  	v45 =	vld [tilespmem:s6+$0x0];
	v25 =	vpop (erf);
	(erf) = vpow2.f32 v3;
	v3 =	vmul.f32 $1.442695020e+00, v14  }
0x130: {  	s5 =	sor.u32 s30, s26;
	v20 =	vpop (erf);
	(erf) = vpow2.f32 v17  }
0x131: {  	v46 =	vadd.f32 v30, v29;
	v47 =	vadd.f32 v32, v31;
	v27 =	vpop (erf);
	(erf) = vpow2.f32 v3;
	v3 =	vld [tilespmem:s5+$0x0]  }
0x132: {  	s26 =	sor.u32 s30, s29;
	v6 =	vmul.f32 $1.442695020e+00, v43;
	v44 =	vmul.f32 $1.442695020e+00, v15;
	v11 =	vadd.f32 v34, v33  }
0x133: {  	v10 =	vld [tilespmem:s26+$0x0];
	v5 =	vmul.f32 $1.442695020e+00, v42;
	v8 =	vadd.f32 v47, v46;
	v12 =	vadd.f32 v37, v36;
	v14 =	vpop (erf)  }
0x134: {  	s28 =	sor.u32 s30, s23;
	v7 =	vmul.f32 $1.442695020e+00, v45;
	v48 =	vadd.f32 v38, v35;
	v13 =	vadd.f32 v40, v39;
	v26 =	vpop (erf)  }
0x135: {  	s29 =	sor.u32 s30, s24;
	v49 =	vld [tilespmem:s28+$0x0];
	v16 =	vadd.f32 v28, v41;
	v17 =	vadd.f32 v20, v25;
	v4 =	vpop (erf);
	(erf) = vpow2.f32 v44  }
0x136: {  	s31 =	sor.u32 s30, s25;
	v19 =	vld [tilespmem:s29+$0x0];
	v50 =	vadd.f32 v12, v11;
	v15 =	vpop (erf);
	(erf) = vpow2.f32 v5;
	v3 =	vmul.f32 $1.442695020e+00, v3  }
0x137: {  	v51 =	vld [tilespmem:s31+$0x0];
	v52 =	vadd.f32 v17, v16;
	v18 =	vpop (erf);
	v5 =	vadd.f32 v13, v48;
	(erf) = vpow2.f32 v6  }
0x138: {  	v54 =	vadd.f32 v50, v8;
	v22 =	vpop (erf);
	(erf) = vpow2.f32 v3;
	v3 =	vmul.f32 $1.442695020e+00, v10  }
0x139: {  	v53 =	vadd.f32 v14, v27;
	v23 =	vpop (erf);
	v5 =	vadd.f32 v52, v5;
	(erf) = vpow2.f32 v7  }
0x13a: {  	v42 =	vld [tilespmem:s20+$0xFFFFFFF0];
	v24 =	vpop (erf);
	(erf) = vpow2.f32 v3;
	v3 =	vmul.f32 $1.442695020e+00, v49  }
0x13b: {  	v55 =	vmul.f32 $1.442695020e+00, v19;
	v56 =	vadd.f32 v26, v53;
	v21 =	vpop (erf);
	v5 =	vadd.f32 v5, v54  }
0x13c: {  	v58 =	vor.u32 s21, v1;
	v19 =	vpop (erf);
	(erf) = vpow2.f32 v3;
	v3 =	vmul.f32 $1.442695020e+00, v51  }
0x13d: {  	v57 =	vmov s21;
	v17 =	vpop (erf);
	v5 =	vadd.f32 v56, v5;
	(erf) = vpow2.f32 v55  }
0x13e: {  	v59 =	vshll.u32 v57, $0x3;
	v8 =	vand.u32 $0x6F, v58;
	v16 =	vpop (erf);
	(erf) = vpow2.f32 v3  }
0x13f: {  	v60 =	vshll.u32 v42, $0xB;
	v9 =	vand.u32 $0x3C00, v59;
	v12 =	vpop (erf);
	(erf) = vrcp.f32 v5  }
0x140: {  	v46 =	vshll.u32 v42, $0x7;
	v45 =	vand.u32 $0xFFFFC000, v60;
	v8 =	vor.u32 v9, v8;
	v10 =	vpop (erf)  }
0x141: {  	v43 =	vld [tilespmem:$0x19000];
	v61 =	vand.u32 $0x380, v46;
	v45 =	vor.u32 v45, v8;
	v6 =	vpop (erf)  }
0x142: {  	v45 =	vor.u32 v61, v45;
	v3 =	vld [tilespmem:s20+$0x0];
	v5 =	vpop (erf)  }
0x143: {  	v47 =	vld [tilespmem:$0x19020];
	v7 =	vpop (erf)  }
0x144: {  	v62 =	vld [tilespmem:$0x19030];
	v48 =	vmov s22;
	v11 =	vpop (erf)  }
0x145: {  	v50 =	vor.u32 s22, v1;
	v63 =	vld [tilespmem:$0x19070];
	v48 =	vshll.u32 v48, $0x3;
	v13 =	vpop (erf)  }
0x146: {  	v50 =	vand.u32 $0x7F, v50;
	v44 =	vld [tilespmem:$0x19010];
	v48 =	vand.u32 $0x3C00, v48;
	v8 =	vpop (erf)  }
0x147: {  	v45 =	vld.idx.msk [tilespmem:v45+s13+$0x0], $0xffff;
	v48 =	vor.u32 v48, v50;
	v51 =	vshll.u32 v3, $0xB;
	v55 =	vshll.u32 v3, $0x7;
	v9 =	vpop (erf)  }
0x148: {  	v52 =	vld [tilespmem:$0x19050];
	v50 =	vadd.f32 v24, v23;
	v51 =	vand.u32 $0xFFFFC000, v51;
	v55 =	vand.u32 $0x380, v55;
	v53 =	vpop (erf)  }
0x149: {  	v49 =	vld [tilespmem:$0x19040];
	v48 =	vor.u32 v51, v48;
	v29 =	vmul.f32 v53, v29;
	v30 =	vmul.f32 v53, v30  }
0x14a: {  	v54 =	vld [tilespmem:$0x19060];
	v51 =	vadd.f32 v19, v21;
	v31 =	vmul.f32 v53, v31;
	v32 =	vmul.f32 v53, v32  }
0x14b: {  	v56 =	vld [tilespmem:$0x19080];
	v48 =	vor.u32 v55, v48;
	v33 =	vmul.f32 v53, v33;
	v34 =	vmul.f32 v53, v34  }
0x14c: {  	v36 =	vmul.f32 v53, v36;
	v29 =	vadd.f32 v43, v29;
	v30 =	vadd.f32 v44, v30  }
0x14d: {  	v57 =	vld [tilespmem:$0x19090];
	v37 =	vmul.f32 v53, v37;
	v31 =	vadd.f32 v47, v31;
	v32 =	vadd.f32 v62, v32  }
0x14e: {  	v55 =	vld [tilespmem:$0x190E0];
	v35 =	vmul.f32 v53, v35;
	v33 =	vadd.f32 v49, v33;
	v34 =	vadd.f32 v52, v34  }
0x14f: {  	v59 =	vld [tilespmem:$0x190B0];
	v38 =	vmul.f32 v53, v38;
	v36 =	vadd.f32 v54, v36;
	v37 =	vadd.f32 v63, v37  }
0x150: {  	v61 =	vmul.f32 $1.442695020e+00, v45;
	v48 =	vld.idx.msk [tilespmem:v48+s13+$0x0], $0xffff;
	v35 =	vadd.f32 v56, v35;
	v62 =	vadd.f32 v15, v4;
	[tilespmem:$0x19000] =	vst v29  }
0x151: {  	v25 =	vmul.f32 v53, v25;
	v63 =	vadd.f32 v22, v18;
	v52 =	vadd.f32 v16, v17;
	[tilespmem:$0x19010] =	vst v30  }
0x152: {  	v58 =	vld [tilespmem:$0x190A0];
	v40 =	vmul.f32 v53, v40;
	v54 =	vadd.f32 v10, v12;
	v56 =	vadd.f32 v5, v6;
	[tilespmem:$0x19020] =	vst v31  }
0x153: {  	v25 =	vadd.f32 v55, v25;
	v29 =	vadd.f32 v57, v38;
	[tilespmem:$0x19030] =	vst v32  }
0x154: {  	v60 =	vld [tilespmem:$0x190C0];
	(erf) = vpow2.f32 v61;
	v30 =	vadd.f32 v59, v40;
	[tilespmem:$0x19040] =	vst v33;
	v57 =	vadd.f32 v11, v7  }
0x155: {  	v39 =	vmul.f32 v53, v39;
	[tilespmem:$0x19050] =	vst v34;
	v40 =	vadd.f32 v63, v62;
	v59 =	vadd.f32 v51, v50  }
0x156: {  	[tilespmem:$0x19060] =	vst v36;
	v31 =	vadd.f32 v54, v52;
	v61 =	vadd.f32 v57, v56  }
0x157: {  	v41 =	vmul.f32 v53, v41;
	v49 =	vld [tilespmem:$0x190D0];
	v38 =	vadd.f32 v58, v39;
	[tilespmem:$0x19070] =	vst v37;
	v62 =	vadd.f32 v8, v13  }
0x158: {  	v58 =	vld [tilespmem:$0x190F0];
	[tilespmem:$0x19080] =	vst v35;
	v63 =	vadd.f32 v59, v40;
	v31 =	vadd.f32 v61, v31  }
0x159: {  	v28 =	vmul.f32 v53, v28;
	v39 =	vadd.f32 v60, v41;
	v60 =	vld [tilespmem:$0x19100];
	[tilespmem:$0x190E0] =	vst v25  }
0x15a: {  	v20 =	vmul.f32 v53, v20;
	v41 =	vld [tilespmem:$0x19120];
	[tilespmem:$0x19090] =	vst v29;
	v32 =	vadd.f32 v9, v62;
	v29 =	vadd.f32 v31, v63  }
0x15b: {  	v27 =	vmul.f32 v53, v27;
	v14 =	vmul.f32 v53, v14;
	[tilespmem:$0x190A0] =	vst v38;
	v40 =	vld [tilespmem:$0x19110]  }
0x15c: {  	v44 =	vshll.u32 v42, $0x4;
	[tilespmem:$0x190B0] =	vst v30;
	v28 =	vadd.f32 v49, v28;
	v29 =	vadd.f32 v32, v29  }
0x15d: {  	v45 =	vmul.f32 v53, v26;
	v43 =	vpop (erf);
	v47 =	vor.u32 v1, v44;
	[tilespmem:$0x190C0] =	vst v39;
	v20 =	vadd.f32 v58, v20  }
0x15e: {  	v46 =	vmul.f32 v43, v53;
	v27 =	vadd.f32 v60, v27;
	[tilespmem:$0x190D0] =	vst v28;
	(erf) = vrcp.f32 v29  }
0x15f: {  	v49 =	vadd.f32 v41, v45;
	[tilespmem:$0x190F0] =	vst v20  }
0x160: {  	v50 =	vadd.f32 v46, v46;
	v14 =	vadd.f32 v40, v14;
	[tilespmem:$0x19100] =	vst v27  }
0x161: {  	[tilespmem:$0x19120] =	vst v49  }
0x162: {  	v51 =	vsub.f32 $1.000000000e+00, v50;
	[tilespmem:$0x19110] =	vst v14  }
0x163: {  	[tilespmem:v47+s14+$0x0] =	vst.idx.add.f32.msk $0xffff, v2  }
0x164: {  	[tilespmem:v47+s15+$0x0] =	vst.idx.add.f32.msk $0xffff, v51  }
0x165: {  	v14 =	vld [tilespmem:$0x19000]  }
0x166: {  	v52 =	vld [tilespmem:$0x19010]  }
0x167: {  	v53 =	vld [tilespmem:$0x19020];
	v26 =	vpop (erf)  }
0x168: {  	v54 =	vld [tilespmem:$0x19030];
	v4 =	vmul.f32 v26, v4  }
0x169: {  	v28 =	vld [tilespmem:$0x19040];
	v15 =	vmul.f32 v26, v15  }
0x16a: {  	v55 =	vld [tilespmem:$0x19050];
	v56 =	vmul.f32 v26, v18;
	v4 =	vadd.f32 v14, v4  }
0x16b: {  	v57 =	vld [tilespmem:$0x19060];
	v58 =	vmul.f32 v26, v22;
	v15 =	vadd.f32 v52, v15  }
0x16c: {  	v59 =	vld [tilespmem:$0x19070];
	v61 =	vmul.f32 v26, v23;
	v60 =	vadd.f32 v53, v56;
	[tilespmem:$0x19000] =	vst v4  }
0x16d: {  	v62 =	vld [tilespmem:$0x19080];
	v30 =	vmul.f32 v26, v24;
	v63 =	vadd.f32 v54, v58;
	[tilespmem:$0x19010] =	vst v15  }
0x16e: {  	v35 =	vmul.f32 $1.442695020e+00, v48;
	v31 =	vld [tilespmem:$0x19090];
	v33 =	vmul.f32 v26, v21;
	v32 =	vadd.f32 v28, v61;
	[tilespmem:$0x19020] =	vst v60  }
0x16f: {  	v34 =	vld [tilespmem:$0x190A0];
	v19 =	vmul.f32 v26, v19;
	v36 =	vadd.f32 v55, v30;
	[tilespmem:$0x19030] =	vst v63  }
0x170: {  	v37 =	vld [tilespmem:$0x190B0];
	(erf) = vpow2.f32 v35;
	v39 =	vmul.f32 v26, v17;
	v38 =	vadd.f32 v57, v33;
	[tilespmem:$0x19040] =	vst v32  }
0x171: {  	v40 =	vld [tilespmem:$0x190C0];
	v16 =	vmul.f32 v26, v16;
	v41 =	vadd.f32 v59, v19;
	[tilespmem:$0x19050] =	vst v36  }
0x172: {  	v42 =	vld [tilespmem:$0x190D0];
	v12 =	vmul.f32 v26, v12;
	v43 =	vadd.f32 v62, v39;
	[tilespmem:$0x19060] =	vst v38  }
0x173: {  	v44 =	vld [tilespmem:$0x190E0];
	v10 =	vmul.f32 v26, v10;
	v45 =	vadd.f32 v31, v16;
	[tilespmem:$0x19070] =	vst v41  }
0x174: {  	v46 =	vld [tilespmem:$0x190F0];
	v6 =	vmul.f32 v26, v6;
	v47 =	vadd.f32 v34, v12;
	[tilespmem:$0x19080] =	vst v43  }
0x175: {  	v48 =	vld [tilespmem:$0x19100];
	v5 =	vmul.f32 v26, v5;
	v10 =	vadd.f32 v37, v10;
	[tilespmem:$0x19090] =	vst v45  }
0x176: {  	v50 =	vmul.f32 v26, v7;
	v49 =	vadd.f32 v40, v6;
	v52 =	vld [tilespmem:$0x19110];
	[tilespmem:$0x190A0] =	vst v47  }
0x177: {  	v51 =	vmul.f32 v26, v11;
	v5 =	vadd.f32 v42, v5;
	v54 =	vld [tilespmem:$0x19120];
	[tilespmem:$0x190B0] =	vst v10  }
0x178: {  	v3 =	vshll.u32 v3, $0x4;
	v53 =	vmul.f32 v26, v13;
	v55 =	vadd.f32 v44, v50;
	[tilespmem:$0x190C0] =	vst v49  }
0x179: {  	v3 =	vor.u32 v1, v3;
	v56 =	vadd.f32 v46, v51;
	v58 =	vmul.f32 v26, v8;
	[tilespmem:$0x190D0] =	vst v5;
	v59 =	vpop (erf)  }
0x17a: {  	v57 =	vadd.f32 v48, v53;
	[tilespmem:$0x190E0] =	vst v55;
	v60 =	vmul.f32 v26, v9;
	v8 =	vmul.f32 v59, v26  }
0x17b: {  	p0 =	sne.s32 s21, $0x7E0;
	[tilespmem:$0x190F0] =	vst v56;
	v61 =	vadd.f32 v52, v58  }
.Ltmp1:
0x17c: {  	[tilespmem:$0x19100] =	vst v57;
	v4 =	vadd.f32 v54, v60;
	v62 =	vadd.f32 v8, v8;
	(pc) =	sbr.rel @p0 .LBB2_4-.Ltmp1, $4  }
0x17d: {  	[tilespmem:$0x19110] =	vst v61  }
0x17e: {  	[tilespmem:$0x19120] =	vst v4;
	v63 =	vsub.f32 $1.000000000e+00, v62  }
0x17f: {  	[tilespmem:v3+s14+$0x0] =	vst.idx.add.f32.msk $0xffff, v2  }
0x180: {  	s19 =	sadd.s32 $0x100, s19;
	s21 =	sadd.s32 $0x20, s21;
	s20 =	sadd.s32 $0x20, s20;
	[tilespmem:v3+s15+$0x0] =	vst.idx.add.f32.msk $0xffff, v63  }
0x181: {  	_ =	swait.ge [sflag:s11], $0xC000  }
0x182: {  	[sflag:s11] =	ssyncset.done $0x0  }
0x183: {  	[sflag:s11] =	ssyncadd.s32 $0xFFFF4000  }
0x184: {  	_ =	swait.ge [sflag:s12], $0x800  }
0x185: {  	s19 =	simm.s32 $0x0;
	[sflag:s12] =	ssyncset.done $0x0  }
0x186: {  	s1 =	simm.s32 $0x18800;
	s0 =	rddreg [dreg:$0xa];
	[sflag:s12] =	ssyncadd.s32 $0xFFFFF800  }
0x187: {  	[tilespmem:s13], [sflag:$0x2] =	stream.strided.gather [hbm4b:s0+s9], $0xC000, s10, s9, $0x38;
	[tilespmem:$0x19480] =	vst v63  }
0x188: {  	s20 =	simm.s32 $0x18010;
	s21 =	simm.s32 $0x0;
	s31 =	rddreg [dreg:$0xb]  }
0x189: {  	[tilespmem:s1], [sflag:$0x4] =	stream.linear.gather [hbm4b:s31+s19], $0x800, $0x38;
	[tilespmem:$0x19480] =	vst v63  }
.LBB2_6:
0x18a: {  	s30 =	sand.u32 $0x60, s21;
	s5 =	sand.u32 $0x3C00, s19  }
0x18b: {  	s0 =	sor.u32 s30, s5  }
0x18c: {  	v3 =	vld [tilespmem:s0+$0x0]  }
0x18d: {  	v4 =	vld [tilespmem:s0+$0x80]  }
0x18e: {  	v5 =	vld [tilespmem:s0+$0x100]  }
0x18f: {  	v6 =	vld [tilespmem:s0+$0x180]  }
0x190: {  	v7 =	vld [tilespmem:s0+$0x200]  }
0x191: {  	v8 =	vld [tilespmem:s0+$0x280];
	v3 =	vmul.f32 $1.442695020e+00, v3  }
0x192: {  	s1 =	sor.u32 $0x4000, s5;
	v9 =	vld [tilespmem:s0+$0x300];
	v4 =	vmul.f32 $1.442695020e+00, v4  }
0x193: {  	s3 =	sor.u32 $0x4080, s5;
	v34 =	vld [tilespmem:s0+$0x380];
	s25 =	sor.u32 s30, s1;
	(erf) = vpow2.f32 v3;
	v3 =	vmul.f32 $1.442695020e+00, v5  }
0x194: {  	s4 =	sor.u32 $0x4100, s5;
	s26 =	sor.u32 s30, s3;
	v36 =	vld [tilespmem:s25+$0x0];
	v35 =	vmul.f32 $1.442695020e+00, v6;
	(erf) = vpow2.f32 v4  }
0x195: {  	s6 =	sor.u32 s30, s4;
	s0 =	sor.u32 $0x4180, s5;
	v37 =	vld [tilespmem:s26+$0x0];
	(erf) = vpow2.f32 v3;
	v3 =	vmul.f32 $1.442695020e+00, v7  }
0x196: {  	s31 =	sor.u32 $0x4200, s5;
	v39 =	vld [tilespmem:s6+$0x0];
	s28 =	sor.u32 s30, s0;
	v38 =	vmul.f32 $1.442695020e+00, v8;
	(erf) = vpow2.f32 v35  }
0x197: {  	s29 =	sor.u32 s30, s31;
	s26 =	sor.u32 $0x4280, s5;
	v40 =	vld [tilespmem:s28+$0x0];
	(erf) = vpow2.f32 v3;
	v3 =	vmul.f32 $1.442695020e+00, v9  }
0x198: {  	v42 =	vld [tilespmem:s29+$0x0];
	s22 =	sor.u32 s30, s26;
	s28 =	sor.u32 $0x4300, s5;
	v41 =	vmul.f32 $1.442695020e+00, v34;
	(erf) = vpow2.f32 v38  }
0x199: {  	s29 =	sor.u32 $0x4380, s5;
	v43 =	vld [tilespmem:s22+$0x0];
	s23 =	sor.u32 s30, s28;
	(erf) = vpow2.f32 v3;
	v3 =	vmul.f32 $1.442695020e+00, v36  }
0x19a: {  	s24 =	sor.u32 s30, s29;
	v45 =	vld [tilespmem:s23+$0x0];
	s23 =	sor.u32 $0x8000, s5;
	v44 =	vmul.f32 $1.442695020e+00, v37;
	(erf) = vpow2.f32 v41  }
0x19b: {  	v46 =	vld [tilespmem:s24+$0x0];
	s24 =	sor.u32 $0x8080, s5;
	s25 =	sor.u32 s30, s23;
	(erf) = vpow2.f32 v3;
	v3 =	vmul.f32 $1.442695020e+00, v39  }
0x19c: {  	s22 =	sadd.s32 $0x10, s21;
	s6 =	sor.u32 s30, s24;
	v48 =	vld [tilespmem:s25+$0x0];
	s25 =	sor.u32 $0x8100, s5;
	v47 =	vmul.f32 $1.442695020e+00, v40;
	(erf) = vpow2.f32 v44  }
0x19d: {  	v49 =	vld [tilespmem:s6+$0x0];
	s6 =	sor.u32 s30, s25;
	s30 =	sand.u32 $0x70, s22;
	(erf) = vpow2.f32 v3;
	v3 =	vmul.f32 $1.442695020e+00, v42  }
0x19e: {  	v10 =	vld [tilespmem:s6+$0x0];
	v50 =	vmul.f32 $1.442695020e+00, v43;
	s5 =	sor.u32 s30, s5;
	v29 =	vpop (erf);
	(erf) = vpow2.f32 v47  }
0x19f: {  	v51 =	vld [tilespmem:s5+$0x0];
	(erf) = vpow2.f32 v3;
	v3 =	vmul.f32 $1.442695020e+00, v45  }
0x1a0: {  	v52 =	vmul.f32 $1.442695020e+00, v46;
	v53 =	vld [tilespmem:s5+$0x80];
	v30 =	vpop (erf);
	(erf) = vpow2.f32 v50  }
0x1a1: {  	v54 =	vld [tilespmem:s5+$0x100];
	v31 =	vpop (erf);
	(erf) = vpow2.f32 v3;
	v3 =	vmul.f32 $1.442695020e+00, v48  }
0x1a2: {  	v56 =	vld [tilespmem:s5+$0x180];
	v55 =	vmul.f32 $1.442695020e+00, v49;
	v32 =	vpop (erf);
	(erf) = vpow2.f32 v52  }
0x1a3: {  	v57 =	vld [tilespmem:s5+$0x200];
	v33 =	vpop (erf);
	(erf) = vpow2.f32 v3;
	v3 =	vmul.f32 $1.442695020e+00, v10  }
0x1a4: {  	v59 =	vld [tilespmem:s5+$0x280];
	v58 =	vmul.f32 $1.442695020e+00, v51;
	v34 =	vpop (erf);
	(erf) = vpow2.f32 v55  }
0x1a5: {  	v60 =	vld [tilespmem:s5+$0x300];
	v36 =	vpop (erf);
	(erf) = vpow2.f32 v3;
	v3 =	vmul.f32 $1.442695020e+00, v53  }
0x1a6: {  	s1 =	sor.u32 s30, s1;
	v62 =	vld [tilespmem:s5+$0x380];
	v61 =	vmul.f32 $1.442695020e+00, v54;
	v37 =	vpop (erf);
	(erf) = vpow2.f32 v58  }
0x1a7: {  	s6 =	sor.u32 s30, s3;
	v63 =	vld [tilespmem:s1+$0x0];
	v35 =	vpop (erf);
	(erf) = vpow2.f32 v3;
	v3 =	vmul.f32 $1.442695020e+00, v56  }
0x1a8: {  	v13 =	vld [tilespmem:s6+$0x0];
	v12 =	vmul.f32 $1.442695020e+00, v57;
	v38 =	vpop (erf);
	(erf) = vpow2.f32 v61  }
0x1a9: {  	s3 =	sor.u32 s30, s4;
	v39 =	vpop (erf);
	(erf) = vpow2.f32 v3;
	v3 =	vmul.f32 $1.442695020e+00, v59  }
0x1aa: {  	s0 =	sor.u32 s30, s0;
	v14 =	vld [tilespmem:s3+$0x0];
	v15 =	vmul.f32 $1.442695020e+00, v60;
	v40 =	vpop (erf);
	(erf) = vpow2.f32 v12  }
0x1ab: {  	v17 =	vld [tilespmem:s0+$0x0];
	s6 =	sor.u32 s30, s28;
	v41 =	vpop (erf);
	(erf) = vpow2.f32 v3;
	v3 =	vmul.f32 $1.442695020e+00, v62  }
0x1ac: {  	s4 =	sor.u32 s30, s31;
	v16 =	vmul.f32 $1.442695020e+00, v63;
	v44 =	vld [tilespmem:s6+$0x0];
	v28 =	vpop (erf);
	(erf) = vpow2.f32 v15  }
0x1ad: {  	v42 =	vld [tilespmem:s4+$0x0];
	v25 =	vpop (erf);
	(erf) = vpow2.f32 v3;
	v3 =	vmul.f32 $1.442695020e+00, v13  }
0x1ae: {  	s5 =	sor.u32 s30, s26;
	v20 =	vpop (erf);
	(erf) = vpow2.f32 v16  }
0x1af: {  	v45 =	vadd.f32 v30, v29;
	v46 =	vadd.f32 v32, v31;
	v27 =	vpop (erf);
	(erf) = vpow2.f32 v3;
	v3 =	vld [tilespmem:s5+$0x0]  }
0x1b0: {  	s26 =	sor.u32 s30, s29;
	v43 =	vmul.f32 $1.442695020e+00, v14;
	v5 =	vmul.f32 $1.442695020e+00, v17;
	v11 =	vadd.f32 v34, v33  }
0x1b1: {  	v47 =	vld [tilespmem:s26+$0x0];
	v6 =	vmul.f32 $1.442695020e+00, v44;
	v8 =	vadd.f32 v46, v45;
	v48 =	vadd.f32 v38, v35;
	v14 =	vpop (erf)  }
0x1b2: {  	s28 =	sor.u32 s30, s23;
	v7 =	vmul.f32 $1.442695020e+00, v42;
	v12 =	vadd.f32 v37, v36;
	v17 =	vadd.f32 v20, v25;
	v26 =	vpop (erf)  }
0x1b3: {  	s29 =	sor.u32 s30, s24;
	v49 =	vld [tilespmem:s28+$0x0];
	v13 =	vadd.f32 v40, v39;
	v16 =	vadd.f32 v28, v41;
	v4 =	vpop (erf);
	(erf) = vpow2.f32 v43  }
0x1b4: {  	s31 =	sor.u32 s30, s25;
	v19 =	vld [tilespmem:s29+$0x0];
	v50 =	vadd.f32 v12, v11;
	v15 =	vpop (erf);
	(erf) = vpow2.f32 v5;
	v3 =	vmul.f32 $1.442695020e+00, v3  }
0x1b5: {  	v51 =	vld [tilespmem:s31+$0x0];
	v52 =	vadd.f32 v17, v16;
	v18 =	vpop (erf);
	v5 =	vadd.f32 v13, v48;
	(erf) = vpow2.f32 v7  }
0x1b6: {  	v53 =	vadd.f32 v14, v27;
	v22 =	vpop (erf);
	(erf) = vpow2.f32 v3;
	v3 =	vmul.f32 $1.442695020e+00, v47  }
0x1b7: {  	v54 =	vadd.f32 v50, v8;
	v23 =	vpop (erf);
	v5 =	vadd.f32 v52, v5;
	(erf) = vpow2.f32 v6  }
0x1b8: {  	v24 =	vpop (erf);
	(erf) = vpow2.f32 v3;
	v3 =	vmul.f32 $1.442695020e+00, v49  }
0x1b9: {  	v55 =	vmul.f32 $1.442695020e+00, v19;
	v56 =	vadd.f32 v26, v53;
	v21 =	vpop (erf);
	v5 =	vadd.f32 v5, v54  }
0x1ba: {  	v19 =	vpop (erf);
	(erf) = vpow2.f32 v3;
	v3 =	vmul.f32 $1.442695020e+00, v51  }
0x1bb: {  	v42 =	vld [tilespmem:s20+$0xFFFFFFF0];
	v17 =	vpop (erf);
	v5 =	vadd.f32 v56, v5;
	(erf) = vpow2.f32 v55  }
0x1bc: {  	v16 =	vpop (erf);
	(erf) = vpow2.f32 v3  }
0x1bd: {  	v12 =	vpop (erf);
	(erf) = vrcp.f32 v5  }
0x1be: {  	v57 =	vmov s21;
	v10 =	vpop (erf)  }
0x1bf: {  	v63 =	vld [tilespmem:$0x19070];
	v58 =	vor.u32 s21, v1;
	v59 =	vshll.u32 v57, $0x3;
	v6 =	vpop (erf)  }
0x1c0: {  	v60 =	vshll.u32 v42, $0xB;
	v9 =	vand.u32 $0x3C00, v59;
	v8 =	vand.u32 $0x6F, v58;
	v3 =	vld [tilespmem:s20+$0x0];
	v5 =	vpop (erf)  }
0x1c1: {  	v44 =	vld [tilespmem:$0x19010];
	v46 =	vshll.u32 v42, $0x7;
	v45 =	vand.u32 $0xFFFFC000, v60;
	v8 =	vor.u32 v9, v8;
	v7 =	vpop (erf)  }
0x1c2: {  	v61 =	vand.u32 $0x380, v46;
	v62 =	vld [tilespmem:$0x19030];
	v45 =	vor.u32 v45, v8;
	v48 =	vmov s22;
	v11 =	vpop (erf)  }
0x1c3: {  	v50 =	vor.u32 s22, v1;
	v43 =	vld [tilespmem:$0x19000];
	v45 =	vor.u32 v61, v45;
	v48 =	vshll.u32 v48, $0x3;
	v13 =	vpop (erf)  }
0x1c4: {  	v50 =	vand.u32 $0x7F, v50;
	v52 =	vld [tilespmem:$0x19050];
	v48 =	vand.u32 $0x3C00, v48;
	v8 =	vpop (erf)  }
0x1c5: {  	v48 =	vor.u32 v48, v50;
	v54 =	vld [tilespmem:$0x19060];
	v51 =	vshll.u32 v3, $0xB;
	v55 =	vshll.u32 v3, $0x7;
	v9 =	vpop (erf)  }
0x1c6: {  	v50 =	vadd.f32 v24, v23;
	v47 =	vld [tilespmem:$0x19020];
	v51 =	vand.u32 $0xFFFFC000, v51;
	v55 =	vand.u32 $0x380, v55;
	v53 =	vpop (erf)  }
0x1c7: {  	v49 =	vld [tilespmem:$0x19040];
	v48 =	vor.u32 v51, v48;
	v29 =	vmul.f32 v53, v29;
	v30 =	vmul.f32 v53, v30  }
0x1c8: {  	v45 =	vld.idx.msk [tilespmem:v45+s2+$0x0], $0xffff;
	v51 =	vadd.f32 v19, v21;
	v31 =	vmul.f32 v53, v31;
	v32 =	vmul.f32 v53, v32  }
0x1c9: {  	v56 =	vld [tilespmem:$0x19080];
	v48 =	vor.u32 v55, v48;
	v33 =	vmul.f32 v53, v33;
	v34 =	vmul.f32 v53, v34  }
0x1ca: {  	v36 =	vmul.f32 v53, v36;
	v29 =	vadd.f32 v43, v29;
	v30 =	vadd.f32 v44, v30  }
0x1cb: {  	v57 =	vld [tilespmem:$0x19090];
	v37 =	vmul.f32 v53, v37;
	v31 =	vadd.f32 v47, v31;
	v32 =	vadd.f32 v62, v32  }
0x1cc: {  	v55 =	vld [tilespmem:$0x190E0];
	v35 =	vmul.f32 v53, v35;
	v33 =	vadd.f32 v49, v33;
	v34 =	vadd.f32 v52, v34  }
0x1cd: {  	v59 =	vld [tilespmem:$0x190B0];
	v38 =	vmul.f32 v53, v38;
	v36 =	vadd.f32 v54, v36;
	v37 =	vadd.f32 v63, v37  }
0x1ce: {  	v61 =	vmul.f32 $1.442695020e+00, v45;
	v48 =	vld.idx.msk [tilespmem:v48+s2+$0x0], $0xffff;
	v35 =	vadd.f32 v56, v35;
	v62 =	vadd.f32 v15, v4;
	[tilespmem:$0x19000] =	vst v29  }
0x1cf: {  	v25 =	vmul.f32 v53, v25;
	v63 =	vadd.f32 v22, v18;
	v52 =	vadd.f32 v16, v17;
	[tilespmem:$0x19010] =	vst v30  }
0x1d0: {  	v58 =	vld [tilespmem:$0x190A0];
	v40 =	vmul.f32 v53, v40;
	v54 =	vadd.f32 v10, v12;
	v56 =	vadd.f32 v5, v6;
	[tilespmem:$0x19020] =	vst v31  }
0x1d1: {  	v25 =	vadd.f32 v55, v25;
	v29 =	vadd.f32 v57, v38;
	[tilespmem:$0x19030] =	vst v32  }
0x1d2: {  	v60 =	vld [tilespmem:$0x190C0];
	(erf) = vpow2.f32 v61;
	v30 =	vadd.f32 v59, v40;
	[tilespmem:$0x19040] =	vst v33;
	v57 =	vadd.f32 v11, v7  }
0x1d3: {  	v39 =	vmul.f32 v53, v39;
	[tilespmem:$0x19050] =	vst v34;
	v40 =	vadd.f32 v63, v62;
	v59 =	vadd.f32 v51, v50  }
0x1d4: {  	[tilespmem:$0x19060] =	vst v36;
	v31 =	vadd.f32 v54, v52;
	v61 =	vadd.f32 v57, v56  }
0x1d5: {  	v41 =	vmul.f32 v53, v41;
	v49 =	vld [tilespmem:$0x190D0];
	v38 =	vadd.f32 v58, v39;
	[tilespmem:$0x19070] =	vst v37;
	v62 =	vadd.f32 v8, v13  }
0x1d6: {  	v58 =	vld [tilespmem:$0x190F0];
	[tilespmem:$0x19080] =	vst v35;
	v63 =	vadd.f32 v59, v40;
	v31 =	vadd.f32 v61, v31  }
0x1d7: {  	v28 =	vmul.f32 v53, v28;
	v39 =	vadd.f32 v60, v41;
	v60 =	vld [tilespmem:$0x19100];
	[tilespmem:$0x190E0] =	vst v25  }
0x1d8: {  	v20 =	vmul.f32 v53, v20;
	v41 =	vld [tilespmem:$0x19120];
	[tilespmem:$0x19090] =	vst v29;
	v32 =	vadd.f32 v9, v62;
	v29 =	vadd.f32 v31, v63  }
0x1d9: {  	v27 =	vmul.f32 v53, v27;
	v14 =	vmul.f32 v53, v14;
	[tilespmem:$0x190A0] =	vst v38;
	v40 =	vld [tilespmem:$0x19110]  }
0x1da: {  	v44 =	vshll.u32 v42, $0x4;
	[tilespmem:$0x190B0] =	vst v30;
	v28 =	vadd.f32 v49, v28;
	v29 =	vadd.f32 v32, v29  }
0x1db: {  	v45 =	vmul.f32 v53, v26;
	v43 =	vpop (erf);
	v47 =	vor.u32 v1, v44;
	[tilespmem:$0x190C0] =	vst v39;
	v20 =	vadd.f32 v58, v20  }
0x1dc: {  	v46 =	vmul.f32 v43, v53;
	v27 =	vadd.f32 v60, v27;
	[tilespmem:$0x190D0] =	vst v28;
	(erf) = vrcp.f32 v29  }
0x1dd: {  	v49 =	vadd.f32 v41, v45;
	[tilespmem:$0x190F0] =	vst v20  }
0x1de: {  	v50 =	vadd.f32 v46, v46;
	v14 =	vadd.f32 v40, v14;
	[tilespmem:$0x19100] =	vst v27  }
0x1df: {  	[tilespmem:$0x19120] =	vst v49  }
0x1e0: {  	v51 =	vsub.f32 $1.000000000e+00, v50;
	[tilespmem:$0x19110] =	vst v14  }
0x1e1: {  	[tilespmem:v47+s14+$0x0] =	vst.idx.add.f32.msk $0xffff, v2  }
0x1e2: {  	[tilespmem:v47+s15+$0x0] =	vst.idx.add.f32.msk $0xffff, v51  }
0x1e3: {  	v14 =	vld [tilespmem:$0x19000]  }
0x1e4: {  	v52 =	vld [tilespmem:$0x19010]  }
0x1e5: {  	v53 =	vld [tilespmem:$0x19020];
	v26 =	vpop (erf)  }
0x1e6: {  	v54 =	vld [tilespmem:$0x19030];
	v4 =	vmul.f32 v26, v4  }
0x1e7: {  	v28 =	vld [tilespmem:$0x19040];
	v15 =	vmul.f32 v26, v15  }
0x1e8: {  	v55 =	vld [tilespmem:$0x19050];
	v56 =	vmul.f32 v26, v18;
	v4 =	vadd.f32 v14, v4  }
0x1e9: {  	v57 =	vld [tilespmem:$0x19060];
	v58 =	vmul.f32 v26, v22;
	v15 =	vadd.f32 v52, v15  }
0x1ea: {  	v59 =	vld [tilespmem:$0x19070];
	v61 =	vmul.f32 v26, v23;
	v60 =	vadd.f32 v53, v56;
	[tilespmem:$0x19000] =	vst v4  }
0x1eb: {  	v62 =	vld [tilespmem:$0x19080];
	v30 =	vmul.f32 v26, v24;
	v63 =	vadd.f32 v54, v58;
	[tilespmem:$0x19010] =	vst v15  }
0x1ec: {  	v35 =	vmul.f32 $1.442695020e+00, v48;
	v31 =	vld [tilespmem:$0x19090];
	v33 =	vmul.f32 v26, v21;
	v32 =	vadd.f32 v28, v61;
	[tilespmem:$0x19020] =	vst v60  }
0x1ed: {  	v34 =	vld [tilespmem:$0x190A0];
	v19 =	vmul.f32 v26, v19;
	v36 =	vadd.f32 v55, v30;
	[tilespmem:$0x19030] =	vst v63  }
0x1ee: {  	v37 =	vld [tilespmem:$0x190B0];
	(erf) = vpow2.f32 v35;
	v39 =	vmul.f32 v26, v17;
	v38 =	vadd.f32 v57, v33;
	[tilespmem:$0x19040] =	vst v32  }
0x1ef: {  	v40 =	vld [tilespmem:$0x190C0];
	v16 =	vmul.f32 v26, v16;
	v41 =	vadd.f32 v59, v19;
	[tilespmem:$0x19050] =	vst v36  }
0x1f0: {  	v42 =	vld [tilespmem:$0x190D0];
	v12 =	vmul.f32 v26, v12;
	v43 =	vadd.f32 v62, v39;
	[tilespmem:$0x19060] =	vst v38  }
0x1f1: {  	v44 =	vld [tilespmem:$0x190E0];
	v10 =	vmul.f32 v26, v10;
	v45 =	vadd.f32 v31, v16;
	[tilespmem:$0x19070] =	vst v41  }
0x1f2: {  	v46 =	vld [tilespmem:$0x190F0];
	v6 =	vmul.f32 v26, v6;
	v47 =	vadd.f32 v34, v12;
	[tilespmem:$0x19080] =	vst v43  }
0x1f3: {  	v48 =	vld [tilespmem:$0x19100];
	v5 =	vmul.f32 v26, v5;
	v10 =	vadd.f32 v37, v10;
	[tilespmem:$0x19090] =	vst v45  }
0x1f4: {  	v50 =	vmul.f32 v26, v7;
	v49 =	vadd.f32 v40, v6;
	v52 =	vld [tilespmem:$0x19110];
	[tilespmem:$0x190A0] =	vst v47  }
0x1f5: {  	v51 =	vmul.f32 v26, v11;
	v5 =	vadd.f32 v42, v5;
	v54 =	vld [tilespmem:$0x19120];
	[tilespmem:$0x190B0] =	vst v10  }
0x1f6: {  	v3 =	vshll.u32 v3, $0x4;
	v53 =	vmul.f32 v26, v13;
	v55 =	vadd.f32 v44, v50;
	[tilespmem:$0x190C0] =	vst v49  }
0x1f7: {  	v3 =	vor.u32 v1, v3;
	v56 =	vadd.f32 v46, v51;
	v58 =	vmul.f32 v26, v8;
	[tilespmem:$0x190D0] =	vst v5;
	v59 =	vpop (erf)  }
0x1f8: {  	v57 =	vadd.f32 v48, v53;
	[tilespmem:$0x190E0] =	vst v55;
	v60 =	vmul.f32 v26, v9;
	v8 =	vmul.f32 v59, v26  }
0x1f9: {  	p0 =	sne.s32 s21, $0x7E0;
	[tilespmem:$0x190F0] =	vst v56;
	v61 =	vadd.f32 v52, v58  }
.Ltmp2:
0x1fa: {  	[tilespmem:$0x19100] =	vst v57;
	v4 =	vadd.f32 v54, v60;
	v62 =	vadd.f32 v8, v8;
	(pc) =	sbr.rel @p0 .LBB2_6-.Ltmp2, $4  }
0x1fb: {  	[tilespmem:$0x19110] =	vst v61  }
0x1fc: {  	[tilespmem:$0x19120] =	vst v4;
	v63 =	vsub.f32 $1.000000000e+00, v62  }
0x1fd: {  	[tilespmem:v3+s14+$0x0] =	vst.idx.add.f32.msk $0xffff, v2  }
0x1fe: {  	s19 =	sadd.s32 $0x100, s19;
	s21 =	sadd.s32 $0x20, s21;
	s20 =	sadd.s32 $0x20, s20;
	[tilespmem:v3+s15+$0x0] =	vst.idx.add.f32.msk $0xffff, v63  }
0x1ff: {  	_ =	swait.ge [sflag:s16], $0xC000  }
0x200: {  	[sflag:s16] =	ssyncset.done $0x0  }
0x201: {  	[sflag:s16] =	ssyncadd.s32 $0xFFFF4000  }
0x202: {  	_ =	swait.ge [sflag:s17], $0x800  }
0x203: {  	s19 =	simm.s32 $0x0;
	[sflag:s17] =	ssyncset.done $0x0  }
0x204: {  	s20 =	simm.s32 $0x18810;
	s21 =	simm.s32 $0x0;
	[sflag:s17] =	ssyncadd.s32 $0xFFFFF800  }
.LBB2_8:
0x205: {  	s25 =	sand.u32 $0x3C00, s19  }
0x206: {  	s30 =	sand.u32 $0x60, s21;
	s5 =	sor.u32 $0xC000, s25  }
0x207: {  	s0 =	sor.u32 s30, s5  }
0x208: {  	v3 =	vld [tilespmem:s0+$0x0]  }
0x209: {  	v4 =	vld [tilespmem:s0+$0x80]  }
0x20a: {  	v5 =	vld [tilespmem:s0+$0x100]  }
0x20b: {  	v6 =	vld [tilespmem:s0+$0x180]  }
0x20c: {  	v7 =	vld [tilespmem:s0+$0x200]  }
0x20d: {  	v8 =	vld [tilespmem:s0+$0x280];
	v3 =	vmul.f32 $1.442695020e+00, v3  }
0x20e: {  	s1 =	sor.u32 $0x10000, s25;
	v9 =	vld [tilespmem:s0+$0x300];
	v4 =	vmul.f32 $1.442695020e+00, v4  }
0x20f: {  	s3 =	sor.u32 $0x10080, s25;
	s24 =	sor.u32 s30, s1;
	v34 =	vld [tilespmem:s0+$0x380];
	(erf) = vpow2.f32 v3;
	v3 =	vmul.f32 $1.442695020e+00, v5  }
0x210: {  	s4 =	sor.u32 $0x10100, s25;
	s26 =	sor.u32 s30, s3;
	v36 =	vld [tilespmem:s24+$0x0];
	v35 =	vmul.f32 $1.442695020e+00, v6;
	(erf) = vpow2.f32 v4  }
0x211: {  	s6 =	sor.u32 s30, s4;
	v37 =	vld [tilespmem:s26+$0x0];
	s0 =	sor.u32 $0x10180, s25;
	(erf) = vpow2.f32 v3;
	v3 =	vmul.f32 $1.442695020e+00, v7  }
0x212: {  	s31 =	sor.u32 $0x10200, s25;
	v39 =	vld [tilespmem:s6+$0x0];
	s28 =	sor.u32 s30, s0;
	v38 =	vmul.f32 $1.442695020e+00, v8;
	(erf) = vpow2.f32 v35  }
0x213: {  	s29 =	sor.u32 s30, s31;
	s26 =	sor.u32 $0x10280, s25;
	v40 =	vld [tilespmem:s28+$0x0];
	(erf) = vpow2.f32 v3;
	v3 =	vmul.f32 $1.442695020e+00, v9  }
0x214: {  	v42 =	vld [tilespmem:s29+$0x0];
	s22 =	sor.u32 s30, s26;
	s28 =	sor.u32 $0x10300, s25;
	v41 =	vmul.f32 $1.442695020e+00, v34;
	(erf) = vpow2.f32 v38  }
0x215: {  	s29 =	sor.u32 $0x10380, s25;
	v43 =	vld [tilespmem:s22+$0x0];
	s23 =	sor.u32 s30, s28;
	(erf) = vpow2.f32 v3;
	v3 =	vmul.f32 $1.442695020e+00, v36  }
0x216: {  	s24 =	sor.u32 s30, s29;
	v45 =	vld [tilespmem:s23+$0x0];
	s23 =	sor.u32 $0x14000, s25;
	v44 =	vmul.f32 $1.442695020e+00, v37;
	(erf) = vpow2.f32 v41  }
0x217: {  	v46 =	vld [tilespmem:s24+$0x0];
	s24 =	sor.u32 $0x14080, s25;
	s6 =	sor.u32 s30, s23;
	(erf) = vpow2.f32 v3;
	v3 =	vmul.f32 $1.442695020e+00, v39  }
0x218: {  	s22 =	sadd.s32 $0x10, s21;
	s25 =	sor.u32 $0x14100, s25;
	v48 =	vld [tilespmem:s6+$0x0];
	s6 =	sor.u32 s30, s24;
	v47 =	vmul.f32 $1.442695020e+00, v40;
	(erf) = vpow2.f32 v44  }
0x219: {  	v49 =	vld [tilespmem:s6+$0x0];
	s6 =	sor.u32 s30, s25;
	s30 =	sand.u32 $0x70, s22;
	(erf) = vpow2.f32 v3;
	v3 =	vmul.f32 $1.442695020e+00, v42  }
0x21a: {  	v50 =	vmul.f32 $1.442695020e+00, v43;
	v51 =	vld [tilespmem:s6+$0x0];
	s5 =	sor.u32 s30, s5;
	v29 =	vpop (erf);
	(erf) = vpow2.f32 v47  }
0x21b: {  	v52 =	vld [tilespmem:s5+$0x0];
	(erf) = vpow2.f32 v3;
	v3 =	vmul.f32 $1.442695020e+00, v45  }
0x21c: {  	v53 =	vmul.f32 $1.442695020e+00, v46;
	v54 =	vld [tilespmem:s5+$0x80];
	v30 =	vpop (erf);
	(erf) = vpow2.f32 v50  }
0x21d: {  	v55 =	vld [tilespmem:s5+$0x100];
	v31 =	vpop (erf);
	(erf) = vpow2.f32 v3;
	v3 =	vmul.f32 $1.442695020e+00, v48  }
0x21e: {  	v57 =	vld [tilespmem:s5+$0x180];
	v56 =	vmul.f32 $1.442695020e+00, v49;
	v32 =	vpop (erf);
	(erf) = vpow2.f32 v53  }
0x21f: {  	v58 =	vld [tilespmem:s5+$0x200];
	v33 =	vpop (erf);
	(erf) = vpow2.f32 v3;
	v3 =	vmul.f32 $1.442695020e+00, v51  }
0x220: {  	v60 =	vld [tilespmem:s5+$0x280];
	v59 =	vmul.f32 $1.442695020e+00, v52;
	v34 =	vpop (erf);
	(erf) = vpow2.f32 v56  }
0x221: {  	v61 =	vld [tilespmem:s5+$0x300];
	v36 =	vpop (erf);
	(erf) = vpow2.f32 v3;
	v3 =	vmul.f32 $1.442695020e+00, v54  }
0x222: {  	s1 =	sor.u32 s30, s1;
	v63 =	vld [tilespmem:s5+$0x380];
	v62 =	vmul.f32 $1.442695020e+00, v55;
	v37 =	vpop (erf);
	(erf) = vpow2.f32 v59  }
0x223: {  	s6 =	sor.u32 s30, s3;
	v12 =	vld [tilespmem:s1+$0x0];
	v35 =	vpop (erf);
	(erf) = vpow2.f32 v3;
	v3 =	vmul.f32 $1.442695020e+00, v57  }
0x224: {  	v14 =	vld [tilespmem:s6+$0x0];
	v13 =	vmul.f32 $1.442695020e+00, v58;
	v38 =	vpop (erf);
	(erf) = vpow2.f32 v62  }
0x225: {  	s3 =	sor.u32 s30, s4;
	v39 =	vpop (erf);
	(erf) = vpow2.f32 v3;
	v3 =	vmul.f32 $1.442695020e+00, v60  }
0x226: {  	s4 =	sor.u32 s30, s31;
	v15 =	vld [tilespmem:s3+$0x0];
	v16 =	vmul.f32 $1.442695020e+00, v61;
	v40 =	vpop (erf);
	(erf) = vpow2.f32 v13  }
0x227: {  	s0 =	sor.u32 s30, s0;
	v43 =	vld [tilespmem:s4+$0x0];
	v41 =	vpop (erf);
	(erf) = vpow2.f32 v3;
	v3 =	vmul.f32 $1.442695020e+00, v63  }
0x228: {  	s6 =	sor.u32 s30, s28;
	v17 =	vmul.f32 $1.442695020e+00, v12;
	v42 =	vld [tilespmem:s0+$0x0];
	v28 =	vpop (erf);
	(erf) = vpow2.f32 v16  }
0x229: {  	v45 =	vld [tilespmem:s6+$0x0];
	v25 =	vpop (erf);
	(erf) = vpow2.f32 v3;
	v3 =	vmul.f32 $1.442695020e+00, v14  }
0x22a: {  	s5 =	sor.u32 s30, s26;
	v20 =	vpop (erf);
	(erf) = vpow2.f32 v17  }
0x22b: {  	v46 =	vadd.f32 v30, v29;
	v47 =	vadd.f32 v32, v31;
	v27 =	vpop (erf);
	(erf) = vpow2.f32 v3;
	v3 =	vld [tilespmem:s5+$0x0]  }
0x22c: {  	s26 =	sor.u32 s30, s29;
	v6 =	vmul.f32 $1.442695020e+00, v43;
	v44 =	vmul.f32 $1.442695020e+00, v15;
	v11 =	vadd.f32 v34, v33  }
0x22d: {  	v10 =	vld [tilespmem:s26+$0x0];
	v5 =	vmul.f32 $1.442695020e+00, v42;
	v8 =	vadd.f32 v47, v46;
	v12 =	vadd.f32 v37, v36;
	v14 =	vpop (erf)  }
0x22e: {  	s28 =	sor.u32 s30, s23;
	v7 =	vmul.f32 $1.442695020e+00, v45;
	v48 =	vadd.f32 v38, v35;
	v13 =	vadd.f32 v40, v39;
	v26 =	vpop (erf)  }
0x22f: {  	s29 =	sor.u32 s30, s24;
	v49 =	vld [tilespmem:s28+$0x0];
	v16 =	vadd.f32 v28, v41;
	v17 =	vadd.f32 v20, v25;
	v4 =	vpop (erf);
	(erf) = vpow2.f32 v44  }
0x230: {  	s31 =	sor.u32 s30, s25;
	v19 =	vld [tilespmem:s29+$0x0];
	v50 =	vadd.f32 v12, v11;
	v15 =	vpop (erf);
	(erf) = vpow2.f32 v5;
	v3 =	vmul.f32 $1.442695020e+00, v3  }
0x231: {  	v51 =	vld [tilespmem:s31+$0x0];
	v52 =	vadd.f32 v17, v16;
	v18 =	vpop (erf);
	v5 =	vadd.f32 v13, v48;
	(erf) = vpow2.f32 v6  }
0x232: {  	v54 =	vadd.f32 v50, v8;
	v22 =	vpop (erf);
	(erf) = vpow2.f32 v3;
	v3 =	vmul.f32 $1.442695020e+00, v10  }
0x233: {  	v53 =	vadd.f32 v14, v27;
	v23 =	vpop (erf);
	v5 =	vadd.f32 v52, v5;
	(erf) = vpow2.f32 v7  }
0x234: {  	v42 =	vld [tilespmem:s20+$0xFFFFFFF0];
	v24 =	vpop (erf);
	(erf) = vpow2.f32 v3;
	v3 =	vmul.f32 $1.442695020e+00, v49  }
0x235: {  	v55 =	vmul.f32 $1.442695020e+00, v19;
	v56 =	vadd.f32 v26, v53;
	v21 =	vpop (erf);
	v5 =	vadd.f32 v5, v54  }
0x236: {  	v58 =	vor.u32 s21, v1;
	v19 =	vpop (erf);
	(erf) = vpow2.f32 v3;
	v3 =	vmul.f32 $1.442695020e+00, v51  }
0x237: {  	v57 =	vmov s21;
	v17 =	vpop (erf);
	v5 =	vadd.f32 v56, v5;
	(erf) = vpow2.f32 v55  }
0x238: {  	v59 =	vshll.u32 v57, $0x3;
	v8 =	vand.u32 $0x6F, v58;
	v16 =	vpop (erf);
	(erf) = vpow2.f32 v3  }
0x239: {  	v60 =	vshll.u32 v42, $0xB;
	v9 =	vand.u32 $0x3C00, v59;
	v12 =	vpop (erf);
	(erf) = vrcp.f32 v5  }
0x23a: {  	v46 =	vshll.u32 v42, $0x7;
	v45 =	vand.u32 $0xFFFFC000, v60;
	v8 =	vor.u32 v9, v8;
	v10 =	vpop (erf)  }
0x23b: {  	v43 =	vld [tilespmem:$0x19000];
	v61 =	vand.u32 $0x380, v46;
	v45 =	vor.u32 v45, v8;
	v6 =	vpop (erf)  }
0x23c: {  	v45 =	vor.u32 v61, v45;
	v3 =	vld [tilespmem:s20+$0x0];
	v5 =	vpop (erf)  }
0x23d: {  	v47 =	vld [tilespmem:$0x19020];
	v7 =	vpop (erf)  }
0x23e: {  	v62 =	vld [tilespmem:$0x19030];
	v48 =	vmov s22;
	v11 =	vpop (erf)  }
0x23f: {  	v50 =	vor.u32 s22, v1;
	v63 =	vld [tilespmem:$0x19070];
	v48 =	vshll.u32 v48, $0x3;
	v13 =	vpop (erf)  }
0x240: {  	v50 =	vand.u32 $0x7F, v50;
	v44 =	vld [tilespmem:$0x19010];
	v48 =	vand.u32 $0x3C00, v48;
	v8 =	vpop (erf)  }
0x241: {  	v45 =	vld.idx.msk [tilespmem:v45+s13+$0x0], $0xffff;
	v48 =	vor.u32 v48, v50;
	v51 =	vshll.u32 v3, $0xB;
	v55 =	vshll.u32 v3, $0x7;
	v9 =	vpop (erf)  }
0x242: {  	v52 =	vld [tilespmem:$0x19050];
	v50 =	vadd.f32 v24, v23;
	v51 =	vand.u32 $0xFFFFC000, v51;
	v55 =	vand.u32 $0x380, v55;
	v53 =	vpop (erf)  }
0x243: {  	v49 =	vld [tilespmem:$0x19040];
	v48 =	vor.u32 v51, v48;
	v29 =	vmul.f32 v53, v29;
	v30 =	vmul.f32 v53, v30  }
0x244: {  	v54 =	vld [tilespmem:$0x19060];
	v51 =	vadd.f32 v19, v21;
	v31 =	vmul.f32 v53, v31;
	v32 =	vmul.f32 v53, v32  }
0x245: {  	v56 =	vld [tilespmem:$0x19080];
	v48 =	vor.u32 v55, v48;
	v33 =	vmul.f32 v53, v33;
	v34 =	vmul.f32 v53, v34  }
0x246: {  	v36 =	vmul.f32 v53, v36;
	v29 =	vadd.f32 v43, v29;
	v30 =	vadd.f32 v44, v30  }
0x247: {  	v57 =	vld [tilespmem:$0x19090];
	v37 =	vmul.f32 v53, v37;
	v31 =	vadd.f32 v47, v31;
	v32 =	vadd.f32 v62, v32  }
0x248: {  	v55 =	vld [tilespmem:$0x190E0];
	v35 =	vmul.f32 v53, v35;
	v33 =	vadd.f32 v49, v33;
	v34 =	vadd.f32 v52, v34  }
0x249: {  	v59 =	vld [tilespmem:$0x190B0];
	v38 =	vmul.f32 v53, v38;
	v36 =	vadd.f32 v54, v36;
	v37 =	vadd.f32 v63, v37  }
0x24a: {  	v61 =	vmul.f32 $1.442695020e+00, v45;
	v48 =	vld.idx.msk [tilespmem:v48+s13+$0x0], $0xffff;
	v35 =	vadd.f32 v56, v35;
	v62 =	vadd.f32 v15, v4;
	[tilespmem:$0x19000] =	vst v29  }
0x24b: {  	v25 =	vmul.f32 v53, v25;
	v63 =	vadd.f32 v22, v18;
	v52 =	vadd.f32 v16, v17;
	[tilespmem:$0x19010] =	vst v30  }
0x24c: {  	v58 =	vld [tilespmem:$0x190A0];
	v40 =	vmul.f32 v53, v40;
	v54 =	vadd.f32 v10, v12;
	v56 =	vadd.f32 v5, v6;
	[tilespmem:$0x19020] =	vst v31  }
0x24d: {  	v25 =	vadd.f32 v55, v25;
	v29 =	vadd.f32 v57, v38;
	[tilespmem:$0x19030] =	vst v32  }
0x24e: {  	v60 =	vld [tilespmem:$0x190C0];
	(erf) = vpow2.f32 v61;
	v30 =	vadd.f32 v59, v40;
	[tilespmem:$0x19040] =	vst v33;
	v57 =	vadd.f32 v11, v7  }
0x24f: {  	v39 =	vmul.f32 v53, v39;
	[tilespmem:$0x19050] =	vst v34;
	v40 =	vadd.f32 v63, v62;
	v59 =	vadd.f32 v51, v50  }
0x250: {  	[tilespmem:$0x19060] =	vst v36;
	v31 =	vadd.f32 v54, v52;
	v61 =	vadd.f32 v57, v56  }
0x251: {  	v41 =	vmul.f32 v53, v41;
	v49 =	vld [tilespmem:$0x190D0];
	v38 =	vadd.f32 v58, v39;
	[tilespmem:$0x19070] =	vst v37;
	v62 =	vadd.f32 v8, v13  }
0x252: {  	v58 =	vld [tilespmem:$0x190F0];
	[tilespmem:$0x19080] =	vst v35;
	v63 =	vadd.f32 v59, v40;
	v31 =	vadd.f32 v61, v31  }
0x253: {  	v28 =	vmul.f32 v53, v28;
	v39 =	vadd.f32 v60, v41;
	v60 =	vld [tilespmem:$0x19100];
	[tilespmem:$0x190E0] =	vst v25  }
0x254: {  	v20 =	vmul.f32 v53, v20;
	v41 =	vld [tilespmem:$0x19120];
	[tilespmem:$0x19090] =	vst v29;
	v32 =	vadd.f32 v9, v62;
	v29 =	vadd.f32 v31, v63  }
0x255: {  	v27 =	vmul.f32 v53, v27;
	v14 =	vmul.f32 v53, v14;
	[tilespmem:$0x190A0] =	vst v38;
	v40 =	vld [tilespmem:$0x19110]  }
0x256: {  	v44 =	vshll.u32 v42, $0x4;
	[tilespmem:$0x190B0] =	vst v30;
	v28 =	vadd.f32 v49, v28;
	v29 =	vadd.f32 v32, v29  }
0x257: {  	v45 =	vmul.f32 v53, v26;
	v43 =	vpop (erf);
	v47 =	vor.u32 v1, v44;
	[tilespmem:$0x190C0] =	vst v39;
	v20 =	vadd.f32 v58, v20  }
0x258: {  	v46 =	vmul.f32 v43, v53;
	v27 =	vadd.f32 v60, v27;
	[tilespmem:$0x190D0] =	vst v28;
	(erf) = vrcp.f32 v29  }
0x259: {  	v49 =	vadd.f32 v41, v45;
	[tilespmem:$0x190F0] =	vst v20  }
0x25a: {  	v50 =	vadd.f32 v46, v46;
	v14 =	vadd.f32 v40, v14;
	[tilespmem:$0x19100] =	vst v27  }
0x25b: {  	[tilespmem:$0x19120] =	vst v49  }
0x25c: {  	v51 =	vsub.f32 $1.000000000e+00, v50;
	[tilespmem:$0x19110] =	vst v14  }
0x25d: {  	[tilespmem:v47+s14+$0x0] =	vst.idx.add.f32.msk $0xffff, v2  }
0x25e: {  	[tilespmem:v47+s15+$0x0] =	vst.idx.add.f32.msk $0xffff, v51  }
0x25f: {  	v14 =	vld [tilespmem:$0x19000]  }
0x260: {  	v52 =	vld [tilespmem:$0x19010]  }
0x261: {  	v53 =	vld [tilespmem:$0x19020];
	v26 =	vpop (erf)  }
0x262: {  	v54 =	vld [tilespmem:$0x19030];
	v4 =	vmul.f32 v26, v4  }
0x263: {  	v28 =	vld [tilespmem:$0x19040];
	v15 =	vmul.f32 v26, v15  }
0x264: {  	v55 =	vld [tilespmem:$0x19050];
	v56 =	vmul.f32 v26, v18;
	v4 =	vadd.f32 v14, v4  }
0x265: {  	v57 =	vld [tilespmem:$0x19060];
	v58 =	vmul.f32 v26, v22;
	v15 =	vadd.f32 v52, v15  }
0x266: {  	v59 =	vld [tilespmem:$0x19070];
	v61 =	vmul.f32 v26, v23;
	v60 =	vadd.f32 v53, v56;
	[tilespmem:$0x19000] =	vst v4  }
0x267: {  	v62 =	vld [tilespmem:$0x19080];
	v30 =	vmul.f32 v26, v24;
	v63 =	vadd.f32 v54, v58;
	[tilespmem:$0x19010] =	vst v15  }
0x268: {  	v35 =	vmul.f32 $1.442695020e+00, v48;
	v31 =	vld [tilespmem:$0x19090];
	v33 =	vmul.f32 v26, v21;
	v32 =	vadd.f32 v28, v61;
	[tilespmem:$0x19020] =	vst v60  }
0x269: {  	v34 =	vld [tilespmem:$0x190A0];
	v19 =	vmul.f32 v26, v19;
	v36 =	vadd.f32 v55, v30;
	[tilespmem:$0x19030] =	vst v63  }
0x26a: {  	v37 =	vld [tilespmem:$0x190B0];
	(erf) = vpow2.f32 v35;
	v39 =	vmul.f32 v26, v17;
	v38 =	vadd.f32 v57, v33;
	[tilespmem:$0x19040] =	vst v32  }
0x26b: {  	v40 =	vld [tilespmem:$0x190C0];
	v16 =	vmul.f32 v26, v16;
	v41 =	vadd.f32 v59, v19;
	[tilespmem:$0x19050] =	vst v36  }
0x26c: {  	v42 =	vld [tilespmem:$0x190D0];
	v12 =	vmul.f32 v26, v12;
	v43 =	vadd.f32 v62, v39;
	[tilespmem:$0x19060] =	vst v38  }
0x26d: {  	v44 =	vld [tilespmem:$0x190E0];
	v10 =	vmul.f32 v26, v10;
	v45 =	vadd.f32 v31, v16;
	[tilespmem:$0x19070] =	vst v41  }
0x26e: {  	v46 =	vld [tilespmem:$0x190F0];
	v6 =	vmul.f32 v26, v6;
	v47 =	vadd.f32 v34, v12;
	[tilespmem:$0x19080] =	vst v43  }
0x26f: {  	v48 =	vld [tilespmem:$0x19100];
	v5 =	vmul.f32 v26, v5;
	v10 =	vadd.f32 v37, v10;
	[tilespmem:$0x19090] =	vst v45  }
0x270: {  	v50 =	vmul.f32 v26, v7;
	v49 =	vadd.f32 v40, v6;
	v52 =	vld [tilespmem:$0x19110];
	[tilespmem:$0x190A0] =	vst v47  }
0x271: {  	v51 =	vmul.f32 v26, v11;
	v5 =	vadd.f32 v42, v5;
	v54 =	vld [tilespmem:$0x19120];
	[tilespmem:$0x190B0] =	vst v10  }
0x272: {  	v3 =	vshll.u32 v3, $0x4;
	v53 =	vmul.f32 v26, v13;
	v55 =	vadd.f32 v44, v50;
	[tilespmem:$0x190C0] =	vst v49  }
0x273: {  	v3 =	vor.u32 v1, v3;
	v56 =	vadd.f32 v46, v51;
	v58 =	vmul.f32 v26, v8;
	[tilespmem:$0x190D0] =	vst v5;
	v59 =	vpop (erf)  }
0x274: {  	v57 =	vadd.f32 v48, v53;
	[tilespmem:$0x190E0] =	vst v55;
	v60 =	vmul.f32 v26, v9;
	v8 =	vmul.f32 v59, v26  }
0x275: {  	p0 =	sne.s32 s21, $0x7E0;
	[tilespmem:$0x190F0] =	vst v56;
	v61 =	vadd.f32 v52, v58  }
.Ltmp3:
0x276: {  	[tilespmem:$0x19100] =	vst v57;
	v4 =	vadd.f32 v54, v60;
	v62 =	vadd.f32 v8, v8;
	(pc) =	sbr.rel @p0 .LBB2_8-.Ltmp3, $4  }
0x277: {  	[tilespmem:$0x19110] =	vst v61  }
0x278: {  	[tilespmem:$0x19120] =	vst v4;
	v63 =	vsub.f32 $1.000000000e+00, v62  }
0x279: {  	[tilespmem:v3+s14+$0x0] =	vst.idx.add.f32.msk $0xffff, v2  }
0x27a: {  	s19 =	sadd.s32 $0x100, s19;
	s21 =	sadd.s32 $0x20, s21;
	s20 =	sadd.s32 $0x20, s20;
	[tilespmem:v3+s15+$0x0] =	vst.idx.add.f32.msk $0xffff, v63  }
0x27b: {  	s0 =	rddreg [dreg:$0xc]  }
0x27c: {  	s1 =	simm.s32 $0x19000;
	s21 =	rddreg [dreg:$0xd]  }
0x27d: {  	[hbm4b:s0+s2] =	stream.linear.scatter [tilespmem:s1], [sflag:$0x1], $0x10, $0x38;
	[tilespmem:$0x19480] =	vst v63  }
0x27e: {  	s22 =	simm.s32 $0x19010;
	s23 =	rddreg [dreg:$0xe]  }
0x27f: {  	[hbm4b:s21+s2] =	stream.linear.scatter [tilespmem:s22], [sflag:$0x1], $0x10, $0x38;
	[tilespmem:$0x19480] =	vst v63  }
0x280: {  	s24 =	simm.s32 $0x19020;
	s25 =	rddreg [dreg:$0xf]  }
0x281: {  	[hbm4b:s23+s2] =	stream.linear.scatter [tilespmem:s24], [sflag:$0x1], $0x10, $0x38;
	[tilespmem:$0x19480] =	vst v63  }
0x282: {  	s26 =	simm.s32 $0x19030;
	s28 =	rddreg [dreg:$0x10]  }
0x283: {  	[hbm4b:s25+s2] =	stream.linear.scatter [tilespmem:s26], [sflag:$0x1], $0x10, $0x38;
	[tilespmem:$0x19480] =	vst v63  }
0x284: {  	s29 =	simm.s32 $0x19040;
	s30 =	rddreg [dreg:$0x11]  }
0x285: {  	[hbm4b:s28+s2] =	stream.linear.scatter [tilespmem:s29], [sflag:$0x1], $0x10, $0x38;
	[tilespmem:$0x19480] =	vst v63  }
0x286: {  	s31 =	simm.s32 $0x19050;
	s3 =	rddreg [dreg:$0x12]  }
0x287: {  	[hbm4b:s30+s2] =	stream.linear.scatter [tilespmem:s31], [sflag:$0x1], $0x10, $0x38;
	[tilespmem:$0x19480] =	vst v63  }
0x288: {  	s4 =	simm.s32 $0x19060;
	s5 =	rddreg [dreg:$0x13]  }
0x289: {  	[hbm4b:s3+s2] =	stream.linear.scatter [tilespmem:s4], [sflag:$0x1], $0x10, $0x38;
	[tilespmem:$0x19480] =	vst v63  }
0x28a: {  	s6 =	simm.s32 $0x19070;
	s19 =	rddreg [dreg:$0x14]  }
0x28b: {  	[hbm4b:s5+s2] =	stream.linear.scatter [tilespmem:s6], [sflag:$0x1], $0x10, $0x38;
	[tilespmem:$0x19480] =	vst v63  }
0x28c: {  	s20 =	simm.s32 $0x19080;
	s1 =	rddreg [dreg:$0x1a]  }
0x28d: {  	[hbm4b:s19+s2] =	stream.linear.scatter [tilespmem:s20], [sflag:$0x1], $0x10, $0x38;
	[tilespmem:$0x19480] =	vst v63  }
0x28e: {  	s21 =	rddreg [dreg:$0x15];
	s22 =	simm.s32 $0x19090  }
0x28f: {  	[hbm4b:s21+s2] =	stream.linear.scatter [tilespmem:s22], [sflag:$0x1], $0x10, $0x38;
	[tilespmem:$0x19480] =	vst v63  }
0x290: {  	s23 =	rddreg [dreg:$0x16];
	s24 =	simm.s32 $0x190A0  }
0x291: {  	[hbm4b:s23+s2] =	stream.linear.scatter [tilespmem:s24], [sflag:$0x1], $0x10, $0x38;
	[tilespmem:$0x19480] =	vst v63  }
0x292: {  	s25 =	rddreg [dreg:$0x17];
	s26 =	simm.s32 $0x190B0  }
0x293: {  	[hbm4b:s25+s2] =	stream.linear.scatter [tilespmem:s26], [sflag:$0x1], $0x10, $0x38;
	[tilespmem:$0x19480] =	vst v63  }
0x294: {  	s28 =	rddreg [dreg:$0x18];
	s29 =	simm.s32 $0x190C0  }
0x295: {  	[hbm4b:s28+s2] =	stream.linear.scatter [tilespmem:s29], [sflag:$0x1], $0x10, $0x38;
	[tilespmem:$0x19480] =	vst v63  }
0x296: {  	s30 =	rddreg [dreg:$0x19];
	s31 =	simm.s32 $0x190D0  }
0x297: {  	[hbm4b:s30+s2] =	stream.linear.scatter [tilespmem:s31], [sflag:$0x1], $0x10, $0x38;
	[tilespmem:$0x19480] =	vst v63  }
0x298: {  	s3 =	simm.s32 $0x190E0;
	s4 =	rddreg [dreg:$0x1b]  }
0x299: {  	[hbm4b:s1+s2] =	stream.linear.scatter [tilespmem:s3], [sflag:$0x1], $0x10, $0x38;
	[tilespmem:$0x19480] =	vst v63  }
0x29a: {  	s5 =	simm.s32 $0x190F0;
	s6 =	rddreg [dreg:$0x1c]  }
0x29b: {  	[hbm4b:s4+s2] =	stream.linear.scatter [tilespmem:s5], [sflag:$0x1], $0x10, $0x38;
	[tilespmem:$0x19480] =	vst v63  }
0x29c: {  	s19 =	simm.s32 $0x19100;
	s20 =	rddreg [dreg:$0x1d]  }
0x29d: {  	[hbm4b:s6+s2] =	stream.linear.scatter [tilespmem:s19], [sflag:$0x1], $0x10, $0x38;
	[tilespmem:$0x19480] =	vst v63  }
0x29e: {  	s21 =	simm.s32 $0x19110;
	s22 =	rddreg [dreg:$0x1e]  }
0x29f: {  	[hbm4b:s20+s2] =	stream.linear.scatter [tilespmem:s21], [sflag:$0x1], $0x10, $0x38;
	[tilespmem:$0x19480] =	vst v63  }
0x2a0: {  	s23 =	simm.s32 $0x19120;
	s24 =	rddreg [dreg:$0x1f]  }
0x2a1: {  	[hbm4b:s22+s2] =	stream.linear.scatter [tilespmem:s23], [sflag:$0x1], $0x10, $0x38;
	[tilespmem:$0x19480] =	vst v63  }
0x2a2: {  	s25 =	sld [smem:$0x7DA]  }
0x2a3: {  	[hbm4b:s24+s2] =	stream.linear.scatter [tilespmem:s14], [sflag:$0x1], $0x10, $0x38;
	[tilespmem:$0x19480] =	vst v63  }
0x2a4: {  	s26 =	simm.s32 $0x19190;
	s28 =	sld [smem:$0x7DB]  }
0x2a5: {  	[hbm4b:s25+s2] =	stream.linear.scatter [tilespmem:s26], [sflag:$0x1], $0x10, $0x38;
	[tilespmem:$0x19480] =	vst v63  }
0x2a6: {  	s29 =	simm.s32 $0x191A0;
	s30 =	sld [smem:$0x7DC]  }
0x2a7: {  	[hbm4b:s28+s2] =	stream.linear.scatter [tilespmem:s29], [sflag:$0x1], $0x10, $0x38;
	[tilespmem:$0x19480] =	vst v63  }
0x2a8: {  	s31 =	simm.s32 $0x191B0;
	s3 =	sld [smem:$0x7DD]  }
0x2a9: {  	[hbm4b:s30+s2] =	stream.linear.scatter [tilespmem:s31], [sflag:$0x1], $0x10, $0x38;
	[tilespmem:$0x19480] =	vst v63  }
0x2aa: {  	s4 =	simm.s32 $0x191C0;
	s5 =	sld [smem:$0x7DE]  }
0x2ab: {  	[hbm4b:s3+s2] =	stream.linear.scatter [tilespmem:s4], [sflag:$0x1], $0x10, $0x38;
	[tilespmem:$0x19480] =	vst v63  }
0x2ac: {  	s6 =	simm.s32 $0x191D0;
	s19 =	sld [smem:$0x7DF]  }
0x2ad: {  	[hbm4b:s5+s2] =	stream.linear.scatter [tilespmem:s6], [sflag:$0x1], $0x10, $0x38;
	[tilespmem:$0x19480] =	vst v63  }
0x2ae: {  	s20 =	simm.s32 $0x191E0;
	s21 =	sld [smem:$0x7E0]  }
0x2af: {  	[hbm4b:s19+s2] =	stream.linear.scatter [tilespmem:s20], [sflag:$0x1], $0x10, $0x38;
	[tilespmem:$0x19480] =	vst v63  }
0x2b0: {  	s22 =	simm.s32 $0x191F0;
	s23 =	sld [smem:$0x7E1]  }
0x2b1: {  	[hbm4b:s21+s2] =	stream.linear.scatter [tilespmem:s22], [sflag:$0x1], $0x10, $0x38;
	[tilespmem:$0x19480] =	vst v63  }
0x2b2: {  	s24 =	simm.s32 $0x19200;
	s25 =	sld [smem:$0x7E2]  }
0x2b3: {  	[hbm4b:s23+s2] =	stream.linear.scatter [tilespmem:s24], [sflag:$0x1], $0x10, $0x38;
	[tilespmem:$0x19480] =	vst v63  }
0x2b4: {  	s26 =	simm.s32 $0x19210;
	s28 =	sld [smem:$0x7E3]  }
0x2b5: {  	[hbm4b:s25+s2] =	stream.linear.scatter [tilespmem:s26], [sflag:$0x1], $0x10, $0x38;
	[tilespmem:$0x19480] =	vst v63  }
0x2b6: {  	s29 =	simm.s32 $0x19220;
	s30 =	sld [smem:$0x7E4]  }
0x2b7: {  	[hbm4b:s28+s2] =	stream.linear.scatter [tilespmem:s29], [sflag:$0x1], $0x10, $0x38;
	[tilespmem:$0x19480] =	vst v63  }
0x2b8: {  	s1 =	sld [smem:$0x7E5];
	s31 =	simm.s32 $0x19230  }
0x2b9: {  	[hbm4b:s30+s2] =	stream.linear.scatter [tilespmem:s31], [sflag:$0x1], $0x10, $0x38;
	[tilespmem:$0x19480] =	vst v63  }
0x2ba: {  	s3 =	simm.s32 $0x19240;
	s4 =	sld [smem:$0x7E6]  }
0x2bb: {  	[hbm4b:s1+s2] =	stream.linear.scatter [tilespmem:s3], [sflag:$0x1], $0x10, $0x38;
	[tilespmem:$0x19480] =	vst v63  }
0x2bc: {  	s5 =	simm.s32 $0x19250;
	s6 =	sld [smem:$0x7E7]  }
0x2bd: {  	[hbm4b:s4+s2] =	stream.linear.scatter [tilespmem:s5], [sflag:$0x1], $0x10, $0x38;
	[tilespmem:$0x19480] =	vst v63  }
0x2be: {  	s19 =	simm.s32 $0x19260;
	s20 =	sld [smem:$0x7E8]  }
0x2bf: {  	[hbm4b:s6+s2] =	stream.linear.scatter [tilespmem:s19], [sflag:$0x1], $0x10, $0x38;
	[tilespmem:$0x19480] =	vst v63  }
0x2c0: {  	s21 =	simm.s32 $0x19270;
	s22 =	sld [smem:$0x7E9]  }
0x2c1: {  	[hbm4b:s20+s2] =	stream.linear.scatter [tilespmem:s21], [sflag:$0x1], $0x10, $0x38;
	[tilespmem:$0x19480] =	vst v63  }
0x2c2: {  	s23 =	simm.s32 $0x19280;
	s24 =	sld [smem:$0x7EA]  }
0x2c3: {  	[hbm4b:s22+s2] =	stream.linear.scatter [tilespmem:s23], [sflag:$0x1], $0x10, $0x38;
	[tilespmem:$0x19480] =	vst v63  }
0x2c4: {  	s25 =	simm.s32 $0x19290;
	s26 =	sld [smem:$0x7EB]  }
0x2c5: {  	[hbm4b:s24+s2] =	stream.linear.scatter [tilespmem:s25], [sflag:$0x1], $0x10, $0x38;
	[tilespmem:$0x19480] =	vst v63  }
0x2c6: {  	s28 =	simm.s32 $0x192A0;
	s29 =	sld [smem:$0x7EC]  }
0x2c7: {  	[hbm4b:s26+s2] =	stream.linear.scatter [tilespmem:s28], [sflag:$0x1], $0x10, $0x38;
	[tilespmem:$0x19480] =	vst v63  }
0x2c8: {  	s30 =	sld [smem:$0x7ED]  }
0x2c9: {  	[hbm4b:s29+s2] =	stream.linear.scatter [tilespmem:s15], [sflag:$0x1], $0x10, $0x38;
	[tilespmem:$0x19480] =	vst v63  }
0x2ca: {  	s31 =	simm.s32 $0x19310;
	s3 =	sld [smem:$0x7EE]  }
0x2cb: {  	[hbm4b:s30+s2] =	stream.linear.scatter [tilespmem:s31], [sflag:$0x1], $0x10, $0x38;
	[tilespmem:$0x19480] =	vst v63  }
0x2cc: {  	s4 =	simm.s32 $0x19320;
	s5 =	sld [smem:$0x7EF]  }
0x2cd: {  	[hbm4b:s3+s2] =	stream.linear.scatter [tilespmem:s4], [sflag:$0x1], $0x10, $0x38;
	[tilespmem:$0x19480] =	vst v63  }
0x2ce: {  	s6 =	simm.s32 $0x19330;
	s19 =	sld [smem:$0x7F0]  }
0x2cf: {  	[hbm4b:s5+s2] =	stream.linear.scatter [tilespmem:s6], [sflag:$0x1], $0x10, $0x38;
	[tilespmem:$0x19480] =	vst v63  }
0x2d0: {  	s20 =	simm.s32 $0x19340;
	s21 =	sld [smem:$0x7F1]  }
0x2d1: {  	[hbm4b:s19+s2] =	stream.linear.scatter [tilespmem:s20], [sflag:$0x1], $0x10, $0x38;
	[tilespmem:$0x19480] =	vst v63  }
0x2d2: {  	s22 =	simm.s32 $0x19350;
	s23 =	sld [smem:$0x7F2]  }
0x2d3: {  	[hbm4b:s21+s2] =	stream.linear.scatter [tilespmem:s22], [sflag:$0x1], $0x10, $0x38;
	[tilespmem:$0x19480] =	vst v63  }
0x2d4: {  	s24 =	simm.s32 $0x19360;
	s25 =	sld [smem:$0x7F3]  }
0x2d5: {  	[hbm4b:s23+s2] =	stream.linear.scatter [tilespmem:s24], [sflag:$0x1], $0x10, $0x38;
	[tilespmem:$0x19480] =	vst v63  }
0x2d6: {  	s26 =	simm.s32 $0x19370;
	s28 =	sld [smem:$0x7F4]  }
0x2d7: {  	[hbm4b:s25+s2] =	stream.linear.scatter [tilespmem:s26], [sflag:$0x1], $0x10, $0x38;
	[tilespmem:$0x19480] =	vst v63  }
0x2d8: {  	s29 =	simm.s32 $0x19380;
	s30 =	sld [smem:$0x7F5]  }
0x2d9: {  	[hbm4b:s28+s2] =	stream.linear.scatter [tilespmem:s29], [sflag:$0x1], $0x10, $0x38;
	[tilespmem:$0x19480] =	vst v63  }
0x2da: {  	s1 =	sld [smem:$0x7F6];
	s31 =	simm.s32 $0x19390  }
0x2db: {  	[hbm4b:s30+s2] =	stream.linear.scatter [tilespmem:s31], [sflag:$0x1], $0x10, $0x38;
	[tilespmem:$0x19480] =	vst v63  }
0x2dc: {  	s3 =	simm.s32 $0x193A0;
	s4 =	sld [smem:$0x7F7]  }
0x2dd: {  	[hbm4b:s1+s2] =	stream.linear.scatter [tilespmem:s3], [sflag:$0x1], $0x10, $0x38;
	[tilespmem:$0x19480] =	vst v63  }
0x2de: {  	s5 =	simm.s32 $0x193B0;
	s6 =	sld [smem:$0x7F8]  }
0x2df: {  	[hbm4b:s4+s2] =	stream.linear.scatter [tilespmem:s5], [sflag:$0x1], $0x10, $0x38;
	[tilespmem:$0x19480] =	vst v63  }
0x2e0: {  	s19 =	simm.s32 $0x193C0;
	s20 =	sld [smem:$0x7F9]  }
0x2e1: {  	[hbm4b:s6+s2] =	stream.linear.scatter [tilespmem:s19], [sflag:$0x1], $0x10, $0x38;
	[tilespmem:$0x19480] =	vst v63  }
0x2e2: {  	s21 =	simm.s32 $0x193D0;
	s22 =	sld [smem:$0x7FA]  }
0x2e3: {  	[hbm4b:s20+s2] =	stream.linear.scatter [tilespmem:s21], [sflag:$0x1], $0x10, $0x38;
	[tilespmem:$0x19480] =	vst v63  }
0x2e4: {  	s23 =	simm.s32 $0x193E0;
	s24 =	sld [smem:$0x7FB]  }
0x2e5: {  	[hbm4b:s22+s2] =	stream.linear.scatter [tilespmem:s23], [sflag:$0x1], $0x10, $0x38;
	[tilespmem:$0x19480] =	vst v63  }
0x2e6: {  	s25 =	simm.s32 $0x193F0;
	s26 =	sld [smem:$0x7FC]  }
0x2e7: {  	[hbm4b:s24+s2] =	stream.linear.scatter [tilespmem:s25], [sflag:$0x1], $0x10, $0x38;
	[tilespmem:$0x19480] =	vst v63  }
0x2e8: {  	s28 =	simm.s32 $0x19400;
	s29 =	sld [smem:$0x7FD]  }
0x2e9: {  	[hbm4b:s26+s2] =	stream.linear.scatter [tilespmem:s28], [sflag:$0x1], $0x10, $0x38;
	[tilespmem:$0x19480] =	vst v63  }
0x2ea: {  	s30 =	simm.s32 $0x19410  }
0x2eb: {  	[hbm4b:s29+s2] =	stream.linear.scatter [tilespmem:s30], [sflag:$0x1], $0x10, $0x38;
	[tilespmem:$0x19480] =	vst v63  }
0x2ec: {  	s31 =	simm.s32 $0x19420  }
0x2ed: {  	[hbm4b:s7+s2] =	stream.linear.scatter [tilespmem:s31], [sflag:$0x1], $0x10, $0x38;
	[tilespmem:$0x19480] =	vst v63  }
0x2ee: {  	_ =	swait.ge [sflag:s11], $0x10  }
0x2ef: {  	[sflag:s11] =	ssyncset.done $0x0  }
0x2f0: {  	[sflag:s11] =	ssyncadd.s32 $0xFFFFFFF0  }
0x2f1: {  	_ =	swait.ge [sflag:s11], $0x10  }
0x2f2: {  	[sflag:s11] =	ssyncset.done $0x0  }
0x2f3: {  	[sflag:s11] =	ssyncadd.s32 $0xFFFFFFF0  }
0x2f4: {  	_ =	swait.ge [sflag:s11], $0x10  }
0x2f5: {  	[sflag:s11] =	ssyncset.done $0x0  }
0x2f6: {  	[sflag:s11] =	ssyncadd.s32 $0xFFFFFFF0  }
0x2f7: {  	_ =	swait.ge [sflag:s11], $0x10  }
0x2f8: {  	[sflag:s11] =	ssyncset.done $0x0  }
0x2f9: {  	[sflag:s11] =	ssyncadd.s32 $0xFFFFFFF0  }
0x2fa: {  	_ =	swait.ge [sflag:s11], $0x10  }
0x2fb: {  	[sflag:s11] =	ssyncset.done $0x0  }
0x2fc: {  	[sflag:s11] =	ssyncadd.s32 $0xFFFFFFF0  }
0x2fd: {  	_ =	swait.ge [sflag:s11], $0x10  }
0x2fe: {  	[sflag:s11] =	ssyncset.done $0x0  }
0x2ff: {  	[sflag:s11] =	ssyncadd.s32 $0xFFFFFFF0  }
0x300: {  	_ =	swait.ge [sflag:s11], $0x10  }
0x301: {  	[sflag:s11] =	ssyncset.done $0x0  }
0x302: {  	[sflag:s11] =	ssyncadd.s32 $0xFFFFFFF0  }
0x303: {  	_ =	swait.ge [sflag:s11], $0x10  }
0x304: {  	[sflag:s11] =	ssyncset.done $0x0  }
0x305: {  	[sflag:s11] =	ssyncadd.s32 $0xFFFFFFF0  }
0x306: {  	_ =	swait.ge [sflag:s11], $0x10  }
0x307: {  	[sflag:s11] =	ssyncset.done $0x0  }
0x308: {  	[sflag:s11] =	ssyncadd.s32 $0xFFFFFFF0  }
0x309: {  	_ =	swait.ge [sflag:s11], $0x10  }
0x30a: {  	[sflag:s11] =	ssyncset.done $0x0  }
0x30b: {  	[sflag:s11] =	ssyncadd.s32 $0xFFFFFFF0  }
0x30c: {  	_ =	swait.ge [sflag:s11], $0x10  }
0x30d: {  	[sflag:s11] =	ssyncset.done $0x0  }
0x30e: {  	[sflag:s11] =	ssyncadd.s32 $0xFFFFFFF0  }
0x30f: {  	_ =	swait.ge [sflag:s11], $0x10  }
0x310: {  	[sflag:s11] =	ssyncset.done $0x0  }
0x311: {  	[sflag:s11] =	ssyncadd.s32 $0xFFFFFFF0  }
0x312: {  	_ =	swait.ge [sflag:s11], $0x10  }
0x313: {  	[sflag:s11] =	ssyncset.done $0x0  }
0x314: {  	[sflag:s11] =	ssyncadd.s32 $0xFFFFFFF0  }
0x315: {  	_ =	swait.ge [sflag:s11], $0x10  }
0x316: {  	[sflag:s11] =	ssyncset.done $0x0  }
0x317: {  	[sflag:s11] =	ssyncadd.s32 $0xFFFFFFF0  }
0x318: {  	_ =	swait.ge [sflag:s11], $0x10  }
0x319: {  	[sflag:s11] =	ssyncset.done $0x0  }
0x31a: {  	[sflag:s11] =	ssyncadd.s32 $0xFFFFFFF0  }
0x31b: {  	_ =	swait.ge [sflag:s11], $0x10  }
0x31c: {  	[sflag:s11] =	ssyncset.done $0x0  }
0x31d: {  	[sflag:s11] =	ssyncadd.s32 $0xFFFFFFF0  }
0x31e: {  	_ =	swait.ge [sflag:s11], $0x10  }
0x31f: {  	[sflag:s11] =	ssyncset.done $0x0  }
0x320: {  	[sflag:s11] =	ssyncadd.s32 $0xFFFFFFF0  }
0x321: {  	_ =	swait.ge [sflag:s11], $0x10  }
0x322: {  	[sflag:s11] =	ssyncset.done $0x0  }
0x323: {  	[sflag:s11] =	ssyncadd.s32 $0xFFFFFFF0  }
0x324: {  	_ =	swait.ge [sflag:s11], $0x10  }
0x325: {  	[sflag:s11] =	ssyncset.done $0x0  }
0x326: {  	[sflag:s11] =	ssyncadd.s32 $0xFFFFFFF0  }
0x327: {  	_ =	swait.ge [sflag:s11], $0x10  }
0x328: {  	[sflag:s11] =	ssyncset.done $0x0  }
0x329: {  	[sflag:s11] =	ssyncadd.s32 $0xFFFFFFF0  }
0x32a: {  	_ =	swait.ge [sflag:s11], $0x10  }
0x32b: {  	[sflag:s11] =	ssyncset.done $0x0  }
0x32c: {  	[sflag:s11] =	ssyncadd.s32 $0xFFFFFFF0  }
0x32d: {  	_ =	swait.ge [sflag:s11], $0x10  }
0x32e: {  	[sflag:s11] =	ssyncset.done $0x0  }
0x32f: {  	[sflag:s11] =	ssyncadd.s32 $0xFFFFFFF0  }
0x330: {  	_ =	swait.ge [sflag:s11], $0x10  }
0x331: {  	[sflag:s11] =	ssyncset.done $0x0  }
0x332: {  	[sflag:s11] =	ssyncadd.s32 $0xFFFFFFF0  }
0x333: {  	_ =	swait.ge [sflag:s11], $0x10  }
0x334: {  	[sflag:s11] =	ssyncset.done $0x0  }
0x335: {  	[sflag:s11] =	ssyncadd.s32 $0xFFFFFFF0  }
0x336: {  	_ =	swait.ge [sflag:s11], $0x10  }
0x337: {  	[sflag:s11] =	ssyncset.done $0x0  }
0x338: {  	[sflag:s11] =	ssyncadd.s32 $0xFFFFFFF0  }
0x339: {  	_ =	swait.ge [sflag:s11], $0x10  }
0x33a: {  	[sflag:s11] =	ssyncset.done $0x0  }
0x33b: {  	[sflag:s11] =	ssyncadd.s32 $0xFFFFFFF0  }
0x33c: {  	_ =	swait.ge [sflag:s11], $0x10  }
0x33d: {  	[sflag:s11] =	ssyncset.done $0x0  }
0x33e: {  	[sflag:s11] =	ssyncadd.s32 $0xFFFFFFF0  }
0x33f: {  	_ =	swait.ge [sflag:s11], $0x10  }
0x340: {  	[sflag:s11] =	ssyncset.done $0x0  }
0x341: {  	[sflag:s11] =	ssyncadd.s32 $0xFFFFFFF0  }
0x342: {  	_ =	swait.ge [sflag:s11], $0x10  }
0x343: {  	[sflag:s11] =	ssyncset.done $0x0  }
0x344: {  	[sflag:s11] =	ssyncadd.s32 $0xFFFFFFF0  }
0x345: {  	_ =	swait.ge [sflag:s11], $0x10  }
0x346: {  	[sflag:s11] =	ssyncset.done $0x0  }
0x347: {  	[sflag:s11] =	ssyncadd.s32 $0xFFFFFFF0  }
0x348: {  	_ =	swait.ge [sflag:s11], $0x10  }
0x349: {  	[sflag:s11] =	ssyncset.done $0x0  }
0x34a: {  	[sflag:s11] =	ssyncadd.s32 $0xFFFFFFF0  }
0x34b: {  	_ =	swait.ge [sflag:s11], $0x10  }
0x34c: {  	[sflag:s11] =	ssyncset.done $0x0  }
0x34d: {  	[sflag:s11] =	ssyncadd.s32 $0xFFFFFFF0  }
0x34e: {  	_ =	swait.ge [sflag:s11], $0x10  }
0x34f: {  	[sflag:s11] =	ssyncset.done $0x0  }
0x350: {  	[sflag:s11] =	ssyncadd.s32 $0xFFFFFFF0  }
0x351: {  	_ =	swait.ge [sflag:s11], $0x10  }
0x352: {  	[sflag:s11] =	ssyncset.done $0x0  }
0x353: {  	[sflag:s11] =	ssyncadd.s32 $0xFFFFFFF0  }
0x354: {  	_ =	swait.ge [sflag:s11], $0x10  }
0x355: {  	[sflag:s11] =	ssyncset.done $0x0  }
0x356: {  	[sflag:s11] =	ssyncadd.s32 $0xFFFFFFF0  }
0x357: {  	_ =	swait.ge [sflag:s11], $0x10  }
0x358: {  	[sflag:s11] =	ssyncset.done $0x0  }
0x359: {  	[sflag:s11] =	ssyncadd.s32 $0xFFFFFFF0  }
0x35a: {  	_ =	swait.ge [sflag:s11], $0x10  }
0x35b: {  	[sflag:s11] =	ssyncset.done $0x0  }
0x35c: {  	[sflag:s11] =	ssyncadd.s32 $0xFFFFFFF0  }
0x35d: {  	_ =	swait.ge [sflag:s11], $0x10  }
0x35e: {  	[sflag:s11] =	ssyncset.done $0x0  }
0x35f: {  	[sflag:s11] =	ssyncadd.s32 $0xFFFFFFF0  }
0x360: {  	_ =	swait.ge [sflag:s11], $0x10  }
0x361: {  	[sflag:s11] =	ssyncset.done $0x0  }
0x362: {  	[sflag:s11] =	ssyncadd.s32 $0xFFFFFFF0  }
0x363: {  	_ =	swait.ge [sflag:s11], $0x10  }
0x364: {  	[sflag:s11] =	ssyncset.done $0x0  }
0x365: {  	[sflag:s11] =	ssyncadd.s32 $0xFFFFFFF0  }
0x366: {  	_ =	swait.ge [sflag:s11], $0x10  }
0x367: {  	[sflag:s11] =	ssyncset.done $0x0  }
0x368: {  	[sflag:s11] =	ssyncadd.s32 $0xFFFFFFF0  }
0x369: {  	_ =	swait.ge [sflag:s11], $0x10  }
0x36a: {  	[sflag:s11] =	ssyncset.done $0x0  }
0x36b: {  	[sflag:s11] =	ssyncadd.s32 $0xFFFFFFF0  }
0x36c: {  	_ =	swait.ge [sflag:s11], $0x10  }
0x36d: {  	[sflag:s11] =	ssyncset.done $0x0  }
0x36e: {  	[sflag:s11] =	ssyncadd.s32 $0xFFFFFFF0  }
0x36f: {  	_ =	swait.ge [sflag:s11], $0x10  }
0x370: {  	[sflag:s11] =	ssyncset.done $0x0  }
0x371: {  	[sflag:s11] =	ssyncadd.s32 $0xFFFFFFF0  }
0x372: {  	_ =	swait.ge [sflag:s11], $0x10  }
0x373: {  	[sflag:s11] =	ssyncset.done $0x0  }
0x374: {  	[sflag:s11] =	ssyncadd.s32 $0xFFFFFFF0  }
0x375: {  	_ =	swait.ge [sflag:s11], $0x10  }
0x376: {  	[sflag:s11] =	ssyncset.done $0x0  }
0x377: {  	[sflag:s11] =	ssyncadd.s32 $0xFFFFFFF0  }
0x378: {  	_ =	swait.ge [sflag:s11], $0x10  }
0x379: {  	[sflag:s11] =	ssyncset.done $0x0  }
0x37a: {  	[sflag:s11] =	ssyncadd.s32 $0xFFFFFFF0  }
0x37b: {  	_ =	swait.ge [sflag:s11], $0x10  }
0x37c: {  	[sflag:s11] =	ssyncset.done $0x0  }
0x37d: {  	[sflag:s11] =	ssyncadd.s32 $0xFFFFFFF0  }
0x37e: {  	_ =	swait.ge [sflag:s11], $0x10  }
0x37f: {  	[sflag:s11] =	ssyncset.done $0x0  }
0x380: {  	[sflag:s11] =	ssyncadd.s32 $0xFFFFFFF0  }
0x381: {  	_ =	swait.ge [sflag:s11], $0x10  }
0x382: {  	[sflag:s11] =	ssyncset.done $0x0  }
0x383: {  	[sflag:s11] =	ssyncadd.s32 $0xFFFFFFF0  }
0x384: {  	_ =	swait.ge [sflag:s11], $0x10  }
0x385: {  	[sflag:s11] =	ssyncset.done $0x0  }
0x386: {  	[sflag:s11] =	ssyncadd.s32 $0xFFFFFFF0  }
0x387: {  	_ =	swait.ge [sflag:s11], $0x10  }
0x388: {  	[sflag:s11] =	ssyncset.done $0x0  }
0x389: {  	[sflag:s11] =	ssyncadd.s32 $0xFFFFFFF0  }
0x38a: {  	_ =	swait.ge [sflag:s11], $0x10  }
0x38b: {  	[sflag:s11] =	ssyncset.done $0x0  }
0x38c: {  	[sflag:s11] =	ssyncadd.s32 $0xFFFFFFF0  }
0x38d: {  	_ =	swait.ge [sflag:s11], $0x10  }
0x38e: {  	[sflag:s11] =	ssyncset.done $0x0  }
0x38f: {  	[sflag:s11] =	ssyncadd.s32 $0xFFFFFFF0  }
0x390: {  	_ =	swait.ge [sflag:s11], $0x10  }
0x391: {  	[sflag:s11] =	ssyncset.done $0x0  }
0x392: {  	s18 =	sadd.s32 $0x1, s18;
	[sflag:s11] =	ssyncadd.s32 $0xFFFFFFF0  }
0x393: {  	p0 =	sne.s32 s18, s8;
	_ =	swait.ge [sflag:s11], $0x10  }
.Ltmp4:
0x394: {  	[sflag:s11] =	ssyncset.done $0x0;
	(pc) =	sbr.rel @p0 .LBB2_1-.Ltmp4, $4  }
0x395: {  	[sflag:s11] =	ssyncadd.s32 $0xFFFFFFF0  }
0x396: {  	_ =	swait.ge [sflag:s11], $0x10  }
0x397: {  	[sflag:s11] =	ssyncset.done $0x0  }
0x398: {  	[sflag:s11] =	ssyncadd.s32 $0xFFFFFFF0  }
0x399: {  	_ =	sfence.sel $0x180000  }
0x39a: {  	[bflag:$0x0] =	sbarrier.arrive $0xFFFF  }
0x39b: {  	_ =	strace $0x90000047  }
0x39c: {  	s0 =	stileid.u32;
	[bflag:$0x2] =	sbarrier.arrive $0xFFFF  }
0x39d: {  	p0 =	sne.s32 s0, $0x0;
	s0 =	rddreg [dreg:$0x3]  }
0x39e: {  	s0 =	sadd.s32 @!p0 $0x100000, s0  }
0x39f: {  	[sflag:s0] =	ssyncadd.tile.s32 @!p0 $0x1;
	_ =	shalt  }
.Lfunc_end2:
_tile_overlayer_lowered:
.L_overlay_start_2:
0x3a0: {  	(tag) =	ssettag $0x2  }
0x3a1: {  	s0 =	rddreg [dreg:$0x0];
	s2 =	stileid.u32  }
0x3a2: {  	s1 =	rddreg [dreg:$0x1];
	p0 =	sne.s32 s2, $0x0  }
0x3a3: {  	s3 =	rddreg [dreg:$0x2];
	[bflag:$0x3] =	sbarrier.arrive $0xFFFF;
	s2 =	simm.s32 @!p0 $0x1C05  }
0x3a4: {  	[timem:s3], [sflag:s2] =	dma.local @!p0 [hbm:s0], s1  }
0x3a5: {  	s0 =	simm.s32 @!p0 $0x5  }
0x3a6: {  	_ =	swait.ge @!p0 [sflag:s0], s1  }
0x3a7: {  	s1 =	ssub.s32 @!p0 $0x0, s1;
	[sflag:s0] =	ssyncset.done @!p0 $0x0  }
0x3a8: {  	[sflag:s0] =	ssyncadd.s32 @!p0 s1  }
0x3a9: {  	[bflag:$0x3] =	sbarrier.arrive $0xFFFF  }
0x3aa: {  	_ =	shalt  }

</sc_bundles>
